<compile_context>
chip_gen: v7x
topology: tpu7x:2x2x1
jax: 0.10.2.dev20260603
libtpu: 0.0.44.dev20260713+nightly
codegen_flags: <defaults>
</compile_context>

<pallas_src>
import functools

import jax
import jax.numpy as jnp
from jax import lax
from jax.experimental import pallas as pl
from jax.experimental.pallas import tpu as pltpu
from jax.experimental.pallas import tpu_sc as plsc

N = 100000
E = 1600000
D = 32
H = 16

NC = 2
NS = 16

CHUNK = 128
GROUP = 16
TILE_E = 102400
E_PAD = NS * TILE_E
GROUPS = TILE_E // (GROUP * CHUNK)

ACC_ROWS = 100864
ZROWS = 788

def _sc_segsum(ucat, srcA, srcB, dst2, zeros2, zeros1, with_deg):
    BL = 512 if with_deg else 640
    NB = 2
    IDX_ROWS = E_PAD // BL
    rpt = TILE_E // BL
    groups = rpt // NB
    srcA = srcA.reshape(IDX_ROWS, BL)
    srcB = srcB.reshape(IDX_ROWS, BL)
    dst2 = dst2.reshape(IDX_ROWS, BL)
    out_type = [
        jax.ShapeDtypeStruct((ACC_ROWS, H), jnp.float32),
        jax.ShapeDtypeStruct((ACC_ROWS, H), jnp.float32),
    ]
    scratch = [
        pltpu.VMEM_SHARED((ACC_ROWS, H), jnp.float32),
        pltpu.VMEM((2, NB, BL), jnp.int32),
        pltpu.VMEM((2, NB, BL), jnp.int32),
        pltpu.VMEM((2, BL, H), jnp.float32),
        pltpu.SemaphoreType.DMA,
        pltpu.SemaphoreType.DMA,
        pltpu.SemaphoreType.DMA,
        pltpu.SemaphoreType.DMA,
        pltpu.SemaphoreType.DMA,
    ]
    if with_deg:
        out_type.append(jax.ShapeDtypeStruct((NS, ACC_ROWS // NS), jnp.float32))
        scratch += [
            pltpu.VMEM_SHARED((ACC_ROWS,), jnp.float32),
            pltpu.VMEM((BL,), jnp.float32),
            pltpu.SemaphoreType.DMA,
            pltpu.SemaphoreType.DMA,
        ]

    mesh = plsc.VectorSubcoreMesh(core_axis_name="c", subcore_axis_name="s")

    def body(ucat_hbm, srcA_hbm, srcB_hbm, dst_hbm, z2_hbm, z1_hbm,
             oa_hbm, ob_hbm, *rest):
        if with_deg:
            (deg_hbm, acc, idx_s, idx_d, rows,
             gsemA, gsemB, ssemA, ssemB, isem,
             deg_acc, ones, dsemA, dsemB) = rest
            dsem = (dsemA, dsemB)
        else:
            acc, idx_s, idx_d, rows, gsemA, gsemB, ssemA, ssemB, isem = rest
        gsem = (gsemA, gsemB)
        ssem = (ssemA, ssemB)
        c = lax.axis_index("c")
        s = lax.axis_index("s")

        nrows = ACC_ROWS // NS
        zbase = s * nrows
        pltpu.sync_copy(z2_hbm.at[pl.ds(zbase, nrows)],
                        acc.at[pl.ds(zbase, nrows)])
        if with_deg:
            pltpu.sync_copy(z1_hbm.at[pl.ds(zbase, nrows)],
                            deg_acc.at[pl.ds(zbase, nrows)])
            def fo(i, _):
                ones[pl.ds(i * 16, 16)] = jnp.ones((16,), jnp.float32)
                return 0
            lax.fori_loop(0, BL // 16, fo, 0)
        plsc.subcore_barrier()

        def fire_batch(buf, b, S):
            pltpu.async_copy(ucat_hbm.at[idx_s.at[buf].at[b]],
                             rows.at[S], gsem[S])

        def drain_g(S):
            pltpu.make_async_copy(ucat_hbm.at[idx_s.at[0].at[0]],
                                  rows.at[S], gsem[S]).wait()

        def drain_s(S):
            pltpu.make_async_copy(rows.at[S], acc.at[idx_d.at[0].at[0]],
                                  ssem[S]).wait()

        def load_idx(buf, g, sem_or_none):
            r0 = s * rpt + g * NB
            if sem_or_none is None:
                @pl.when(c == 0)
                def _():
                    pltpu.sync_copy(srcA_hbm.at[pl.ds(r0, NB)], idx_s.at[buf])
                @pl.when(c == 1)
                def _():
                    pltpu.sync_copy(srcB_hbm.at[pl.ds(r0, NB)], idx_s.at[buf])
                pltpu.sync_copy(dst_hbm.at[pl.ds(r0, NB)], idx_d.at[buf])
            else:
                @pl.when(c == 0)
                def _():
                    pltpu.async_copy(srcA_hbm.at[pl.ds(r0, NB)],
                                     idx_s.at[buf], sem_or_none)
                @pl.when(c == 1)
                def _():
                    pltpu.async_copy(srcB_hbm.at[pl.ds(r0, NB)],
                                     idx_s.at[buf], sem_or_none)
                pltpu.async_copy(dst_hbm.at[pl.ds(r0, NB)],
                                 idx_d.at[buf], sem_or_none)

        def group_body(g, first):
            buf = g % 2
            nbuf = (g + 1) % 2
            not_last = g + 1 < groups
            for b in range(NB):
                S = b % 2
                drain_g(S)
                pltpu.async_copy(rows.at[S], acc.at[idx_d.at[buf].at[b]],
                                 ssem[S], add=True)
                if with_deg:
                    @pl.when(c == 0)
                    def _():
                        pltpu.async_copy(ones, deg_acc.at[idx_d.at[buf].at[b]],
                                         dsem[S], add=True)
                if not (first and b == 0):
                    drain_s(1 - S)
                    if with_deg:
                        @pl.when(c == 0)
                        def _():
                            pltpu.make_async_copy(z1_hbm.at[pl.ds(0, BL)],
                                                  ones, dsem[1 - S]).wait()
                if b == 0:
                    @pl.when(not_last)
                    def _():
                        load_idx(nbuf, g + 1, isem)
                if b + 1 < NB:
                    fire_batch(buf, b + 1, 1 - S)
                else:
                    @pl.when(not_last)
                    def _():
                        pltpu.make_async_copy(srcA_hbm.at[pl.ds(0, NB)],
                                              idx_s.at[nbuf], isem).wait()
                        pltpu.make_async_copy(dst_hbm.at[pl.ds(0, NB)],
                                              idx_d.at[nbuf], isem).wait()
                        fire_batch(nbuf, 0, 1 - S)
            return 0

        load_idx(0, 0, None)
        fire_batch(0, 0, 0)
        group_body(0, True)
        lax.fori_loop(1, groups, lambda g, _: group_body(g, False), 0)
        drain_s((NB - 1) % 2)
        if with_deg:
            @pl.when(c == 0)
            def _():
                pltpu.make_async_copy(z1_hbm.at[pl.ds(0, BL)], ones,
                                      dsem[(NB - 1) % 2]).wait()

        plsc.subcore_barrier()
        @pl.when(c == 0)
        def _():
            pltpu.sync_copy(acc.at[pl.ds(zbase, nrows)],
                            oa_hbm.at[pl.ds(zbase, nrows)])
            if with_deg:
                pltpu.sync_copy(deg_acc.at[pl.ds(zbase, nrows)],
                                deg_hbm.at[s])
        @pl.when(c == 1)
        def _():
            pltpu.sync_copy(acc.at[pl.ds(zbase, nrows)],
                            ob_hbm.at[pl.ds(zbase, nrows)])

    f = pl.kernel(body, out_type=tuple(out_type), mesh=mesh,
                  scratch_types=tuple(scratch),
                  compiler_params=pltpu.CompilerParams(use_tc_tiling_on_sc=False))
    return f(ucat, srcA, srcB, dst2, zeros2, zeros1)


PR = ACC_ROWS // 8
PB = 1576


def _tc_rec(deg_t):
    def body(d_ref, o_ref):
        o_ref[...] = 1.0 / jnp.maximum(d_ref[...], 1.0)

    return pl.pallas_call(
        body,
        out_shape=jax.ShapeDtypeStruct((NS, ACC_ROWS // NS), jnp.float32),
    )(deg_t)


def _mm(a, w):
    return jnp.dot(a, w, preferred_element_type=jnp.float32)


def _tc_dense0(xa, xb, ws, ba, bb):
    def body(xa_ref, xb_ref, laa, lba, lab, lbb, raa, rba, rab, rbb,
             ba_ref, bb_ref, ua_ref, ub_ref, va_ref, vb_ref):
        ha = xa_ref[...]
        hb = xb_ref[...]
        ua_ref[...] = _mm(ha, laa[...]) + _mm(hb, lba[...])
        ub_ref[...] = _mm(ha, lab[...]) + _mm(hb, lbb[...])
        va_ref[...] = _mm(ha, raa[...]) + _mm(hb, rba[...]) + ba_ref[...]
        vb_ref[...] = _mm(ha, rab[...]) + _mm(hb, rbb[...]) + bb_ref[...]

    blk = pl.BlockSpec((PB, 128), lambda i: (i, 0))
    wblk = pl.BlockSpec((128, 128), lambda i: (0, 0))
    bblk = pl.BlockSpec((1, 128), lambda i: (0, 0))
    oshape = jax.ShapeDtypeStruct((PR, 128), jnp.float32)
    return pl.pallas_call(
        body,
        grid=(PR // PB,),
        in_specs=[blk, blk] + [wblk] * 8 + [bblk, bblk],
        out_specs=[blk, blk, blk, blk],
        out_shape=[oshape, oshape, oshape, oshape],
    )(xa, xb, *ws, ba, bb)


def _tc_mid(aa, ab, dinv, va, vb, ws, ba, bb):
    def body(aa_ref, ab_ref, di_ref, va_ref, vb_ref,
             laa, lba, lab, lbb, raa, rba, rab, rbb,
             ba_ref, bb_ref, ua_ref, ub_ref, vao_ref, vbo_ref):
        d = di_ref[...]
        ha = jnp.maximum(aa_ref[...] * d + va_ref[...], 0.0)
        hb = jnp.maximum(ab_ref[...] * d + vb_ref[...], 0.0)
        ua_ref[...] = _mm(ha, laa[...]) + _mm(hb, lba[...])
        ub_ref[...] = _mm(ha, lab[...]) + _mm(hb, lbb[...])
        vao_ref[...] = _mm(ha, raa[...]) + _mm(hb, rba[...]) + ba_ref[...]
        vbo_ref[...] = _mm(ha, rab[...]) + _mm(hb, rbb[...]) + bb_ref[...]

    blk = pl.BlockSpec((PB, 128), lambda i: (i, 0))
    wblk = pl.BlockSpec((128, 128), lambda i: (0, 0))
    bblk = pl.BlockSpec((1, 128), lambda i: (0, 0))
    oshape = jax.ShapeDtypeStruct((PR, 128), jnp.float32)
    return pl.pallas_call(
        body,
        grid=(PR // PB,),
        in_specs=[blk, blk, blk, blk, blk] + [wblk] * 8 + [bblk, bblk],
        out_specs=[blk, blk, blk, blk],
        out_shape=[oshape, oshape, oshape, oshape],
    )(aa, ab, dinv, va, vb, *ws, ba, bb)


def _tc_last(aa, ab, dinv, va, vb):
    def body(aa_ref, ab_ref, di_ref, va_ref, vb_ref, oa_ref, ob_ref):
        d = di_ref[...]
        oa_ref[...] = aa_ref[...] * d + va_ref[...]
        ob_ref[...] = ab_ref[...] * d + vb_ref[...]

    blk = pl.BlockSpec((PB, 128), lambda i: (i, 0))
    oshape = jax.ShapeDtypeStruct((PR, 128), jnp.float32)
    return pl.pallas_call(
        body,
        grid=(PR // PB,),
        in_specs=[blk] * 5,
        out_specs=[blk, blk],
        out_shape=[oshape, oshape],
    )(aa, ab, dinv, va, vb)


def kernel(x, edge_index, Wl0, Wr0, b0, Wl1, Wr1, b1, Wl2, Wr2, b2):
    src = edge_index[0]
    dst = edge_index[1]
    pad = E_PAD - E
    src_p = jnp.concatenate([src, jnp.zeros((pad,), jnp.int32)])
    dst_p = jnp.concatenate([dst, jnp.full((pad,), N, jnp.int32)])
    src2 = src_p.reshape(E_PAD // CHUNK, CHUNK)
    dst2 = dst_p.reshape(E_PAD // CHUNK, CHUNK)
    zeros2 = jnp.zeros((ACC_ROWS, H), jnp.float32)
    zeros1 = jnp.zeros((ACC_ROWS,), jnp.float32)
    x_p = jnp.concatenate([x, jnp.zeros((ACC_ROWS - N, D), jnp.float32)])
    xa = x_p[:, :H].reshape(PR, 128)
    xb = x_p[:, H:].reshape(PR, 128)

    i8 = jnp.eye(8, dtype=jnp.float32)
    def quads(Wl, Wr):
        qs = [Wl[:H, :H], Wl[H:, :H], Wl[:H, H:], Wl[H:, H:],
              Wr[:H, :H], Wr[H:, :H], Wr[:H, H:], Wr[H:, H:]]
        return [jnp.kron(i8, q) for q in qs]
    def brow(b):
        return (jnp.tile(b[:H], 8).reshape(1, 128),
                jnp.tile(b[H:], 8).reshape(1, 128))

    def ucat(ua, ub):
        return jnp.concatenate([ua, ub], axis=0).reshape(2 * ACC_ROWS, H)

    srcA = src2
    srcB = src2 + ACC_ROWS

    ba0, bb0 = brow(b0)
    ua, ub, va, vb = _tc_dense0(xa, xb, quads(Wl0, Wr0), ba0, bb0)
    aa, ab, deg_t = _sc_segsum(ucat(ua, ub), srcA, srcB, dst2,
                               zeros2, zeros1, with_deg=True)
    rec = _tc_rec(deg_t)
    dinv = jnp.repeat(rec.reshape(-1), H).reshape(PR, 128)

    ba1, bb1 = brow(b1)
    ua, ub, va, vb = _tc_mid(aa.reshape(PR, 128), ab.reshape(PR, 128), dinv,
                             va, vb, quads(Wl1, Wr1), ba1, bb1)
    aa, ab = _sc_segsum(ucat(ua, ub), srcA, srcB, dst2,
                        zeros2, zeros1, with_deg=False)

    ba2, bb2 = brow(b2)
    ua, ub, va, vb = _tc_mid(aa.reshape(PR, 128), ab.reshape(PR, 128), dinv,
                             va, vb, quads(Wl2, Wr2), ba2, bb2)
    aa, ab = _sc_segsum(ucat(ua, ub), srcA, srcB, dst2,
                        zeros2, zeros1, with_deg=False)

    oa, ob = _tc_last(aa.reshape(PR, 128), ab.reshape(PR, 128), dinv, va, vb)
    return jnp.concatenate([oa.reshape(ACC_ROWS, H)[:N],
                            ob.reshape(ACC_ROWS, H)[:N]], axis=1)

# --- scband reference (transcript-rebuilt; emitter-appended) ---
"""Pipeline reference for scband-graph-sageencoder-53163105190283 (READ-ONLY COPY).

The authoritative reference and input builder live on the scoring server;
editing this copy changes nothing except your own understanding.
"""

import jax, jax.numpy as jnp
import numpy as np

N = 100000
E = 1600000
D_IN = 32
D_H = 32
D_OUT = 32


def _glorot(key, fan_in, fan_out):
    lim = float(np.sqrt(6.0 / (fan_in + fan_out)))
    return jax.random.uniform(key, (fan_in, fan_out), jnp.float32, -lim, lim)


def setup_inputs(seed: int = 0):
    key = jax.random.key(seed)
    ks = jax.random.split(key, 10)
    x = jax.random.normal(ks[0], (N, D_IN), jnp.float32)
    edge_index = jax.random.randint(ks[1], (2, E), 0, N, dtype=jnp.int32)
    # SAGEConv params: out = lin_l(mean_agg(x_j)) + lin_r(x_i); bias on lin_l
    Wl0 = _glorot(ks[2], D_IN, D_H)
    Wr0 = _glorot(ks[3], D_IN, D_H)
    b0 = jnp.zeros((D_H,), jnp.float32)
    Wl1 = _glorot(ks[4], D_H, D_H)
    Wr1 = _glorot(ks[5], D_H, D_H)
    b1 = jnp.zeros((D_H,), jnp.float32)
    Wl2 = _glorot(ks[6], D_H, D_OUT)
    Wr2 = _glorot(ks[7], D_H, D_OUT)
    b2 = jnp.zeros((D_OUT,), jnp.float32)
    return {"x": x, "edge_index": edge_index, "Wl0": Wl0, "Wr0": Wr0, "b0": b0,
            "Wl1": Wl1, "Wr1": Wr1, "b1": b1, "Wl2": Wl2, "Wr2": Wr2, "b2": b2}


def reference(x, edge_index, Wl0, Wr0, b0, Wl1, Wr1, b1, Wl2, Wr2, b2):
    src = edge_index[0]
    dst = edge_index[1]

    def sage_conv(h, Wl, Wr, b):
        msg = jnp.take(h, src, axis=0)                      # gather
        agg = jax.ops.segment_sum(msg, dst, num_segments=N)  # scatter-add
        deg = jax.ops.segment_sum(jnp.ones((E, 1), h.dtype), dst, num_segments=N)
        mean = agg / jnp.clip(deg, 1.0, None)
        return mean @ Wl + h @ Wr + b

    h = jax.nn.relu(sage_conv(x, Wl0, Wr0, b0))
    # dropout is identity at inference
    h = jax.nn.relu(sage_conv(h, Wl1, Wr1, b1))
    out = sage_conv(h, Wl2, Wr2, b2)
    return out

if __name__ == "__main__":
    import jax
    _d = setup_inputs()
    print(jax.jit(kernel)(*tuple(_d.values())))

</pallas_src>

<mosaic_0001>
#map = affine_map<(d0, d1) -> (0, 0)>
#map1 = affine_map<(d0, d1) -> (0)>
module attributes {stable_mosaic.version = 14 : i64} {
  func.func @body(%arg0: i32, %arg1: i32, %arg2: memref<201728x16xf32, #tpu.memory_space<hbm>>, %arg3: memref<3200x512xi32, #tpu.memory_space<hbm>>, %arg4: memref<3200x512xi32, #tpu.memory_space<hbm>>, %arg5: memref<3200x512xi32, #tpu.memory_space<hbm>>, %arg6: memref<100864x16xf32, #tpu.memory_space<hbm>>, %arg7: memref<100864xf32, #tpu.memory_space<hbm>>, %arg8: memref<100864x16xf32, #tpu.memory_space<hbm>>, %arg9: memref<100864x16xf32, #tpu.memory_space<hbm>>, %arg10: memref<16x6304xf32, #tpu.memory_space<hbm>>, %arg11: memref<100864x16xf32, #tpu.memory_space<vmem_shared>>, %arg12: memref<2x2x512xi32, #tpu.memory_space<vmem>>, %arg13: memref<2x2x512xi32, #tpu.memory_space<vmem>>, %arg14: memref<2x512x16xf32, #tpu.memory_space<vmem>>, %arg15: memref<!tpu.dma_semaphore, #tpu.memory_space<semaphore_mem>>, %arg16: memref<!tpu.dma_semaphore, #tpu.memory_space<semaphore_mem>>, %arg17: memref<!tpu.dma_semaphore, #tpu.memory_space<semaphore_mem>>, %arg18: memref<!tpu.dma_semaphore, #tpu.memory_space<semaphore_mem>>, %arg19: memref<!tpu.dma_semaphore, #tpu.memory_space<semaphore_mem>>, %arg20: memref<100864xf32, #tpu.memory_space<vmem_shared>>, %arg21: memref<512xf32, #tpu.memory_space<vmem>>, %arg22: memref<!tpu.dma_semaphore, #tpu.memory_space<semaphore_mem>>, %arg23: memref<!tpu.dma_semaphore, #tpu.memory_space<semaphore_mem>>) attributes {dimension_semantics = [#tpu.dimension_semantics<core_parallel>, #tpu.dimension_semantics<subcore_parallel>], iteration_bounds = array<i64: 2, 16>, scalar_prefetch = 0 : i64, scratch_operands = 13 : i64, tpu.core_type = #tpu.core_type<sc_vector_subcore>, window_params = [{transform_indices = #map}, {transform_indices = #map}, {transform_indices = #map}, {transform_indices = #map}, {transform_indices = #map}, {transform_indices = #map1}, {transform_indices = #map}, {transform_indices = #map}, {transform_indices = #map}]} {
    %mul3A = arith.constant 6304 : i32
    %mul3A_0 = arith.muli %arg1, %mul3A : i32
    "tpu.region"() ({
      %run_scoped3A_263 = tpu.sem_alloc : memref<!tpu.dma_semaphore, #tpu.memory_space<semaphore_mem>>
      %dma_start3A_264 = arith.constant 0 : i32
      %dma_start3A_265 = tpu.memref_slice %arg11[%mul3A_0, %dma_start3A_264] : memref<100864x16xf32, #tpu.memory_space<vmem_shared>> -> memref<6304x16xf32, #tpu.memory_space<vmem_shared>>
      %dma_start3A_266 = arith.constant 0 : i32
      %dma_start3A_267 = tpu.memref_slice %arg6[%mul3A_0, %dma_start3A_266] : memref<100864x16xf32, #tpu.memory_space<hbm>> -> memref<6304x16xf32, #tpu.memory_space<hbm>>
      tpu.enqueue_dma source(%dma_start3A_267 : memref<6304x16xf32, #tpu.memory_space<hbm>>) target(%dma_start3A_265 : memref<6304x16xf32, #tpu.memory_space<vmem_shared>>) target_semaphore(%run_scoped3A_263 : memref<!tpu.dma_semaphore, #tpu.memory_space<semaphore_mem>>)
      %dma_wait3A_268 = arith.constant 0 : i32
      %dma_wait3A_269 = tpu.memref_slice %arg11[%mul3A_0, %dma_wait3A_268] : memref<100864x16xf32, #tpu.memory_space<vmem_shared>> -> memref<6304x16xf32, #tpu.memory_space<vmem_shared>>
      %dma_wait3A_270 = arith.constant 0 : i32
      %dma_wait3A_271 = tpu.memref_slice %arg6[%mul3A_0, %dma_wait3A_270] : memref<100864x16xf32, #tpu.memory_space<hbm>> -> memref<6304x16xf32, #tpu.memory_space<hbm>>
      tpu.wait_dma2 semaphore(%run_scoped3A_263 : memref<!tpu.dma_semaphore, #tpu.memory_space<semaphore_mem>>) src(%dma_wait3A_271 : memref<6304x16xf32, #tpu.memory_space<hbm>>) dst(%dma_wait3A_269 : memref<6304x16xf32, #tpu.memory_space<vmem_shared>>)
      tpu.yield
    }) : () -> ()
    "tpu.region"() ({
      %run_scoped3A_263 = tpu.sem_alloc : memref<!tpu.dma_semaphore, #tpu.memory_space<semaphore_mem>>
      %dma_start3A_264 = tpu.memref_slice %arg20[%mul3A_0] : memref<100864xf32, #tpu.memory_space<vmem_shared>> -> memref<6304xf32, #tpu.memory_space<vmem_shared>>
      %dma_start3A_265 = tpu.memref_slice %arg7[%mul3A_0] : memref<100864xf32, #tpu.memory_space<hbm>> -> memref<6304xf32, #tpu.memory_space<hbm>>
      tpu.enqueue_dma source(%dma_start3A_265 : memref<6304xf32, #tpu.memory_space<hbm>>) target(%dma_start3A_264 : memref<6304xf32, #tpu.memory_space<vmem_shared>>) target_semaphore(%run_scoped3A_263 : memref<!tpu.dma_semaphore, #tpu.memory_space<semaphore_mem>>)
      %dma_wait3A_266 = tpu.memref_slice %arg20[%mul3A_0] : memref<100864xf32, #tpu.memory_space<vmem_shared>> -> memref<6304xf32, #tpu.memory_space<vmem_shared>>
      %dma_wait3A_267 = tpu.memref_slice %arg7[%mul3A_0] : memref<100864xf32, #tpu.memory_space<hbm>> -> memref<6304xf32, #tpu.memory_space<hbm>>
      tpu.wait_dma2 semaphore(%run_scoped3A_263 : memref<!tpu.dma_semaphore, #tpu.memory_space<semaphore_mem>>) src(%dma_wait3A_267 : memref<6304xf32, #tpu.memory_space<hbm>>) dst(%dma_wait3A_266 : memref<6304xf32, #tpu.memory_space<vmem_shared>>)
      tpu.yield
    }) : () -> ()
    %scan3A = arith.constant 0 : i32
    %scan3A_1 = arith.constant 0 : i32
    %scan3A_2 = arith.constant 32 : i32
    %scan3A_3 = arith.addi %scan3A_1, %scan3A_2 : i32
    %scan3A_4 = arith.constant 1 : i32
    %scan3A_5 = scf.for %scan3A_263 = %scan3A_1 to %scan3A_3 step %scan3A_4 iter_args(%scan3A_264 = %scan3A) -> (i32)  : i32 {
      %broadcast_in_dim3A = arith.constant 1.000000e+00 : f32
      %broadcast_in_dim3A_265 = vector.broadcast %broadcast_in_dim3A : f32 to vector<16xf32>
      %mul3A_266 = arith.constant 16 : i32
      %mul3A_267 = arith.muli %scan3A_263, %mul3A_266 : i32
      %swap3A = arith.index_cast %mul3A_267 : i32 to index
      %swap3A_268 = tpu.vector_load %arg21[%swap3A] {strides = array<i32>} : memref<512xf32, #tpu.memory_space<vmem>>, vector<16xf32>,
      %swap3A_269 = vector.shape_cast %swap3A_268 : vector<16xf32> to vector<16xf32>
      %swap3A_270 = vector.shape_cast %broadcast_in_dim3A_265 : vector<16xf32> to vector<16xf32>
      tpu.vector_store %arg21[%swap3A], %swap3A_270 {strides = array<i32>} : memref<512xf32, #tpu.memory_space<vmem>>, vector<16xf32>,
      %scan3A_271 = arith.constant 0 : i32
      scf.yield %scan3A_271 : i32
    }
    %scan3A_6 = arith.constant 32 : i32
    %barrier3A = arith.constant 0 : index
    tpu.barrier barrier_id(%barrier3A)
    %mul3A_7 = arith.constant 200 : i32
    %mul3A_8 = arith.muli %arg1, %mul3A_7 : i32
    %add3A = arith.constant 0 : i32
    %add3A_9 = arith.addi %mul3A_8, %add3A : i32
    %eq3A = arith.constant 0 : i32
    %eq3A_10 = arith.cmpi eq, %arg0, %eq3A : i32
    %convert_element_type3A = arith.extui %eq3A_10 : i1 to i32
    %cond3A = arith.constant 0 : i32
    %cond3A_11 = arith.cmpi ne, %convert_element_type3A, %cond3A : i32
    scf.if %cond3A_11 {
      %run_scoped3A_263 = arith.constant 0 : i32
      "tpu.region"() ({
        %run_scoped3A_264 = tpu.sem_alloc : memref<!tpu.dma_semaphore, #tpu.memory_space<semaphore_mem>>
        %dma_start3A_265 = arith.constant 0 : i32
        %dma_start3A_266 = arith.constant 0 : i32
        %dma_start3A_267 = tpu.memref_slice %arg12[%run_scoped3A_263, %dma_start3A_265, %dma_start3A_266] : memref<2x2x512xi32, #tpu.memory_space<vmem>> -> memref<1x2x512xi32, #tpu.memory_space<vmem>>
        %dma_start3A_268 = tpu.memref_squeeze %dma_start3A_267 : memref<1x2x512xi32, #tpu.memory_space<vmem>> -> memref<2x512xi32, #tpu.memory_space<vmem>>
        %dma_start3A_269 = arith.constant 0 : i32
        %dma_start3A_270 = tpu.memref_slice %arg3[%add3A_9, %dma_start3A_269] : memref<3200x512xi32, #tpu.memory_space<hbm>> -> memref<2x512xi32, #tpu.memory_space<hbm>>
        %dma_start3A_271 = arith.constant 0 : i32
        %dma_start3A_272 = arith.constant 0 : i32
        %dma_start3A_273 = tpu.memref_slice %arg12[%run_scoped3A_263, %dma_start3A_271, %dma_start3A_272] : memref<2x2x512xi32, #tpu.memory_space<vmem>> -> memref<1x2x512xi32, #tpu.memory_space<vmem>>
        %dma_start3A_274 = tpu.memref_squeeze %dma_start3A_273 : memref<1x2x512xi32, #tpu.memory_space<vmem>> -> memref<2x512xi32, #tpu.memory_space<vmem>>
        %dma_start3A_275 = arith.constant 0 : i32
        %dma_start3A_276 = tpu.memref_slice %arg3[%add3A_9, %dma_start3A_275] : memref<3200x512xi32, #tpu.memory_space<hbm>> -> memref<2x512xi32, #tpu.memory_space<hbm>>
        tpu.enqueue_dma source(%dma_start3A_276 : memref<2x512xi32, #tpu.memory_space<hbm>>) target(%dma_start3A_274 : memref<2x512xi32, #tpu.memory_space<vmem>>) target_semaphore(%run_scoped3A_264 : memref<!tpu.dma_semaphore, #tpu.memory_space<semaphore_mem>>)
        %dma_wait3A_277 = arith.constant 0 : i32
        %dma_wait3A_278 = arith.constant 0 : i32
        %dma_wait3A_279 = tpu.memref_slice %arg12[%run_scoped3A_263, %dma_wait3A_277, %dma_wait3A_278] : memref<2x2x512xi32, #tpu.memory_space<vmem>> -> memref<1x2x512xi32, #tpu.memory_space<vmem>>
        %dma_wait3A_280 = tpu.memref_squeeze %dma_wait3A_279 : memref<1x2x512xi32, #tpu.memory_space<vmem>> -> memref<2x512xi32, #tpu.memory_space<vmem>>
        %dma_wait3A_281 = arith.constant 0 : i32
        %dma_wait3A_282 = tpu.memref_slice %arg3[%add3A_9, %dma_wait3A_281] : memref<3200x512xi32, #tpu.memory_space<hbm>> -> memref<2x512xi32, #tpu.memory_space<hbm>>
        %dma_wait3A_283 = arith.constant 0 : i32
        %dma_wait3A_284 = arith.constant 0 : i32
        %dma_wait3A_285 = tpu.memref_slice %arg12[%run_scoped3A_263, %dma_wait3A_283, %dma_wait3A_284] : memref<2x2x512xi32, #tpu.memory_space<vmem>> -> memref<1x2x512xi32, #tpu.memory_space<vmem>>
        %dma_wait3A_286 = tpu.memref_squeeze %dma_wait3A_285 : memref<1x2x512xi32, #tpu.memory_space<vmem>> -> memref<2x512xi32, #tpu.memory_space<vmem>>
        %dma_wait3A_287 = arith.constant 0 : i32
        %dma_wait3A_288 = tpu.memref_slice %arg3[%add3A_9, %dma_wait3A_287] : memref<3200x512xi32, #tpu.memory_space<hbm>> -> memref<2x512xi32, #tpu.memory_space<hbm>>
        tpu.wait_dma2 semaphore(%run_scoped3A_264 : memref<!tpu.dma_semaphore, #tpu.memory_space<semaphore_mem>>) src(%dma_wait3A_288 : memref<2x512xi32, #tpu.memory_space<hbm>>) dst(%dma_wait3A_286 : memref<2x512xi32, #tpu.memory_space<vmem>>)
        tpu.yield
      }) : () -> ()
    } else {
    }
    %eq3A_12 = arith.constant 1 : i32
    %eq3A_13 = arith.cmpi eq, %arg0, %eq3A_12 : i32
    %convert_element_type3A_14 = arith.extui %eq3A_13 : i1 to i32
    %cond3A_15 = arith.constant 0 : i32
    %cond3A_16 = arith.cmpi ne, %convert_element_type3A_14, %cond3A_15 : i32
    scf.if %cond3A_16 {
      %run_scoped3A_263 = arith.constant 0 : i32
      "tpu.region"() ({
        %run_scoped3A_264 = tpu.sem_alloc : memref<!tpu.dma_semaphore, #tpu.memory_space<semaphore_mem>>
        %dma_start3A_265 = arith.constant 0 : i32
        %dma_start3A_266 = arith.constant 0 : i32
        %dma_start3A_267 = tpu.memref_slice %arg12[%run_scoped3A_263, %dma_start3A_265, %dma_start3A_266] : memref<2x2x512xi32, #tpu.memory_space<vmem>> -> memref<1x2x512xi32, #tpu.memory_space<vmem>>
        %dma_start3A_268 = tpu.memref_squeeze %dma_start3A_267 : memref<1x2x512xi32, #tpu.memory_space<vmem>> -> memref<2x512xi32, #tpu.memory_space<vmem>>
        %dma_start3A_269 = arith.constant 0 : i32
        %dma_start3A_270 = tpu.memref_slice %arg4[%add3A_9, %dma_start3A_269] : memref<3200x512xi32, #tpu.memory_space<hbm>> -> memref<2x512xi32, #tpu.memory_space<hbm>>
        %dma_start3A_271 = arith.constant 0 : i32
        %dma_start3A_272 = arith.constant 0 : i32
        %dma_start3A_273 = tpu.memref_slice %arg12[%run_scoped3A_263, %dma_start3A_271, %dma_start3A_272] : memref<2x2x512xi32, #tpu.memory_space<vmem>> -> memref<1x2x512xi32, #tpu.memory_space<vmem>>
        %dma_start3A_274 = tpu.memref_squeeze %dma_start3A_273 : memref<1x2x512xi32, #tpu.memory_space<vmem>> -> memref<2x512xi32, #tpu.memory_space<vmem>>
        %dma_start3A_275 = arith.constant 0 : i32
        %dma_start3A_276 = tpu.memref_slice %arg4[%add3A_9, %dma_start3A_275] : memref<3200x512xi32, #tpu.memory_space<hbm>> -> memref<2x512xi32, #tpu.memory_space<hbm>>
        tpu.enqueue_dma source(%dma_start3A_276 : memref<2x512xi32, #tpu.memory_space<hbm>>) target(%dma_start3A_274 : memref<2x512xi32, #tpu.memory_space<vmem>>) target_semaphore(%run_scoped3A_264 : memref<!tpu.dma_semaphore, #tpu.memory_space<semaphore_mem>>)
        %dma_wait3A_277 = arith.constant 0 : i32
        %dma_wait3A_278 = arith.constant 0 : i32
        %dma_wait3A_279 = tpu.memref_slice %arg12[%run_scoped3A_263, %dma_wait3A_277, %dma_wait3A_278] : memref<2x2x512xi32, #tpu.memory_space<vmem>> -> memref<1x2x512xi32, #tpu.memory_space<vmem>>
        %dma_wait3A_280 = tpu.memref_squeeze %dma_wait3A_279 : memref<1x2x512xi32, #tpu.memory_space<vmem>> -> memref<2x512xi32, #tpu.memory_space<vmem>>
        %dma_wait3A_281 = arith.constant 0 : i32
        %dma_wait3A_282 = tpu.memref_slice %arg4[%add3A_9, %dma_wait3A_281] : memref<3200x512xi32, #tpu.memory_space<hbm>> -> memref<2x512xi32, #tpu.memory_space<hbm>>
        %dma_wait3A_283 = arith.constant 0 : i32
        %dma_wait3A_284 = arith.constant 0 : i32
        %dma_wait3A_285 = tpu.memref_slice %arg12[%run_scoped3A_263, %dma_wait3A_283, %dma_wait3A_284] : memref<2x2x512xi32, #tpu.memory_space<vmem>> -> memref<1x2x512xi32, #tpu.memory_space<vmem>>
        %dma_wait3A_286 = tpu.memref_squeeze %dma_wait3A_285 : memref<1x2x512xi32, #tpu.memory_space<vmem>> -> memref<2x512xi32, #tpu.memory_space<vmem>>
        %dma_wait3A_287 = arith.constant 0 : i32
        %dma_wait3A_288 = tpu.memref_slice %arg4[%add3A_9, %dma_wait3A_287] : memref<3200x512xi32, #tpu.memory_space<hbm>> -> memref<2x512xi32, #tpu.memory_space<hbm>>
        tpu.wait_dma2 semaphore(%run_scoped3A_264 : memref<!tpu.dma_semaphore, #tpu.memory_space<semaphore_mem>>) src(%dma_wait3A_288 : memref<2x512xi32, #tpu.memory_space<hbm>>) dst(%dma_wait3A_286 : memref<2x512xi32, #tpu.memory_space<vmem>>)
        tpu.yield
      }) : () -> ()
    } else {
    }
    %run_scoped3A = arith.constant 0 : i32
    "tpu.region"() ({
      %run_scoped3A_263 = tpu.sem_alloc : memref<!tpu.dma_semaphore, #tpu.memory_space<semaphore_mem>>
      %dma_start3A_264 = arith.constant 0 : i32
      %dma_start3A_265 = arith.constant 0 : i32
      %dma_start3A_266 = tpu.memref_slice %arg13[%run_scoped3A, %dma_start3A_264, %dma_start3A_265] : memref<2x2x512xi32, #tpu.memory_space<vmem>> -> memref<1x2x512xi32, #tpu.memory_space<vmem>>
      %dma_start3A_267 = tpu.memref_squeeze %dma_start3A_266 : memref<1x2x512xi32, #tpu.memory_space<vmem>> -> memref<2x512xi32, #tpu.memory_space<vmem>>
      %dma_start3A_268 = arith.constant 0 : i32
      %dma_start3A_269 = tpu.memref_slice %arg5[%add3A_9, %dma_start3A_268] : memref<3200x512xi32, #tpu.memory_space<hbm>> -> memref<2x512xi32, #tpu.memory_space<hbm>>
      %dma_start3A_270 = arith.constant 0 : i32
      %dma_start3A_271 = arith.constant 0 : i32
      %dma_start3A_272 = tpu.memref_slice %arg13[%run_scoped3A, %dma_start3A_270, %dma_start3A_271] : memref<2x2x512xi32, #tpu.memory_space<vmem>> -> memref<1x2x512xi32, #tpu.memory_space<vmem>>
      %dma_start3A_273 = tpu.memref_squeeze %dma_start3A_272 : memref<1x2x512xi32, #tpu.memory_space<vmem>> -> memref<2x512xi32, #tpu.memory_space<vmem>>
      %dma_start3A_274 = arith.constant 0 : i32
      %dma_start3A_275 = tpu.memref_slice %arg5[%add3A_9, %dma_start3A_274] : memref<3200x512xi32, #tpu.memory_space<hbm>> -> memref<2x512xi32, #tpu.memory_space<hbm>>
      tpu.enqueue_dma source(%dma_start3A_275 : memref<2x512xi32, #tpu.memory_space<hbm>>) target(%dma_start3A_273 : memref<2x512xi32, #tpu.memory_space<vmem>>) target_semaphore(%run_scoped3A_263 : memref<!tpu.dma_semaphore, #tpu.memory_space<semaphore_mem>>)
      %dma_wait3A_276 = arith.constant 0 : i32
      %dma_wait3A_277 = arith.constant 0 : i32
      %dma_wait3A_278 = tpu.memref_slice %arg13[%run_scoped3A, %dma_wait3A_276, %dma_wait3A_277] : memref<2x2x512xi32, #tpu.memory_space<vmem>> -> memref<1x2x512xi32, #tpu.memory_space<vmem>>
      %dma_wait3A_279 = tpu.memref_squeeze %dma_wait3A_278 : memref<1x2x512xi32, #tpu.memory_space<vmem>> -> memref<2x512xi32, #tpu.memory_space<vmem>>
      %dma_wait3A_280 = arith.constant 0 : i32
      %dma_wait3A_281 = tpu.memref_slice %arg5[%add3A_9, %dma_wait3A_280] : memref<3200x512xi32, #tpu.memory_space<hbm>> -> memref<2x512xi32, #tpu.memory_space<hbm>>
      %dma_wait3A_282 = arith.constant 0 : i32
      %dma_wait3A_283 = arith.constant 0 : i32
      %dma_wait3A_284 = tpu.memref_slice %arg13[%run_scoped3A, %dma_wait3A_282, %dma_wait3A_283] : memref<2x2x512xi32, #tpu.memory_space<vmem>> -> memref<1x2x512xi32, #tpu.memory_space<vmem>>
      %dma_wait3A_285 = tpu.memref_squeeze %dma_wait3A_284 : memref<1x2x512xi32, #tpu.memory_space<vmem>> -> memref<2x512xi32, #tpu.memory_space<vmem>>
      %dma_wait3A_286 = arith.constant 0 : i32
      %dma_wait3A_287 = tpu.memref_slice %arg5[%add3A_9, %dma_wait3A_286] : memref<3200x512xi32, #tpu.memory_space<hbm>> -> memref<2x512xi32, #tpu.memory_space<hbm>>
      tpu.wait_dma2 semaphore(%run_scoped3A_263 : memref<!tpu.dma_semaphore, #tpu.memory_space<semaphore_mem>>) src(%dma_wait3A_287 : memref<2x512xi32, #tpu.memory_space<hbm>>) dst(%dma_wait3A_285 : memref<2x512xi32, #tpu.memory_space<vmem>>)
      tpu.yield
    }) : () -> ()
    %dma_start3A = arith.constant 0 : i32
    %dma_start3A_17 = arith.constant 0 : i32
    %dma_start3A_18 = arith.constant 0 : i32
    %dma_start3A_19 = arith.constant 0 : i32
    %dma_start3A_20 = arith.constant 0 : i32
    %dma_start3A_21 = tpu.memref_slice %arg14[%dma_start3A_18, %dma_start3A_19, %dma_start3A_20] : memref<2x512x16xf32, #tpu.memory_space<vmem>> -> memref<1x512x16xf32, #tpu.memory_space<vmem>>
    %dma_start3A_22 = tpu.memref_squeeze %dma_start3A_21 : memref<1x512x16xf32, #tpu.memory_space<vmem>> -> memref<512x16xf32, #tpu.memory_space<vmem>>
    %dma_start3A_23 = arith.constant 0 : i32
    %dma_start3A_24 = arith.constant 0 : i32
    %dma_start3A_25 = tpu.memref_slice %arg12[%dma_start3A, %dma_start3A_23, %dma_start3A_24] : memref<2x2x512xi32, #tpu.memory_space<vmem>> -> memref<1x2x512xi32, #tpu.memory_space<vmem>>
    %dma_start3A_26 = tpu.memref_squeeze %dma_start3A_25 : memref<1x2x512xi32, #tpu.memory_space<vmem>> -> memref<2x512xi32, #tpu.memory_space<vmem>>
    %dma_start3A_27 = arith.constant 0 : i32
    %dma_start3A_28 = tpu.memref_slice %dma_start3A_26[%dma_start3A_17, %dma_start3A_27] : memref<2x512xi32, #tpu.memory_space<vmem>> -> memref<1x512xi32, #tpu.memory_space<vmem>>
    %dma_start3A_29 = tpu.memref_squeeze %dma_start3A_28 : memref<1x512xi32, #tpu.memory_space<vmem>> -> memref<512xi32, #tpu.memory_space<vmem>>
    %dma_start3A_30 = arith.constant 0 : i32
    %dma_start3A_31 = arith.constant 0 : i32
    %dma_start3A_32 = tpu.memref_slice %arg2[%dma_start3A_30, %dma_start3A_31] : memref<201728x16xf32, #tpu.memory_space<hbm>> -> memref<201728x16xf32, #tpu.memory_space<hbm>>
    tpu.enqueue_indirect_dma source(%dma_start3A_32 : memref<201728x16xf32, #tpu.memory_space<hbm>>) target(%dma_start3A_22 : memref<512x16xf32, #tpu.memory_space<vmem>>) offsets(%dma_start3A_29 : memref<512xi32, #tpu.memory_space<vmem>>) semaphore(%arg15 : memref<!tpu.dma_semaphore, #tpu.memory_space<semaphore_mem>>)
    %dma_wait3A = arith.constant 0 : i32
    %dma_wait3A_33 = arith.constant 0 : i32
    %dma_wait3A_34 = arith.constant 0 : i32
    %dma_wait3A_35 = arith.constant 0 : i32
    %dma_wait3A_36 = arith.constant 0 : i32
    %dma_wait3A_37 = tpu.memref_slice %arg14[%dma_wait3A_34, %dma_wait3A_35, %dma_wait3A_36] : memref<2x512x16xf32, #tpu.memory_space<vmem>> -> memref<1x512x16xf32, #tpu.memory_space<vmem>>
    %dma_wait3A_38 = tpu.memref_squeeze %dma_wait3A_37 : memref<1x512x16xf32, #tpu.memory_space<vmem>> -> memref<512x16xf32, #tpu.memory_space<vmem>>
    %dma_wait3A_39 = arith.constant 0 : i32
    %dma_wait3A_40 = arith.constant 0 : i32
    %dma_wait3A_41 = tpu.memref_slice %arg12[%dma_wait3A, %dma_wait3A_39, %dma_wait3A_40] : memref<2x2x512xi32, #tpu.memory_space<vmem>> -> memref<1x2x512xi32, #tpu.memory_space<vmem>>
    %dma_wait3A_42 = tpu.memref_squeeze %dma_wait3A_41 : memref<1x2x512xi32, #tpu.memory_space<vmem>> -> memref<2x512xi32, #tpu.memory_space<vmem>>
    %dma_wait3A_43 = arith.constant 0 : i32
    %dma_wait3A_44 = tpu.memref_slice %dma_wait3A_42[%dma_wait3A_33, %dma_wait3A_43] : memref<2x512xi32, #tpu.memory_space<vmem>> -> memref<1x512xi32, #tpu.memory_space<vmem>>
    %dma_wait3A_45 = tpu.memref_squeeze %dma_wait3A_44 : memref<1x512xi32, #tpu.memory_space<vmem>> -> memref<512xi32, #tpu.memory_space<vmem>>
    %dma_wait3A_46 = arith.constant 0 : i32
    %dma_wait3A_47 = arith.constant 0 : i32
    %dma_wait3A_48 = tpu.memref_slice %arg2[%dma_wait3A_46, %dma_wait3A_47] : memref<201728x16xf32, #tpu.memory_space<hbm>> -> memref<201728x16xf32, #tpu.memory_space<hbm>>
    tpu.wait_indirect_dma semaphore(%arg15 : memref<!tpu.dma_semaphore, #tpu.memory_space<semaphore_mem>>) src(%dma_wait3A_48 : memref<201728x16xf32, #tpu.memory_space<hbm>>) dst(%dma_wait3A_38 : memref<512x16xf32, #tpu.memory_space<vmem>>)
    %dma_start3A_49 = arith.constant 0 : i32
    %dma_start3A_50 = arith.constant 0 : i32
    %dma_start3A_51 = arith.constant 0 : i32
    %dma_start3A_52 = arith.constant 0 : i32
    %dma_start3A_53 = arith.constant 0 : i32
    %dma_start3A_54 = tpu.memref_slice %arg14[%dma_start3A_49, %dma_start3A_52, %dma_start3A_53] : memref<2x512x16xf32, #tpu.memory_space<vmem>> -> memref<1x512x16xf32, #tpu.memory_space<vmem>>
    %dma_start3A_55 = tpu.memref_squeeze %dma_start3A_54 : memref<1x512x16xf32, #tpu.memory_space<vmem>> -> memref<512x16xf32, #tpu.memory_space<vmem>>
    %dma_start3A_56 = arith.constant 0 : i32
    %dma_start3A_57 = arith.constant 0 : i32
    %dma_start3A_58 = tpu.memref_slice %arg13[%dma_start3A_50, %dma_start3A_56, %dma_start3A_57] : memref<2x2x512xi32, #tpu.memory_space<vmem>> -> memref<1x2x512xi32, #tpu.memory_space<vmem>>
    %dma_start3A_59 = tpu.memref_squeeze %dma_start3A_58 : memref<1x2x512xi32, #tpu.memory_space<vmem>> -> memref<2x512xi32, #tpu.memory_space<vmem>>
    %dma_start3A_60 = arith.constant 0 : i32
    %dma_start3A_61 = tpu.memref_slice %dma_start3A_59[%dma_start3A_51, %dma_start3A_60] : memref<2x512xi32, #tpu.memory_space<vmem>> -> memref<1x512xi32, #tpu.memory_space<vmem>>
    %dma_start3A_62 = tpu.memref_squeeze %dma_start3A_61 : memref<1x512xi32, #tpu.memory_space<vmem>> -> memref<512xi32, #tpu.memory_space<vmem>>
    %dma_start3A_63 = arith.constant 0 : i32
    %dma_start3A_64 = arith.constant 0 : i32
    %dma_start3A_65 = tpu.memref_slice %arg11[%dma_start3A_63, %dma_start3A_64] : memref<100864x16xf32, #tpu.memory_space<vmem_shared>> -> memref<100864x16xf32, #tpu.memory_space<vmem_shared>>
    tpu.enqueue_indirect_dma source(%dma_start3A_55 : memref<512x16xf32, #tpu.memory_space<vmem>>) target(%dma_start3A_65 : memref<100864x16xf32, #tpu.memory_space<vmem_shared>>) offsets(%dma_start3A_62 : memref<512xi32, #tpu.memory_space<vmem>>) semaphore(%arg17 : memref<!tpu.dma_semaphore, #tpu.memory_space<semaphore_mem>>) {add = true}
    %eq3A_66 = arith.constant 0 : i32
    %eq3A_67 = arith.cmpi eq, %arg0, %eq3A_66 : i32
    %convert_element_type3A_68 = arith.extui %eq3A_67 : i1 to i32
    %cond3A_69 = arith.constant 0 : i32
    %cond3A_70 = arith.cmpi ne, %convert_element_type3A_68, %cond3A_69 : i32
    scf.if %cond3A_70 {
      %dma_start3A_263 = arith.constant 0 : i32
      %dma_start3A_264 = arith.constant 0 : i32
      %dma_start3A_265 = arith.constant 0 : i32
      %dma_start3A_266 = arith.constant 0 : i32
      %dma_start3A_267 = tpu.memref_slice %arg13[%dma_start3A_263, %dma_start3A_265, %dma_start3A_266] : memref<2x2x512xi32, #tpu.memory_space<vmem>> -> memref<1x2x512xi32, #tpu.memory_space<vmem>>
      %dma_start3A_268 = tpu.memref_squeeze %dma_start3A_267 : memref<1x2x512xi32, #tpu.memory_space<vmem>> -> memref<2x512xi32, #tpu.memory_space<vmem>>
      %dma_start3A_269 = arith.constant 0 : i32
      %dma_start3A_270 = tpu.memref_slice %dma_start3A_268[%dma_start3A_264, %dma_start3A_269] : memref<2x512xi32, #tpu.memory_space<vmem>> -> memref<1x512xi32, #tpu.memory_space<vmem>>
      %dma_start3A_271 = tpu.memref_squeeze %dma_start3A_270 : memref<1x512xi32, #tpu.memory_space<vmem>> -> memref<512xi32, #tpu.memory_space<vmem>>
      %dma_start3A_272 = arith.constant 0 : i32
      %dma_start3A_273 = tpu.memref_slice %arg20[%dma_start3A_272] : memref<100864xf32, #tpu.memory_space<vmem_shared>> -> memref<100864xf32, #tpu.memory_space<vmem_shared>>
      tpu.enqueue_indirect_dma source(%arg21 : memref<512xf32, #tpu.memory_space<vmem>>) target(%dma_start3A_273 : memref<100864xf32, #tpu.memory_space<vmem_shared>>) offsets(%dma_start3A_271 : memref<512xi32, #tpu.memory_space<vmem>>) semaphore(%arg22 : memref<!tpu.dma_semaphore, #tpu.memory_space<semaphore_mem>>) {add = true}
    } else {
    }
    %mul3A_71 = arith.constant 200 : i32
    %mul3A_72 = arith.muli %arg1, %mul3A_71 : i32
    %add3A_73 = arith.constant 2 : i32
    %add3A_74 = arith.addi %mul3A_72, %add3A_73 : i32
    %eq3A_75 = arith.constant 0 : i32
    %eq3A_76 = arith.cmpi eq, %arg0, %eq3A_75 : i32
    %convert_element_type3A_77 = arith.extui %eq3A_76 : i1 to i32
    %cond3A_78 = arith.constant 0 : i32
    %cond3A_79 = arith.cmpi ne, %convert_element_type3A_77, %cond3A_78 : i32
    scf.if %cond3A_79 {
      %dma_start3A_263 = arith.constant 1 : i32
      %dma_start3A_264 = arith.constant 0 : i32
      %dma_start3A_265 = arith.constant 0 : i32
      %dma_start3A_266 = tpu.memref_slice %arg12[%dma_start3A_263, %dma_start3A_264, %dma_start3A_265] : memref<2x2x512xi32, #tpu.memory_space<vmem>> -> memref<1x2x512xi32, #tpu.memory_space<vmem>>
      %dma_start3A_267 = tpu.memref_squeeze %dma_start3A_266 : memref<1x2x512xi32, #tpu.memory_space<vmem>> -> memref<2x512xi32, #tpu.memory_space<vmem>>
      %dma_start3A_268 = arith.constant 0 : i32
      %dma_start3A_269 = tpu.memref_slice %arg3[%add3A_74, %dma_start3A_268] : memref<3200x512xi32, #tpu.memory_space<hbm>> -> memref<2x512xi32, #tpu.memory_space<hbm>>
      %dma_start3A_270 = arith.constant 0 : i32
      %dma_start3A_271 = arith.constant 0 : i32
      %dma_start3A_272 = tpu.memref_slice %arg12[%dma_start3A_263, %dma_start3A_270, %dma_start3A_271] : memref<2x2x512xi32, #tpu.memory_space<vmem>> -> memref<1x2x512xi32, #tpu.memory_space<vmem>>
      %dma_start3A_273 = tpu.memref_squeeze %dma_start3A_272 : memref<1x2x512xi32, #tpu.memory_space<vmem>> -> memref<2x512xi32, #tpu.memory_space<vmem>>
      %dma_start3A_274 = arith.constant 0 : i32
      %dma_start3A_275 = tpu.memref_slice %arg3[%add3A_74, %dma_start3A_274] : memref<3200x512xi32, #tpu.memory_space<hbm>> -> memref<2x512xi32, #tpu.memory_space<hbm>>
      tpu.enqueue_dma source(%dma_start3A_275 : memref<2x512xi32, #tpu.memory_space<hbm>>) target(%dma_start3A_273 : memref<2x512xi32, #tpu.memory_space<vmem>>) target_semaphore(%arg19 : memref<!tpu.dma_semaphore, #tpu.memory_space<semaphore_mem>>)
    } else {
    }
    %eq3A_80 = arith.constant 1 : i32
    %eq3A_81 = arith.cmpi eq, %arg0, %eq3A_80 : i32
    %convert_element_type3A_82 = arith.extui %eq3A_81 : i1 to i32
    %cond3A_83 = arith.constant 0 : i32
    %cond3A_84 = arith.cmpi ne, %convert_element_type3A_82, %cond3A_83 : i32
    scf.if %cond3A_84 {
      %dma_start3A_263 = arith.constant 1 : i32
      %dma_start3A_264 = arith.constant 0 : i32
      %dma_start3A_265 = arith.constant 0 : i32
      %dma_start3A_266 = tpu.memref_slice %arg12[%dma_start3A_263, %dma_start3A_264, %dma_start3A_265] : memref<2x2x512xi32, #tpu.memory_space<vmem>> -> memref<1x2x512xi32, #tpu.memory_space<vmem>>
      %dma_start3A_267 = tpu.memref_squeeze %dma_start3A_266 : memref<1x2x512xi32, #tpu.memory_space<vmem>> -> memref<2x512xi32, #tpu.memory_space<vmem>>
      %dma_start3A_268 = arith.constant 0 : i32
      %dma_start3A_269 = tpu.memref_slice %arg4[%add3A_74, %dma_start3A_268] : memref<3200x512xi32, #tpu.memory_space<hbm>> -> memref<2x512xi32, #tpu.memory_space<hbm>>
      %dma_start3A_270 = arith.constant 0 : i32
      %dma_start3A_271 = arith.constant 0 : i32
      %dma_start3A_272 = tpu.memref_slice %arg12[%dma_start3A_263, %dma_start3A_270, %dma_start3A_271] : memref<2x2x512xi32, #tpu.memory_space<vmem>> -> memref<1x2x512xi32, #tpu.memory_space<vmem>>
      %dma_start3A_273 = tpu.memref_squeeze %dma_start3A_272 : memref<1x2x512xi32, #tpu.memory_space<vmem>> -> memref<2x512xi32, #tpu.memory_space<vmem>>
      %dma_start3A_274 = arith.constant 0 : i32
      %dma_start3A_275 = tpu.memref_slice %arg4[%add3A_74, %dma_start3A_274] : memref<3200x512xi32, #tpu.memory_space<hbm>> -> memref<2x512xi32, #tpu.memory_space<hbm>>
      tpu.enqueue_dma source(%dma_start3A_275 : memref<2x512xi32, #tpu.memory_space<hbm>>) target(%dma_start3A_273 : memref<2x512xi32, #tpu.memory_space<vmem>>) target_semaphore(%arg19 : memref<!tpu.dma_semaphore, #tpu.memory_space<semaphore_mem>>)
    } else {
    }
    %dma_start3A_85 = arith.constant 1 : i32
    %dma_start3A_86 = arith.constant 0 : i32
    %dma_start3A_87 = arith.constant 0 : i32
    %dma_start3A_88 = tpu.memref_slice %arg13[%dma_start3A_85, %dma_start3A_86, %dma_start3A_87] : memref<2x2x512xi32, #tpu.memory_space<vmem>> -> memref<1x2x512xi32, #tpu.memory_space<vmem>>
    %dma_start3A_89 = tpu.memref_squeeze %dma_start3A_88 : memref<1x2x512xi32, #tpu.memory_space<vmem>> -> memref<2x512xi32, #tpu.memory_space<vmem>>
    %dma_start3A_90 = arith.constant 0 : i32
    %dma_start3A_91 = tpu.memref_slice %arg5[%add3A_74, %dma_start3A_90] : memref<3200x512xi32, #tpu.memory_space<hbm>> -> memref<2x512xi32, #tpu.memory_space<hbm>>
    %dma_start3A_92 = arith.constant 0 : i32
    %dma_start3A_93 = arith.constant 0 : i32
    %dma_start3A_94 = tpu.memref_slice %arg13[%dma_start3A_85, %dma_start3A_92, %dma_start3A_93] : memref<2x2x512xi32, #tpu.memory_space<vmem>> -> memref<1x2x512xi32, #tpu.memory_space<vmem>>
    %dma_start3A_95 = tpu.memref_squeeze %dma_start3A_94 : memref<1x2x512xi32, #tpu.memory_space<vmem>> -> memref<2x512xi32, #tpu.memory_space<vmem>>
    %dma_start3A_96 = arith.constant 0 : i32
    %dma_start3A_97 = tpu.memref_slice %arg5[%add3A_74, %dma_start3A_96] : memref<3200x512xi32, #tpu.memory_space<hbm>> -> memref<2x512xi32, #tpu.memory_space<hbm>>
    tpu.enqueue_dma source(%dma_start3A_97 : memref<2x512xi32, #tpu.memory_space<hbm>>) target(%dma_start3A_95 : memref<2x512xi32, #tpu.memory_space<vmem>>) target_semaphore(%arg19 : memref<!tpu.dma_semaphore, #tpu.memory_space<semaphore_mem>>)
    %dma_start3A_98 = arith.constant 0 : i32
    %dma_start3A_99 = arith.constant 1 : i32
    %dma_start3A_100 = arith.constant 1 : i32
    %dma_start3A_101 = arith.constant 0 : i32
    %dma_start3A_102 = arith.constant 0 : i32
    %dma_start3A_103 = tpu.memref_slice %arg14[%dma_start3A_100, %dma_start3A_101, %dma_start3A_102] : memref<2x512x16xf32, #tpu.memory_space<vmem>> -> memref<1x512x16xf32, #tpu.memory_space<vmem>>
    %dma_start3A_104 = tpu.memref_squeeze %dma_start3A_103 : memref<1x512x16xf32, #tpu.memory_space<vmem>> -> memref<512x16xf32, #tpu.memory_space<vmem>>
    %dma_start3A_105 = arith.constant 0 : i32
    %dma_start3A_106 = arith.constant 0 : i32
    %dma_start3A_107 = tpu.memref_slice %arg12[%dma_start3A_98, %dma_start3A_105, %dma_start3A_106] : memref<2x2x512xi32, #tpu.memory_space<vmem>> -> memref<1x2x512xi32, #tpu.memory_space<vmem>>
    %dma_start3A_108 = tpu.memref_squeeze %dma_start3A_107 : memref<1x2x512xi32, #tpu.memory_space<vmem>> -> memref<2x512xi32, #tpu.memory_space<vmem>>
    %dma_start3A_109 = arith.constant 0 : i32
    %dma_start3A_110 = tpu.memref_slice %dma_start3A_108[%dma_start3A_99, %dma_start3A_109] : memref<2x512xi32, #tpu.memory_space<vmem>> -> memref<1x512xi32, #tpu.memory_space<vmem>>
    %dma_start3A_111 = tpu.memref_squeeze %dma_start3A_110 : memref<1x512xi32, #tpu.memory_space<vmem>> -> memref<512xi32, #tpu.memory_space<vmem>>
    %dma_start3A_112 = arith.constant 0 : i32
    %dma_start3A_113 = arith.constant 0 : i32
    %dma_start3A_114 = tpu.memref_slice %arg2[%dma_start3A_112, %dma_start3A_113] : memref<201728x16xf32, #tpu.memory_space<hbm>> -> memref<201728x16xf32, #tpu.memory_space<hbm>>
    tpu.enqueue_indirect_dma source(%dma_start3A_114 : memref<201728x16xf32, #tpu.memory_space<hbm>>) target(%dma_start3A_104 : memref<512x16xf32, #tpu.memory_space<vmem>>) offsets(%dma_start3A_111 : memref<512xi32, #tpu.memory_space<vmem>>) semaphore(%arg16 : memref<!tpu.dma_semaphore, #tpu.memory_space<semaphore_mem>>)
    %dma_wait3A_115 = arith.constant 0 : i32
    %dma_wait3A_116 = arith.constant 0 : i32
    %dma_wait3A_117 = arith.constant 1 : i32
    %dma_wait3A_118 = arith.constant 0 : i32
    %dma_wait3A_119 = arith.constant 0 : i32
    %dma_wait3A_120 = tpu.memref_slice %arg14[%dma_wait3A_117, %dma_wait3A_118, %dma_wait3A_119] : memref<2x512x16xf32, #tpu.memory_space<vmem>> -> memref<1x512x16xf32, #tpu.memory_space<vmem>>
    %dma_wait3A_121 = tpu.memref_squeeze %dma_wait3A_120 : memref<1x512x16xf32, #tpu.memory_space<vmem>> -> memref<512x16xf32, #tpu.memory_space<vmem>>
    %dma_wait3A_122 = arith.constant 0 : i32
    %dma_wait3A_123 = arith.constant 0 : i32
    %dma_wait3A_124 = tpu.memref_slice %arg12[%dma_wait3A_115, %dma_wait3A_122, %dma_wait3A_123] : memref<2x2x512xi32, #tpu.memory_space<vmem>> -> memref<1x2x512xi32, #tpu.memory_space<vmem>>
    %dma_wait3A_125 = tpu.memref_squeeze %dma_wait3A_124 : memref<1x2x512xi32, #tpu.memory_space<vmem>> -> memref<2x512xi32, #tpu.memory_space<vmem>>
    %dma_wait3A_126 = arith.constant 0 : i32
    %dma_wait3A_127 = tpu.memref_slice %dma_wait3A_125[%dma_wait3A_116, %dma_wait3A_126] : memref<2x512xi32, #tpu.memory_space<vmem>> -> memref<1x512xi32, #tpu.memory_space<vmem>>
    %dma_wait3A_128 = tpu.memref_squeeze %dma_wait3A_127 : memref<1x512xi32, #tpu.memory_space<vmem>> -> memref<512xi32, #tpu.memory_space<vmem>>
    %dma_wait3A_129 = arith.constant 0 : i32
    %dma_wait3A_130 = arith.constant 0 : i32
    %dma_wait3A_131 = tpu.memref_slice %arg2[%dma_wait3A_129, %dma_wait3A_130] : memref<201728x16xf32, #tpu.memory_space<hbm>> -> memref<201728x16xf32, #tpu.memory_space<hbm>>
    tpu.wait_indirect_dma semaphore(%arg16 : memref<!tpu.dma_semaphore, #tpu.memory_space<semaphore_mem>>) src(%dma_wait3A_131 : memref<201728x16xf32, #tpu.memory_space<hbm>>) dst(%dma_wait3A_121 : memref<512x16xf32, #tpu.memory_space<vmem>>)
    %dma_start3A_132 = arith.constant 1 : i32
    %dma_start3A_133 = arith.constant 0 : i32
    %dma_start3A_134 = arith.constant 1 : i32
    %dma_start3A_135 = arith.constant 0 : i32
    %dma_start3A_136 = arith.constant 0 : i32
    %dma_start3A_137 = tpu.memref_slice %arg14[%dma_start3A_132, %dma_start3A_135, %dma_start3A_136] : memref<2x512x16xf32, #tpu.memory_space<vmem>> -> memref<1x512x16xf32, #tpu.memory_space<vmem>>
    %dma_start3A_138 = tpu.memref_squeeze %dma_start3A_137 : memref<1x512x16xf32, #tpu.memory_space<vmem>> -> memref<512x16xf32, #tpu.memory_space<vmem>>
    %dma_start3A_139 = arith.constant 0 : i32
    %dma_start3A_140 = arith.constant 0 : i32
    %dma_start3A_141 = tpu.memref_slice %arg13[%dma_start3A_133, %dma_start3A_139, %dma_start3A_140] : memref<2x2x512xi32, #tpu.memory_space<vmem>> -> memref<1x2x512xi32, #tpu.memory_space<vmem>>
    %dma_start3A_142 = tpu.memref_squeeze %dma_start3A_141 : memref<1x2x512xi32, #tpu.memory_space<vmem>> -> memref<2x512xi32, #tpu.memory_space<vmem>>
    %dma_start3A_143 = arith.constant 0 : i32
    %dma_start3A_144 = tpu.memref_slice %dma_start3A_142[%dma_start3A_134, %dma_start3A_143] : memref<2x512xi32, #tpu.memory_space<vmem>> -> memref<1x512xi32, #tpu.memory_space<vmem>>
    %dma_start3A_145 = tpu.memref_squeeze %dma_start3A_144 : memref<1x512xi32, #tpu.memory_space<vmem>> -> memref<512xi32, #tpu.memory_space<vmem>>
    %dma_start3A_146 = arith.constant 0 : i32
    %dma_start3A_147 = arith.constant 0 : i32
    %dma_start3A_148 = tpu.memref_slice %arg11[%dma_start3A_146, %dma_start3A_147] : memref<100864x16xf32, #tpu.memory_space<vmem_shared>> -> memref<100864x16xf32, #tpu.memory_space<vmem_shared>>
    tpu.enqueue_indirect_dma source(%dma_start3A_138 : memref<512x16xf32, #tpu.memory_space<vmem>>) target(%dma_start3A_148 : memref<100864x16xf32, #tpu.memory_space<vmem_shared>>) offsets(%dma_start3A_145 : memref<512xi32, #tpu.memory_space<vmem>>) semaphore(%arg18 : memref<!tpu.dma_semaphore, #tpu.memory_space<semaphore_mem>>) {add = true}
    %eq3A_149 = arith.constant 0 : i32
    %eq3A_150 = arith.cmpi eq, %arg0, %eq3A_149 : i32
    %convert_element_type3A_151 = arith.extui %eq3A_150 : i1 to i32
    %cond3A_152 = arith.constant 0 : i32
    %cond3A_153 = arith.cmpi ne, %convert_element_type3A_151, %cond3A_152 : i32
    scf.if %cond3A_153 {
      %dma_start3A_263 = arith.constant 0 : i32
      %dma_start3A_264 = arith.constant 1 : i32
      %dma_start3A_265 = arith.constant 0 : i32
      %dma_start3A_266 = arith.constant 0 : i32
      %dma_start3A_267 = tpu.memref_slice %arg13[%dma_start3A_263, %dma_start3A_265, %dma_start3A_266] : memref<2x2x512xi32, #tpu.memory_space<vmem>> -> memref<1x2x512xi32, #tpu.memory_space<vmem>>
      %dma_start3A_268 = tpu.memref_squeeze %dma_start3A_267 : memref<1x2x512xi32, #tpu.memory_space<vmem>> -> memref<2x512xi32, #tpu.memory_space<vmem>>
      %dma_start3A_269 = arith.constant 0 : i32
      %dma_start3A_270 = tpu.memref_slice %dma_start3A_268[%dma_start3A_264, %dma_start3A_269] : memref<2x512xi32, #tpu.memory_space<vmem>> -> memref<1x512xi32, #tpu.memory_space<vmem>>
      %dma_start3A_271 = tpu.memref_squeeze %dma_start3A_270 : memref<1x512xi32, #tpu.memory_space<vmem>> -> memref<512xi32, #tpu.memory_space<vmem>>
      %dma_start3A_272 = arith.constant 0 : i32
      %dma_start3A_273 = tpu.memref_slice %arg20[%dma_start3A_272] : memref<100864xf32, #tpu.memory_space<vmem_shared>> -> memref<100864xf32, #tpu.memory_space<vmem_shared>>
      tpu.enqueue_indirect_dma source(%arg21 : memref<512xf32, #tpu.memory_space<vmem>>) target(%dma_start3A_273 : memref<100864xf32, #tpu.memory_space<vmem_shared>>) offsets(%dma_start3A_271 : memref<512xi32, #tpu.memory_space<vmem>>) semaphore(%arg23 : memref<!tpu.dma_semaphore, #tpu.memory_space<semaphore_mem>>) {add = true}
    } else {
    }
    %dma_wait3A_154 = arith.constant 0 : i32
    %dma_wait3A_155 = arith.constant 0 : i32
    %dma_wait3A_156 = arith.constant 0 : i32
    %dma_wait3A_157 = arith.constant 0 : i32
    %dma_wait3A_158 = arith.constant 0 : i32
    %dma_wait3A_159 = tpu.memref_slice %arg14[%dma_wait3A_154, %dma_wait3A_157, %dma_wait3A_158] : memref<2x512x16xf32, #tpu.memory_space<vmem>> -> memref<1x512x16xf32, #tpu.memory_space<vmem>>
    %dma_wait3A_160 = tpu.memref_squeeze %dma_wait3A_159 : memref<1x512x16xf32, #tpu.memory_space<vmem>> -> memref<512x16xf32, #tpu.memory_space<vmem>>
    %dma_wait3A_161 = arith.constant 0 : i32
    %dma_wait3A_162 = arith.constant 0 : i32
    %dma_wait3A_163 = tpu.memref_slice %arg13[%dma_wait3A_155, %dma_wait3A_161, %dma_wait3A_162] : memref<2x2x512xi32, #tpu.memory_space<vmem>> -> memref<1x2x512xi32, #tpu.memory_space<vmem>>
    %dma_wait3A_164 = tpu.memref_squeeze %dma_wait3A_163 : memref<1x2x512xi32, #tpu.memory_space<vmem>> -> memref<2x512xi32, #tpu.memory_space<vmem>>
    %dma_wait3A_165 = arith.constant 0 : i32
    %dma_wait3A_166 = tpu.memref_slice %dma_wait3A_164[%dma_wait3A_156, %dma_wait3A_165] : memref<2x512xi32, #tpu.memory_space<vmem>> -> memref<1x512xi32, #tpu.memory_space<vmem>>
    %dma_wait3A_167 = tpu.memref_squeeze %dma_wait3A_166 : memref<1x512xi32, #tpu.memory_space<vmem>> -> memref<512xi32, #tpu.memory_space<vmem>>
    %dma_wait3A_168 = arith.constant 0 : i32
    %dma_wait3A_169 = arith.constant 0 : i32
    %dma_wait3A_170 = tpu.memref_slice %arg11[%dma_wait3A_168, %dma_wait3A_169] : memref<100864x16xf32, #tpu.memory_space<vmem_shared>> -> memref<100864x16xf32, #tpu.memory_space<vmem_shared>>
    tpu.wait_indirect_dma semaphore(%arg17 : memref<!tpu.dma_semaphore, #tpu.memory_space<semaphore_mem>>) src(%dma_wait3A_160 : memref<512x16xf32, #tpu.memory_space<vmem>>) dst(%dma_wait3A_170 : memref<100864x16xf32, #tpu.memory_space<vmem_shared>>)
    %eq3A_171 = arith.constant 0 : i32
    %eq3A_172 = arith.cmpi eq, %arg0, %eq3A_171 : i32
    %convert_element_type3A_173 = arith.extui %eq3A_172 : i1 to i32
    %cond3A_174 = arith.constant 0 : i32
    %cond3A_175 = arith.cmpi ne, %convert_element_type3A_173, %cond3A_174 : i32
    scf.if %cond3A_175 {
      %dma_wait3A_263 = arith.constant 0 : i32
      %dma_wait3A_264 = tpu.memref_slice %arg7[%dma_wait3A_263] : memref<100864xf32, #tpu.memory_space<hbm>> -> memref<512xf32, #tpu.memory_space<hbm>>
      %dma_wait3A_265 = arith.constant 0 : i32
      %dma_wait3A_266 = tpu.memref_slice %arg7[%dma_wait3A_265] : memref<100864xf32, #tpu.memory_space<hbm>> -> memref<512xf32, #tpu.memory_space<hbm>>
      tpu.wait_dma2 semaphore(%arg22 : memref<!tpu.dma_semaphore, #tpu.memory_space<semaphore_mem>>) src(%dma_wait3A_266 : memref<512xf32, #tpu.memory_space<hbm>>) dst(%arg21 : memref<512xf32, #tpu.memory_space<vmem>>)
    } else {
    }
    %dma_wait3A_176 = arith.constant 1 : i32
    %dma_wait3A_177 = arith.constant 0 : i32
    %dma_wait3A_178 = arith.constant 0 : i32
    %dma_wait3A_179 = tpu.memref_slice %arg12[%dma_wait3A_176, %dma_wait3A_177, %dma_wait3A_178] : memref<2x2x512xi32, #tpu.memory_space<vmem>> -> memref<1x2x512xi32, #tpu.memory_space<vmem>>
    %dma_wait3A_180 = tpu.memref_squeeze %dma_wait3A_179 : memref<1x2x512xi32, #tpu.memory_space<vmem>> -> memref<2x512xi32, #tpu.memory_space<vmem>>
    %dma_wait3A_181 = arith.constant 0 : i32
    %dma_wait3A_182 = arith.constant 0 : i32
    %dma_wait3A_183 = tpu.memref_slice %arg3[%dma_wait3A_181, %dma_wait3A_182] : memref<3200x512xi32, #tpu.memory_space<hbm>> -> memref<2x512xi32, #tpu.memory_space<hbm>>
    %dma_wait3A_184 = arith.constant 0 : i32
    %dma_wait3A_185 = arith.constant 0 : i32
    %dma_wait3A_186 = tpu.memref_slice %arg12[%dma_wait3A_176, %dma_wait3A_184, %dma_wait3A_185] : memref<2x2x512xi32, #tpu.memory_space<vmem>> -> memref<1x2x512xi32, #tpu.memory_space<vmem>>
    %dma_wait3A_187 = tpu.memref_squeeze %dma_wait3A_186 : memref<1x2x512xi32, #tpu.memory_space<vmem>> -> memref<2x512xi32, #tpu.memory_space<vmem>>
    %dma_wait3A_188 = arith.constant 0 : i32
    %dma_wait3A_189 = arith.constant 0 : i32
    %dma_wait3A_190 = tpu.memref_slice %arg3[%dma_wait3A_188, %dma_wait3A_189] : memref<3200x512xi32, #tpu.memory_space<hbm>> -> memref<2x512xi32, #tpu.memory_space<hbm>>
    tpu.wait_dma2 semaphore(%arg19 : memref<!tpu.dma_semaphore, #tpu.memory_space<semaphore_mem>>) src(%dma_wait3A_190 : memref<2x512xi32, #tpu.memory_space<hbm>>) dst(%dma_wait3A_187 : memref<2x512xi32, #tpu.memory_space<vmem>>)
    %dma_wait3A_191 = arith.constant 1 : i32
    %dma_wait3A_192 = arith.constant 0 : i32
    %dma_wait3A_193 = arith.constant 0 : i32
    %dma_wait3A_194 = tpu.memref_slice %arg13[%dma_wait3A_191, %dma_wait3A_192, %dma_wait3A_193] : memref<2x2x512xi32, #tpu.memory_space<vmem>> -> memref<1x2x512xi32, #tpu.memory_space<vmem>>
    %dma_wait3A_195 = tpu.memref_squeeze %dma_wait3A_194 : memref<1x2x512xi32, #tpu.memory_space<vmem>> -> memref<2x512xi32, #tpu.memory_space<vmem>>
    %dma_wait3A_196 = arith.constant 0 : i32
    %dma_wait3A_197 = arith.constant 0 : i32
    %dma_wait3A_198 = tpu.memref_slice %arg5[%dma_wait3A_196, %dma_wait3A_197] : memref<3200x512xi32, #tpu.memory_space<hbm>> -> memref<2x512xi32, #tpu.memory_space<hbm>>
    %dma_wait3A_199 = arith.constant 0 : i32
    %dma_wait3A_200 = arith.constant 0 : i32
    %dma_wait3A_201 = tpu.memref_slice %arg13[%dma_wait3A_191, %dma_wait3A_199, %dma_wait3A_200] : memref<2x2x512xi32, #tpu.memory_space<vmem>> -> memref<1x2x512xi32, #tpu.memory_space<vmem>>
    %dma_wait3A_202 = tpu.memref_squeeze %dma_wait3A_201 : memref<1x2x512xi32, #tpu.memory_space<vmem>> -> memref<2x512xi32, #tpu.memory_space<vmem>>
    %dma_wait3A_203 = arith.constant 0 : i32
    %dma_wait3A_204 = arith.constant 0 : i32
    %dma_wait3A_205 = tpu.memref_slice %arg5[%dma_wait3A_203, %dma_wait3A_204] : memref<3200x512xi32, #tpu.memory_space<hbm>> -> memref<2x512xi32, #tpu.memory_space<hbm>>
    tpu.wait_dma2 semaphore(%arg19 : memref<!tpu.dma_semaphore, #tpu.memory_space<semaphore_mem>>) src(%dma_wait3A_205 : memref<2x512xi32, #tpu.memory_space<hbm>>) dst(%dma_wait3A_202 : memref<2x512xi32, #tpu.memory_space<vmem>>)
    %dma_start3A_206 = arith.constant 1 : i32
    %dma_start3A_207 = arith.constant 0 : i32
    %dma_start3A_208 = arith.constant 0 : i32
    %dma_start3A_209 = arith.constant 0 : i32
    %dma_start3A_210 = arith.constant 0 : i32
    %dma_start3A_211 = tpu.memref_slice %arg14[%dma_start3A_208, %dma_start3A_209, %dma_start3A_210] : memref<2x512x16xf32, #tpu.memory_space<vmem>> -> memref<1x512x16xf32, #tpu.memory_space<vmem>>
    %dma_start3A_212 = tpu.memref_squeeze %dma_start3A_211 : memref<1x512x16xf32, #tpu.memory_space<vmem>> -> memref<512x16xf32, #tpu.memory_space<vmem>>
    %dma_start3A_213 = arith.constant 0 : i32
    %dma_start3A_214 = arith.constant 0 : i32
    %dma_start3A_215 = tpu.memref_slice %arg12[%dma_start3A_206, %dma_start3A_213, %dma_start3A_214] : memref<2x2x512xi32, #tpu.memory_space<vmem>> -> memref<1x2x512xi32, #tpu.memory_space<vmem>>
    %dma_start3A_216 = tpu.memref_squeeze %dma_start3A_215 : memref<1x2x512xi32, #tpu.memory_space<vmem>> -> memref<2x512xi32, #tpu.memory_space<vmem>>
    %dma_start3A_217 = arith.constant 0 : i32
    %dma_start3A_218 = tpu.memref_slice %dma_start3A_216[%dma_start3A_207, %dma_start3A_217] : memref<2x512xi32, #tpu.memory_space<vmem>> -> memref<1x512xi32, #tpu.memory_space<vmem>>
    %dma_start3A_219 = tpu.memref_squeeze %dma_start3A_218 : memref<1x512xi32, #tpu.memory_space<vmem>> -> memref<512xi32, #tpu.memory_space<vmem>>
    %dma_start3A_220 = arith.constant 0 : i32
    %dma_start3A_221 = arith.constant 0 : i32
    %dma_start3A_222 = tpu.memref_slice %arg2[%dma_start3A_220, %dma_start3A_221] : memref<201728x16xf32, #tpu.memory_space<hbm>> -> memref<201728x16xf32, #tpu.memory_space<hbm>>
    tpu.enqueue_indirect_dma source(%dma_start3A_222 : memref<201728x16xf32, #tpu.memory_space<hbm>>) target(%dma_start3A_212 : memref<512x16xf32, #tpu.memory_space<vmem>>) offsets(%dma_start3A_219 : memref<512xi32, #tpu.memory_space<vmem>>) semaphore(%arg15 : memref<!tpu.dma_semaphore, #tpu.memory_space<semaphore_mem>>)
    %scan3A_223 = arith.constant 0 : i32
    %scan3A_224 = arith.constant 1 : i32
    %scan3A_225 = arith.constant 99 : i32
    %scan3A_226 = arith.addi %scan3A_224, %scan3A_225 : i32
    %scan3A_227 = arith.constant 1 : i32
    %scan3A_228 = scf.for %scan3A_263 = %scan3A_224 to %scan3A_226 step %scan3A_227 iter_args(%scan3A_264 = %scan3A_223) -> (i32)  : i32 {
      %jit3A = arith.constant 2 : i32
      %eq3A_265 = arith.constant 0 : i32
      %eq3A_266 = arith.cmpi eq, %jit3A, %eq3A_265 : i32
      %jit3A_267 = arith.constant 1 : i32
      %select_n3A = arith.select %eq3A_266, %jit3A_267, %jit3A : i32
      %rem3A = arith.remsi %scan3A_263, %select_n3A : i32
      %ne3A = arith.constant 0 : i32
      %ne3A_268 = arith.cmpi ne, %rem3A, %ne3A : i32
      %lt3A = arith.constant 0 : i32
      %lt3A_269 = arith.cmpi slt, %rem3A, %lt3A : i32
      %lt3A_270 = arith.constant 0 : i32
      %lt3A_271 = arith.cmpi slt, %select_n3A, %lt3A_270 : i32
      %ne3A_272 = arith.xori %lt3A_269, %lt3A_271 : i1
      %and3A = arith.andi %ne3A_272, %ne3A_268 : i1
      %add3A_273 = arith.addi %rem3A, %select_n3A : i32
      %select_n3A_274 = arith.select %and3A, %add3A_273, %rem3A : i32
      %add3A_275 = arith.constant 1 : i32
      %add3A_276 = arith.addi %scan3A_263, %add3A_275 : i32
      %jit3A_277 = arith.constant 2 : i32
      %eq3A_278 = arith.constant 0 : i32
      %eq3A_279 = arith.cmpi eq, %jit3A_277, %eq3A_278 : i32
      %jit3A_280 = arith.constant 1 : i32
      %select_n3A_281 = arith.select %eq3A_279, %jit3A_280, %jit3A_277 : i32
      %rem3A_282 = arith.remsi %add3A_276, %select_n3A_281 : i32
      %ne3A_283 = arith.constant 0 : i32
      %ne3A_284 = arith.cmpi ne, %rem3A_282, %ne3A_283 : i32
      %lt3A_285 = arith.constant 0 : i32
      %lt3A_286 = arith.cmpi slt, %rem3A_282, %lt3A_285 : i32
      %lt3A_287 = arith.constant 0 : i32
      %lt3A_288 = arith.cmpi slt, %select_n3A_281, %lt3A_287 : i32
      %ne3A_289 = arith.xori %lt3A_286, %lt3A_288 : i1
      %and3A_290 = arith.andi %ne3A_289, %ne3A_284 : i1
      %add3A_291 = arith.addi %rem3A_282, %select_n3A_281 : i32
      %select_n3A_292 = arith.select %and3A_290, %add3A_291, %rem3A_282 : i32
      %add3A_293 = arith.constant 1 : i32
      %add3A_294 = arith.addi %scan3A_263, %add3A_293 : i32
      %lt3A_295 = arith.constant 100 : i32
      %lt3A_296 = arith.cmpi slt, %add3A_294, %lt3A_295 : i32
      %dma_wait3A_297 = arith.constant 0 : i32
      %dma_wait3A_298 = arith.constant 0 : i32
      %dma_wait3A_299 = arith.constant 0 : i32
      %dma_wait3A_300 = arith.constant 0 : i32
      %dma_wait3A_301 = arith.constant 0 : i32
      %dma_wait3A_302 = tpu.memref_slice %arg14[%dma_wait3A_299, %dma_wait3A_300, %dma_wait3A_301] : memref<2x512x16xf32, #tpu.memory_space<vmem>> -> memref<1x512x16xf32, #tpu.memory_space<vmem>>
      %dma_wait3A_303 = tpu.memref_squeeze %dma_wait3A_302 : memref<1x512x16xf32, #tpu.memory_space<vmem>> -> memref<512x16xf32, #tpu.memory_space<vmem>>
      %dma_wait3A_304 = arith.constant 0 : i32
      %dma_wait3A_305 = arith.constant 0 : i32
      %dma_wait3A_306 = tpu.memref_slice %arg12[%dma_wait3A_297, %dma_wait3A_304, %dma_wait3A_305] : memref<2x2x512xi32, #tpu.memory_space<vmem>> -> memref<1x2x512xi32, #tpu.memory_space<vmem>>
      %dma_wait3A_307 = tpu.memref_squeeze %dma_wait3A_306 : memref<1x2x512xi32, #tpu.memory_space<vmem>> -> memref<2x512xi32, #tpu.memory_space<vmem>>
      %dma_wait3A_308 = arith.constant 0 : i32
      %dma_wait3A_309 = tpu.memref_slice %dma_wait3A_307[%dma_wait3A_298, %dma_wait3A_308] : memref<2x512xi32, #tpu.memory_space<vmem>> -> memref<1x512xi32, #tpu.memory_space<vmem>>
      %dma_wait3A_310 = tpu.memref_squeeze %dma_wait3A_309 : memref<1x512xi32, #tpu.memory_space<vmem>> -> memref<512xi32, #tpu.memory_space<vmem>>
      %dma_wait3A_311 = arith.constant 0 : i32
      %dma_wait3A_312 = arith.constant 0 : i32
      %dma_wait3A_313 = tpu.memref_slice %arg2[%dma_wait3A_311, %dma_wait3A_312] : memref<201728x16xf32, #tpu.memory_space<hbm>> -> memref<201728x16xf32, #tpu.memory_space<hbm>>
      tpu.wait_indirect_dma semaphore(%arg15 : memref<!tpu.dma_semaphore, #tpu.memory_space<semaphore_mem>>) src(%dma_wait3A_313 : memref<201728x16xf32, #tpu.memory_space<hbm>>) dst(%dma_wait3A_303 : memref<512x16xf32, #tpu.memory_space<vmem>>)
      %dma_start3A_314 = arith.constant 0 : i32
      %dma_start3A_315 = arith.constant 0 : i32
      %dma_start3A_316 = arith.constant 0 : i32
      %dma_start3A_317 = arith.constant 0 : i32
      %dma_start3A_318 = tpu.memref_slice %arg14[%dma_start3A_314, %dma_start3A_316, %dma_start3A_317] : memref<2x512x16xf32, #tpu.memory_space<vmem>> -> memref<1x512x16xf32, #tpu.memory_space<vmem>>
      %dma_start3A_319 = tpu.memref_squeeze %dma_start3A_318 : memref<1x512x16xf32, #tpu.memory_space<vmem>> -> memref<512x16xf32, #tpu.memory_space<vmem>>
      %dma_start3A_320 = arith.constant 0 : i32
      %dma_start3A_321 = arith.constant 0 : i32
      %dma_start3A_322 = tpu.memref_slice %arg13[%select_n3A_274, %dma_start3A_320, %dma_start3A_321] : memref<2x2x512xi32, #tpu.memory_space<vmem>> -> memref<1x2x512xi32, #tpu.memory_space<vmem>>
      %dma_start3A_323 = tpu.memref_squeeze %dma_start3A_322 : memref<1x2x512xi32, #tpu.memory_space<vmem>> -> memref<2x512xi32, #tpu.memory_space<vmem>>
      %dma_start3A_324 = arith.constant 0 : i32
      %dma_start3A_325 = tpu.memref_slice %dma_start3A_323[%dma_start3A_315, %dma_start3A_324] : memref<2x512xi32, #tpu.memory_space<vmem>> -> memref<1x512xi32, #tpu.memory_space<vmem>>
      %dma_start3A_326 = tpu.memref_squeeze %dma_start3A_325 : memref<1x512xi32, #tpu.memory_space<vmem>> -> memref<512xi32, #tpu.memory_space<vmem>>
      %dma_start3A_327 = arith.constant 0 : i32
      %dma_start3A_328 = arith.constant 0 : i32
      %dma_start3A_329 = tpu.memref_slice %arg11[%dma_start3A_327, %dma_start3A_328] : memref<100864x16xf32, #tpu.memory_space<vmem_shared>> -> memref<100864x16xf32, #tpu.memory_space<vmem_shared>>
      tpu.enqueue_indirect_dma source(%dma_start3A_319 : memref<512x16xf32, #tpu.memory_space<vmem>>) target(%dma_start3A_329 : memref<100864x16xf32, #tpu.memory_space<vmem_shared>>) offsets(%dma_start3A_326 : memref<512xi32, #tpu.memory_space<vmem>>) semaphore(%arg17 : memref<!tpu.dma_semaphore, #tpu.memory_space<semaphore_mem>>) {add = true}
      %eq3A_330 = arith.constant 0 : i32
      %eq3A_331 = arith.cmpi eq, %arg0, %eq3A_330 : i32
      %convert_element_type3A_332 = arith.extui %eq3A_331 : i1 to i32
      %cond3A_333 = arith.constant 0 : i32
      %cond3A_334 = arith.cmpi ne, %convert_element_type3A_332, %cond3A_333 : i32
      scf.if %cond3A_334 {
        %dma_start3A_440 = arith.constant 0 : i32
        %dma_start3A_441 = arith.constant 0 : i32
        %dma_start3A_442 = arith.constant 0 : i32
        %dma_start3A_443 = tpu.memref_slice %arg13[%select_n3A_274, %dma_start3A_441, %dma_start3A_442] : memref<2x2x512xi32, #tpu.memory_space<vmem>> -> memref<1x2x512xi32, #tpu.memory_space<vmem>>
        %dma_start3A_444 = tpu.memref_squeeze %dma_start3A_443 : memref<1x2x512xi32, #tpu.memory_space<vmem>> -> memref<2x512xi32, #tpu.memory_space<vmem>>
        %dma_start3A_445 = arith.constant 0 : i32
        %dma_start3A_446 = tpu.memref_slice %dma_start3A_444[%dma_start3A_440, %dma_start3A_445] : memref<2x512xi32, #tpu.memory_space<vmem>> -> memref<1x512xi32, #tpu.memory_space<vmem>>
        %dma_start3A_447 = tpu.memref_squeeze %dma_start3A_446 : memref<1x512xi32, #tpu.memory_space<vmem>> -> memref<512xi32, #tpu.memory_space<vmem>>
        %dma_start3A_448 = arith.constant 0 : i32
        %dma_start3A_449 = tpu.memref_slice %arg20[%dma_start3A_448] : memref<100864xf32, #tpu.memory_space<vmem_shared>> -> memref<100864xf32, #tpu.memory_space<vmem_shared>>
        tpu.enqueue_indirect_dma source(%arg21 : memref<512xf32, #tpu.memory_space<vmem>>) target(%dma_start3A_449 : memref<100864xf32, #tpu.memory_space<vmem_shared>>) offsets(%dma_start3A_447 : memref<512xi32, #tpu.memory_space<vmem>>) semaphore(%arg22 : memref<!tpu.dma_semaphore, #tpu.memory_space<semaphore_mem>>) {add = true}
      } else {
      }
      %dma_wait3A_335 = arith.constant 1 : i32
      %dma_wait3A_336 = arith.constant 0 : i32
      %dma_wait3A_337 = arith.constant 0 : i32
      %dma_wait3A_338 = arith.constant 0 : i32
      %dma_wait3A_339 = arith.constant 0 : i32
      %dma_wait3A_340 = tpu.memref_slice %arg14[%dma_wait3A_335, %dma_wait3A_338, %dma_wait3A_339] : memref<2x512x16xf32, #tpu.memory_space<vmem>> -> memref<1x512x16xf32, #tpu.memory_space<vmem>>
      %dma_wait3A_341 = tpu.memref_squeeze %dma_wait3A_340 : memref<1x512x16xf32, #tpu.memory_space<vmem>> -> memref<512x16xf32, #tpu.memory_space<vmem>>
      %dma_wait3A_342 = arith.constant 0 : i32
      %dma_wait3A_343 = arith.constant 0 : i32
      %dma_wait3A_344 = tpu.memref_slice %arg13[%dma_wait3A_336, %dma_wait3A_342, %dma_wait3A_343] : memref<2x2x512xi32, #tpu.memory_space<vmem>> -> memref<1x2x512xi32, #tpu.memory_space<vmem>>
      %dma_wait3A_345 = tpu.memref_squeeze %dma_wait3A_344 : memref<1x2x512xi32, #tpu.memory_space<vmem>> -> memref<2x512xi32, #tpu.memory_space<vmem>>
      %dma_wait3A_346 = arith.constant 0 : i32
      %dma_wait3A_347 = tpu.memref_slice %dma_wait3A_345[%dma_wait3A_337, %dma_wait3A_346] : memref<2x512xi32, #tpu.memory_space<vmem>> -> memref<1x512xi32, #tpu.memory_space<vmem>>
      %dma_wait3A_348 = tpu.memref_squeeze %dma_wait3A_347 : memref<1x512xi32, #tpu.memory_space<vmem>> -> memref<512xi32, #tpu.memory_space<vmem>>
      %dma_wait3A_349 = arith.constant 0 : i32
      %dma_wait3A_350 = arith.constant 0 : i32
      %dma_wait3A_351 = tpu.memref_slice %arg11[%dma_wait3A_349, %dma_wait3A_350] : memref<100864x16xf32, #tpu.memory_space<vmem_shared>> -> memref<100864x16xf32, #tpu.memory_space<vmem_shared>>
      tpu.wait_indirect_dma semaphore(%arg18 : memref<!tpu.dma_semaphore, #tpu.memory_space<semaphore_mem>>) src(%dma_wait3A_341 : memref<512x16xf32, #tpu.memory_space<vmem>>) dst(%dma_wait3A_351 : memref<100864x16xf32, #tpu.memory_space<vmem_shared>>)
      %eq3A_352 = arith.constant 0 : i32
      %eq3A_353 = arith.cmpi eq, %arg0, %eq3A_352 : i32
      %convert_element_type3A_354 = arith.extui %eq3A_353 : i1 to i32
      %cond3A_355 = arith.constant 0 : i32
      %cond3A_356 = arith.cmpi ne, %convert_element_type3A_354, %cond3A_355 : i32
      scf.if %cond3A_356 {
        %dma_wait3A_440 = arith.constant 0 : i32
        %dma_wait3A_441 = tpu.memref_slice %arg7[%dma_wait3A_440] : memref<100864xf32, #tpu.memory_space<hbm>> -> memref<512xf32, #tpu.memory_space<hbm>>
        %dma_wait3A_442 = arith.constant 0 : i32
        %dma_wait3A_443 = tpu.memref_slice %arg7[%dma_wait3A_442] : memref<100864xf32, #tpu.memory_space<hbm>> -> memref<512xf32, #tpu.memory_space<hbm>>
        tpu.wait_dma2 semaphore(%arg23 : memref<!tpu.dma_semaphore, #tpu.memory_space<semaphore_mem>>) src(%dma_wait3A_443 : memref<512xf32, #tpu.memory_space<hbm>>) dst(%arg21 : memref<512xf32, #tpu.memory_space<vmem>>)
      } else {
      }
      %convert_element_type3A_357 = arith.extui %lt3A_296 : i1 to i32
      %cond3A_358 = arith.constant 0 : i32
      %cond3A_359 = arith.cmpi ne, %convert_element_type3A_357, %cond3A_358 : i32
      scf.if %cond3A_359 {
        %add3A_440 = arith.constant 1 : i32
        %add3A_441 = arith.addi %scan3A_263, %add3A_440 : i32
        %mul3A_442 = arith.constant 200 : i32
        %mul3A_443 = arith.muli %arg1, %mul3A_442 : i32
        %mul3A_444 = arith.constant 2 : i32
        %mul3A_445 = arith.muli %add3A_441, %mul3A_444 : i32
        %add3A_446 = arith.addi %mul3A_443, %mul3A_445 : i32
        %eq3A_447 = arith.constant 0 : i32
        %eq3A_448 = arith.cmpi eq, %arg0, %eq3A_447 : i32
        %convert_element_type3A_449 = arith.extui %eq3A_448 : i1 to i32
        %cond3A_450 = arith.constant 0 : i32
        %cond3A_451 = arith.cmpi ne, %convert_element_type3A_449, %cond3A_450 : i32
        scf.if %cond3A_451 {
          %dma_start3A_469 = arith.constant 0 : i32
          %dma_start3A_470 = arith.constant 0 : i32
          %dma_start3A_471 = tpu.memref_slice %arg12[%select_n3A_292, %dma_start3A_469, %dma_start3A_470] : memref<2x2x512xi32, #tpu.memory_space<vmem>> -> memref<1x2x512xi32, #tpu.memory_space<vmem>>
          %dma_start3A_472 = tpu.memref_squeeze %dma_start3A_471 : memref<1x2x512xi32, #tpu.memory_space<vmem>> -> memref<2x512xi32, #tpu.memory_space<vmem>>
          %dma_start3A_473 = arith.constant 0 : i32
          %dma_start3A_474 = tpu.memref_slice %arg3[%add3A_446, %dma_start3A_473] : memref<3200x512xi32, #tpu.memory_space<hbm>> -> memref<2x512xi32, #tpu.memory_space<hbm>>
          %dma_start3A_475 = arith.constant 0 : i32
          %dma_start3A_476 = arith.constant 0 : i32
          %dma_start3A_477 = tpu.memref_slice %arg12[%select_n3A_292, %dma_start3A_475, %dma_start3A_476] : memref<2x2x512xi32, #tpu.memory_space<vmem>> -> memref<1x2x512xi32, #tpu.memory_space<vmem>>
          %dma_start3A_478 = tpu.memref_squeeze %dma_start3A_477 : memref<1x2x512xi32, #tpu.memory_space<vmem>> -> memref<2x512xi32, #tpu.memory_space<vmem>>
          %dma_start3A_479 = arith.constant 0 : i32
          %dma_start3A_480 = tpu.memref_slice %arg3[%add3A_446, %dma_start3A_479] : memref<3200x512xi32, #tpu.memory_space<hbm>> -> memref<2x512xi32, #tpu.memory_space<hbm>>
          tpu.enqueue_dma source(%dma_start3A_480 : memref<2x512xi32, #tpu.memory_space<hbm>>) target(%dma_start3A_478 : memref<2x512xi32, #tpu.memory_space<vmem>>) target_semaphore(%arg19 : memref<!tpu.dma_semaphore, #tpu.memory_space<semaphore_mem>>)
        } else {
        }
        %eq3A_452 = arith.constant 1 : i32
        %eq3A_453 = arith.cmpi eq, %arg0, %eq3A_452 : i32
        %convert_element_type3A_454 = arith.extui %eq3A_453 : i1 to i32
        %cond3A_455 = arith.constant 0 : i32
        %cond3A_456 = arith.cmpi ne, %convert_element_type3A_454, %cond3A_455 : i32
        scf.if %cond3A_456 {
          %dma_start3A_469 = arith.constant 0 : i32
          %dma_start3A_470 = arith.constant 0 : i32
          %dma_start3A_471 = tpu.memref_slice %arg12[%select_n3A_292, %dma_start3A_469, %dma_start3A_470] : memref<2x2x512xi32, #tpu.memory_space<vmem>> -> memref<1x2x512xi32, #tpu.memory_space<vmem>>
          %dma_start3A_472 = tpu.memref_squeeze %dma_start3A_471 : memref<1x2x512xi32, #tpu.memory_space<vmem>> -> memref<2x512xi32, #tpu.memory_space<vmem>>
          %dma_start3A_473 = arith.constant 0 : i32
          %dma_start3A_474 = tpu.memref_slice %arg4[%add3A_446, %dma_start3A_473] : memref<3200x512xi32, #tpu.memory_space<hbm>> -> memref<2x512xi32, #tpu.memory_space<hbm>>
          %dma_start3A_475 = arith.constant 0 : i32
          %dma_start3A_476 = arith.constant 0 : i32
          %dma_start3A_477 = tpu.memref_slice %arg12[%select_n3A_292, %dma_start3A_475, %dma_start3A_476] : memref<2x2x512xi32, #tpu.memory_space<vmem>> -> memref<1x2x512xi32, #tpu.memory_space<vmem>>
          %dma_start3A_478 = tpu.memref_squeeze %dma_start3A_477 : memref<1x2x512xi32, #tpu.memory_space<vmem>> -> memref<2x512xi32, #tpu.memory_space<vmem>>
          %dma_start3A_479 = arith.constant 0 : i32
          %dma_start3A_480 = tpu.memref_slice %arg4[%add3A_446, %dma_start3A_479] : memref<3200x512xi32, #tpu.memory_space<hbm>> -> memref<2x512xi32, #tpu.memory_space<hbm>>
          tpu.enqueue_dma source(%dma_start3A_480 : memref<2x512xi32, #tpu.memory_space<hbm>>) target(%dma_start3A_478 : memref<2x512xi32, #tpu.memory_space<vmem>>) target_semaphore(%arg19 : memref<!tpu.dma_semaphore, #tpu.memory_space<semaphore_mem>>)
        } else {
        }
        %dma_start3A_457 = arith.constant 0 : i32
        %dma_start3A_458 = arith.constant 0 : i32
        %dma_start3A_459 = tpu.memref_slice %arg13[%select_n3A_292, %dma_start3A_457, %dma_start3A_458] : memref<2x2x512xi32, #tpu.memory_space<vmem>> -> memref<1x2x512xi32, #tpu.memory_space<vmem>>
        %dma_start3A_460 = tpu.memref_squeeze %dma_start3A_459 : memref<1x2x512xi32, #tpu.memory_space<vmem>> -> memref<2x512xi32, #tpu.memory_space<vmem>>
        %dma_start3A_461 = arith.constant 0 : i32
        %dma_start3A_462 = tpu.memref_slice %arg5[%add3A_446, %dma_start3A_461] : memref<3200x512xi32, #tpu.memory_space<hbm>> -> memref<2x512xi32, #tpu.memory_space<hbm>>
        %dma_start3A_463 = arith.constant 0 : i32
        %dma_start3A_464 = arith.constant 0 : i32
        %dma_start3A_465 = tpu.memref_slice %arg13[%select_n3A_292, %dma_start3A_463, %dma_start3A_464] : memref<2x2x512xi32, #tpu.memory_space<vmem>> -> memref<1x2x512xi32, #tpu.memory_space<vmem>>
        %dma_start3A_466 = tpu.memref_squeeze %dma_start3A_465 : memref<1x2x512xi32, #tpu.memory_space<vmem>> -> memref<2x512xi32, #tpu.memory_space<vmem>>
        %dma_start3A_467 = arith.constant 0 : i32
        %dma_start3A_468 = tpu.memref_slice %arg5[%add3A_446, %dma_start3A_467] : memref<3200x512xi32, #tpu.memory_space<hbm>> -> memref<2x512xi32, #tpu.memory_space<hbm>>
        tpu.enqueue_dma source(%dma_start3A_468 : memref<2x512xi32, #tpu.memory_space<hbm>>) target(%dma_start3A_466 : memref<2x512xi32, #tpu.memory_space<vmem>>) target_semaphore(%arg19 : memref<!tpu.dma_semaphore, #tpu.memory_space<semaphore_mem>>)
      } else {
      }
      %dma_start3A_360 = arith.constant 1 : i32
      %dma_start3A_361 = arith.constant 1 : i32
      %dma_start3A_362 = arith.constant 0 : i32
      %dma_start3A_363 = arith.constant 0 : i32
      %dma_start3A_364 = tpu.memref_slice %arg14[%dma_start3A_361, %dma_start3A_362, %dma_start3A_363] : memref<2x512x16xf32, #tpu.memory_space<vmem>> -> memref<1x512x16xf32, #tpu.memory_space<vmem>>
      %dma_start3A_365 = tpu.memref_squeeze %dma_start3A_364 : memref<1x512x16xf32, #tpu.memory_space<vmem>> -> memref<512x16xf32, #tpu.memory_space<vmem>>
      %dma_start3A_366 = arith.constant 0 : i32
      %dma_start3A_367 = arith.constant 0 : i32
      %dma_start3A_368 = tpu.memref_slice %arg12[%select_n3A_274, %dma_start3A_366, %dma_start3A_367] : memref<2x2x512xi32, #tpu.memory_space<vmem>> -> memref<1x2x512xi32, #tpu.memory_space<vmem>>
      %dma_start3A_369 = tpu.memref_squeeze %dma_start3A_368 : memref<1x2x512xi32, #tpu.memory_space<vmem>> -> memref<2x512xi32, #tpu.memory_space<vmem>>
      %dma_start3A_370 = arith.constant 0 : i32
      %dma_start3A_371 = tpu.memref_slice %dma_start3A_369[%dma_start3A_360, %dma_start3A_370] : memref<2x512xi32, #tpu.memory_space<vmem>> -> memref<1x512xi32, #tpu.memory_space<vmem>>
      %dma_start3A_372 = tpu.memref_squeeze %dma_start3A_371 : memref<1x512xi32, #tpu.memory_space<vmem>> -> memref<512xi32, #tpu.memory_space<vmem>>
      %dma_start3A_373 = arith.constant 0 : i32
      %dma_start3A_374 = arith.constant 0 : i32
      %dma_start3A_375 = tpu.memref_slice %arg2[%dma_start3A_373, %dma_start3A_374] : memref<201728x16xf32, #tpu.memory_space<hbm>> -> memref<201728x16xf32, #tpu.memory_space<hbm>>
      tpu.enqueue_indirect_dma source(%dma_start3A_375 : memref<201728x16xf32, #tpu.memory_space<hbm>>) target(%dma_start3A_365 : memref<512x16xf32, #tpu.memory_space<vmem>>) offsets(%dma_start3A_372 : memref<512xi32, #tpu.memory_space<vmem>>) semaphore(%arg16 : memref<!tpu.dma_semaphore, #tpu.memory_space<semaphore_mem>>)
      %dma_wait3A_376 = arith.constant 0 : i32
      %dma_wait3A_377 = arith.constant 0 : i32
      %dma_wait3A_378 = arith.constant 1 : i32
      %dma_wait3A_379 = arith.constant 0 : i32
      %dma_wait3A_380 = arith.constant 0 : i32
      %dma_wait3A_381 = tpu.memref_slice %arg14[%dma_wait3A_378, %dma_wait3A_379, %dma_wait3A_380] : memref<2x512x16xf32, #tpu.memory_space<vmem>> -> memref<1x512x16xf32, #tpu.memory_space<vmem>>
      %dma_wait3A_382 = tpu.memref_squeeze %dma_wait3A_381 : memref<1x512x16xf32, #tpu.memory_space<vmem>> -> memref<512x16xf32, #tpu.memory_space<vmem>>
      %dma_wait3A_383 = arith.constant 0 : i32
      %dma_wait3A_384 = arith.constant 0 : i32
      %dma_wait3A_385 = tpu.memref_slice %arg12[%dma_wait3A_376, %dma_wait3A_383, %dma_wait3A_384] : memref<2x2x512xi32, #tpu.memory_space<vmem>> -> memref<1x2x512xi32, #tpu.memory_space<vmem>>
      %dma_wait3A_386 = tpu.memref_squeeze %dma_wait3A_385 : memref<1x2x512xi32, #tpu.memory_space<vmem>> -> memref<2x512xi32, #tpu.memory_space<vmem>>
      %dma_wait3A_387 = arith.constant 0 : i32
      %dma_wait3A_388 = tpu.memref_slice %dma_wait3A_386[%dma_wait3A_377, %dma_wait3A_387] : memref<2x512xi32, #tpu.memory_space<vmem>> -> memref<1x512xi32, #tpu.memory_space<vmem>>
      %dma_wait3A_389 = tpu.memref_squeeze %dma_wait3A_388 : memref<1x512xi32, #tpu.memory_space<vmem>> -> memref<512xi32, #tpu.memory_space<vmem>>
      %dma_wait3A_390 = arith.constant 0 : i32
      %dma_wait3A_391 = arith.constant 0 : i32
      %dma_wait3A_392 = tpu.memref_slice %arg2[%dma_wait3A_390, %dma_wait3A_391] : memref<201728x16xf32, #tpu.memory_space<hbm>> -> memref<201728x16xf32, #tpu.memory_space<hbm>>
      tpu.wait_indirect_dma semaphore(%arg16 : memref<!tpu.dma_semaphore, #tpu.memory_space<semaphore_mem>>) src(%dma_wait3A_392 : memref<201728x16xf32, #tpu.memory_space<hbm>>) dst(%dma_wait3A_382 : memref<512x16xf32, #tpu.memory_space<vmem>>)
      %dma_start3A_393 = arith.constant 1 : i32
      %dma_start3A_394 = arith.constant 1 : i32
      %dma_start3A_395 = arith.constant 0 : i32
      %dma_start3A_396 = arith.constant 0 : i32
      %dma_start3A_397 = tpu.memref_slice %arg14[%dma_start3A_393, %dma_start3A_395, %dma_start3A_396] : memref<2x512x16xf32, #tpu.memory_space<vmem>> -> memref<1x512x16xf32, #tpu.memory_space<vmem>>
      %dma_start3A_398 = tpu.memref_squeeze %dma_start3A_397 : memref<1x512x16xf32, #tpu.memory_space<vmem>> -> memref<512x16xf32, #tpu.memory_space<vmem>>
      %dma_start3A_399 = arith.constant 0 : i32
      %dma_start3A_400 = arith.constant 0 : i32
      %dma_start3A_401 = tpu.memref_slice %arg13[%select_n3A_274, %dma_start3A_399, %dma_start3A_400] : memref<2x2x512xi32, #tpu.memory_space<vmem>> -> memref<1x2x512xi32, #tpu.memory_space<vmem>>
      %dma_start3A_402 = tpu.memref_squeeze %dma_start3A_401 : memref<1x2x512xi32, #tpu.memory_space<vmem>> -> memref<2x512xi32, #tpu.memory_space<vmem>>
      %dma_start3A_403 = arith.constant 0 : i32
      %dma_start3A_404 = tpu.memref_slice %dma_start3A_402[%dma_start3A_394, %dma_start3A_403] : memref<2x512xi32, #tpu.memory_space<vmem>> -> memref<1x512xi32, #tpu.memory_space<vmem>>
      %dma_start3A_405 = tpu.memref_squeeze %dma_start3A_404 : memref<1x512xi32, #tpu.memory_space<vmem>> -> memref<512xi32, #tpu.memory_space<vmem>>
      %dma_start3A_406 = arith.constant 0 : i32
      %dma_start3A_407 = arith.constant 0 : i32
      %dma_start3A_408 = tpu.memref_slice %arg11[%dma_start3A_406, %dma_start3A_407] : memref<100864x16xf32, #tpu.memory_space<vmem_shared>> -> memref<100864x16xf32, #tpu.memory_space<vmem_shared>>
      tpu.enqueue_indirect_dma source(%dma_start3A_398 : memref<512x16xf32, #tpu.memory_space<vmem>>) target(%dma_start3A_408 : memref<100864x16xf32, #tpu.memory_space<vmem_shared>>) offsets(%dma_start3A_405 : memref<512xi32, #tpu.memory_space<vmem>>) semaphore(%arg18 : memref<!tpu.dma_semaphore, #tpu.memory_space<semaphore_mem>>) {add = true}
      %eq3A_409 = arith.constant 0 : i32
      %eq3A_410 = arith.cmpi eq, %arg0, %eq3A_409 : i32
      %convert_element_type3A_411 = arith.extui %eq3A_410 : i1 to i32
      %cond3A_412 = arith.constant 0 : i32
      %cond3A_413 = arith.cmpi ne, %convert_element_type3A_411, %cond3A_412 : i32
      scf.if %cond3A_413 {
        %dma_start3A_440 = arith.constant 1 : i32
        %dma_start3A_441 = arith.constant 0 : i32
        %dma_start3A_442 = arith.constant 0 : i32
        %dma_start3A_443 = tpu.memref_slice %arg13[%select_n3A_274, %dma_start3A_441, %dma_start3A_442] : memref<2x2x512xi32, #tpu.memory_space<vmem>> -> memref<1x2x512xi32, #tpu.memory_space<vmem>>
        %dma_start3A_444 = tpu.memref_squeeze %dma_start3A_443 : memref<1x2x512xi32, #tpu.memory_space<vmem>> -> memref<2x512xi32, #tpu.memory_space<vmem>>
        %dma_start3A_445 = arith.constant 0 : i32
        %dma_start3A_446 = tpu.memref_slice %dma_start3A_444[%dma_start3A_440, %dma_start3A_445] : memref<2x512xi32, #tpu.memory_space<vmem>> -> memref<1x512xi32, #tpu.memory_space<vmem>>
        %dma_start3A_447 = tpu.memref_squeeze %dma_start3A_446 : memref<1x512xi32, #tpu.memory_space<vmem>> -> memref<512xi32, #tpu.memory_space<vmem>>
        %dma_start3A_448 = arith.constant 0 : i32
        %dma_start3A_449 = tpu.memref_slice %arg20[%dma_start3A_448] : memref<100864xf32, #tpu.memory_space<vmem_shared>> -> memref<100864xf32, #tpu.memory_space<vmem_shared>>
        tpu.enqueue_indirect_dma source(%arg21 : memref<512xf32, #tpu.memory_space<vmem>>) target(%dma_start3A_449 : memref<100864xf32, #tpu.memory_space<vmem_shared>>) offsets(%dma_start3A_447 : memref<512xi32, #tpu.memory_space<vmem>>) semaphore(%arg23 : memref<!tpu.dma_semaphore, #tpu.memory_space<semaphore_mem>>) {add = true}
      } else {
      }
      %dma_wait3A_414 = arith.constant 0 : i32
      %dma_wait3A_415 = arith.constant 0 : i32
      %dma_wait3A_416 = arith.constant 0 : i32
      %dma_wait3A_417 = arith.constant 0 : i32
      %dma_wait3A_418 = arith.constant 0 : i32
      %dma_wait3A_419 = tpu.memref_slice %arg14[%dma_wait3A_414, %dma_wait3A_417, %dma_wait3A_418] : memref<2x512x16xf32, #tpu.memory_space<vmem>> -> memref<1x512x16xf32, #tpu.memory_space<vmem>>
      %dma_wait3A_420 = tpu.memref_squeeze %dma_wait3A_419 : memref<1x512x16xf32, #tpu.memory_space<vmem>> -> memref<512x16xf32, #tpu.memory_space<vmem>>
      %dma_wait3A_421 = arith.constant 0 : i32
      %dma_wait3A_422 = arith.constant 0 : i32
      %dma_wait3A_423 = tpu.memref_slice %arg13[%dma_wait3A_415, %dma_wait3A_421, %dma_wait3A_422] : memref<2x2x512xi32, #tpu.memory_space<vmem>> -> memref<1x2x512xi32, #tpu.memory_space<vmem>>
      %dma_wait3A_424 = tpu.memref_squeeze %dma_wait3A_423 : memref<1x2x512xi32, #tpu.memory_space<vmem>> -> memref<2x512xi32, #tpu.memory_space<vmem>>
      %dma_wait3A_425 = arith.constant 0 : i32
      %dma_wait3A_426 = tpu.memref_slice %dma_wait3A_424[%dma_wait3A_416, %dma_wait3A_425] : memref<2x512xi32, #tpu.memory_space<vmem>> -> memref<1x512xi32, #tpu.memory_space<vmem>>
      %dma_wait3A_427 = tpu.memref_squeeze %dma_wait3A_426 : memref<1x512xi32, #tpu.memory_space<vmem>> -> memref<512xi32, #tpu.memory_space<vmem>>
      %dma_wait3A_428 = arith.constant 0 : i32
      %dma_wait3A_429 = arith.constant 0 : i32
      %dma_wait3A_430 = tpu.memref_slice %arg11[%dma_wait3A_428, %dma_wait3A_429] : memref<100864x16xf32, #tpu.memory_space<vmem_shared>> -> memref<100864x16xf32, #tpu.memory_space<vmem_shared>>
      tpu.wait_indirect_dma semaphore(%arg17 : memref<!tpu.dma_semaphore, #tpu.memory_space<semaphore_mem>>) src(%dma_wait3A_420 : memref<512x16xf32, #tpu.memory_space<vmem>>) dst(%dma_wait3A_430 : memref<100864x16xf32, #tpu.memory_space<vmem_shared>>)
      %eq3A_431 = arith.constant 0 : i32
      %eq3A_432 = arith.cmpi eq, %arg0, %eq3A_431 : i32
      %convert_element_type3A_433 = arith.extui %eq3A_432 : i1 to i32
      %cond3A_434 = arith.constant 0 : i32
      %cond3A_435 = arith.cmpi ne, %convert_element_type3A_433, %cond3A_434 : i32
      scf.if %cond3A_435 {
        %dma_wait3A_440 = arith.constant 0 : i32
        %dma_wait3A_441 = tpu.memref_slice %arg7[%dma_wait3A_440] : memref<100864xf32, #tpu.memory_space<hbm>> -> memref<512xf32, #tpu.memory_space<hbm>>
        %dma_wait3A_442 = arith.constant 0 : i32
        %dma_wait3A_443 = tpu.memref_slice %arg7[%dma_wait3A_442] : memref<100864xf32, #tpu.memory_space<hbm>> -> memref<512xf32, #tpu.memory_space<hbm>>
        tpu.wait_dma2 semaphore(%arg22 : memref<!tpu.dma_semaphore, #tpu.memory_space<semaphore_mem>>) src(%dma_wait3A_443 : memref<512xf32, #tpu.memory_space<hbm>>) dst(%arg21 : memref<512xf32, #tpu.memory_space<vmem>>)
      } else {
      }
      %convert_element_type3A_436 = arith.extui %lt3A_296 : i1 to i32
      %cond3A_437 = arith.constant 0 : i32
      %cond3A_438 = arith.cmpi ne, %convert_element_type3A_436, %cond3A_437 : i32
      scf.if %cond3A_438 {
        %dma_wait3A_440 = arith.constant 0 : i32
        %dma_wait3A_441 = arith.constant 0 : i32
        %dma_wait3A_442 = tpu.memref_slice %arg12[%select_n3A_292, %dma_wait3A_440, %dma_wait3A_441] : memref<2x2x512xi32, #tpu.memory_space<vmem>> -> memref<1x2x512xi32, #tpu.memory_space<vmem>>
        %dma_wait3A_443 = tpu.memref_squeeze %dma_wait3A_442 : memref<1x2x512xi32, #tpu.memory_space<vmem>> -> memref<2x512xi32, #tpu.memory_space<vmem>>
        %dma_wait3A_444 = arith.constant 0 : i32
        %dma_wait3A_445 = arith.constant 0 : i32
        %dma_wait3A_446 = tpu.memref_slice %arg3[%dma_wait3A_444, %dma_wait3A_445] : memref<3200x512xi32, #tpu.memory_space<hbm>> -> memref<2x512xi32, #tpu.memory_space<hbm>>
        %dma_wait3A_447 = arith.constant 0 : i32
        %dma_wait3A_448 = arith.constant 0 : i32
        %dma_wait3A_449 = tpu.memref_slice %arg12[%select_n3A_292, %dma_wait3A_447, %dma_wait3A_448] : memref<2x2x512xi32, #tpu.memory_space<vmem>> -> memref<1x2x512xi32, #tpu.memory_space<vmem>>
        %dma_wait3A_450 = tpu.memref_squeeze %dma_wait3A_449 : memref<1x2x512xi32, #tpu.memory_space<vmem>> -> memref<2x512xi32, #tpu.memory_space<vmem>>
        %dma_wait3A_451 = arith.constant 0 : i32
        %dma_wait3A_452 = arith.constant 0 : i32
        %dma_wait3A_453 = tpu.memref_slice %arg3[%dma_wait3A_451, %dma_wait3A_452] : memref<3200x512xi32, #tpu.memory_space<hbm>> -> memref<2x512xi32, #tpu.memory_space<hbm>>
        tpu.wait_dma2 semaphore(%arg19 : memref<!tpu.dma_semaphore, #tpu.memory_space<semaphore_mem>>) src(%dma_wait3A_453 : memref<2x512xi32, #tpu.memory_space<hbm>>) dst(%dma_wait3A_450 : memref<2x512xi32, #tpu.memory_space<vmem>>)
        %dma_wait3A_454 = arith.constant 0 : i32
        %dma_wait3A_455 = arith.constant 0 : i32
        %dma_wait3A_456 = tpu.memref_slice %arg13[%select_n3A_292, %dma_wait3A_454, %dma_wait3A_455] : memref<2x2x512xi32, #tpu.memory_space<vmem>> -> memref<1x2x512xi32, #tpu.memory_space<vmem>>
        %dma_wait3A_457 = tpu.memref_squeeze %dma_wait3A_456 : memref<1x2x512xi32, #tpu.memory_space<vmem>> -> memref<2x512xi32, #tpu.memory_space<vmem>>
        %dma_wait3A_458 = arith.constant 0 : i32
        %dma_wait3A_459 = arith.constant 0 : i32
        %dma_wait3A_460 = tpu.memref_slice %arg5[%dma_wait3A_458, %dma_wait3A_459] : memref<3200x512xi32, #tpu.memory_space<hbm>> -> memref<2x512xi32, #tpu.memory_space<hbm>>
        %dma_wait3A_461 = arith.constant 0 : i32
        %dma_wait3A_462 = arith.constant 0 : i32
        %dma_wait3A_463 = tpu.memref_slice %arg13[%select_n3A_292, %dma_wait3A_461, %dma_wait3A_462] : memref<2x2x512xi32, #tpu.memory_space<vmem>> -> memref<1x2x512xi32, #tpu.memory_space<vmem>>
        %dma_wait3A_464 = tpu.memref_squeeze %dma_wait3A_463 : memref<1x2x512xi32, #tpu.memory_space<vmem>> -> memref<2x512xi32, #tpu.memory_space<vmem>>
        %dma_wait3A_465 = arith.constant 0 : i32
        %dma_wait3A_466 = arith.constant 0 : i32
        %dma_wait3A_467 = tpu.memref_slice %arg5[%dma_wait3A_465, %dma_wait3A_466] : memref<3200x512xi32, #tpu.memory_space<hbm>> -> memref<2x512xi32, #tpu.memory_space<hbm>>
        tpu.wait_dma2 semaphore(%arg19 : memref<!tpu.dma_semaphore, #tpu.memory_space<semaphore_mem>>) src(%dma_wait3A_467 : memref<2x512xi32, #tpu.memory_space<hbm>>) dst(%dma_wait3A_464 : memref<2x512xi32, #tpu.memory_space<vmem>>)
        %dma_start3A_468 = arith.constant 0 : i32
        %dma_start3A_469 = arith.constant 0 : i32
        %dma_start3A_470 = arith.constant 0 : i32
        %dma_start3A_471 = arith.constant 0 : i32
        %dma_start3A_472 = tpu.memref_slice %arg14[%dma_start3A_469, %dma_start3A_470, %dma_start3A_471] : memref<2x512x16xf32, #tpu.memory_space<vmem>> -> memref<1x512x16xf32, #tpu.memory_space<vmem>>
        %dma_start3A_473 = tpu.memref_squeeze %dma_start3A_472 : memref<1x512x16xf32, #tpu.memory_space<vmem>> -> memref<512x16xf32, #tpu.memory_space<vmem>>
        %dma_start3A_474 = arith.constant 0 : i32
        %dma_start3A_475 = arith.constant 0 : i32
        %dma_start3A_476 = tpu.memref_slice %arg12[%select_n3A_292, %dma_start3A_474, %dma_start3A_475] : memref<2x2x512xi32, #tpu.memory_space<vmem>> -> memref<1x2x512xi32, #tpu.memory_space<vmem>>
        %dma_start3A_477 = tpu.memref_squeeze %dma_start3A_476 : memref<1x2x512xi32, #tpu.memory_space<vmem>> -> memref<2x512xi32, #tpu.memory_space<vmem>>
        %dma_start3A_478 = arith.constant 0 : i32
        %dma_start3A_479 = tpu.memref_slice %dma_start3A_477[%dma_start3A_468, %dma_start3A_478] : memref<2x512xi32, #tpu.memory_space<vmem>> -> memref<1x512xi32, #tpu.memory_space<vmem>>
        %dma_start3A_480 = tpu.memref_squeeze %dma_start3A_479 : memref<1x512xi32, #tpu.memory_space<vmem>> -> memref<512xi32, #tpu.memory_space<vmem>>
        %dma_start3A_481 = arith.constant 0 : i32
        %dma_start3A_482 = arith.constant 0 : i32
        %dma_start3A_483 = tpu.memref_slice %arg2[%dma_start3A_481, %dma_start3A_482] : memref<201728x16xf32, #tpu.memory_space<hbm>> -> memref<201728x16xf32, #tpu.memory_space<hbm>>
        tpu.enqueue_indirect_dma source(%dma_start3A_483 : memref<201728x16xf32, #tpu.memory_space<hbm>>) target(%dma_start3A_473 : memref<512x16xf32, #tpu.memory_space<vmem>>) offsets(%dma_start3A_480 : memref<512xi32, #tpu.memory_space<vmem>>) semaphore(%arg15 : memref<!tpu.dma_semaphore, #tpu.memory_space<semaphore_mem>>)
      } else {
      }
      %scan3A_439 = arith.constant 0 : i32
      scf.yield %scan3A_439 : i32
    }
    %scan3A_229 = arith.constant 99 : i32
    %dma_wait3A_230 = arith.constant 1 : i32
    %dma_wait3A_231 = arith.constant 0 : i32
    %dma_wait3A_232 = arith.constant 0 : i32
    %dma_wait3A_233 = arith.constant 0 : i32
    %dma_wait3A_234 = arith.constant 0 : i32
    %dma_wait3A_235 = tpu.memref_slice %arg14[%dma_wait3A_230, %dma_wait3A_233, %dma_wait3A_234] : memref<2x512x16xf32, #tpu.memory_space<vmem>> -> memref<1x512x16xf32, #tpu.memory_space<vmem>>
    %dma_wait3A_236 = tpu.memref_squeeze %dma_wait3A_235 : memref<1x512x16xf32, #tpu.memory_space<vmem>> -> memref<512x16xf32, #tpu.memory_space<vmem>>
    %dma_wait3A_237 = arith.constant 0 : i32
    %dma_wait3A_238 = arith.constant 0 : i32
    %dma_wait3A_239 = tpu.memref_slice %arg13[%dma_wait3A_231, %dma_wait3A_237, %dma_wait3A_238] : memref<2x2x512xi32, #tpu.memory_space<vmem>> -> memref<1x2x512xi32, #tpu.memory_space<vmem>>
    %dma_wait3A_240 = tpu.memref_squeeze %dma_wait3A_239 : memref<1x2x512xi32, #tpu.memory_space<vmem>> -> memref<2x512xi32, #tpu.memory_space<vmem>>
    %dma_wait3A_241 = arith.constant 0 : i32
    %dma_wait3A_242 = tpu.memref_slice %dma_wait3A_240[%dma_wait3A_232, %dma_wait3A_241] : memref<2x512xi32, #tpu.memory_space<vmem>> -> memref<1x512xi32, #tpu.memory_space<vmem>>
    %dma_wait3A_243 = tpu.memref_squeeze %dma_wait3A_242 : memref<1x512xi32, #tpu.memory_space<vmem>> -> memref<512xi32, #tpu.memory_space<vmem>>
    %dma_wait3A_244 = arith.constant 0 : i32
    %dma_wait3A_245 = arith.constant 0 : i32
    %dma_wait3A_246 = tpu.memref_slice %arg11[%dma_wait3A_244, %dma_wait3A_245] : memref<100864x16xf32, #tpu.memory_space<vmem_shared>> -> memref<100864x16xf32, #tpu.memory_space<vmem_shared>>
    tpu.wait_indirect_dma semaphore(%arg18 : memref<!tpu.dma_semaphore, #tpu.memory_space<semaphore_mem>>) src(%dma_wait3A_236 : memref<512x16xf32, #tpu.memory_space<vmem>>) dst(%dma_wait3A_246 : memref<100864x16xf32, #tpu.memory_space<vmem_shared>>)
    %eq3A_247 = arith.constant 0 : i32
    %eq3A_248 = arith.cmpi eq, %arg0, %eq3A_247 : i32
    %convert_element_type3A_249 = arith.extui %eq3A_248 : i1 to i32
    %cond3A_250 = arith.constant 0 : i32
    %cond3A_251 = arith.cmpi ne, %convert_element_type3A_249, %cond3A_250 : i32
    scf.if %cond3A_251 {
      %dma_wait3A_263 = arith.constant 0 : i32
      %dma_wait3A_264 = tpu.memref_slice %arg7[%dma_wait3A_263] : memref<100864xf32, #tpu.memory_space<hbm>> -> memref<512xf32, #tpu.memory_space<hbm>>
      %dma_wait3A_265 = arith.constant 0 : i32
      %dma_wait3A_266 = tpu.memref_slice %arg7[%dma_wait3A_265] : memref<100864xf32, #tpu.memory_space<hbm>> -> memref<512xf32, #tpu.memory_space<hbm>>
      tpu.wait_dma2 semaphore(%arg23 : memref<!tpu.dma_semaphore, #tpu.memory_space<semaphore_mem>>) src(%dma_wait3A_266 : memref<512xf32, #tpu.memory_space<hbm>>) dst(%arg21 : memref<512xf32, #tpu.memory_space<vmem>>)
    } else {
    }
    %barrier3A_252 = arith.constant 0 : index
    tpu.barrier barrier_id(%barrier3A_252)
    %eq3A_253 = arith.constant 0 : i32
    %eq3A_254 = arith.cmpi eq, %arg0, %eq3A_253 : i32
    %convert_element_type3A_255 = arith.extui %eq3A_254 : i1 to i32
    %cond3A_256 = arith.constant 0 : i32
    %cond3A_257 = arith.cmpi ne, %convert_element_type3A_255, %cond3A_256 : i32
    scf.if %cond3A_257 {
      "tpu.region"() ({
        %run_scoped3A_263 = tpu.sem_alloc : memref<!tpu.dma_semaphore, #tpu.memory_space<semaphore_mem>>
        %dma_start3A_264 = arith.constant 0 : i32
        %dma_start3A_265 = tpu.memref_slice %arg8[%mul3A_0, %dma_start3A_264] : memref<100864x16xf32, #tpu.memory_space<hbm>> -> memref<6304x16xf32, #tpu.memory_space<hbm>>
        %dma_start3A_266 = arith.constant 0 : i32
        %dma_start3A_267 = tpu.memref_slice %arg11[%mul3A_0, %dma_start3A_266] : memref<100864x16xf32, #tpu.memory_space<vmem_shared>> -> memref<6304x16xf32, #tpu.memory_space<vmem_shared>>
        tpu.enqueue_dma source(%dma_start3A_267 : memref<6304x16xf32, #tpu.memory_space<vmem_shared>>) target(%dma_start3A_265 : memref<6304x16xf32, #tpu.memory_space<hbm>>) target_semaphore(%run_scoped3A_263 : memref<!tpu.dma_semaphore, #tpu.memory_space<semaphore_mem>>)
        %dma_wait3A_268 = arith.constant 0 : i32
        %dma_wait3A_269 = tpu.memref_slice %arg8[%mul3A_0, %dma_wait3A_268] : memref<100864x16xf32, #tpu.memory_space<hbm>> -> memref<6304x16xf32, #tpu.memory_space<hbm>>
        %dma_wait3A_270 = arith.constant 0 : i32
        %dma_wait3A_271 = tpu.memref_slice %arg11[%mul3A_0, %dma_wait3A_270] : memref<100864x16xf32, #tpu.memory_space<vmem_shared>> -> memref<6304x16xf32, #tpu.memory_space<vmem_shared>>
        tpu.wait_dma2 semaphore(%run_scoped3A_263 : memref<!tpu.dma_semaphore, #tpu.memory_space<semaphore_mem>>) src(%dma_wait3A_271 : memref<6304x16xf32, #tpu.memory_space<vmem_shared>>) dst(%dma_wait3A_269 : memref<6304x16xf32, #tpu.memory_space<hbm>>)
        tpu.yield
      }) : () -> ()
      "tpu.region"() ({
        %run_scoped3A_263 = tpu.sem_alloc : memref<!tpu.dma_semaphore, #tpu.memory_space<semaphore_mem>>
        %dma_start3A_264 = arith.constant 0 : i32
        %dma_start3A_265 = tpu.memref_slice %arg10[%arg1, %dma_start3A_264] : memref<16x6304xf32, #tpu.memory_space<hbm>> -> memref<1x6304xf32, #tpu.memory_space<hbm>>
        %dma_start3A_266 = tpu.memref_squeeze %dma_start3A_265 : memref<1x6304xf32, #tpu.memory_space<hbm>> -> memref<6304xf32, #tpu.memory_space<hbm>>
        %dma_start3A_267 = tpu.memref_slice %arg20[%mul3A_0] : memref<100864xf32, #tpu.memory_space<vmem_shared>> -> memref<6304xf32, #tpu.memory_space<vmem_shared>>
        tpu.enqueue_dma source(%dma_start3A_267 : memref<6304xf32, #tpu.memory_space<vmem_shared>>) target(%dma_start3A_266 : memref<6304xf32, #tpu.memory_space<hbm>>) target_semaphore(%run_scoped3A_263 : memref<!tpu.dma_semaphore, #tpu.memory_space<semaphore_mem>>)
        %dma_wait3A_268 = arith.constant 0 : i32
        %dma_wait3A_269 = tpu.memref_slice %arg10[%arg1, %dma_wait3A_268] : memref<16x6304xf32, #tpu.memory_space<hbm>> -> memref<1x6304xf32, #tpu.memory_space<hbm>>
        %dma_wait3A_270 = tpu.memref_squeeze %dma_wait3A_269 : memref<1x6304xf32, #tpu.memory_space<hbm>> -> memref<6304xf32, #tpu.memory_space<hbm>>
        %dma_wait3A_271 = tpu.memref_slice %arg20[%mul3A_0] : memref<100864xf32, #tpu.memory_space<vmem_shared>> -> memref<6304xf32, #tpu.memory_space<vmem_shared>>
        tpu.wait_dma2 semaphore(%run_scoped3A_263 : memref<!tpu.dma_semaphore, #tpu.memory_space<semaphore_mem>>) src(%dma_wait3A_271 : memref<6304xf32, #tpu.memory_space<vmem_shared>>) dst(%dma_wait3A_270 : memref<6304xf32, #tpu.memory_space<hbm>>)
        tpu.yield
      }) : () -> ()
    } else {
    }
    %eq3A_258 = arith.constant 1 : i32
    %eq3A_259 = arith.cmpi eq, %arg0, %eq3A_258 : i32
    %convert_element_type3A_260 = arith.extui %eq3A_259 : i1 to i32
    %cond3A_261 = arith.constant 0 : i32
    %cond3A_262 = arith.cmpi ne, %convert_element_type3A_260, %cond3A_261 : i32
    scf.if %cond3A_262 {
      "tpu.region"() ({
        %run_scoped3A_263 = tpu.sem_alloc : memref<!tpu.dma_semaphore, #tpu.memory_space<semaphore_mem>>
        %dma_start3A_264 = arith.constant 0 : i32
        %dma_start3A_265 = tpu.memref_slice %arg9[%mul3A_0, %dma_start3A_264] : memref<100864x16xf32, #tpu.memory_space<hbm>> -> memref<6304x16xf32, #tpu.memory_space<hbm>>
        %dma_start3A_266 = arith.constant 0 : i32
        %dma_start3A_267 = tpu.memref_slice %arg11[%mul3A_0, %dma_start3A_266] : memref<100864x16xf32, #tpu.memory_space<vmem_shared>> -> memref<6304x16xf32, #tpu.memory_space<vmem_shared>>
        tpu.enqueue_dma source(%dma_start3A_267 : memref<6304x16xf32, #tpu.memory_space<vmem_shared>>) target(%dma_start3A_265 : memref<6304x16xf32, #tpu.memory_space<hbm>>) target_semaphore(%run_scoped3A_263 : memref<!tpu.dma_semaphore, #tpu.memory_space<semaphore_mem>>)
        %dma_wait3A_268 = arith.constant 0 : i32
        %dma_wait3A_269 = tpu.memref_slice %arg9[%mul3A_0, %dma_wait3A_268] : memref<100864x16xf32, #tpu.memory_space<hbm>> -> memref<6304x16xf32, #tpu.memory_space<hbm>>
        %dma_wait3A_270 = arith.constant 0 : i32
        %dma_wait3A_271 = tpu.memref_slice %arg11[%mul3A_0, %dma_wait3A_270] : memref<100864x16xf32, #tpu.memory_space<vmem_shared>> -> memref<6304x16xf32, #tpu.memory_space<vmem_shared>>
        tpu.wait_dma2 semaphore(%run_scoped3A_263 : memref<!tpu.dma_semaphore, #tpu.memory_space<semaphore_mem>>) src(%dma_wait3A_271 : memref<6304x16xf32, #tpu.memory_space<vmem_shared>>) dst(%dma_wait3A_269 : memref<6304x16xf32, #tpu.memory_space<hbm>>)
        tpu.yield
      }) : () -> ()
    } else {
    }
    return
  }
}

#map = affine_map<(d0, d1) -> (0, 0)>
#map1 = affine_map<(d0, d1) -> (0)>
module attributes {stable_mosaic.version = 14 : i64} {
  func.func @body(%arg0: i32, %arg1: i32, %arg2: memref<201728x16xf32, #tpu.memory_space<hbm>>, %arg3: memref<2560x640xi32, #tpu.memory_space<hbm>>, %arg4: memref<2560x640xi32, #tpu.memory_space<hbm>>, %arg5: memref<2560x640xi32, #tpu.memory_space<hbm>>, %arg6: memref<100864x16xf32, #tpu.memory_space<hbm>>, %arg7: memref<100864xf32, #tpu.memory_space<hbm>>, %arg8: memref<100864x16xf32, #tpu.memory_space<hbm>>, %arg9: memref<100864x16xf32, #tpu.memory_space<hbm>>, %arg10: memref<100864x16xf32, #tpu.memory_space<vmem_shared>>, %arg11: memref<2x2x640xi32, #tpu.memory_space<vmem>>, %arg12: memref<2x2x640xi32, #tpu.memory_space<vmem>>, %arg13: memref<2x640x16xf32, #tpu.memory_space<vmem>>, %arg14: memref<!tpu.dma_semaphore, #tpu.memory_space<semaphore_mem>>, %arg15: memref<!tpu.dma_semaphore, #tpu.memory_space<semaphore_mem>>, %arg16: memref<!tpu.dma_semaphore, #tpu.memory_space<semaphore_mem>>, %arg17: memref<!tpu.dma_semaphore, #tpu.memory_space<semaphore_mem>>, %arg18: memref<!tpu.dma_semaphore, #tpu.memory_space<semaphore_mem>>) attributes {dimension_semantics = [#tpu.dimension_semantics<core_parallel>, #tpu.dimension_semantics<subcore_parallel>], iteration_bounds = array<i64: 2, 16>, scalar_prefetch = 0 : i64, scratch_operands = 9 : i64, tpu.core_type = #tpu.core_type<sc_vector_subcore>, window_params = [{transform_indices = #map}, {transform_indices = #map}, {transform_indices = #map}, {transform_indices = #map}, {transform_indices = #map}, {transform_indices = #map1}, {transform_indices = #map}, {transform_indices = #map}]} {
    %mul3A = arith.constant 6304 : i32
    %mul3A_0 = arith.muli %arg1, %mul3A : i32
    "tpu.region"() ({
      %run_scoped3A_236 = tpu.sem_alloc : memref<!tpu.dma_semaphore, #tpu.memory_space<semaphore_mem>>
      %dma_start3A_237 = arith.constant 0 : i32
      %dma_start3A_238 = tpu.memref_slice %arg10[%mul3A_0, %dma_start3A_237] : memref<100864x16xf32, #tpu.memory_space<vmem_shared>> -> memref<6304x16xf32, #tpu.memory_space<vmem_shared>>
      %dma_start3A_239 = arith.constant 0 : i32
      %dma_start3A_240 = tpu.memref_slice %arg6[%mul3A_0, %dma_start3A_239] : memref<100864x16xf32, #tpu.memory_space<hbm>> -> memref<6304x16xf32, #tpu.memory_space<hbm>>
      tpu.enqueue_dma source(%dma_start3A_240 : memref<6304x16xf32, #tpu.memory_space<hbm>>) target(%dma_start3A_238 : memref<6304x16xf32, #tpu.memory_space<vmem_shared>>) target_semaphore(%run_scoped3A_236 : memref<!tpu.dma_semaphore, #tpu.memory_space<semaphore_mem>>)
      %dma_wait3A_241 = arith.constant 0 : i32
      %dma_wait3A_242 = tpu.memref_slice %arg10[%mul3A_0, %dma_wait3A_241] : memref<100864x16xf32, #tpu.memory_space<vmem_shared>> -> memref<6304x16xf32, #tpu.memory_space<vmem_shared>>
      %dma_wait3A_243 = arith.constant 0 : i32
      %dma_wait3A_244 = tpu.memref_slice %arg6[%mul3A_0, %dma_wait3A_243] : memref<100864x16xf32, #tpu.memory_space<hbm>> -> memref<6304x16xf32, #tpu.memory_space<hbm>>
      tpu.wait_dma2 semaphore(%run_scoped3A_236 : memref<!tpu.dma_semaphore, #tpu.memory_space<semaphore_mem>>) src(%dma_wait3A_244 : memref<6304x16xf32, #tpu.memory_space<hbm>>) dst(%dma_wait3A_242 : memref<6304x16xf32, #tpu.memory_space<vmem_shared>>)
      tpu.yield
    }) : () -> ()
    %barrier3A = arith.constant 0 : index
    tpu.barrier barrier_id(%barrier3A)
    %mul3A_1 = arith.constant 160 : i32
    %mul3A_2 = arith.muli %arg1, %mul3A_1 : i32
    %add3A = arith.constant 0 : i32
    %add3A_3 = arith.addi %mul3A_2, %add3A : i32
    %eq3A = arith.constant 0 : i32
    %eq3A_4 = arith.cmpi eq, %arg0, %eq3A : i32
    %convert_element_type3A = arith.extui %eq3A_4 : i1 to i32
    %cond3A = arith.constant 0 : i32
    %cond3A_5 = arith.cmpi ne, %convert_element_type3A, %cond3A : i32
    scf.if %cond3A_5 {
      %run_scoped3A_236 = arith.constant 0 : i32
      "tpu.region"() ({
        %run_scoped3A_237 = tpu.sem_alloc : memref<!tpu.dma_semaphore, #tpu.memory_space<semaphore_mem>>
        %dma_start3A_238 = arith.constant 0 : i32
        %dma_start3A_239 = arith.constant 0 : i32
        %dma_start3A_240 = tpu.memref_slice %arg11[%run_scoped3A_236, %dma_start3A_238, %dma_start3A_239] : memref<2x2x640xi32, #tpu.memory_space<vmem>> -> memref<1x2x640xi32, #tpu.memory_space<vmem>>
        %dma_start3A_241 = tpu.memref_squeeze %dma_start3A_240 : memref<1x2x640xi32, #tpu.memory_space<vmem>> -> memref<2x640xi32, #tpu.memory_space<vmem>>
        %dma_start3A_242 = arith.constant 0 : i32
        %dma_start3A_243 = tpu.memref_slice %arg3[%add3A_3, %dma_start3A_242] : memref<2560x640xi32, #tpu.memory_space<hbm>> -> memref<2x640xi32, #tpu.memory_space<hbm>>
        %dma_start3A_244 = arith.constant 0 : i32
        %dma_start3A_245 = arith.constant 0 : i32
        %dma_start3A_246 = tpu.memref_slice %arg11[%run_scoped3A_236, %dma_start3A_244, %dma_start3A_245] : memref<2x2x640xi32, #tpu.memory_space<vmem>> -> memref<1x2x640xi32, #tpu.memory_space<vmem>>
        %dma_start3A_247 = tpu.memref_squeeze %dma_start3A_246 : memref<1x2x640xi32, #tpu.memory_space<vmem>> -> memref<2x640xi32, #tpu.memory_space<vmem>>
        %dma_start3A_248 = arith.constant 0 : i32
        %dma_start3A_249 = tpu.memref_slice %arg3[%add3A_3, %dma_start3A_248] : memref<2560x640xi32, #tpu.memory_space<hbm>> -> memref<2x640xi32, #tpu.memory_space<hbm>>
        tpu.enqueue_dma source(%dma_start3A_249 : memref<2x640xi32, #tpu.memory_space<hbm>>) target(%dma_start3A_247 : memref<2x640xi32, #tpu.memory_space<vmem>>) target_semaphore(%run_scoped3A_237 : memref<!tpu.dma_semaphore, #tpu.memory_space<semaphore_mem>>)
        %dma_wait3A_250 = arith.constant 0 : i32
        %dma_wait3A_251 = arith.constant 0 : i32
        %dma_wait3A_252 = tpu.memref_slice %arg11[%run_scoped3A_236, %dma_wait3A_250, %dma_wait3A_251] : memref<2x2x640xi32, #tpu.memory_space<vmem>> -> memref<1x2x640xi32, #tpu.memory_space<vmem>>
        %dma_wait3A_253 = tpu.memref_squeeze %dma_wait3A_252 : memref<1x2x640xi32, #tpu.memory_space<vmem>> -> memref<2x640xi32, #tpu.memory_space<vmem>>
        %dma_wait3A_254 = arith.constant 0 : i32
        %dma_wait3A_255 = tpu.memref_slice %arg3[%add3A_3, %dma_wait3A_254] : memref<2560x640xi32, #tpu.memory_space<hbm>> -> memref<2x640xi32, #tpu.memory_space<hbm>>
        %dma_wait3A_256 = arith.constant 0 : i32
        %dma_wait3A_257 = arith.constant 0 : i32
        %dma_wait3A_258 = tpu.memref_slice %arg11[%run_scoped3A_236, %dma_wait3A_256, %dma_wait3A_257] : memref<2x2x640xi32, #tpu.memory_space<vmem>> -> memref<1x2x640xi32, #tpu.memory_space<vmem>>
        %dma_wait3A_259 = tpu.memref_squeeze %dma_wait3A_258 : memref<1x2x640xi32, #tpu.memory_space<vmem>> -> memref<2x640xi32, #tpu.memory_space<vmem>>
        %dma_wait3A_260 = arith.constant 0 : i32
        %dma_wait3A_261 = tpu.memref_slice %arg3[%add3A_3, %dma_wait3A_260] : memref<2560x640xi32, #tpu.memory_space<hbm>> -> memref<2x640xi32, #tpu.memory_space<hbm>>
        tpu.wait_dma2 semaphore(%run_scoped3A_237 : memref<!tpu.dma_semaphore, #tpu.memory_space<semaphore_mem>>) src(%dma_wait3A_261 : memref<2x640xi32, #tpu.memory_space<hbm>>) dst(%dma_wait3A_259 : memref<2x640xi32, #tpu.memory_space<vmem>>)
        tpu.yield
      }) : () -> ()
    } else {
    }
    %eq3A_6 = arith.constant 1 : i32
    %eq3A_7 = arith.cmpi eq, %arg0, %eq3A_6 : i32
    %convert_element_type3A_8 = arith.extui %eq3A_7 : i1 to i32
    %cond3A_9 = arith.constant 0 : i32
    %cond3A_10 = arith.cmpi ne, %convert_element_type3A_8, %cond3A_9 : i32
    scf.if %cond3A_10 {
      %run_scoped3A_236 = arith.constant 0 : i32
      "tpu.region"() ({
        %run_scoped3A_237 = tpu.sem_alloc : memref<!tpu.dma_semaphore, #tpu.memory_space<semaphore_mem>>
        %dma_start3A_238 = arith.constant 0 : i32
        %dma_start3A_239 = arith.constant 0 : i32
        %dma_start3A_240 = tpu.memref_slice %arg11[%run_scoped3A_236, %dma_start3A_238, %dma_start3A_239] : memref<2x2x640xi32, #tpu.memory_space<vmem>> -> memref<1x2x640xi32, #tpu.memory_space<vmem>>
        %dma_start3A_241 = tpu.memref_squeeze %dma_start3A_240 : memref<1x2x640xi32, #tpu.memory_space<vmem>> -> memref<2x640xi32, #tpu.memory_space<vmem>>
        %dma_start3A_242 = arith.constant 0 : i32
        %dma_start3A_243 = tpu.memref_slice %arg4[%add3A_3, %dma_start3A_242] : memref<2560x640xi32, #tpu.memory_space<hbm>> -> memref<2x640xi32, #tpu.memory_space<hbm>>
        %dma_start3A_244 = arith.constant 0 : i32
        %dma_start3A_245 = arith.constant 0 : i32
        %dma_start3A_246 = tpu.memref_slice %arg11[%run_scoped3A_236, %dma_start3A_244, %dma_start3A_245] : memref<2x2x640xi32, #tpu.memory_space<vmem>> -> memref<1x2x640xi32, #tpu.memory_space<vmem>>
        %dma_start3A_247 = tpu.memref_squeeze %dma_start3A_246 : memref<1x2x640xi32, #tpu.memory_space<vmem>> -> memref<2x640xi32, #tpu.memory_space<vmem>>
        %dma_start3A_248 = arith.constant 0 : i32
        %dma_start3A_249 = tpu.memref_slice %arg4[%add3A_3, %dma_start3A_248] : memref<2560x640xi32, #tpu.memory_space<hbm>> -> memref<2x640xi32, #tpu.memory_space<hbm>>
        tpu.enqueue_dma source(%dma_start3A_249 : memref<2x640xi32, #tpu.memory_space<hbm>>) target(%dma_start3A_247 : memref<2x640xi32, #tpu.memory_space<vmem>>) target_semaphore(%run_scoped3A_237 : memref<!tpu.dma_semaphore, #tpu.memory_space<semaphore_mem>>)
        %dma_wait3A_250 = arith.constant 0 : i32
        %dma_wait3A_251 = arith.constant 0 : i32
        %dma_wait3A_252 = tpu.memref_slice %arg11[%run_scoped3A_236, %dma_wait3A_250, %dma_wait3A_251] : memref<2x2x640xi32, #tpu.memory_space<vmem>> -> memref<1x2x640xi32, #tpu.memory_space<vmem>>
        %dma_wait3A_253 = tpu.memref_squeeze %dma_wait3A_252 : memref<1x2x640xi32, #tpu.memory_space<vmem>> -> memref<2x640xi32, #tpu.memory_space<vmem>>
        %dma_wait3A_254 = arith.constant 0 : i32
        %dma_wait3A_255 = tpu.memref_slice %arg4[%add3A_3, %dma_wait3A_254] : memref<2560x640xi32, #tpu.memory_space<hbm>> -> memref<2x640xi32, #tpu.memory_space<hbm>>
        %dma_wait3A_256 = arith.constant 0 : i32
        %dma_wait3A_257 = arith.constant 0 : i32
        %dma_wait3A_258 = tpu.memref_slice %arg11[%run_scoped3A_236, %dma_wait3A_256, %dma_wait3A_257] : memref<2x2x640xi32, #tpu.memory_space<vmem>> -> memref<1x2x640xi32, #tpu.memory_space<vmem>>
        %dma_wait3A_259 = tpu.memref_squeeze %dma_wait3A_258 : memref<1x2x640xi32, #tpu.memory_space<vmem>> -> memref<2x640xi32, #tpu.memory_space<vmem>>
        %dma_wait3A_260 = arith.constant 0 : i32
        %dma_wait3A_261 = tpu.memref_slice %arg4[%add3A_3, %dma_wait3A_260] : memref<2560x640xi32, #tpu.memory_space<hbm>> -> memref<2x640xi32, #tpu.memory_space<hbm>>
        tpu.wait_dma2 semaphore(%run_scoped3A_237 : memref<!tpu.dma_semaphore, #tpu.memory_space<semaphore_mem>>) src(%dma_wait3A_261 : memref<2x640xi32, #tpu.memory_space<hbm>>) dst(%dma_wait3A_259 : memref<2x640xi32, #tpu.memory_space<vmem>>)
        tpu.yield
      }) : () -> ()
    } else {
    }
    %run_scoped3A = arith.constant 0 : i32
    "tpu.region"() ({
      %run_scoped3A_236 = tpu.sem_alloc : memref<!tpu.dma_semaphore, #tpu.memory_space<semaphore_mem>>
      %dma_start3A_237 = arith.constant 0 : i32
      %dma_start3A_238 = arith.constant 0 : i32
      %dma_start3A_239 = tpu.memref_slice %arg12[%run_scoped3A, %dma_start3A_237, %dma_start3A_238] : memref<2x2x640xi32, #tpu.memory_space<vmem>> -> memref<1x2x640xi32, #tpu.memory_space<vmem>>
      %dma_start3A_240 = tpu.memref_squeeze %dma_start3A_239 : memref<1x2x640xi32, #tpu.memory_space<vmem>> -> memref<2x640xi32, #tpu.memory_space<vmem>>
      %dma_start3A_241 = arith.constant 0 : i32
      %dma_start3A_242 = tpu.memref_slice %arg5[%add3A_3, %dma_start3A_241] : memref<2560x640xi32, #tpu.memory_space<hbm>> -> memref<2x640xi32, #tpu.memory_space<hbm>>
      %dma_start3A_243 = arith.constant 0 : i32
      %dma_start3A_244 = arith.constant 0 : i32
      %dma_start3A_245 = tpu.memref_slice %arg12[%run_scoped3A, %dma_start3A_243, %dma_start3A_244] : memref<2x2x640xi32, #tpu.memory_space<vmem>> -> memref<1x2x640xi32, #tpu.memory_space<vmem>>
      %dma_start3A_246 = tpu.memref_squeeze %dma_start3A_245 : memref<1x2x640xi32, #tpu.memory_space<vmem>> -> memref<2x640xi32, #tpu.memory_space<vmem>>
      %dma_start3A_247 = arith.constant 0 : i32
      %dma_start3A_248 = tpu.memref_slice %arg5[%add3A_3, %dma_start3A_247] : memref<2560x640xi32, #tpu.memory_space<hbm>> -> memref<2x640xi32, #tpu.memory_space<hbm>>
      tpu.enqueue_dma source(%dma_start3A_248 : memref<2x640xi32, #tpu.memory_space<hbm>>) target(%dma_start3A_246 : memref<2x640xi32, #tpu.memory_space<vmem>>) target_semaphore(%run_scoped3A_236 : memref<!tpu.dma_semaphore, #tpu.memory_space<semaphore_mem>>)
      %dma_wait3A_249 = arith.constant 0 : i32
      %dma_wait3A_250 = arith.constant 0 : i32
      %dma_wait3A_251 = tpu.memref_slice %arg12[%run_scoped3A, %dma_wait3A_249, %dma_wait3A_250] : memref<2x2x640xi32, #tpu.memory_space<vmem>> -> memref<1x2x640xi32, #tpu.memory_space<vmem>>
      %dma_wait3A_252 = tpu.memref_squeeze %dma_wait3A_251 : memref<1x2x640xi32, #tpu.memory_space<vmem>> -> memref<2x640xi32, #tpu.memory_space<vmem>>
      %dma_wait3A_253 = arith.constant 0 : i32
      %dma_wait3A_254 = tpu.memref_slice %arg5[%add3A_3, %dma_wait3A_253] : memref<2560x640xi32, #tpu.memory_space<hbm>> -> memref<2x640xi32, #tpu.memory_space<hbm>>
      %dma_wait3A_255 = arith.constant 0 : i32
      %dma_wait3A_256 = arith.constant 0 : i32
      %dma_wait3A_257 = tpu.memref_slice %arg12[%run_scoped3A, %dma_wait3A_255, %dma_wait3A_256] : memref<2x2x640xi32, #tpu.memory_space<vmem>> -> memref<1x2x640xi32, #tpu.memory_space<vmem>>
      %dma_wait3A_258 = tpu.memref_squeeze %dma_wait3A_257 : memref<1x2x640xi32, #tpu.memory_space<vmem>> -> memref<2x640xi32, #tpu.memory_space<vmem>>
      %dma_wait3A_259 = arith.constant 0 : i32
      %dma_wait3A_260 = tpu.memref_slice %arg5[%add3A_3, %dma_wait3A_259] : memref<2560x640xi32, #tpu.memory_space<hbm>> -> memref<2x640xi32, #tpu.memory_space<hbm>>
      tpu.wait_dma2 semaphore(%run_scoped3A_236 : memref<!tpu.dma_semaphore, #tpu.memory_space<semaphore_mem>>) src(%dma_wait3A_260 : memref<2x640xi32, #tpu.memory_space<hbm>>) dst(%dma_wait3A_258 : memref<2x640xi32, #tpu.memory_space<vmem>>)
      tpu.yield
    }) : () -> ()
    %dma_start3A = arith.constant 0 : i32
    %dma_start3A_11 = arith.constant 0 : i32
    %dma_start3A_12 = arith.constant 0 : i32
    %dma_start3A_13 = arith.constant 0 : i32
    %dma_start3A_14 = arith.constant 0 : i32
    %dma_start3A_15 = tpu.memref_slice %arg13[%dma_start3A_12, %dma_start3A_13, %dma_start3A_14] : memref<2x640x16xf32, #tpu.memory_space<vmem>> -> memref<1x640x16xf32, #tpu.memory_space<vmem>>
    %dma_start3A_16 = tpu.memref_squeeze %dma_start3A_15 : memref<1x640x16xf32, #tpu.memory_space<vmem>> -> memref<640x16xf32, #tpu.memory_space<vmem>>
    %dma_start3A_17 = arith.constant 0 : i32
    %dma_start3A_18 = arith.constant 0 : i32
    %dma_start3A_19 = tpu.memref_slice %arg11[%dma_start3A, %dma_start3A_17, %dma_start3A_18] : memref<2x2x640xi32, #tpu.memory_space<vmem>> -> memref<1x2x640xi32, #tpu.memory_space<vmem>>
    %dma_start3A_20 = tpu.memref_squeeze %dma_start3A_19 : memref<1x2x640xi32, #tpu.memory_space<vmem>> -> memref<2x640xi32, #tpu.memory_space<vmem>>
    %dma_start3A_21 = arith.constant 0 : i32
    %dma_start3A_22 = tpu.memref_slice %dma_start3A_20[%dma_start3A_11, %dma_start3A_21] : memref<2x640xi32, #tpu.memory_space<vmem>> -> memref<1x640xi32, #tpu.memory_space<vmem>>
    %dma_start3A_23 = tpu.memref_squeeze %dma_start3A_22 : memref<1x640xi32, #tpu.memory_space<vmem>> -> memref<640xi32, #tpu.memory_space<vmem>>
    %dma_start3A_24 = arith.constant 0 : i32
    %dma_start3A_25 = arith.constant 0 : i32
    %dma_start3A_26 = tpu.memref_slice %arg2[%dma_start3A_24, %dma_start3A_25] : memref<201728x16xf32, #tpu.memory_space<hbm>> -> memref<201728x16xf32, #tpu.memory_space<hbm>>
    tpu.enqueue_indirect_dma source(%dma_start3A_26 : memref<201728x16xf32, #tpu.memory_space<hbm>>) target(%dma_start3A_16 : memref<640x16xf32, #tpu.memory_space<vmem>>) offsets(%dma_start3A_23 : memref<640xi32, #tpu.memory_space<vmem>>) semaphore(%arg14 : memref<!tpu.dma_semaphore, #tpu.memory_space<semaphore_mem>>)
    %dma_wait3A = arith.constant 0 : i32
    %dma_wait3A_27 = arith.constant 0 : i32
    %dma_wait3A_28 = arith.constant 0 : i32
    %dma_wait3A_29 = arith.constant 0 : i32
    %dma_wait3A_30 = arith.constant 0 : i32
    %dma_wait3A_31 = tpu.memref_slice %arg13[%dma_wait3A_28, %dma_wait3A_29, %dma_wait3A_30] : memref<2x640x16xf32, #tpu.memory_space<vmem>> -> memref<1x640x16xf32, #tpu.memory_space<vmem>>
    %dma_wait3A_32 = tpu.memref_squeeze %dma_wait3A_31 : memref<1x640x16xf32, #tpu.memory_space<vmem>> -> memref<640x16xf32, #tpu.memory_space<vmem>>
    %dma_wait3A_33 = arith.constant 0 : i32
    %dma_wait3A_34 = arith.constant 0 : i32
    %dma_wait3A_35 = tpu.memref_slice %arg11[%dma_wait3A, %dma_wait3A_33, %dma_wait3A_34] : memref<2x2x640xi32, #tpu.memory_space<vmem>> -> memref<1x2x640xi32, #tpu.memory_space<vmem>>
    %dma_wait3A_36 = tpu.memref_squeeze %dma_wait3A_35 : memref<1x2x640xi32, #tpu.memory_space<vmem>> -> memref<2x640xi32, #tpu.memory_space<vmem>>
    %dma_wait3A_37 = arith.constant 0 : i32
    %dma_wait3A_38 = tpu.memref_slice %dma_wait3A_36[%dma_wait3A_27, %dma_wait3A_37] : memref<2x640xi32, #tpu.memory_space<vmem>> -> memref<1x640xi32, #tpu.memory_space<vmem>>
    %dma_wait3A_39 = tpu.memref_squeeze %dma_wait3A_38 : memref<1x640xi32, #tpu.memory_space<vmem>> -> memref<640xi32, #tpu.memory_space<vmem>>
    %dma_wait3A_40 = arith.constant 0 : i32
    %dma_wait3A_41 = arith.constant 0 : i32
    %dma_wait3A_42 = tpu.memref_slice %arg2[%dma_wait3A_40, %dma_wait3A_41] : memref<201728x16xf32, #tpu.memory_space<hbm>> -> memref<201728x16xf32, #tpu.memory_space<hbm>>
    tpu.wait_indirect_dma semaphore(%arg14 : memref<!tpu.dma_semaphore, #tpu.memory_space<semaphore_mem>>) src(%dma_wait3A_42 : memref<201728x16xf32, #tpu.memory_space<hbm>>) dst(%dma_wait3A_32 : memref<640x16xf32, #tpu.memory_space<vmem>>)
    %dma_start3A_43 = arith.constant 0 : i32
    %dma_start3A_44 = arith.constant 0 : i32
    %dma_start3A_45 = arith.constant 0 : i32
    %dma_start3A_46 = arith.constant 0 : i32
    %dma_start3A_47 = arith.constant 0 : i32
    %dma_start3A_48 = tpu.memref_slice %arg13[%dma_start3A_43, %dma_start3A_46, %dma_start3A_47] : memref<2x640x16xf32, #tpu.memory_space<vmem>> -> memref<1x640x16xf32, #tpu.memory_space<vmem>>
    %dma_start3A_49 = tpu.memref_squeeze %dma_start3A_48 : memref<1x640x16xf32, #tpu.memory_space<vmem>> -> memref<640x16xf32, #tpu.memory_space<vmem>>
    %dma_start3A_50 = arith.constant 0 : i32
    %dma_start3A_51 = arith.constant 0 : i32
    %dma_start3A_52 = tpu.memref_slice %arg12[%dma_start3A_44, %dma_start3A_50, %dma_start3A_51] : memref<2x2x640xi32, #tpu.memory_space<vmem>> -> memref<1x2x640xi32, #tpu.memory_space<vmem>>
    %dma_start3A_53 = tpu.memref_squeeze %dma_start3A_52 : memref<1x2x640xi32, #tpu.memory_space<vmem>> -> memref<2x640xi32, #tpu.memory_space<vmem>>
    %dma_start3A_54 = arith.constant 0 : i32
    %dma_start3A_55 = tpu.memref_slice %dma_start3A_53[%dma_start3A_45, %dma_start3A_54] : memref<2x640xi32, #tpu.memory_space<vmem>> -> memref<1x640xi32, #tpu.memory_space<vmem>>
    %dma_start3A_56 = tpu.memref_squeeze %dma_start3A_55 : memref<1x640xi32, #tpu.memory_space<vmem>> -> memref<640xi32, #tpu.memory_space<vmem>>
    %dma_start3A_57 = arith.constant 0 : i32
    %dma_start3A_58 = arith.constant 0 : i32
    %dma_start3A_59 = tpu.memref_slice %arg10[%dma_start3A_57, %dma_start3A_58] : memref<100864x16xf32, #tpu.memory_space<vmem_shared>> -> memref<100864x16xf32, #tpu.memory_space<vmem_shared>>
    tpu.enqueue_indirect_dma source(%dma_start3A_49 : memref<640x16xf32, #tpu.memory_space<vmem>>) target(%dma_start3A_59 : memref<100864x16xf32, #tpu.memory_space<vmem_shared>>) offsets(%dma_start3A_56 : memref<640xi32, #tpu.memory_space<vmem>>) semaphore(%arg16 : memref<!tpu.dma_semaphore, #tpu.memory_space<semaphore_mem>>) {add = true}
    %mul3A_60 = arith.constant 160 : i32
    %mul3A_61 = arith.muli %arg1, %mul3A_60 : i32
    %add3A_62 = arith.constant 2 : i32
    %add3A_63 = arith.addi %mul3A_61, %add3A_62 : i32
    %eq3A_64 = arith.constant 0 : i32
    %eq3A_65 = arith.cmpi eq, %arg0, %eq3A_64 : i32
    %convert_element_type3A_66 = arith.extui %eq3A_65 : i1 to i32
    %cond3A_67 = arith.constant 0 : i32
    %cond3A_68 = arith.cmpi ne, %convert_element_type3A_66, %cond3A_67 : i32
    scf.if %cond3A_68 {
      %dma_start3A_236 = arith.constant 1 : i32
      %dma_start3A_237 = arith.constant 0 : i32
      %dma_start3A_238 = arith.constant 0 : i32
      %dma_start3A_239 = tpu.memref_slice %arg11[%dma_start3A_236, %dma_start3A_237, %dma_start3A_238] : memref<2x2x640xi32, #tpu.memory_space<vmem>> -> memref<1x2x640xi32, #tpu.memory_space<vmem>>
      %dma_start3A_240 = tpu.memref_squeeze %dma_start3A_239 : memref<1x2x640xi32, #tpu.memory_space<vmem>> -> memref<2x640xi32, #tpu.memory_space<vmem>>
      %dma_start3A_241 = arith.constant 0 : i32
      %dma_start3A_242 = tpu.memref_slice %arg3[%add3A_63, %dma_start3A_241] : memref<2560x640xi32, #tpu.memory_space<hbm>> -> memref<2x640xi32, #tpu.memory_space<hbm>>
      %dma_start3A_243 = arith.constant 0 : i32
      %dma_start3A_244 = arith.constant 0 : i32
      %dma_start3A_245 = tpu.memref_slice %arg11[%dma_start3A_236, %dma_start3A_243, %dma_start3A_244] : memref<2x2x640xi32, #tpu.memory_space<vmem>> -> memref<1x2x640xi32, #tpu.memory_space<vmem>>
      %dma_start3A_246 = tpu.memref_squeeze %dma_start3A_245 : memref<1x2x640xi32, #tpu.memory_space<vmem>> -> memref<2x640xi32, #tpu.memory_space<vmem>>
      %dma_start3A_247 = arith.constant 0 : i32
      %dma_start3A_248 = tpu.memref_slice %arg3[%add3A_63, %dma_start3A_247] : memref<2560x640xi32, #tpu.memory_space<hbm>> -> memref<2x640xi32, #tpu.memory_space<hbm>>
      tpu.enqueue_dma source(%dma_start3A_248 : memref<2x640xi32, #tpu.memory_space<hbm>>) target(%dma_start3A_246 : memref<2x640xi32, #tpu.memory_space<vmem>>) target_semaphore(%arg18 : memref<!tpu.dma_semaphore, #tpu.memory_space<semaphore_mem>>)
    } else {
    }
    %eq3A_69 = arith.constant 1 : i32
    %eq3A_70 = arith.cmpi eq, %arg0, %eq3A_69 : i32
    %convert_element_type3A_71 = arith.extui %eq3A_70 : i1 to i32
    %cond3A_72 = arith.constant 0 : i32
    %cond3A_73 = arith.cmpi ne, %convert_element_type3A_71, %cond3A_72 : i32
    scf.if %cond3A_73 {
      %dma_start3A_236 = arith.constant 1 : i32
      %dma_start3A_237 = arith.constant 0 : i32
      %dma_start3A_238 = arith.constant 0 : i32
      %dma_start3A_239 = tpu.memref_slice %arg11[%dma_start3A_236, %dma_start3A_237, %dma_start3A_238] : memref<2x2x640xi32, #tpu.memory_space<vmem>> -> memref<1x2x640xi32, #tpu.memory_space<vmem>>
      %dma_start3A_240 = tpu.memref_squeeze %dma_start3A_239 : memref<1x2x640xi32, #tpu.memory_space<vmem>> -> memref<2x640xi32, #tpu.memory_space<vmem>>
      %dma_start3A_241 = arith.constant 0 : i32
      %dma_start3A_242 = tpu.memref_slice %arg4[%add3A_63, %dma_start3A_241] : memref<2560x640xi32, #tpu.memory_space<hbm>> -> memref<2x640xi32, #tpu.memory_space<hbm>>
      %dma_start3A_243 = arith.constant 0 : i32
      %dma_start3A_244 = arith.constant 0 : i32
      %dma_start3A_245 = tpu.memref_slice %arg11[%dma_start3A_236, %dma_start3A_243, %dma_start3A_244] : memref<2x2x640xi32, #tpu.memory_space<vmem>> -> memref<1x2x640xi32, #tpu.memory_space<vmem>>
      %dma_start3A_246 = tpu.memref_squeeze %dma_start3A_245 : memref<1x2x640xi32, #tpu.memory_space<vmem>> -> memref<2x640xi32, #tpu.memory_space<vmem>>
      %dma_start3A_247 = arith.constant 0 : i32
      %dma_start3A_248 = tpu.memref_slice %arg4[%add3A_63, %dma_start3A_247] : memref<2560x640xi32, #tpu.memory_space<hbm>> -> memref<2x640xi32, #tpu.memory_space<hbm>>
      tpu.enqueue_dma source(%dma_start3A_248 : memref<2x640xi32, #tpu.memory_space<hbm>>) target(%dma_start3A_246 : memref<2x640xi32, #tpu.memory_space<vmem>>) target_semaphore(%arg18 : memref<!tpu.dma_semaphore, #tpu.memory_space<semaphore_mem>>)
    } else {
    }
    %dma_start3A_74 = arith.constant 1 : i32
    %dma_start3A_75 = arith.constant 0 : i32
    %dma_start3A_76 = arith.constant 0 : i32
    %dma_start3A_77 = tpu.memref_slice %arg12[%dma_start3A_74, %dma_start3A_75, %dma_start3A_76] : memref<2x2x640xi32, #tpu.memory_space<vmem>> -> memref<1x2x640xi32, #tpu.memory_space<vmem>>
    %dma_start3A_78 = tpu.memref_squeeze %dma_start3A_77 : memref<1x2x640xi32, #tpu.memory_space<vmem>> -> memref<2x640xi32, #tpu.memory_space<vmem>>
    %dma_start3A_79 = arith.constant 0 : i32
    %dma_start3A_80 = tpu.memref_slice %arg5[%add3A_63, %dma_start3A_79] : memref<2560x640xi32, #tpu.memory_space<hbm>> -> memref<2x640xi32, #tpu.memory_space<hbm>>
    %dma_start3A_81 = arith.constant 0 : i32
    %dma_start3A_82 = arith.constant 0 : i32
    %dma_start3A_83 = tpu.memref_slice %arg12[%dma_start3A_74, %dma_start3A_81, %dma_start3A_82] : memref<2x2x640xi32, #tpu.memory_space<vmem>> -> memref<1x2x640xi32, #tpu.memory_space<vmem>>
    %dma_start3A_84 = tpu.memref_squeeze %dma_start3A_83 : memref<1x2x640xi32, #tpu.memory_space<vmem>> -> memref<2x640xi32, #tpu.memory_space<vmem>>
    %dma_start3A_85 = arith.constant 0 : i32
    %dma_start3A_86 = tpu.memref_slice %arg5[%add3A_63, %dma_start3A_85] : memref<2560x640xi32, #tpu.memory_space<hbm>> -> memref<2x640xi32, #tpu.memory_space<hbm>>
    tpu.enqueue_dma source(%dma_start3A_86 : memref<2x640xi32, #tpu.memory_space<hbm>>) target(%dma_start3A_84 : memref<2x640xi32, #tpu.memory_space<vmem>>) target_semaphore(%arg18 : memref<!tpu.dma_semaphore, #tpu.memory_space<semaphore_mem>>)
    %dma_start3A_87 = arith.constant 0 : i32
    %dma_start3A_88 = arith.constant 1 : i32
    %dma_start3A_89 = arith.constant 1 : i32
    %dma_start3A_90 = arith.constant 0 : i32
    %dma_start3A_91 = arith.constant 0 : i32
    %dma_start3A_92 = tpu.memref_slice %arg13[%dma_start3A_89, %dma_start3A_90, %dma_start3A_91] : memref<2x640x16xf32, #tpu.memory_space<vmem>> -> memref<1x640x16xf32, #tpu.memory_space<vmem>>
    %dma_start3A_93 = tpu.memref_squeeze %dma_start3A_92 : memref<1x640x16xf32, #tpu.memory_space<vmem>> -> memref<640x16xf32, #tpu.memory_space<vmem>>
    %dma_start3A_94 = arith.constant 0 : i32
    %dma_start3A_95 = arith.constant 0 : i32
    %dma_start3A_96 = tpu.memref_slice %arg11[%dma_start3A_87, %dma_start3A_94, %dma_start3A_95] : memref<2x2x640xi32, #tpu.memory_space<vmem>> -> memref<1x2x640xi32, #tpu.memory_space<vmem>>
    %dma_start3A_97 = tpu.memref_squeeze %dma_start3A_96 : memref<1x2x640xi32, #tpu.memory_space<vmem>> -> memref<2x640xi32, #tpu.memory_space<vmem>>
    %dma_start3A_98 = arith.constant 0 : i32
    %dma_start3A_99 = tpu.memref_slice %dma_start3A_97[%dma_start3A_88, %dma_start3A_98] : memref<2x640xi32, #tpu.memory_space<vmem>> -> memref<1x640xi32, #tpu.memory_space<vmem>>
    %dma_start3A_100 = tpu.memref_squeeze %dma_start3A_99 : memref<1x640xi32, #tpu.memory_space<vmem>> -> memref<640xi32, #tpu.memory_space<vmem>>
    %dma_start3A_101 = arith.constant 0 : i32
    %dma_start3A_102 = arith.constant 0 : i32
    %dma_start3A_103 = tpu.memref_slice %arg2[%dma_start3A_101, %dma_start3A_102] : memref<201728x16xf32, #tpu.memory_space<hbm>> -> memref<201728x16xf32, #tpu.memory_space<hbm>>
    tpu.enqueue_indirect_dma source(%dma_start3A_103 : memref<201728x16xf32, #tpu.memory_space<hbm>>) target(%dma_start3A_93 : memref<640x16xf32, #tpu.memory_space<vmem>>) offsets(%dma_start3A_100 : memref<640xi32, #tpu.memory_space<vmem>>) semaphore(%arg15 : memref<!tpu.dma_semaphore, #tpu.memory_space<semaphore_mem>>)
    %dma_wait3A_104 = arith.constant 0 : i32
    %dma_wait3A_105 = arith.constant 0 : i32
    %dma_wait3A_106 = arith.constant 1 : i32
    %dma_wait3A_107 = arith.constant 0 : i32
    %dma_wait3A_108 = arith.constant 0 : i32
    %dma_wait3A_109 = tpu.memref_slice %arg13[%dma_wait3A_106, %dma_wait3A_107, %dma_wait3A_108] : memref<2x640x16xf32, #tpu.memory_space<vmem>> -> memref<1x640x16xf32, #tpu.memory_space<vmem>>
    %dma_wait3A_110 = tpu.memref_squeeze %dma_wait3A_109 : memref<1x640x16xf32, #tpu.memory_space<vmem>> -> memref<640x16xf32, #tpu.memory_space<vmem>>
    %dma_wait3A_111 = arith.constant 0 : i32
    %dma_wait3A_112 = arith.constant 0 : i32
    %dma_wait3A_113 = tpu.memref_slice %arg11[%dma_wait3A_104, %dma_wait3A_111, %dma_wait3A_112] : memref<2x2x640xi32, #tpu.memory_space<vmem>> -> memref<1x2x640xi32, #tpu.memory_space<vmem>>
    %dma_wait3A_114 = tpu.memref_squeeze %dma_wait3A_113 : memref<1x2x640xi32, #tpu.memory_space<vmem>> -> memref<2x640xi32, #tpu.memory_space<vmem>>
    %dma_wait3A_115 = arith.constant 0 : i32
    %dma_wait3A_116 = tpu.memref_slice %dma_wait3A_114[%dma_wait3A_105, %dma_wait3A_115] : memref<2x640xi32, #tpu.memory_space<vmem>> -> memref<1x640xi32, #tpu.memory_space<vmem>>
    %dma_wait3A_117 = tpu.memref_squeeze %dma_wait3A_116 : memref<1x640xi32, #tpu.memory_space<vmem>> -> memref<640xi32, #tpu.memory_space<vmem>>
    %dma_wait3A_118 = arith.constant 0 : i32
    %dma_wait3A_119 = arith.constant 0 : i32
    %dma_wait3A_120 = tpu.memref_slice %arg2[%dma_wait3A_118, %dma_wait3A_119] : memref<201728x16xf32, #tpu.memory_space<hbm>> -> memref<201728x16xf32, #tpu.memory_space<hbm>>
    tpu.wait_indirect_dma semaphore(%arg15 : memref<!tpu.dma_semaphore, #tpu.memory_space<semaphore_mem>>) src(%dma_wait3A_120 : memref<201728x16xf32, #tpu.memory_space<hbm>>) dst(%dma_wait3A_110 : memref<640x16xf32, #tpu.memory_space<vmem>>)
    %dma_start3A_121 = arith.constant 1 : i32
    %dma_start3A_122 = arith.constant 0 : i32
    %dma_start3A_123 = arith.constant 1 : i32
    %dma_start3A_124 = arith.constant 0 : i32
    %dma_start3A_125 = arith.constant 0 : i32
    %dma_start3A_126 = tpu.memref_slice %arg13[%dma_start3A_121, %dma_start3A_124, %dma_start3A_125] : memref<2x640x16xf32, #tpu.memory_space<vmem>> -> memref<1x640x16xf32, #tpu.memory_space<vmem>>
    %dma_start3A_127 = tpu.memref_squeeze %dma_start3A_126 : memref<1x640x16xf32, #tpu.memory_space<vmem>> -> memref<640x16xf32, #tpu.memory_space<vmem>>
    %dma_start3A_128 = arith.constant 0 : i32
    %dma_start3A_129 = arith.constant 0 : i32
    %dma_start3A_130 = tpu.memref_slice %arg12[%dma_start3A_122, %dma_start3A_128, %dma_start3A_129] : memref<2x2x640xi32, #tpu.memory_space<vmem>> -> memref<1x2x640xi32, #tpu.memory_space<vmem>>
    %dma_start3A_131 = tpu.memref_squeeze %dma_start3A_130 : memref<1x2x640xi32, #tpu.memory_space<vmem>> -> memref<2x640xi32, #tpu.memory_space<vmem>>
    %dma_start3A_132 = arith.constant 0 : i32
    %dma_start3A_133 = tpu.memref_slice %dma_start3A_131[%dma_start3A_123, %dma_start3A_132] : memref<2x640xi32, #tpu.memory_space<vmem>> -> memref<1x640xi32, #tpu.memory_space<vmem>>
    %dma_start3A_134 = tpu.memref_squeeze %dma_start3A_133 : memref<1x640xi32, #tpu.memory_space<vmem>> -> memref<640xi32, #tpu.memory_space<vmem>>
    %dma_start3A_135 = arith.constant 0 : i32
    %dma_start3A_136 = arith.constant 0 : i32
    %dma_start3A_137 = tpu.memref_slice %arg10[%dma_start3A_135, %dma_start3A_136] : memref<100864x16xf32, #tpu.memory_space<vmem_shared>> -> memref<100864x16xf32, #tpu.memory_space<vmem_shared>>
    tpu.enqueue_indirect_dma source(%dma_start3A_127 : memref<640x16xf32, #tpu.memory_space<vmem>>) target(%dma_start3A_137 : memref<100864x16xf32, #tpu.memory_space<vmem_shared>>) offsets(%dma_start3A_134 : memref<640xi32, #tpu.memory_space<vmem>>) semaphore(%arg17 : memref<!tpu.dma_semaphore, #tpu.memory_space<semaphore_mem>>) {add = true}
    %dma_wait3A_138 = arith.constant 0 : i32
    %dma_wait3A_139 = arith.constant 0 : i32
    %dma_wait3A_140 = arith.constant 0 : i32
    %dma_wait3A_141 = arith.constant 0 : i32
    %dma_wait3A_142 = arith.constant 0 : i32
    %dma_wait3A_143 = tpu.memref_slice %arg13[%dma_wait3A_138, %dma_wait3A_141, %dma_wait3A_142] : memref<2x640x16xf32, #tpu.memory_space<vmem>> -> memref<1x640x16xf32, #tpu.memory_space<vmem>>
    %dma_wait3A_144 = tpu.memref_squeeze %dma_wait3A_143 : memref<1x640x16xf32, #tpu.memory_space<vmem>> -> memref<640x16xf32, #tpu.memory_space<vmem>>
    %dma_wait3A_145 = arith.constant 0 : i32
    %dma_wait3A_146 = arith.constant 0 : i32
    %dma_wait3A_147 = tpu.memref_slice %arg12[%dma_wait3A_139, %dma_wait3A_145, %dma_wait3A_146] : memref<2x2x640xi32, #tpu.memory_space<vmem>> -> memref<1x2x640xi32, #tpu.memory_space<vmem>>
    %dma_wait3A_148 = tpu.memref_squeeze %dma_wait3A_147 : memref<1x2x640xi32, #tpu.memory_space<vmem>> -> memref<2x640xi32, #tpu.memory_space<vmem>>
    %dma_wait3A_149 = arith.constant 0 : i32
    %dma_wait3A_150 = tpu.memref_slice %dma_wait3A_148[%dma_wait3A_140, %dma_wait3A_149] : memref<2x640xi32, #tpu.memory_space<vmem>> -> memref<1x640xi32, #tpu.memory_space<vmem>>
    %dma_wait3A_151 = tpu.memref_squeeze %dma_wait3A_150 : memref<1x640xi32, #tpu.memory_space<vmem>> -> memref<640xi32, #tpu.memory_space<vmem>>
    %dma_wait3A_152 = arith.constant 0 : i32
    %dma_wait3A_153 = arith.constant 0 : i32
    %dma_wait3A_154 = tpu.memref_slice %arg10[%dma_wait3A_152, %dma_wait3A_153] : memref<100864x16xf32, #tpu.memory_space<vmem_shared>> -> memref<100864x16xf32, #tpu.memory_space<vmem_shared>>
    tpu.wait_indirect_dma semaphore(%arg16 : memref<!tpu.dma_semaphore, #tpu.memory_space<semaphore_mem>>) src(%dma_wait3A_144 : memref<640x16xf32, #tpu.memory_space<vmem>>) dst(%dma_wait3A_154 : memref<100864x16xf32, #tpu.memory_space<vmem_shared>>)
    %dma_wait3A_155 = arith.constant 1 : i32
    %dma_wait3A_156 = arith.constant 0 : i32
    %dma_wait3A_157 = arith.constant 0 : i32
    %dma_wait3A_158 = tpu.memref_slice %arg11[%dma_wait3A_155, %dma_wait3A_156, %dma_wait3A_157] : memref<2x2x640xi32, #tpu.memory_space<vmem>> -> memref<1x2x640xi32, #tpu.memory_space<vmem>>
    %dma_wait3A_159 = tpu.memref_squeeze %dma_wait3A_158 : memref<1x2x640xi32, #tpu.memory_space<vmem>> -> memref<2x640xi32, #tpu.memory_space<vmem>>
    %dma_wait3A_160 = arith.constant 0 : i32
    %dma_wait3A_161 = arith.constant 0 : i32
    %dma_wait3A_162 = tpu.memref_slice %arg3[%dma_wait3A_160, %dma_wait3A_161] : memref<2560x640xi32, #tpu.memory_space<hbm>> -> memref<2x640xi32, #tpu.memory_space<hbm>>
    %dma_wait3A_163 = arith.constant 0 : i32
    %dma_wait3A_164 = arith.constant 0 : i32
    %dma_wait3A_165 = tpu.memref_slice %arg11[%dma_wait3A_155, %dma_wait3A_163, %dma_wait3A_164] : memref<2x2x640xi32, #tpu.memory_space<vmem>> -> memref<1x2x640xi32, #tpu.memory_space<vmem>>
    %dma_wait3A_166 = tpu.memref_squeeze %dma_wait3A_165 : memref<1x2x640xi32, #tpu.memory_space<vmem>> -> memref<2x640xi32, #tpu.memory_space<vmem>>
    %dma_wait3A_167 = arith.constant 0 : i32
    %dma_wait3A_168 = arith.constant 0 : i32
    %dma_wait3A_169 = tpu.memref_slice %arg3[%dma_wait3A_167, %dma_wait3A_168] : memref<2560x640xi32, #tpu.memory_space<hbm>> -> memref<2x640xi32, #tpu.memory_space<hbm>>
    tpu.wait_dma2 semaphore(%arg18 : memref<!tpu.dma_semaphore, #tpu.memory_space<semaphore_mem>>) src(%dma_wait3A_169 : memref<2x640xi32, #tpu.memory_space<hbm>>) dst(%dma_wait3A_166 : memref<2x640xi32, #tpu.memory_space<vmem>>)
    %dma_wait3A_170 = arith.constant 1 : i32
    %dma_wait3A_171 = arith.constant 0 : i32
    %dma_wait3A_172 = arith.constant 0 : i32
    %dma_wait3A_173 = tpu.memref_slice %arg12[%dma_wait3A_170, %dma_wait3A_171, %dma_wait3A_172] : memref<2x2x640xi32, #tpu.memory_space<vmem>> -> memref<1x2x640xi32, #tpu.memory_space<vmem>>
    %dma_wait3A_174 = tpu.memref_squeeze %dma_wait3A_173 : memref<1x2x640xi32, #tpu.memory_space<vmem>> -> memref<2x640xi32, #tpu.memory_space<vmem>>
    %dma_wait3A_175 = arith.constant 0 : i32
    %dma_wait3A_176 = arith.constant 0 : i32
    %dma_wait3A_177 = tpu.memref_slice %arg5[%dma_wait3A_175, %dma_wait3A_176] : memref<2560x640xi32, #tpu.memory_space<hbm>> -> memref<2x640xi32, #tpu.memory_space<hbm>>
    %dma_wait3A_178 = arith.constant 0 : i32
    %dma_wait3A_179 = arith.constant 0 : i32
    %dma_wait3A_180 = tpu.memref_slice %arg12[%dma_wait3A_170, %dma_wait3A_178, %dma_wait3A_179] : memref<2x2x640xi32, #tpu.memory_space<vmem>> -> memref<1x2x640xi32, #tpu.memory_space<vmem>>
    %dma_wait3A_181 = tpu.memref_squeeze %dma_wait3A_180 : memref<1x2x640xi32, #tpu.memory_space<vmem>> -> memref<2x640xi32, #tpu.memory_space<vmem>>
    %dma_wait3A_182 = arith.constant 0 : i32
    %dma_wait3A_183 = arith.constant 0 : i32
    %dma_wait3A_184 = tpu.memref_slice %arg5[%dma_wait3A_182, %dma_wait3A_183] : memref<2560x640xi32, #tpu.memory_space<hbm>> -> memref<2x640xi32, #tpu.memory_space<hbm>>
    tpu.wait_dma2 semaphore(%arg18 : memref<!tpu.dma_semaphore, #tpu.memory_space<semaphore_mem>>) src(%dma_wait3A_184 : memref<2x640xi32, #tpu.memory_space<hbm>>) dst(%dma_wait3A_181 : memref<2x640xi32, #tpu.memory_space<vmem>>)
    %dma_start3A_185 = arith.constant 1 : i32
    %dma_start3A_186 = arith.constant 0 : i32
    %dma_start3A_187 = arith.constant 0 : i32
    %dma_start3A_188 = arith.constant 0 : i32
    %dma_start3A_189 = arith.constant 0 : i32
    %dma_start3A_190 = tpu.memref_slice %arg13[%dma_start3A_187, %dma_start3A_188, %dma_start3A_189] : memref<2x640x16xf32, #tpu.memory_space<vmem>> -> memref<1x640x16xf32, #tpu.memory_space<vmem>>
    %dma_start3A_191 = tpu.memref_squeeze %dma_start3A_190 : memref<1x640x16xf32, #tpu.memory_space<vmem>> -> memref<640x16xf32, #tpu.memory_space<vmem>>
    %dma_start3A_192 = arith.constant 0 : i32
    %dma_start3A_193 = arith.constant 0 : i32
    %dma_start3A_194 = tpu.memref_slice %arg11[%dma_start3A_185, %dma_start3A_192, %dma_start3A_193] : memref<2x2x640xi32, #tpu.memory_space<vmem>> -> memref<1x2x640xi32, #tpu.memory_space<vmem>>
    %dma_start3A_195 = tpu.memref_squeeze %dma_start3A_194 : memref<1x2x640xi32, #tpu.memory_space<vmem>> -> memref<2x640xi32, #tpu.memory_space<vmem>>
    %dma_start3A_196 = arith.constant 0 : i32
    %dma_start3A_197 = tpu.memref_slice %dma_start3A_195[%dma_start3A_186, %dma_start3A_196] : memref<2x640xi32, #tpu.memory_space<vmem>> -> memref<1x640xi32, #tpu.memory_space<vmem>>
    %dma_start3A_198 = tpu.memref_squeeze %dma_start3A_197 : memref<1x640xi32, #tpu.memory_space<vmem>> -> memref<640xi32, #tpu.memory_space<vmem>>
    %dma_start3A_199 = arith.constant 0 : i32
    %dma_start3A_200 = arith.constant 0 : i32
    %dma_start3A_201 = tpu.memref_slice %arg2[%dma_start3A_199, %dma_start3A_200] : memref<201728x16xf32, #tpu.memory_space<hbm>> -> memref<201728x16xf32, #tpu.memory_space<hbm>>
    tpu.enqueue_indirect_dma source(%dma_start3A_201 : memref<201728x16xf32, #tpu.memory_space<hbm>>) target(%dma_start3A_191 : memref<640x16xf32, #tpu.memory_space<vmem>>) offsets(%dma_start3A_198 : memref<640xi32, #tpu.memory_space<vmem>>) semaphore(%arg14 : memref<!tpu.dma_semaphore, #tpu.memory_space<semaphore_mem>>)
    %scan3A = arith.constant 0 : i32
    %scan3A_202 = arith.constant 1 : i32
    %scan3A_203 = arith.constant 79 : i32
    %scan3A_204 = arith.addi %scan3A_202, %scan3A_203 : i32
    %scan3A_205 = arith.constant 1 : i32
    %scan3A_206 = scf.for %scan3A_236 = %scan3A_202 to %scan3A_204 step %scan3A_205 iter_args(%scan3A_237 = %scan3A) -> (i32)  : i32 {
      %jit3A = arith.constant 2 : i32
      %eq3A_238 = arith.constant 0 : i32
      %eq3A_239 = arith.cmpi eq, %jit3A, %eq3A_238 : i32
      %jit3A_240 = arith.constant 1 : i32
      %select_n3A = arith.select %eq3A_239, %jit3A_240, %jit3A : i32
      %rem3A = arith.remsi %scan3A_236, %select_n3A : i32
      %ne3A = arith.constant 0 : i32
      %ne3A_241 = arith.cmpi ne, %rem3A, %ne3A : i32
      %lt3A = arith.constant 0 : i32
      %lt3A_242 = arith.cmpi slt, %rem3A, %lt3A : i32
      %lt3A_243 = arith.constant 0 : i32
      %lt3A_244 = arith.cmpi slt, %select_n3A, %lt3A_243 : i32
      %ne3A_245 = arith.xori %lt3A_242, %lt3A_244 : i1
      %and3A = arith.andi %ne3A_245, %ne3A_241 : i1
      %add3A_246 = arith.addi %rem3A, %select_n3A : i32
      %select_n3A_247 = arith.select %and3A, %add3A_246, %rem3A : i32
      %add3A_248 = arith.constant 1 : i32
      %add3A_249 = arith.addi %scan3A_236, %add3A_248 : i32
      %jit3A_250 = arith.constant 2 : i32
      %eq3A_251 = arith.constant 0 : i32
      %eq3A_252 = arith.cmpi eq, %jit3A_250, %eq3A_251 : i32
      %jit3A_253 = arith.constant 1 : i32
      %select_n3A_254 = arith.select %eq3A_252, %jit3A_253, %jit3A_250 : i32
      %rem3A_255 = arith.remsi %add3A_249, %select_n3A_254 : i32
      %ne3A_256 = arith.constant 0 : i32
      %ne3A_257 = arith.cmpi ne, %rem3A_255, %ne3A_256 : i32
      %lt3A_258 = arith.constant 0 : i32
      %lt3A_259 = arith.cmpi slt, %rem3A_255, %lt3A_258 : i32
      %lt3A_260 = arith.constant 0 : i32
      %lt3A_261 = arith.cmpi slt, %select_n3A_254, %lt3A_260 : i32
      %ne3A_262 = arith.xori %lt3A_259, %lt3A_261 : i1
      %and3A_263 = arith.andi %ne3A_262, %ne3A_257 : i1
      %add3A_264 = arith.addi %rem3A_255, %select_n3A_254 : i32
      %select_n3A_265 = arith.select %and3A_263, %add3A_264, %rem3A_255 : i32
      %add3A_266 = arith.constant 1 : i32
      %add3A_267 = arith.addi %scan3A_236, %add3A_266 : i32
      %lt3A_268 = arith.constant 80 : i32
      %lt3A_269 = arith.cmpi slt, %add3A_267, %lt3A_268 : i32
      %dma_wait3A_270 = arith.constant 0 : i32
      %dma_wait3A_271 = arith.constant 0 : i32
      %dma_wait3A_272 = arith.constant 0 : i32
      %dma_wait3A_273 = arith.constant 0 : i32
      %dma_wait3A_274 = arith.constant 0 : i32
      %dma_wait3A_275 = tpu.memref_slice %arg13[%dma_wait3A_272, %dma_wait3A_273, %dma_wait3A_274] : memref<2x640x16xf32, #tpu.memory_space<vmem>> -> memref<1x640x16xf32, #tpu.memory_space<vmem>>
      %dma_wait3A_276 = tpu.memref_squeeze %dma_wait3A_275 : memref<1x640x16xf32, #tpu.memory_space<vmem>> -> memref<640x16xf32, #tpu.memory_space<vmem>>
      %dma_wait3A_277 = arith.constant 0 : i32
      %dma_wait3A_278 = arith.constant 0 : i32
      %dma_wait3A_279 = tpu.memref_slice %arg11[%dma_wait3A_270, %dma_wait3A_277, %dma_wait3A_278] : memref<2x2x640xi32, #tpu.memory_space<vmem>> -> memref<1x2x640xi32, #tpu.memory_space<vmem>>
      %dma_wait3A_280 = tpu.memref_squeeze %dma_wait3A_279 : memref<1x2x640xi32, #tpu.memory_space<vmem>> -> memref<2x640xi32, #tpu.memory_space<vmem>>
      %dma_wait3A_281 = arith.constant 0 : i32
      %dma_wait3A_282 = tpu.memref_slice %dma_wait3A_280[%dma_wait3A_271, %dma_wait3A_281] : memref<2x640xi32, #tpu.memory_space<vmem>> -> memref<1x640xi32, #tpu.memory_space<vmem>>
      %dma_wait3A_283 = tpu.memref_squeeze %dma_wait3A_282 : memref<1x640xi32, #tpu.memory_space<vmem>> -> memref<640xi32, #tpu.memory_space<vmem>>
      %dma_wait3A_284 = arith.constant 0 : i32
      %dma_wait3A_285 = arith.constant 0 : i32
      %dma_wait3A_286 = tpu.memref_slice %arg2[%dma_wait3A_284, %dma_wait3A_285] : memref<201728x16xf32, #tpu.memory_space<hbm>> -> memref<201728x16xf32, #tpu.memory_space<hbm>>
      tpu.wait_indirect_dma semaphore(%arg14 : memref<!tpu.dma_semaphore, #tpu.memory_space<semaphore_mem>>) src(%dma_wait3A_286 : memref<201728x16xf32, #tpu.memory_space<hbm>>) dst(%dma_wait3A_276 : memref<640x16xf32, #tpu.memory_space<vmem>>)
      %dma_start3A_287 = arith.constant 0 : i32
      %dma_start3A_288 = arith.constant 0 : i32
      %dma_start3A_289 = arith.constant 0 : i32
      %dma_start3A_290 = arith.constant 0 : i32
      %dma_start3A_291 = tpu.memref_slice %arg13[%dma_start3A_287, %dma_start3A_289, %dma_start3A_290] : memref<2x640x16xf32, #tpu.memory_space<vmem>> -> memref<1x640x16xf32, #tpu.memory_space<vmem>>
      %dma_start3A_292 = tpu.memref_squeeze %dma_start3A_291 : memref<1x640x16xf32, #tpu.memory_space<vmem>> -> memref<640x16xf32, #tpu.memory_space<vmem>>
      %dma_start3A_293 = arith.constant 0 : i32
      %dma_start3A_294 = arith.constant 0 : i32
      %dma_start3A_295 = tpu.memref_slice %arg12[%select_n3A_247, %dma_start3A_293, %dma_start3A_294] : memref<2x2x640xi32, #tpu.memory_space<vmem>> -> memref<1x2x640xi32, #tpu.memory_space<vmem>>
      %dma_start3A_296 = tpu.memref_squeeze %dma_start3A_295 : memref<1x2x640xi32, #tpu.memory_space<vmem>> -> memref<2x640xi32, #tpu.memory_space<vmem>>
      %dma_start3A_297 = arith.constant 0 : i32
      %dma_start3A_298 = tpu.memref_slice %dma_start3A_296[%dma_start3A_288, %dma_start3A_297] : memref<2x640xi32, #tpu.memory_space<vmem>> -> memref<1x640xi32, #tpu.memory_space<vmem>>
      %dma_start3A_299 = tpu.memref_squeeze %dma_start3A_298 : memref<1x640xi32, #tpu.memory_space<vmem>> -> memref<640xi32, #tpu.memory_space<vmem>>
      %dma_start3A_300 = arith.constant 0 : i32
      %dma_start3A_301 = arith.constant 0 : i32
      %dma_start3A_302 = tpu.memref_slice %arg10[%dma_start3A_300, %dma_start3A_301] : memref<100864x16xf32, #tpu.memory_space<vmem_shared>> -> memref<100864x16xf32, #tpu.memory_space<vmem_shared>>
      tpu.enqueue_indirect_dma source(%dma_start3A_292 : memref<640x16xf32, #tpu.memory_space<vmem>>) target(%dma_start3A_302 : memref<100864x16xf32, #tpu.memory_space<vmem_shared>>) offsets(%dma_start3A_299 : memref<640xi32, #tpu.memory_space<vmem>>) semaphore(%arg16 : memref<!tpu.dma_semaphore, #tpu.memory_space<semaphore_mem>>) {add = true}
      %dma_wait3A_303 = arith.constant 1 : i32
      %dma_wait3A_304 = arith.constant 0 : i32
      %dma_wait3A_305 = arith.constant 0 : i32
      %dma_wait3A_306 = arith.constant 0 : i32
      %dma_wait3A_307 = arith.constant 0 : i32
      %dma_wait3A_308 = tpu.memref_slice %arg13[%dma_wait3A_303, %dma_wait3A_306, %dma_wait3A_307] : memref<2x640x16xf32, #tpu.memory_space<vmem>> -> memref<1x640x16xf32, #tpu.memory_space<vmem>>
      %dma_wait3A_309 = tpu.memref_squeeze %dma_wait3A_308 : memref<1x640x16xf32, #tpu.memory_space<vmem>> -> memref<640x16xf32, #tpu.memory_space<vmem>>
      %dma_wait3A_310 = arith.constant 0 : i32
      %dma_wait3A_311 = arith.constant 0 : i32
      %dma_wait3A_312 = tpu.memref_slice %arg12[%dma_wait3A_304, %dma_wait3A_310, %dma_wait3A_311] : memref<2x2x640xi32, #tpu.memory_space<vmem>> -> memref<1x2x640xi32, #tpu.memory_space<vmem>>
      %dma_wait3A_313 = tpu.memref_squeeze %dma_wait3A_312 : memref<1x2x640xi32, #tpu.memory_space<vmem>> -> memref<2x640xi32, #tpu.memory_space<vmem>>
      %dma_wait3A_314 = arith.constant 0 : i32
      %dma_wait3A_315 = tpu.memref_slice %dma_wait3A_313[%dma_wait3A_305, %dma_wait3A_314] : memref<2x640xi32, #tpu.memory_space<vmem>> -> memref<1x640xi32, #tpu.memory_space<vmem>>
      %dma_wait3A_316 = tpu.memref_squeeze %dma_wait3A_315 : memref<1x640xi32, #tpu.memory_space<vmem>> -> memref<640xi32, #tpu.memory_space<vmem>>
      %dma_wait3A_317 = arith.constant 0 : i32
      %dma_wait3A_318 = arith.constant 0 : i32
      %dma_wait3A_319 = tpu.memref_slice %arg10[%dma_wait3A_317, %dma_wait3A_318] : memref<100864x16xf32, #tpu.memory_space<vmem_shared>> -> memref<100864x16xf32, #tpu.memory_space<vmem_shared>>
      tpu.wait_indirect_dma semaphore(%arg17 : memref<!tpu.dma_semaphore, #tpu.memory_space<semaphore_mem>>) src(%dma_wait3A_309 : memref<640x16xf32, #tpu.memory_space<vmem>>) dst(%dma_wait3A_319 : memref<100864x16xf32, #tpu.memory_space<vmem_shared>>)
      %convert_element_type3A_320 = arith.extui %lt3A_269 : i1 to i32
      %cond3A_321 = arith.constant 0 : i32
      %cond3A_322 = arith.cmpi ne, %convert_element_type3A_320, %cond3A_321 : i32
      scf.if %cond3A_322 {
        %add3A_393 = arith.constant 1 : i32
        %add3A_394 = arith.addi %scan3A_236, %add3A_393 : i32
        %mul3A_395 = arith.constant 160 : i32
        %mul3A_396 = arith.muli %arg1, %mul3A_395 : i32
        %mul3A_397 = arith.constant 2 : i32
        %mul3A_398 = arith.muli %add3A_394, %mul3A_397 : i32
        %add3A_399 = arith.addi %mul3A_396, %mul3A_398 : i32
        %eq3A_400 = arith.constant 0 : i32
        %eq3A_401 = arith.cmpi eq, %arg0, %eq3A_400 : i32
        %convert_element_type3A_402 = arith.extui %eq3A_401 : i1 to i32
        %cond3A_403 = arith.constant 0 : i32
        %cond3A_404 = arith.cmpi ne, %convert_element_type3A_402, %cond3A_403 : i32
        scf.if %cond3A_404 {
          %dma_start3A_422 = arith.constant 0 : i32
          %dma_start3A_423 = arith.constant 0 : i32
          %dma_start3A_424 = tpu.memref_slice %arg11[%select_n3A_265, %dma_start3A_422, %dma_start3A_423] : memref<2x2x640xi32, #tpu.memory_space<vmem>> -> memref<1x2x640xi32, #tpu.memory_space<vmem>>
          %dma_start3A_425 = tpu.memref_squeeze %dma_start3A_424 : memref<1x2x640xi32, #tpu.memory_space<vmem>> -> memref<2x640xi32, #tpu.memory_space<vmem>>
          %dma_start3A_426 = arith.constant 0 : i32
          %dma_start3A_427 = tpu.memref_slice %arg3[%add3A_399, %dma_start3A_426] : memref<2560x640xi32, #tpu.memory_space<hbm>> -> memref<2x640xi32, #tpu.memory_space<hbm>>
          %dma_start3A_428 = arith.constant 0 : i32
          %dma_start3A_429 = arith.constant 0 : i32
          %dma_start3A_430 = tpu.memref_slice %arg11[%select_n3A_265, %dma_start3A_428, %dma_start3A_429] : memref<2x2x640xi32, #tpu.memory_space<vmem>> -> memref<1x2x640xi32, #tpu.memory_space<vmem>>
          %dma_start3A_431 = tpu.memref_squeeze %dma_start3A_430 : memref<1x2x640xi32, #tpu.memory_space<vmem>> -> memref<2x640xi32, #tpu.memory_space<vmem>>
          %dma_start3A_432 = arith.constant 0 : i32
          %dma_start3A_433 = tpu.memref_slice %arg3[%add3A_399, %dma_start3A_432] : memref<2560x640xi32, #tpu.memory_space<hbm>> -> memref<2x640xi32, #tpu.memory_space<hbm>>
          tpu.enqueue_dma source(%dma_start3A_433 : memref<2x640xi32, #tpu.memory_space<hbm>>) target(%dma_start3A_431 : memref<2x640xi32, #tpu.memory_space<vmem>>) target_semaphore(%arg18 : memref<!tpu.dma_semaphore, #tpu.memory_space<semaphore_mem>>)
        } else {
        }
        %eq3A_405 = arith.constant 1 : i32
        %eq3A_406 = arith.cmpi eq, %arg0, %eq3A_405 : i32
        %convert_element_type3A_407 = arith.extui %eq3A_406 : i1 to i32
        %cond3A_408 = arith.constant 0 : i32
        %cond3A_409 = arith.cmpi ne, %convert_element_type3A_407, %cond3A_408 : i32
        scf.if %cond3A_409 {
          %dma_start3A_422 = arith.constant 0 : i32
          %dma_start3A_423 = arith.constant 0 : i32
          %dma_start3A_424 = tpu.memref_slice %arg11[%select_n3A_265, %dma_start3A_422, %dma_start3A_423] : memref<2x2x640xi32, #tpu.memory_space<vmem>> -> memref<1x2x640xi32, #tpu.memory_space<vmem>>
          %dma_start3A_425 = tpu.memref_squeeze %dma_start3A_424 : memref<1x2x640xi32, #tpu.memory_space<vmem>> -> memref<2x640xi32, #tpu.memory_space<vmem>>
          %dma_start3A_426 = arith.constant 0 : i32
          %dma_start3A_427 = tpu.memref_slice %arg4[%add3A_399, %dma_start3A_426] : memref<2560x640xi32, #tpu.memory_space<hbm>> -> memref<2x640xi32, #tpu.memory_space<hbm>>
          %dma_start3A_428 = arith.constant 0 : i32
          %dma_start3A_429 = arith.constant 0 : i32
          %dma_start3A_430 = tpu.memref_slice %arg11[%select_n3A_265, %dma_start3A_428, %dma_start3A_429] : memref<2x2x640xi32, #tpu.memory_space<vmem>> -> memref<1x2x640xi32, #tpu.memory_space<vmem>>
          %dma_start3A_431 = tpu.memref_squeeze %dma_start3A_430 : memref<1x2x640xi32, #tpu.memory_space<vmem>> -> memref<2x640xi32, #tpu.memory_space<vmem>>
          %dma_start3A_432 = arith.constant 0 : i32
          %dma_start3A_433 = tpu.memref_slice %arg4[%add3A_399, %dma_start3A_432] : memref<2560x640xi32, #tpu.memory_space<hbm>> -> memref<2x640xi32, #tpu.memory_space<hbm>>
          tpu.enqueue_dma source(%dma_start3A_433 : memref<2x640xi32, #tpu.memory_space<hbm>>) target(%dma_start3A_431 : memref<2x640xi32, #tpu.memory_space<vmem>>) target_semaphore(%arg18 : memref<!tpu.dma_semaphore, #tpu.memory_space<semaphore_mem>>)
        } else {
        }
        %dma_start3A_410 = arith.constant 0 : i32
        %dma_start3A_411 = arith.constant 0 : i32
        %dma_start3A_412 = tpu.memref_slice %arg12[%select_n3A_265, %dma_start3A_410, %dma_start3A_411] : memref<2x2x640xi32, #tpu.memory_space<vmem>> -> memref<1x2x640xi32, #tpu.memory_space<vmem>>
        %dma_start3A_413 = tpu.memref_squeeze %dma_start3A_412 : memref<1x2x640xi32, #tpu.memory_space<vmem>> -> memref<2x640xi32, #tpu.memory_space<vmem>>
        %dma_start3A_414 = arith.constant 0 : i32
        %dma_start3A_415 = tpu.memref_slice %arg5[%add3A_399, %dma_start3A_414] : memref<2560x640xi32, #tpu.memory_space<hbm>> -> memref<2x640xi32, #tpu.memory_space<hbm>>
        %dma_start3A_416 = arith.constant 0 : i32
        %dma_start3A_417 = arith.constant 0 : i32
        %dma_start3A_418 = tpu.memref_slice %arg12[%select_n3A_265, %dma_start3A_416, %dma_start3A_417] : memref<2x2x640xi32, #tpu.memory_space<vmem>> -> memref<1x2x640xi32, #tpu.memory_space<vmem>>
        %dma_start3A_419 = tpu.memref_squeeze %dma_start3A_418 : memref<1x2x640xi32, #tpu.memory_space<vmem>> -> memref<2x640xi32, #tpu.memory_space<vmem>>
        %dma_start3A_420 = arith.constant 0 : i32
        %dma_start3A_421 = tpu.memref_slice %arg5[%add3A_399, %dma_start3A_420] : memref<2560x640xi32, #tpu.memory_space<hbm>> -> memref<2x640xi32, #tpu.memory_space<hbm>>
        tpu.enqueue_dma source(%dma_start3A_421 : memref<2x640xi32, #tpu.memory_space<hbm>>) target(%dma_start3A_419 : memref<2x640xi32, #tpu.memory_space<vmem>>) target_semaphore(%arg18 : memref<!tpu.dma_semaphore, #tpu.memory_space<semaphore_mem>>)
      } else {
      }
      %dma_start3A_323 = arith.constant 1 : i32
      %dma_start3A_324 = arith.constant 1 : i32
      %dma_start3A_325 = arith.constant 0 : i32
      %dma_start3A_326 = arith.constant 0 : i32
      %dma_start3A_327 = tpu.memref_slice %arg13[%dma_start3A_324, %dma_start3A_325, %dma_start3A_326] : memref<2x640x16xf32, #tpu.memory_space<vmem>> -> memref<1x640x16xf32, #tpu.memory_space<vmem>>
      %dma_start3A_328 = tpu.memref_squeeze %dma_start3A_327 : memref<1x640x16xf32, #tpu.memory_space<vmem>> -> memref<640x16xf32, #tpu.memory_space<vmem>>
      %dma_start3A_329 = arith.constant 0 : i32
      %dma_start3A_330 = arith.constant 0 : i32
      %dma_start3A_331 = tpu.memref_slice %arg11[%select_n3A_247, %dma_start3A_329, %dma_start3A_330] : memref<2x2x640xi32, #tpu.memory_space<vmem>> -> memref<1x2x640xi32, #tpu.memory_space<vmem>>
      %dma_start3A_332 = tpu.memref_squeeze %dma_start3A_331 : memref<1x2x640xi32, #tpu.memory_space<vmem>> -> memref<2x640xi32, #tpu.memory_space<vmem>>
      %dma_start3A_333 = arith.constant 0 : i32
      %dma_start3A_334 = tpu.memref_slice %dma_start3A_332[%dma_start3A_323, %dma_start3A_333] : memref<2x640xi32, #tpu.memory_space<vmem>> -> memref<1x640xi32, #tpu.memory_space<vmem>>
      %dma_start3A_335 = tpu.memref_squeeze %dma_start3A_334 : memref<1x640xi32, #tpu.memory_space<vmem>> -> memref<640xi32, #tpu.memory_space<vmem>>
      %dma_start3A_336 = arith.constant 0 : i32
      %dma_start3A_337 = arith.constant 0 : i32
      %dma_start3A_338 = tpu.memref_slice %arg2[%dma_start3A_336, %dma_start3A_337] : memref<201728x16xf32, #tpu.memory_space<hbm>> -> memref<201728x16xf32, #tpu.memory_space<hbm>>
      tpu.enqueue_indirect_dma source(%dma_start3A_338 : memref<201728x16xf32, #tpu.memory_space<hbm>>) target(%dma_start3A_328 : memref<640x16xf32, #tpu.memory_space<vmem>>) offsets(%dma_start3A_335 : memref<640xi32, #tpu.memory_space<vmem>>) semaphore(%arg15 : memref<!tpu.dma_semaphore, #tpu.memory_space<semaphore_mem>>)
      %dma_wait3A_339 = arith.constant 0 : i32
      %dma_wait3A_340 = arith.constant 0 : i32
      %dma_wait3A_341 = arith.constant 1 : i32
      %dma_wait3A_342 = arith.constant 0 : i32
      %dma_wait3A_343 = arith.constant 0 : i32
      %dma_wait3A_344 = tpu.memref_slice %arg13[%dma_wait3A_341, %dma_wait3A_342, %dma_wait3A_343] : memref<2x640x16xf32, #tpu.memory_space<vmem>> -> memref<1x640x16xf32, #tpu.memory_space<vmem>>
      %dma_wait3A_345 = tpu.memref_squeeze %dma_wait3A_344 : memref<1x640x16xf32, #tpu.memory_space<vmem>> -> memref<640x16xf32, #tpu.memory_space<vmem>>
      %dma_wait3A_346 = arith.constant 0 : i32
      %dma_wait3A_347 = arith.constant 0 : i32
      %dma_wait3A_348 = tpu.memref_slice %arg11[%dma_wait3A_339, %dma_wait3A_346, %dma_wait3A_347] : memref<2x2x640xi32, #tpu.memory_space<vmem>> -> memref<1x2x640xi32, #tpu.memory_space<vmem>>
      %dma_wait3A_349 = tpu.memref_squeeze %dma_wait3A_348 : memref<1x2x640xi32, #tpu.memory_space<vmem>> -> memref<2x640xi32, #tpu.memory_space<vmem>>
      %dma_wait3A_350 = arith.constant 0 : i32
      %dma_wait3A_351 = tpu.memref_slice %dma_wait3A_349[%dma_wait3A_340, %dma_wait3A_350] : memref<2x640xi32, #tpu.memory_space<vmem>> -> memref<1x640xi32, #tpu.memory_space<vmem>>
      %dma_wait3A_352 = tpu.memref_squeeze %dma_wait3A_351 : memref<1x640xi32, #tpu.memory_space<vmem>> -> memref<640xi32, #tpu.memory_space<vmem>>
      %dma_wait3A_353 = arith.constant 0 : i32
      %dma_wait3A_354 = arith.constant 0 : i32
      %dma_wait3A_355 = tpu.memref_slice %arg2[%dma_wait3A_353, %dma_wait3A_354] : memref<201728x16xf32, #tpu.memory_space<hbm>> -> memref<201728x16xf32, #tpu.memory_space<hbm>>
      tpu.wait_indirect_dma semaphore(%arg15 : memref<!tpu.dma_semaphore, #tpu.memory_space<semaphore_mem>>) src(%dma_wait3A_355 : memref<201728x16xf32, #tpu.memory_space<hbm>>) dst(%dma_wait3A_345 : memref<640x16xf32, #tpu.memory_space<vmem>>)
      %dma_start3A_356 = arith.constant 1 : i32
      %dma_start3A_357 = arith.constant 1 : i32
      %dma_start3A_358 = arith.constant 0 : i32
      %dma_start3A_359 = arith.constant 0 : i32
      %dma_start3A_360 = tpu.memref_slice %arg13[%dma_start3A_356, %dma_start3A_358, %dma_start3A_359] : memref<2x640x16xf32, #tpu.memory_space<vmem>> -> memref<1x640x16xf32, #tpu.memory_space<vmem>>
      %dma_start3A_361 = tpu.memref_squeeze %dma_start3A_360 : memref<1x640x16xf32, #tpu.memory_space<vmem>> -> memref<640x16xf32, #tpu.memory_space<vmem>>
      %dma_start3A_362 = arith.constant 0 : i32
      %dma_start3A_363 = arith.constant 0 : i32
      %dma_start3A_364 = tpu.memref_slice %arg12[%select_n3A_247, %dma_start3A_362, %dma_start3A_363] : memref<2x2x640xi32, #tpu.memory_space<vmem>> -> memref<1x2x640xi32, #tpu.memory_space<vmem>>
      %dma_start3A_365 = tpu.memref_squeeze %dma_start3A_364 : memref<1x2x640xi32, #tpu.memory_space<vmem>> -> memref<2x640xi32, #tpu.memory_space<vmem>>
      %dma_start3A_366 = arith.constant 0 : i32
      %dma_start3A_367 = tpu.memref_slice %dma_start3A_365[%dma_start3A_357, %dma_start3A_366] : memref<2x640xi32, #tpu.memory_space<vmem>> -> memref<1x640xi32, #tpu.memory_space<vmem>>
      %dma_start3A_368 = tpu.memref_squeeze %dma_start3A_367 : memref<1x640xi32, #tpu.memory_space<vmem>> -> memref<640xi32, #tpu.memory_space<vmem>>
      %dma_start3A_369 = arith.constant 0 : i32
      %dma_start3A_370 = arith.constant 0 : i32
      %dma_start3A_371 = tpu.memref_slice %arg10[%dma_start3A_369, %dma_start3A_370] : memref<100864x16xf32, #tpu.memory_space<vmem_shared>> -> memref<100864x16xf32, #tpu.memory_space<vmem_shared>>
      tpu.enqueue_indirect_dma source(%dma_start3A_361 : memref<640x16xf32, #tpu.memory_space<vmem>>) target(%dma_start3A_371 : memref<100864x16xf32, #tpu.memory_space<vmem_shared>>) offsets(%dma_start3A_368 : memref<640xi32, #tpu.memory_space<vmem>>) semaphore(%arg17 : memref<!tpu.dma_semaphore, #tpu.memory_space<semaphore_mem>>) {add = true}
      %dma_wait3A_372 = arith.constant 0 : i32
      %dma_wait3A_373 = arith.constant 0 : i32
      %dma_wait3A_374 = arith.constant 0 : i32
      %dma_wait3A_375 = arith.constant 0 : i32
      %dma_wait3A_376 = arith.constant 0 : i32
      %dma_wait3A_377 = tpu.memref_slice %arg13[%dma_wait3A_372, %dma_wait3A_375, %dma_wait3A_376] : memref<2x640x16xf32, #tpu.memory_space<vmem>> -> memref<1x640x16xf32, #tpu.memory_space<vmem>>
      %dma_wait3A_378 = tpu.memref_squeeze %dma_wait3A_377 : memref<1x640x16xf32, #tpu.memory_space<vmem>> -> memref<640x16xf32, #tpu.memory_space<vmem>>
      %dma_wait3A_379 = arith.constant 0 : i32
      %dma_wait3A_380 = arith.constant 0 : i32
      %dma_wait3A_381 = tpu.memref_slice %arg12[%dma_wait3A_373, %dma_wait3A_379, %dma_wait3A_380] : memref<2x2x640xi32, #tpu.memory_space<vmem>> -> memref<1x2x640xi32, #tpu.memory_space<vmem>>
      %dma_wait3A_382 = tpu.memref_squeeze %dma_wait3A_381 : memref<1x2x640xi32, #tpu.memory_space<vmem>> -> memref<2x640xi32, #tpu.memory_space<vmem>>
      %dma_wait3A_383 = arith.constant 0 : i32
      %dma_wait3A_384 = tpu.memref_slice %dma_wait3A_382[%dma_wait3A_374, %dma_wait3A_383] : memref<2x640xi32, #tpu.memory_space<vmem>> -> memref<1x640xi32, #tpu.memory_space<vmem>>
      %dma_wait3A_385 = tpu.memref_squeeze %dma_wait3A_384 : memref<1x640xi32, #tpu.memory_space<vmem>> -> memref<640xi32, #tpu.memory_space<vmem>>
      %dma_wait3A_386 = arith.constant 0 : i32
      %dma_wait3A_387 = arith.constant 0 : i32
      %dma_wait3A_388 = tpu.memref_slice %arg10[%dma_wait3A_386, %dma_wait3A_387] : memref<100864x16xf32, #tpu.memory_space<vmem_shared>> -> memref<100864x16xf32, #tpu.memory_space<vmem_shared>>
      tpu.wait_indirect_dma semaphore(%arg16 : memref<!tpu.dma_semaphore, #tpu.memory_space<semaphore_mem>>) src(%dma_wait3A_378 : memref<640x16xf32, #tpu.memory_space<vmem>>) dst(%dma_wait3A_388 : memref<100864x16xf32, #tpu.memory_space<vmem_shared>>)
      %convert_element_type3A_389 = arith.extui %lt3A_269 : i1 to i32
      %cond3A_390 = arith.constant 0 : i32
      %cond3A_391 = arith.cmpi ne, %convert_element_type3A_389, %cond3A_390 : i32
      scf.if %cond3A_391 {
        %dma_wait3A_393 = arith.constant 0 : i32
        %dma_wait3A_394 = arith.constant 0 : i32
        %dma_wait3A_395 = tpu.memref_slice %arg11[%select_n3A_265, %dma_wait3A_393, %dma_wait3A_394] : memref<2x2x640xi32, #tpu.memory_space<vmem>> -> memref<1x2x640xi32, #tpu.memory_space<vmem>>
        %dma_wait3A_396 = tpu.memref_squeeze %dma_wait3A_395 : memref<1x2x640xi32, #tpu.memory_space<vmem>> -> memref<2x640xi32, #tpu.memory_space<vmem>>
        %dma_wait3A_397 = arith.constant 0 : i32
        %dma_wait3A_398 = arith.constant 0 : i32
        %dma_wait3A_399 = tpu.memref_slice %arg3[%dma_wait3A_397, %dma_wait3A_398] : memref<2560x640xi32, #tpu.memory_space<hbm>> -> memref<2x640xi32, #tpu.memory_space<hbm>>
        %dma_wait3A_400 = arith.constant 0 : i32
        %dma_wait3A_401 = arith.constant 0 : i32
        %dma_wait3A_402 = tpu.memref_slice %arg11[%select_n3A_265, %dma_wait3A_400, %dma_wait3A_401] : memref<2x2x640xi32, #tpu.memory_space<vmem>> -> memref<1x2x640xi32, #tpu.memory_space<vmem>>
        %dma_wait3A_403 = tpu.memref_squeeze %dma_wait3A_402 : memref<1x2x640xi32, #tpu.memory_space<vmem>> -> memref<2x640xi32, #tpu.memory_space<vmem>>
        %dma_wait3A_404 = arith.constant 0 : i32
        %dma_wait3A_405 = arith.constant 0 : i32
        %dma_wait3A_406 = tpu.memref_slice %arg3[%dma_wait3A_404, %dma_wait3A_405] : memref<2560x640xi32, #tpu.memory_space<hbm>> -> memref<2x640xi32, #tpu.memory_space<hbm>>
        tpu.wait_dma2 semaphore(%arg18 : memref<!tpu.dma_semaphore, #tpu.memory_space<semaphore_mem>>) src(%dma_wait3A_406 : memref<2x640xi32, #tpu.memory_space<hbm>>) dst(%dma_wait3A_403 : memref<2x640xi32, #tpu.memory_space<vmem>>)
        %dma_wait3A_407 = arith.constant 0 : i32
        %dma_wait3A_408 = arith.constant 0 : i32
        %dma_wait3A_409 = tpu.memref_slice %arg12[%select_n3A_265, %dma_wait3A_407, %dma_wait3A_408] : memref<2x2x640xi32, #tpu.memory_space<vmem>> -> memref<1x2x640xi32, #tpu.memory_space<vmem>>
        %dma_wait3A_410 = tpu.memref_squeeze %dma_wait3A_409 : memref<1x2x640xi32, #tpu.memory_space<vmem>> -> memref<2x640xi32, #tpu.memory_space<vmem>>
        %dma_wait3A_411 = arith.constant 0 : i32
        %dma_wait3A_412 = arith.constant 0 : i32
        %dma_wait3A_413 = tpu.memref_slice %arg5[%dma_wait3A_411, %dma_wait3A_412] : memref<2560x640xi32, #tpu.memory_space<hbm>> -> memref<2x640xi32, #tpu.memory_space<hbm>>
        %dma_wait3A_414 = arith.constant 0 : i32
        %dma_wait3A_415 = arith.constant 0 : i32
        %dma_wait3A_416 = tpu.memref_slice %arg12[%select_n3A_265, %dma_wait3A_414, %dma_wait3A_415] : memref<2x2x640xi32, #tpu.memory_space<vmem>> -> memref<1x2x640xi32, #tpu.memory_space<vmem>>
        %dma_wait3A_417 = tpu.memref_squeeze %dma_wait3A_416 : memref<1x2x640xi32, #tpu.memory_space<vmem>> -> memref<2x640xi32, #tpu.memory_space<vmem>>
        %dma_wait3A_418 = arith.constant 0 : i32
        %dma_wait3A_419 = arith.constant 0 : i32
        %dma_wait3A_420 = tpu.memref_slice %arg5[%dma_wait3A_418, %dma_wait3A_419] : memref<2560x640xi32, #tpu.memory_space<hbm>> -> memref<2x640xi32, #tpu.memory_space<hbm>>
        tpu.wait_dma2 semaphore(%arg18 : memref<!tpu.dma_semaphore, #tpu.memory_space<semaphore_mem>>) src(%dma_wait3A_420 : memref<2x640xi32, #tpu.memory_space<hbm>>) dst(%dma_wait3A_417 : memref<2x640xi32, #tpu.memory_space<vmem>>)
        %dma_start3A_421 = arith.constant 0 : i32
        %dma_start3A_422 = arith.constant 0 : i32
        %dma_start3A_423 = arith.constant 0 : i32
        %dma_start3A_424 = arith.constant 0 : i32
        %dma_start3A_425 = tpu.memref_slice %arg13[%dma_start3A_422, %dma_start3A_423, %dma_start3A_424] : memref<2x640x16xf32, #tpu.memory_space<vmem>> -> memref<1x640x16xf32, #tpu.memory_space<vmem>>
        %dma_start3A_426 = tpu.memref_squeeze %dma_start3A_425 : memref<1x640x16xf32, #tpu.memory_space<vmem>> -> memref<640x16xf32, #tpu.memory_space<vmem>>
        %dma_start3A_427 = arith.constant 0 : i32
        %dma_start3A_428 = arith.constant 0 : i32
        %dma_start3A_429 = tpu.memref_slice %arg11[%select_n3A_265, %dma_start3A_427, %dma_start3A_428] : memref<2x2x640xi32, #tpu.memory_space<vmem>> -> memref<1x2x640xi32, #tpu.memory_space<vmem>>
        %dma_start3A_430 = tpu.memref_squeeze %dma_start3A_429 : memref<1x2x640xi32, #tpu.memory_space<vmem>> -> memref<2x640xi32, #tpu.memory_space<vmem>>
        %dma_start3A_431 = arith.constant 0 : i32
        %dma_start3A_432 = tpu.memref_slice %dma_start3A_430[%dma_start3A_421, %dma_start3A_431] : memref<2x640xi32, #tpu.memory_space<vmem>> -> memref<1x640xi32, #tpu.memory_space<vmem>>
        %dma_start3A_433 = tpu.memref_squeeze %dma_start3A_432 : memref<1x640xi32, #tpu.memory_space<vmem>> -> memref<640xi32, #tpu.memory_space<vmem>>
        %dma_start3A_434 = arith.constant 0 : i32
        %dma_start3A_435 = arith.constant 0 : i32
        %dma_start3A_436 = tpu.memref_slice %arg2[%dma_start3A_434, %dma_start3A_435] : memref<201728x16xf32, #tpu.memory_space<hbm>> -> memref<201728x16xf32, #tpu.memory_space<hbm>>
        tpu.enqueue_indirect_dma source(%dma_start3A_436 : memref<201728x16xf32, #tpu.memory_space<hbm>>) target(%dma_start3A_426 : memref<640x16xf32, #tpu.memory_space<vmem>>) offsets(%dma_start3A_433 : memref<640xi32, #tpu.memory_space<vmem>>) semaphore(%arg14 : memref<!tpu.dma_semaphore, #tpu.memory_space<semaphore_mem>>)
      } else {
      }
      %scan3A_392 = arith.constant 0 : i32
      scf.yield %scan3A_392 : i32
    }
    %scan3A_207 = arith.constant 79 : i32
    %dma_wait3A_208 = arith.constant 1 : i32
    %dma_wait3A_209 = arith.constant 0 : i32
    %dma_wait3A_210 = arith.constant 0 : i32
    %dma_wait3A_211 = arith.constant 0 : i32
    %dma_wait3A_212 = arith.constant 0 : i32
    %dma_wait3A_213 = tpu.memref_slice %arg13[%dma_wait3A_208, %dma_wait3A_211, %dma_wait3A_212] : memref<2x640x16xf32, #tpu.memory_space<vmem>> -> memref<1x640x16xf32, #tpu.memory_space<vmem>>
    %dma_wait3A_214 = tpu.memref_squeeze %dma_wait3A_213 : memref<1x640x16xf32, #tpu.memory_space<vmem>> -> memref<640x16xf32, #tpu.memory_space<vmem>>
    %dma_wait3A_215 = arith.constant 0 : i32
    %dma_wait3A_216 = arith.constant 0 : i32
    %dma_wait3A_217 = tpu.memref_slice %arg12[%dma_wait3A_209, %dma_wait3A_215, %dma_wait3A_216] : memref<2x2x640xi32, #tpu.memory_space<vmem>> -> memref<1x2x640xi32, #tpu.memory_space<vmem>>
    %dma_wait3A_218 = tpu.memref_squeeze %dma_wait3A_217 : memref<1x2x640xi32, #tpu.memory_space<vmem>> -> memref<2x640xi32, #tpu.memory_space<vmem>>
    %dma_wait3A_219 = arith.constant 0 : i32
    %dma_wait3A_220 = tpu.memref_slice %dma_wait3A_218[%dma_wait3A_210, %dma_wait3A_219] : memref<2x640xi32, #tpu.memory_space<vmem>> -> memref<1x640xi32, #tpu.memory_space<vmem>>
    %dma_wait3A_221 = tpu.memref_squeeze %dma_wait3A_220 : memref<1x640xi32, #tpu.memory_space<vmem>> -> memref<640xi32, #tpu.memory_space<vmem>>
    %dma_wait3A_222 = arith.constant 0 : i32
    %dma_wait3A_223 = arith.constant 0 : i32
    %dma_wait3A_224 = tpu.memref_slice %arg10[%dma_wait3A_222, %dma_wait3A_223] : memref<100864x16xf32, #tpu.memory_space<vmem_shared>> -> memref<100864x16xf32, #tpu.memory_space<vmem_shared>>
    tpu.wait_indirect_dma semaphore(%arg17 : memref<!tpu.dma_semaphore, #tpu.memory_space<semaphore_mem>>) src(%dma_wait3A_214 : memref<640x16xf32, #tpu.memory_space<vmem>>) dst(%dma_wait3A_224 : memref<100864x16xf32, #tpu.memory_space<vmem_shared>>)
    %barrier3A_225 = arith.constant 0 : index
    tpu.barrier barrier_id(%barrier3A_225)
    %eq3A_226 = arith.constant 0 : i32
    %eq3A_227 = arith.cmpi eq, %arg0, %eq3A_226 : i32
    %convert_element_type3A_228 = arith.extui %eq3A_227 : i1 to i32
    %cond3A_229 = arith.constant 0 : i32
    %cond3A_230 = arith.cmpi ne, %convert_element_type3A_228, %cond3A_229 : i32
    scf.if %cond3A_230 {
      "tpu.region"() ({
        %run_scoped3A_236 = tpu.sem_alloc : memref<!tpu.dma_semaphore, #tpu.memory_space<semaphore_mem>>
        %dma_start3A_237 = arith.constant 0 : i32
        %dma_start3A_238 = tpu.memref_slice %arg8[%mul3A_0, %dma_start3A_237] : memref<100864x16xf32, #tpu.memory_space<hbm>> -> memref<6304x16xf32, #tpu.memory_space<hbm>>
        %dma_start3A_239 = arith.constant 0 : i32
        %dma_start3A_240 = tpu.memref_slice %arg10[%mul3A_0, %dma_start3A_239] : memref<100864x16xf32, #tpu.memory_space<vmem_shared>> -> memref<6304x16xf32, #tpu.memory_space<vmem_shared>>
        tpu.enqueue_dma source(%dma_start3A_240 : memref<6304x16xf32, #tpu.memory_space<vmem_shared>>) target(%dma_start3A_238 : memref<6304x16xf32, #tpu.memory_space<hbm>>) target_semaphore(%run_scoped3A_236 : memref<!tpu.dma_semaphore, #tpu.memory_space<semaphore_mem>>)
        %dma_wait3A_241 = arith.constant 0 : i32
        %dma_wait3A_242 = tpu.memref_slice %arg8[%mul3A_0, %dma_wait3A_241] : memref<100864x16xf32, #tpu.memory_space<hbm>> -> memref<6304x16xf32, #tpu.memory_space<hbm>>
        %dma_wait3A_243 = arith.constant 0 : i32
        %dma_wait3A_244 = tpu.memref_slice %arg10[%mul3A_0, %dma_wait3A_243] : memref<100864x16xf32, #tpu.memory_space<vmem_shared>> -> memref<6304x16xf32, #tpu.memory_space<vmem_shared>>
        tpu.wait_dma2 semaphore(%run_scoped3A_236 : memref<!tpu.dma_semaphore, #tpu.memory_space<semaphore_mem>>) src(%dma_wait3A_244 : memref<6304x16xf32, #tpu.memory_space<vmem_shared>>) dst(%dma_wait3A_242 : memref<6304x16xf32, #tpu.memory_space<hbm>>)
        tpu.yield
      }) : () -> ()
    } else {
    }
    %eq3A_231 = arith.constant 1 : i32
    %eq3A_232 = arith.cmpi eq, %arg0, %eq3A_231 : i32
    %convert_element_type3A_233 = arith.extui %eq3A_232 : i1 to i32
    %cond3A_234 = arith.constant 0 : i32
    %cond3A_235 = arith.cmpi ne, %convert_element_type3A_233, %cond3A_234 : i32
    scf.if %cond3A_235 {
      "tpu.region"() ({
        %run_scoped3A_236 = tpu.sem_alloc : memref<!tpu.dma_semaphore, #tpu.memory_space<semaphore_mem>>
        %dma_start3A_237 = arith.constant 0 : i32
        %dma_start3A_238 = tpu.memref_slice %arg9[%mul3A_0, %dma_start3A_237] : memref<100864x16xf32, #tpu.memory_space<hbm>> -> memref<6304x16xf32, #tpu.memory_space<hbm>>
        %dma_start3A_239 = arith.constant 0 : i32
        %dma_start3A_240 = tpu.memref_slice %arg10[%mul3A_0, %dma_start3A_239] : memref<100864x16xf32, #tpu.memory_space<vmem_shared>> -> memref<6304x16xf32, #tpu.memory_space<vmem_shared>>
        tpu.enqueue_dma source(%dma_start3A_240 : memref<6304x16xf32, #tpu.memory_space<vmem_shared>>) target(%dma_start3A_238 : memref<6304x16xf32, #tpu.memory_space<hbm>>) target_semaphore(%run_scoped3A_236 : memref<!tpu.dma_semaphore, #tpu.memory_space<semaphore_mem>>)
        %dma_wait3A_241 = arith.constant 0 : i32
        %dma_wait3A_242 = tpu.memref_slice %arg9[%mul3A_0, %dma_wait3A_241] : memref<100864x16xf32, #tpu.memory_space<hbm>> -> memref<6304x16xf32, #tpu.memory_space<hbm>>
        %dma_wait3A_243 = arith.constant 0 : i32
        %dma_wait3A_244 = tpu.memref_slice %arg10[%mul3A_0, %dma_wait3A_243] : memref<100864x16xf32, #tpu.memory_space<vmem_shared>> -> memref<6304x16xf32, #tpu.memory_space<vmem_shared>>
        tpu.wait_dma2 semaphore(%run_scoped3A_236 : memref<!tpu.dma_semaphore, #tpu.memory_space<semaphore_mem>>) src(%dma_wait3A_244 : memref<6304x16xf32, #tpu.memory_space<vmem_shared>>) dst(%dma_wait3A_242 : memref<6304x16xf32, #tpu.memory_space<hbm>>)
        tpu.yield
      }) : () -> ()
    } else {
    }
    return
  }
}

#map = affine_map<(d0, d1) -> (0, 0)>
#map1 = affine_map<(d0, d1) -> (0)>
module attributes {stable_mosaic.version = 14 : i64} {
  func.func @body(%arg0: i32, %arg1: i32, %arg2: memref<201728x16xf32, #tpu.memory_space<hbm>>, %arg3: memref<2560x640xi32, #tpu.memory_space<hbm>>, %arg4: memref<2560x640xi32, #tpu.memory_space<hbm>>, %arg5: memref<2560x640xi32, #tpu.memory_space<hbm>>, %arg6: memref<100864x16xf32, #tpu.memory_space<hbm>>, %arg7: memref<100864xf32, #tpu.memory_space<hbm>>, %arg8: memref<100864x16xf32, #tpu.memory_space<hbm>>, %arg9: memref<100864x16xf32, #tpu.memory_space<hbm>>, %arg10: memref<100864x16xf32, #tpu.memory_space<vmem_shared>>, %arg11: memref<2x2x640xi32, #tpu.memory_space<vmem>>, %arg12: memref<2x2x640xi32, #tpu.memory_space<vmem>>, %arg13: memref<2x640x16xf32, #tpu.memory_space<vmem>>, %arg14: memref<!tpu.dma_semaphore, #tpu.memory_space<semaphore_mem>>, %arg15: memref<!tpu.dma_semaphore, #tpu.memory_space<semaphore_mem>>, %arg16: memref<!tpu.dma_semaphore, #tpu.memory_space<semaphore_mem>>, %arg17: memref<!tpu.dma_semaphore, #tpu.memory_space<semaphore_mem>>, %arg18: memref<!tpu.dma_semaphore, #tpu.memory_space<semaphore_mem>>) attributes {dimension_semantics = [#tpu.dimension_semantics<core_parallel>, #tpu.dimension_semantics<subcore_parallel>], iteration_bounds = array<i64: 2, 16>, scalar_prefetch = 0 : i64, scratch_operands = 9 : i64, tpu.core_type = #tpu.core_type<sc_vector_subcore>, window_params = [{transform_indices = #map}, {transform_indices = #map}, {transform_indices = #map}, {transform_indices = #map}, {transform_indices = #map}, {transform_indices = #map1}, {transform_indices = #map}, {transform_indices = #map}]} {
    %mul3A = arith.constant 6304 : i32
    %mul3A_0 = arith.muli %arg1, %mul3A : i32
    "tpu.region"() ({
      %run_scoped3A_236 = tpu.sem_alloc : memref<!tpu.dma_semaphore, #tpu.memory_space<semaphore_mem>>
      %dma_start3A_237 = arith.constant 0 : i32
      %dma_start3A_238 = tpu.memref_slice %arg10[%mul3A_0, %dma_start3A_237] : memref<100864x16xf32, #tpu.memory_space<vmem_shared>> -> memref<6304x16xf32, #tpu.memory_space<vmem_shared>>
      %dma_start3A_239 = arith.constant 0 : i32
      %dma_start3A_240 = tpu.memref_slice %arg6[%mul3A_0, %dma_start3A_239] : memref<100864x16xf32, #tpu.memory_space<hbm>> -> memref<6304x16xf32, #tpu.memory_space<hbm>>
      tpu.enqueue_dma source(%dma_start3A_240 : memref<6304x16xf32, #tpu.memory_space<hbm>>) target(%dma_start3A_238 : memref<6304x16xf32, #tpu.memory_space<vmem_shared>>) target_semaphore(%run_scoped3A_236 : memref<!tpu.dma_semaphore, #tpu.memory_space<semaphore_mem>>)
      %dma_wait3A_241 = arith.constant 0 : i32
      %dma_wait3A_242 = tpu.memref_slice %arg10[%mul3A_0, %dma_wait3A_241] : memref<100864x16xf32, #tpu.memory_space<vmem_shared>> -> memref<6304x16xf32, #tpu.memory_space<vmem_shared>>
      %dma_wait3A_243 = arith.constant 0 : i32
      %dma_wait3A_244 = tpu.memref_slice %arg6[%mul3A_0, %dma_wait3A_243] : memref<100864x16xf32, #tpu.memory_space<hbm>> -> memref<6304x16xf32, #tpu.memory_space<hbm>>
      tpu.wait_dma2 semaphore(%run_scoped3A_236 : memref<!tpu.dma_semaphore, #tpu.memory_space<semaphore_mem>>) src(%dma_wait3A_244 : memref<6304x16xf32, #tpu.memory_space<hbm>>) dst(%dma_wait3A_242 : memref<6304x16xf32, #tpu.memory_space<vmem_shared>>)
      tpu.yield
    }) : () -> ()
    %barrier3A = arith.constant 0 : index
    tpu.barrier barrier_id(%barrier3A)
    %mul3A_1 = arith.constant 160 : i32
    %mul3A_2 = arith.muli %arg1, %mul3A_1 : i32
    %add3A = arith.constant 0 : i32
    %add3A_3 = arith.addi %mul3A_2, %add3A : i32
    %eq3A = arith.constant 0 : i32
    %eq3A_4 = arith.cmpi eq, %arg0, %eq3A : i32
    %convert_element_type3A = arith.extui %eq3A_4 : i1 to i32
    %cond3A = arith.constant 0 : i32
    %cond3A_5 = arith.cmpi ne, %convert_element_type3A, %cond3A : i32
    scf.if %cond3A_5 {
      %run_scoped3A_236 = arith.constant 0 : i32
      "tpu.region"() ({
        %run_scoped3A_237 = tpu.sem_alloc : memref<!tpu.dma_semaphore, #tpu.memory_space<semaphore_mem>>
        %dma_start3A_238 = arith.constant 0 : i32
        %dma_start3A_239 = arith.constant 0 : i32
        %dma_start3A_240 = tpu.memref_slice %arg11[%run_scoped3A_236, %dma_start3A_238, %dma_start3A_239] : memref<2x2x640xi32, #tpu.memory_space<vmem>> -> memref<1x2x640xi32, #tpu.memory_space<vmem>>
        %dma_start3A_241 = tpu.memref_squeeze %dma_start3A_240 : memref<1x2x640xi32, #tpu.memory_space<vmem>> -> memref<2x640xi32, #tpu.memory_space<vmem>>
        %dma_start3A_242 = arith.constant 0 : i32
        %dma_start3A_243 = tpu.memref_slice %arg3[%add3A_3, %dma_start3A_242] : memref<2560x640xi32, #tpu.memory_space<hbm>> -> memref<2x640xi32, #tpu.memory_space<hbm>>
        %dma_start3A_244 = arith.constant 0 : i32
        %dma_start3A_245 = arith.constant 0 : i32
        %dma_start3A_246 = tpu.memref_slice %arg11[%run_scoped3A_236, %dma_start3A_244, %dma_start3A_245] : memref<2x2x640xi32, #tpu.memory_space<vmem>> -> memref<1x2x640xi32, #tpu.memory_space<vmem>>
        %dma_start3A_247 = tpu.memref_squeeze %dma_start3A_246 : memref<1x2x640xi32, #tpu.memory_space<vmem>> -> memref<2x640xi32, #tpu.memory_space<vmem>>
        %dma_start3A_248 = arith.constant 0 : i32
        %dma_start3A_249 = tpu.memref_slice %arg3[%add3A_3, %dma_start3A_248] : memref<2560x640xi32, #tpu.memory_space<hbm>> -> memref<2x640xi32, #tpu.memory_space<hbm>>
        tpu.enqueue_dma source(%dma_start3A_249 : memref<2x640xi32, #tpu.memory_space<hbm>>) target(%dma_start3A_247 : memref<2x640xi32, #tpu.memory_space<vmem>>) target_semaphore(%run_scoped3A_237 : memref<!tpu.dma_semaphore, #tpu.memory_space<semaphore_mem>>)
        %dma_wait3A_250 = arith.constant 0 : i32
        %dma_wait3A_251 = arith.constant 0 : i32
        %dma_wait3A_252 = tpu.memref_slice %arg11[%run_scoped3A_236, %dma_wait3A_250, %dma_wait3A_251] : memref<2x2x640xi32, #tpu.memory_space<vmem>> -> memref<1x2x640xi32, #tpu.memory_space<vmem>>
        %dma_wait3A_253 = tpu.memref_squeeze %dma_wait3A_252 : memref<1x2x640xi32, #tpu.memory_space<vmem>> -> memref<2x640xi32, #tpu.memory_space<vmem>>
        %dma_wait3A_254 = arith.constant 0 : i32
        %dma_wait3A_255 = tpu.memref_slice %arg3[%add3A_3, %dma_wait3A_254] : memref<2560x640xi32, #tpu.memory_space<hbm>> -> memref<2x640xi32, #tpu.memory_space<hbm>>
        %dma_wait3A_256 = arith.constant 0 : i32
        %dma_wait3A_257 = arith.constant 0 : i32
        %dma_wait3A_258 = tpu.memref_slice %arg11[%run_scoped3A_236, %dma_wait3A_256, %dma_wait3A_257] : memref<2x2x640xi32, #tpu.memory_space<vmem>> -> memref<1x2x640xi32, #tpu.memory_space<vmem>>
        %dma_wait3A_259 = tpu.memref_squeeze %dma_wait3A_258 : memref<1x2x640xi32, #tpu.memory_space<vmem>> -> memref<2x640xi32, #tpu.memory_space<vmem>>
        %dma_wait3A_260 = arith.constant 0 : i32
        %dma_wait3A_261 = tpu.memref_slice %arg3[%add3A_3, %dma_wait3A_260] : memref<2560x640xi32, #tpu.memory_space<hbm>> -> memref<2x640xi32, #tpu.memory_space<hbm>>
        tpu.wait_dma2 semaphore(%run_scoped3A_237 : memref<!tpu.dma_semaphore, #tpu.memory_space<semaphore_mem>>) src(%dma_wait3A_261 : memref<2x640xi32, #tpu.memory_space<hbm>>) dst(%dma_wait3A_259 : memref<2x640xi32, #tpu.memory_space<vmem>>)
        tpu.yield
      }) : () -> ()
    } else {
    }
    %eq3A_6 = arith.constant 1 : i32
    %eq3A_7 = arith.cmpi eq, %arg0, %eq3A_6 : i32
    %convert_element_type3A_8 = arith.extui %eq3A_7 : i1 to i32
    %cond3A_9 = arith.constant 0 : i32
    %cond3A_10 = arith.cmpi ne, %convert_element_type3A_8, %cond3A_9 : i32
    scf.if %cond3A_10 {
      %run_scoped3A_236 = arith.constant 0 : i32
      "tpu.region"() ({
        %run_scoped3A_237 = tpu.sem_alloc : memref<!tpu.dma_semaphore, #tpu.memory_space<semaphore_mem>>
        %dma_start3A_238 = arith.constant 0 : i32
        %dma_start3A_239 = arith.constant 0 : i32
        %dma_start3A_240 = tpu.memref_slice %arg11[%run_scoped3A_236, %dma_start3A_238, %dma_start3A_239] : memref<2x2x640xi32, #tpu.memory_space<vmem>> -> memref<1x2x640xi32, #tpu.memory_space<vmem>>
        %dma_start3A_241 = tpu.memref_squeeze %dma_start3A_240 : memref<1x2x640xi32, #tpu.memory_space<vmem>> -> memref<2x640xi32, #tpu.memory_space<vmem>>
        %dma_start3A_242 = arith.constant 0 : i32
        %dma_start3A_243 = tpu.memref_slice %arg4[%add3A_3, %dma_start3A_242] : memref<2560x640xi32, #tpu.memory_space<hbm>> -> memref<2x640xi32, #tpu.memory_space<hbm>>
        %dma_start3A_244 = arith.constant 0 : i32
        %dma_start3A_245 = arith.constant 0 : i32
        %dma_start3A_246 = tpu.memref_slice %arg11[%run_scoped3A_236, %dma_start3A_244, %dma_start3A_245] : memref<2x2x640xi32, #tpu.memory_space<vmem>> -> memref<1x2x640xi32, #tpu.memory_space<vmem>>
        %dma_start3A_247 = tpu.memref_squeeze %dma_start3A_246 : memref<1x2x640xi32, #tpu.memory_space<vmem>> -> memref<2x640xi32, #tpu.memory_space<vmem>>
        %dma_start3A_248 = arith.constant 0 : i32
        %dma_start3A_249 = tpu.memref_slice %arg4[%add3A_3, %dma_start3A_248] : memref<2560x640xi32, #tpu.memory_space<hbm>> -> memref<2x640xi32, #tpu.memory_space<hbm>>
        tpu.enqueue_dma source(%dma_start3A_249 : memref<2x640xi32, #tpu.memory_space<hbm>>) target(%dma_start3A_247 : memref<2x640xi32, #tpu.memory_space<vmem>>) target_semaphore(%run_scoped3A_237 : memref<!tpu.dma_semaphore, #tpu.memory_space<semaphore_mem>>)
        %dma_wait3A_250 = arith.constant 0 : i32
        %dma_wait3A_251 = arith.constant 0 : i32
        %dma_wait3A_252 = tpu.memref_slice %arg11[%run_scoped3A_236, %dma_wait3A_250, %dma_wait3A_251] : memref<2x2x640xi32, #tpu.memory_space<vmem>> -> memref<1x2x640xi32, #tpu.memory_space<vmem>>
        %dma_wait3A_253 = tpu.memref_squeeze %dma_wait3A_252 : memref<1x2x640xi32, #tpu.memory_space<vmem>> -> memref<2x640xi32, #tpu.memory_space<vmem>>
        %dma_wait3A_254 = arith.constant 0 : i32
        %dma_wait3A_255 = tpu.memref_slice %arg4[%add3A_3, %dma_wait3A_254] : memref<2560x640xi32, #tpu.memory_space<hbm>> -> memref<2x640xi32, #tpu.memory_space<hbm>>
        %dma_wait3A_256 = arith.constant 0 : i32
        %dma_wait3A_257 = arith.constant 0 : i32
        %dma_wait3A_258 = tpu.memref_slice %arg11[%run_scoped3A_236, %dma_wait3A_256, %dma_wait3A_257] : memref<2x2x640xi32, #tpu.memory_space<vmem>> -> memref<1x2x640xi32, #tpu.memory_space<vmem>>
        %dma_wait3A_259 = tpu.memref_squeeze %dma_wait3A_258 : memref<1x2x640xi32, #tpu.memory_space<vmem>> -> memref<2x640xi32, #tpu.memory_space<vmem>>
        %dma_wait3A_260 = arith.constant 0 : i32
        %dma_wait3A_261 = tpu.memref_slice %arg4[%add3A_3, %dma_wait3A_260] : memref<2560x640xi32, #tpu.memory_space<hbm>> -> memref<2x640xi32, #tpu.memory_space<hbm>>
        tpu.wait_dma2 semaphore(%run_scoped3A_237 : memref<!tpu.dma_semaphore, #tpu.memory_space<semaphore_mem>>) src(%dma_wait3A_261 : memref<2x640xi32, #tpu.memory_space<hbm>>) dst(%dma_wait3A_259 : memref<2x640xi32, #tpu.memory_space<vmem>>)
        tpu.yield
      }) : () -> ()
    } else {
    }
    %run_scoped3A = arith.constant 0 : i32
    "tpu.region"() ({
      %run_scoped3A_236 = tpu.sem_alloc : memref<!tpu.dma_semaphore, #tpu.memory_space<semaphore_mem>>
      %dma_start3A_237 = arith.constant 0 : i32
      %dma_start3A_238 = arith.constant 0 : i32
      %dma_start3A_239 = tpu.memref_slice %arg12[%run_scoped3A, %dma_start3A_237, %dma_start3A_238] : memref<2x2x640xi32, #tpu.memory_space<vmem>> -> memref<1x2x640xi32, #tpu.memory_space<vmem>>
      %dma_start3A_240 = tpu.memref_squeeze %dma_start3A_239 : memref<1x2x640xi32, #tpu.memory_space<vmem>> -> memref<2x640xi32, #tpu.memory_space<vmem>>
      %dma_start3A_241 = arith.constant 0 : i32
      %dma_start3A_242 = tpu.memref_slice %arg5[%add3A_3, %dma_start3A_241] : memref<2560x640xi32, #tpu.memory_space<hbm>> -> memref<2x640xi32, #tpu.memory_space<hbm>>
      %dma_start3A_243 = arith.constant 0 : i32
      %dma_start3A_244 = arith.constant 0 : i32
      %dma_start3A_245 = tpu.memref_slice %arg12[%run_scoped3A, %dma_start3A_243, %dma_start3A_244] : memref<2x2x640xi32, #tpu.memory_space<vmem>> -> memref<1x2x640xi32, #tpu.memory_space<vmem>>
      %dma_start3A_246 = tpu.memref_squeeze %dma_start3A_245 : memref<1x2x640xi32, #tpu.memory_space<vmem>> -> memref<2x640xi32, #tpu.memory_space<vmem>>
      %dma_start3A_247 = arith.constant 0 : i32
      %dma_start3A_248 = tpu.memref_slice %arg5[%add3A_3, %dma_start3A_247] : memref<2560x640xi32, #tpu.memory_space<hbm>> -> memref<2x640xi32, #tpu.memory_space<hbm>>
      tpu.enqueue_dma source(%dma_start3A_248 : memref<2x640xi32, #tpu.memory_space<hbm>>) target(%dma_start3A_246 : memref<2x640xi32, #tpu.memory_space<vmem>>) target_semaphore(%run_scoped3A_236 : memref<!tpu.dma_semaphore, #tpu.memory_space<semaphore_mem>>)
      %dma_wait3A_249 = arith.constant 0 : i32
      %dma_wait3A_250 = arith.constant 0 : i32
      %dma_wait3A_251 = tpu.memref_slice %arg12[%run_scoped3A, %dma_wait3A_249, %dma_wait3A_250] : memref<2x2x640xi32, #tpu.memory_space<vmem>> -> memref<1x2x640xi32, #tpu.memory_space<vmem>>
      %dma_wait3A_252 = tpu.memref_squeeze %dma_wait3A_251 : memref<1x2x640xi32, #tpu.memory_space<vmem>> -> memref<2x640xi32, #tpu.memory_space<vmem>>
      %dma_wait3A_253 = arith.constant 0 : i32
      %dma_wait3A_254 = tpu.memref_slice %arg5[%add3A_3, %dma_wait3A_253] : memref<2560x640xi32, #tpu.memory_space<hbm>> -> memref<2x640xi32, #tpu.memory_space<hbm>>
      %dma_wait3A_255 = arith.constant 0 : i32
      %dma_wait3A_256 = arith.constant 0 : i32
      %dma_wait3A_257 = tpu.memref_slice %arg12[%run_scoped3A, %dma_wait3A_255, %dma_wait3A_256] : memref<2x2x640xi32, #tpu.memory_space<vmem>> -> memref<1x2x640xi32, #tpu.memory_space<vmem>>
      %dma_wait3A_258 = tpu.memref_squeeze %dma_wait3A_257 : memref<1x2x640xi32, #tpu.memory_space<vmem>> -> memref<2x640xi32, #tpu.memory_space<vmem>>
      %dma_wait3A_259 = arith.constant 0 : i32
      %dma_wait3A_260 = tpu.memref_slice %arg5[%add3A_3, %dma_wait3A_259] : memref<2560x640xi32, #tpu.memory_space<hbm>> -> memref<2x640xi32, #tpu.memory_space<hbm>>
      tpu.wait_dma2 semaphore(%run_scoped3A_236 : memref<!tpu.dma_semaphore, #tpu.memory_space<semaphore_mem>>) src(%dma_wait3A_260 : memref<2x640xi32, #tpu.memory_space<hbm>>) dst(%dma_wait3A_258 : memref<2x640xi32, #tpu.memory_space<vmem>>)
      tpu.yield
    }) : () -> ()
    %dma_start3A = arith.constant 0 : i32
    %dma_start3A_11 = arith.constant 0 : i32
    %dma_start3A_12 = arith.constant 0 : i32
    %dma_start3A_13 = arith.constant 0 : i32
    %dma_start3A_14 = arith.constant 0 : i32
    %dma_start3A_15 = tpu.memref_slice %arg13[%dma_start3A_12, %dma_start3A_13, %dma_start3A_14] : memref<2x640x16xf32, #tpu.memory_space<vmem>> -> memref<1x640x16xf32, #tpu.memory_space<vmem>>
    %dma_start3A_16 = tpu.memref_squeeze %dma_start3A_15 : memref<1x640x16xf32, #tpu.memory_space<vmem>> -> memref<640x16xf32, #tpu.memory_space<vmem>>
    %dma_start3A_17 = arith.constant 0 : i32
    %dma_start3A_18 = arith.constant 0 : i32
    %dma_start3A_19 = tpu.memref_slice %arg11[%dma_start3A, %dma_start3A_17, %dma_start3A_18] : memref<2x2x640xi32, #tpu.memory_space<vmem>> -> memref<1x2x640xi32, #tpu.memory_space<vmem>>
    %dma_start3A_20 = tpu.memref_squeeze %dma_start3A_19 : memref<1x2x640xi32, #tpu.memory_space<vmem>> -> memref<2x640xi32, #tpu.memory_space<vmem>>
    %dma_start3A_21 = arith.constant 0 : i32
    %dma_start3A_22 = tpu.memref_slice %dma_start3A_20[%dma_start3A_11, %dma_start3A_21] : memref<2x640xi32, #tpu.memory_space<vmem>> -> memref<1x640xi32, #tpu.memory_space<vmem>>
    %dma_start3A_23 = tpu.memref_squeeze %dma_start3A_22 : memref<1x640xi32, #tpu.memory_space<vmem>> -> memref<640xi32, #tpu.memory_space<vmem>>
    %dma_start3A_24 = arith.constant 0 : i32
    %dma_start3A_25 = arith.constant 0 : i32
    %dma_start3A_26 = tpu.memref_slice %arg2[%dma_start3A_24, %dma_start3A_25] : memref<201728x16xf32, #tpu.memory_space<hbm>> -> memref<201728x16xf32, #tpu.memory_space<hbm>>
    tpu.enqueue_indirect_dma source(%dma_start3A_26 : memref<201728x16xf32, #tpu.memory_space<hbm>>) target(%dma_start3A_16 : memref<640x16xf32, #tpu.memory_space<vmem>>) offsets(%dma_start3A_23 : memref<640xi32, #tpu.memory_space<vmem>>) semaphore(%arg14 : memref<!tpu.dma_semaphore, #tpu.memory_space<semaphore_mem>>)
    %dma_wait3A = arith.constant 0 : i32
    %dma_wait3A_27 = arith.constant 0 : i32
    %dma_wait3A_28 = arith.constant 0 : i32
    %dma_wait3A_29 = arith.constant 0 : i32
    %dma_wait3A_30 = arith.constant 0 : i32
    %dma_wait3A_31 = tpu.memref_slice %arg13[%dma_wait3A_28, %dma_wait3A_29, %dma_wait3A_30] : memref<2x640x16xf32, #tpu.memory_space<vmem>> -> memref<1x640x16xf32, #tpu.memory_space<vmem>>
    %dma_wait3A_32 = tpu.memref_squeeze %dma_wait3A_31 : memref<1x640x16xf32, #tpu.memory_space<vmem>> -> memref<640x16xf32, #tpu.memory_space<vmem>>
    %dma_wait3A_33 = arith.constant 0 : i32
    %dma_wait3A_34 = arith.constant 0 : i32
    %dma_wait3A_35 = tpu.memref_slice %arg11[%dma_wait3A, %dma_wait3A_33, %dma_wait3A_34] : memref<2x2x640xi32, #tpu.memory_space<vmem>> -> memref<1x2x640xi32, #tpu.memory_space<vmem>>
    %dma_wait3A_36 = tpu.memref_squeeze %dma_wait3A_35 : memref<1x2x640xi32, #tpu.memory_space<vmem>> -> memref<2x640xi32, #tpu.memory_space<vmem>>
    %dma_wait3A_37 = arith.constant 0 : i32
    %dma_wait3A_38 = tpu.memref_slice %dma_wait3A_36[%dma_wait3A_27, %dma_wait3A_37] : memref<2x640xi32, #tpu.memory_space<vmem>> -> memref<1x640xi32, #tpu.memory_space<vmem>>
    %dma_wait3A_39 = tpu.memref_squeeze %dma_wait3A_38 : memref<1x640xi32, #tpu.memory_space<vmem>> -> memref<640xi32, #tpu.memory_space<vmem>>
    %dma_wait3A_40 = arith.constant 0 : i32
    %dma_wait3A_41 = arith.constant 0 : i32
    %dma_wait3A_42 = tpu.memref_slice %arg2[%dma_wait3A_40, %dma_wait3A_41] : memref<201728x16xf32, #tpu.memory_space<hbm>> -> memref<201728x16xf32, #tpu.memory_space<hbm>>
    tpu.wait_indirect_dma semaphore(%arg14 : memref<!tpu.dma_semaphore, #tpu.memory_space<semaphore_mem>>) src(%dma_wait3A_42 : memref<201728x16xf32, #tpu.memory_space<hbm>>) dst(%dma_wait3A_32 : memref<640x16xf32, #tpu.memory_space<vmem>>)
    %dma_start3A_43 = arith.constant 0 : i32
    %dma_start3A_44 = arith.constant 0 : i32
    %dma_start3A_45 = arith.constant 0 : i32
    %dma_start3A_46 = arith.constant 0 : i32
    %dma_start3A_47 = arith.constant 0 : i32
    %dma_start3A_48 = tpu.memref_slice %arg13[%dma_start3A_43, %dma_start3A_46, %dma_start3A_47] : memref<2x640x16xf32, #tpu.memory_space<vmem>> -> memref<1x640x16xf32, #tpu.memory_space<vmem>>
    %dma_start3A_49 = tpu.memref_squeeze %dma_start3A_48 : memref<1x640x16xf32, #tpu.memory_space<vmem>> -> memref<640x16xf32, #tpu.memory_space<vmem>>
    %dma_start3A_50 = arith.constant 0 : i32
    %dma_start3A_51 = arith.constant 0 : i32
    %dma_start3A_52 = tpu.memref_slice %arg12[%dma_start3A_44, %dma_start3A_50, %dma_start3A_51] : memref<2x2x640xi32, #tpu.memory_space<vmem>> -> memref<1x2x640xi32, #tpu.memory_space<vmem>>
    %dma_start3A_53 = tpu.memref_squeeze %dma_start3A_52 : memref<1x2x640xi32, #tpu.memory_space<vmem>> -> memref<2x640xi32, #tpu.memory_space<vmem>>
    %dma_start3A_54 = arith.constant 0 : i32
    %dma_start3A_55 = tpu.memref_slice %dma_start3A_53[%dma_start3A_45, %dma_start3A_54] : memref<2x640xi32, #tpu.memory_space<vmem>> -> memref<1x640xi32, #tpu.memory_space<vmem>>
    %dma_start3A_56 = tpu.memref_squeeze %dma_start3A_55 : memref<1x640xi32, #tpu.memory_space<vmem>> -> memref<640xi32, #tpu.memory_space<vmem>>
    %dma_start3A_57 = arith.constant 0 : i32
    %dma_start3A_58 = arith.constant 0 : i32
    %dma_start3A_59 = tpu.memref_slice %arg10[%dma_start3A_57, %dma_start3A_58] : memref<100864x16xf32, #tpu.memory_space<vmem_shared>> -> memref<100864x16xf32, #tpu.memory_space<vmem_shared>>
    tpu.enqueue_indirect_dma source(%dma_start3A_49 : memref<640x16xf32, #tpu.memory_space<vmem>>) target(%dma_start3A_59 : memref<100864x16xf32, #tpu.memory_space<vmem_shared>>) offsets(%dma_start3A_56 : memref<640xi32, #tpu.memory_space<vmem>>) semaphore(%arg16 : memref<!tpu.dma_semaphore, #tpu.memory_space<semaphore_mem>>) {add = true}
    %mul3A_60 = arith.constant 160 : i32
    %mul3A_61 = arith.muli %arg1, %mul3A_60 : i32
    %add3A_62 = arith.constant 2 : i32
    %add3A_63 = arith.addi %mul3A_61, %add3A_62 : i32
    %eq3A_64 = arith.constant 0 : i32
    %eq3A_65 = arith.cmpi eq, %arg0, %eq3A_64 : i32
    %convert_element_type3A_66 = arith.extui %eq3A_65 : i1 to i32
    %cond3A_67 = arith.constant 0 : i32
    %cond3A_68 = arith.cmpi ne, %convert_element_type3A_66, %cond3A_67 : i32
    scf.if %cond3A_68 {
      %dma_start3A_236 = arith.constant 1 : i32
      %dma_start3A_237 = arith.constant 0 : i32
      %dma_start3A_238 = arith.constant 0 : i32
      %dma_start3A_239 = tpu.memref_slice %arg11[%dma_start3A_236, %dma_start3A_237, %dma_start3A_238] : memref<2x2x640xi32, #tpu.memory_space<vmem>> -> memref<1x2x640xi32, #tpu.memory_space<vmem>>
      %dma_start3A_240 = tpu.memref_squeeze %dma_start3A_239 : memref<1x2x640xi32, #tpu.memory_space<vmem>> -> memref<2x640xi32, #tpu.memory_space<vmem>>
      %dma_start3A_241 = arith.constant 0 : i32
      %dma_start3A_242 = tpu.memref_slice %arg3[%add3A_63, %dma_start3A_241] : memref<2560x640xi32, #tpu.memory_space<hbm>> -> memref<2x640xi32, #tpu.memory_space<hbm>>
      %dma_start3A_243 = arith.constant 0 : i32
      %dma_start3A_244 = arith.constant 0 : i32
      %dma_start3A_245 = tpu.memref_slice %arg11[%dma_start3A_236, %dma_start3A_243, %dma_start3A_244] : memref<2x2x640xi32, #tpu.memory_space<vmem>> -> memref<1x2x640xi32, #tpu.memory_space<vmem>>
      %dma_start3A_246 = tpu.memref_squeeze %dma_start3A_245 : memref<1x2x640xi32, #tpu.memory_space<vmem>> -> memref<2x640xi32, #tpu.memory_space<vmem>>
      %dma_start3A_247 = arith.constant 0 : i32
      %dma_start3A_248 = tpu.memref_slice %arg3[%add3A_63, %dma_start3A_247] : memref<2560x640xi32, #tpu.memory_space<hbm>> -> memref<2x640xi32, #tpu.memory_space<hbm>>
      tpu.enqueue_dma source(%dma_start3A_248 : memref<2x640xi32, #tpu.memory_space<hbm>>) target(%dma_start3A_246 : memref<2x640xi32, #tpu.memory_space<vmem>>) target_semaphore(%arg18 : memref<!tpu.dma_semaphore, #tpu.memory_space<semaphore_mem>>)
    } else {
    }
    %eq3A_69 = arith.constant 1 : i32
    %eq3A_70 = arith.cmpi eq, %arg0, %eq3A_69 : i32
    %convert_element_type3A_71 = arith.extui %eq3A_70 : i1 to i32
    %cond3A_72 = arith.constant 0 : i32
    %cond3A_73 = arith.cmpi ne, %convert_element_type3A_71, %cond3A_72 : i32
    scf.if %cond3A_73 {
      %dma_start3A_236 = arith.constant 1 : i32
      %dma_start3A_237 = arith.constant 0 : i32
      %dma_start3A_238 = arith.constant 0 : i32
      %dma_start3A_239 = tpu.memref_slice %arg11[%dma_start3A_236, %dma_start3A_237, %dma_start3A_238] : memref<2x2x640xi32, #tpu.memory_space<vmem>> -> memref<1x2x640xi32, #tpu.memory_space<vmem>>
      %dma_start3A_240 = tpu.memref_squeeze %dma_start3A_239 : memref<1x2x640xi32, #tpu.memory_space<vmem>> -> memref<2x640xi32, #tpu.memory_space<vmem>>
      %dma_start3A_241 = arith.constant 0 : i32
      %dma_start3A_242 = tpu.memref_slice %arg4[%add3A_63, %dma_start3A_241] : memref<2560x640xi32, #tpu.memory_space<hbm>> -> memref<2x640xi32, #tpu.memory_space<hbm>>
      %dma_start3A_243 = arith.constant 0 : i32
      %dma_start3A_244 = arith.constant 0 : i32
      %dma_start3A_245 = tpu.memref_slice %arg11[%dma_start3A_236, %dma_start3A_243, %dma_start3A_244] : memref<2x2x640xi32, #tpu.memory_space<vmem>> -> memref<1x2x640xi32, #tpu.memory_space<vmem>>
      %dma_start3A_246 = tpu.memref_squeeze %dma_start3A_245 : memref<1x2x640xi32, #tpu.memory_space<vmem>> -> memref<2x640xi32, #tpu.memory_space<vmem>>
      %dma_start3A_247 = arith.constant 0 : i32
      %dma_start3A_248 = tpu.memref_slice %arg4[%add3A_63, %dma_start3A_247] : memref<2560x640xi32, #tpu.memory_space<hbm>> -> memref<2x640xi32, #tpu.memory_space<hbm>>
      tpu.enqueue_dma source(%dma_start3A_248 : memref<2x640xi32, #tpu.memory_space<hbm>>) target(%dma_start3A_246 : memref<2x640xi32, #tpu.memory_space<vmem>>) target_semaphore(%arg18 : memref<!tpu.dma_semaphore, #tpu.memory_space<semaphore_mem>>)
    } else {
    }
    %dma_start3A_74 = arith.constant 1 : i32
    %dma_start3A_75 = arith.constant 0 : i32
    %dma_start3A_76 = arith.constant 0 : i32
    %dma_start3A_77 = tpu.memref_slice %arg12[%dma_start3A_74, %dma_start3A_75, %dma_start3A_76] : memref<2x2x640xi32, #tpu.memory_space<vmem>> -> memref<1x2x640xi32, #tpu.memory_space<vmem>>
    %dma_start3A_78 = tpu.memref_squeeze %dma_start3A_77 : memref<1x2x640xi32, #tpu.memory_space<vmem>> -> memref<2x640xi32, #tpu.memory_space<vmem>>
    %dma_start3A_79 = arith.constant 0 : i32
    %dma_start3A_80 = tpu.memref_slice %arg5[%add3A_63, %dma_start3A_79] : memref<2560x640xi32, #tpu.memory_space<hbm>> -> memref<2x640xi32, #tpu.memory_space<hbm>>
    %dma_start3A_81 = arith.constant 0 : i32
    %dma_start3A_82 = arith.constant 0 : i32
    %dma_start3A_83 = tpu.memref_slice %arg12[%dma_start3A_74, %dma_start3A_81, %dma_start3A_82] : memref<2x2x640xi32, #tpu.memory_space<vmem>> -> memref<1x2x640xi32, #tpu.memory_space<vmem>>
    %dma_start3A_84 = tpu.memref_squeeze %dma_start3A_83 : memref<1x2x640xi32, #tpu.memory_space<vmem>> -> memref<2x640xi32, #tpu.memory_space<vmem>>
    %dma_start3A_85 = arith.constant 0 : i32
    %dma_start3A_86 = tpu.memref_slice %arg5[%add3A_63, %dma_start3A_85] : memref<2560x640xi32, #tpu.memory_space<hbm>> -> memref<2x640xi32, #tpu.memory_space<hbm>>
    tpu.enqueue_dma source(%dma_start3A_86 : memref<2x640xi32, #tpu.memory_space<hbm>>) target(%dma_start3A_84 : memref<2x640xi32, #tpu.memory_space<vmem>>) target_semaphore(%arg18 : memref<!tpu.dma_semaphore, #tpu.memory_space<semaphore_mem>>)
    %dma_start3A_87 = arith.constant 0 : i32
    %dma_start3A_88 = arith.constant 1 : i32
    %dma_start3A_89 = arith.constant 1 : i32
    %dma_start3A_90 = arith.constant 0 : i32
    %dma_start3A_91 = arith.constant 0 : i32
    %dma_start3A_92 = tpu.memref_slice %arg13[%dma_start3A_89, %dma_start3A_90, %dma_start3A_91] : memref<2x640x16xf32, #tpu.memory_space<vmem>> -> memref<1x640x16xf32, #tpu.memory_space<vmem>>
    %dma_start3A_93 = tpu.memref_squeeze %dma_start3A_92 : memref<1x640x16xf32, #tpu.memory_space<vmem>> -> memref<640x16xf32, #tpu.memory_space<vmem>>
    %dma_start3A_94 = arith.constant 0 : i32
    %dma_start3A_95 = arith.constant 0 : i32
    %dma_start3A_96 = tpu.memref_slice %arg11[%dma_start3A_87, %dma_start3A_94, %dma_start3A_95] : memref<2x2x640xi32, #tpu.memory_space<vmem>> -> memref<1x2x640xi32, #tpu.memory_space<vmem>>
    %dma_start3A_97 = tpu.memref_squeeze %dma_start3A_96 : memref<1x2x640xi32, #tpu.memory_space<vmem>> -> memref<2x640xi32, #tpu.memory_space<vmem>>
    %dma_start3A_98 = arith.constant 0 : i32
    %dma_start3A_99 = tpu.memref_slice %dma_start3A_97[%dma_start3A_88, %dma_start3A_98] : memref<2x640xi32, #tpu.memory_space<vmem>> -> memref<1x640xi32, #tpu.memory_space<vmem>>
    %dma_start3A_100 = tpu.memref_squeeze %dma_start3A_99 : memref<1x640xi32, #tpu.memory_space<vmem>> -> memref<640xi32, #tpu.memory_space<vmem>>
    %dma_start3A_101 = arith.constant 0 : i32
    %dma_start3A_102 = arith.constant 0 : i32
    %dma_start3A_103 = tpu.memref_slice %arg2[%dma_start3A_101, %dma_start3A_102] : memref<201728x16xf32, #tpu.memory_space<hbm>> -> memref<201728x16xf32, #tpu.memory_space<hbm>>
    tpu.enqueue_indirect_dma source(%dma_start3A_103 : memref<201728x16xf32, #tpu.memory_space<hbm>>) target(%dma_start3A_93 : memref<640x16xf32, #tpu.memory_space<vmem>>) offsets(%dma_start3A_100 : memref<640xi32, #tpu.memory_space<vmem>>) semaphore(%arg15 : memref<!tpu.dma_semaphore, #tpu.memory_space<semaphore_mem>>)
    %dma_wait3A_104 = arith.constant 0 : i32
    %dma_wait3A_105 = arith.constant 0 : i32
    %dma_wait3A_106 = arith.constant 1 : i32
    %dma_wait3A_107 = arith.constant 0 : i32
    %dma_wait3A_108 = arith.constant 0 : i32
    %dma_wait3A_109 = tpu.memref_slice %arg13[%dma_wait3A_106, %dma_wait3A_107, %dma_wait3A_108] : memref<2x640x16xf32, #tpu.memory_space<vmem>> -> memref<1x640x16xf32, #tpu.memory_space<vmem>>
    %dma_wait3A_110 = tpu.memref_squeeze %dma_wait3A_109 : memref<1x640x16xf32, #tpu.memory_space<vmem>> -> memref<640x16xf32, #tpu.memory_space<vmem>>
    %dma_wait3A_111 = arith.constant 0 : i32
    %dma_wait3A_112 = arith.constant 0 : i32
    %dma_wait3A_113 = tpu.memref_slice %arg11[%dma_wait3A_104, %dma_wait3A_111, %dma_wait3A_112] : memref<2x2x640xi32, #tpu.memory_space<vmem>> -> memref<1x2x640xi32, #tpu.memory_space<vmem>>
    %dma_wait3A_114 = tpu.memref_squeeze %dma_wait3A_113 : memref<1x2x640xi32, #tpu.memory_space<vmem>> -> memref<2x640xi32, #tpu.memory_space<vmem>>
    %dma_wait3A_115 = arith.constant 0 : i32
    %dma_wait3A_116 = tpu.memref_slice %dma_wait3A_114[%dma_wait3A_105, %dma_wait3A_115] : memref<2x640xi32, #tpu.memory_space<vmem>> -> memref<1x640xi32, #tpu.memory_space<vmem>>
    %dma_wait3A_117 = tpu.memref_squeeze %dma_wait3A_116 : memref<1x640xi32, #tpu.memory_space<vmem>> -> memref<640xi32, #tpu.memory_space<vmem>>
    %dma_wait3A_118 = arith.constant 0 : i32
    %dma_wait3A_119 = arith.constant 0 : i32
    %dma_wait3A_120 = tpu.memref_slice %arg2[%dma_wait3A_118, %dma_wait3A_119] : memref<201728x16xf32, #tpu.memory_space<hbm>> -> memref<201728x16xf32, #tpu.memory_space<hbm>>
    tpu.wait_indirect_dma semaphore(%arg15 : memref<!tpu.dma_semaphore, #tpu.memory_space<semaphore_mem>>) src(%dma_wait3A_120 : memref<201728x16xf32, #tpu.memory_space<hbm>>) dst(%dma_wait3A_110 : memref<640x16xf32, #tpu.memory_space<vmem>>)
    %dma_start3A_121 = arith.constant 1 : i32
    %dma_start3A_122 = arith.constant 0 : i32
    %dma_start3A_123 = arith.constant 1 : i32
    %dma_start3A_124 = arith.constant 0 : i32
    %dma_start3A_125 = arith.constant 0 : i32
    %dma_start3A_126 = tpu.memref_slice %arg13[%dma_start3A_121, %dma_start3A_124, %dma_start3A_125] : memref<2x640x16xf32, #tpu.memory_space<vmem>> -> memref<1x640x16xf32, #tpu.memory_space<vmem>>
    %dma_start3A_127 = tpu.memref_squeeze %dma_start3A_126 : memref<1x640x16xf32, #tpu.memory_space<vmem>> -> memref<640x16xf32, #tpu.memory_space<vmem>>
    %dma_start3A_128 = arith.constant 0 : i32
    %dma_start3A_129 = arith.constant 0 : i32
    %dma_start3A_130 = tpu.memref_slice %arg12[%dma_start3A_122, %dma_start3A_128, %dma_start3A_129] : memref<2x2x640xi32, #tpu.memory_space<vmem>> -> memref<1x2x640xi32, #tpu.memory_space<vmem>>
    %dma_start3A_131 = tpu.memref_squeeze %dma_start3A_130 : memref<1x2x640xi32, #tpu.memory_space<vmem>> -> memref<2x640xi32, #tpu.memory_space<vmem>>
    %dma_start3A_132 = arith.constant 0 : i32
    %dma_start3A_133 = tpu.memref_slice %dma_start3A_131[%dma_start3A_123, %dma_start3A_132] : memref<2x640xi32, #tpu.memory_space<vmem>> -> memref<1x640xi32, #tpu.memory_space<vmem>>
    %dma_start3A_134 = tpu.memref_squeeze %dma_start3A_133 : memref<1x640xi32, #tpu.memory_space<vmem>> -> memref<640xi32, #tpu.memory_space<vmem>>
    %dma_start3A_135 = arith.constant 0 : i32
    %dma_start3A_136 = arith.constant 0 : i32
    %dma_start3A_137 = tpu.memref_slice %arg10[%dma_start3A_135, %dma_start3A_136] : memref<100864x16xf32, #tpu.memory_space<vmem_shared>> -> memref<100864x16xf32, #tpu.memory_space<vmem_shared>>
    tpu.enqueue_indirect_dma source(%dma_start3A_127 : memref<640x16xf32, #tpu.memory_space<vmem>>) target(%dma_start3A_137 : memref<100864x16xf32, #tpu.memory_space<vmem_shared>>) offsets(%dma_start3A_134 : memref<640xi32, #tpu.memory_space<vmem>>) semaphore(%arg17 : memref<!tpu.dma_semaphore, #tpu.memory_space<semaphore_mem>>) {add = true}
    %dma_wait3A_138 = arith.constant 0 : i32
    %dma_wait3A_139 = arith.constant 0 : i32
    %dma_wait3A_140 = arith.constant 0 : i32
    %dma_wait3A_141 = arith.constant 0 : i32
    %dma_wait3A_142 = arith.constant 0 : i32
    %dma_wait3A_143 = tpu.memref_slice %arg13[%dma_wait3A_138, %dma_wait3A_141, %dma_wait3A_142] : memref<2x640x16xf32, #tpu.memory_space<vmem>> -> memref<1x640x16xf32, #tpu.memory_space<vmem>>
    %dma_wait3A_144 = tpu.memref_squeeze %dma_wait3A_143 : memref<1x640x16xf32, #tpu.memory_space<vmem>> -> memref<640x16xf32, #tpu.memory_space<vmem>>
    %dma_wait3A_145 = arith.constant 0 : i32
    %dma_wait3A_146 = arith.constant 0 : i32
    %dma_wait3A_147 = tpu.memref_slice %arg12[%dma_wait3A_139, %dma_wait3A_145, %dma_wait3A_146] : memref<2x2x640xi32, #tpu.memory_space<vmem>> -> memref<1x2x640xi32, #tpu.memory_space<vmem>>
    %dma_wait3A_148 = tpu.memref_squeeze %dma_wait3A_147 : memref<1x2x640xi32, #tpu.memory_space<vmem>> -> memref<2x640xi32, #tpu.memory_space<vmem>>
    %dma_wait3A_149 = arith.constant 0 : i32
    %dma_wait3A_150 = tpu.memref_slice %dma_wait3A_148[%dma_wait3A_140, %dma_wait3A_149] : memref<2x640xi32, #tpu.memory_space<vmem>> -> memref<1x640xi32, #tpu.memory_space<vmem>>
    %dma_wait3A_151 = tpu.memref_squeeze %dma_wait3A_150 : memref<1x640xi32, #tpu.memory_space<vmem>> -> memref<640xi32, #tpu.memory_space<vmem>>
    %dma_wait3A_152 = arith.constant 0 : i32
    %dma_wait3A_153 = arith.constant 0 : i32
    %dma_wait3A_154 = tpu.memref_slice %arg10[%dma_wait3A_152, %dma_wait3A_153] : memref<100864x16xf32, #tpu.memory_space<vmem_shared>> -> memref<100864x16xf32, #tpu.memory_space<vmem_shared>>
    tpu.wait_indirect_dma semaphore(%arg16 : memref<!tpu.dma_semaphore, #tpu.memory_space<semaphore_mem>>) src(%dma_wait3A_144 : memref<640x16xf32, #tpu.memory_space<vmem>>) dst(%dma_wait3A_154 : memref<100864x16xf32, #tpu.memory_space<vmem_shared>>)
    %dma_wait3A_155 = arith.constant 1 : i32
    %dma_wait3A_156 = arith.constant 0 : i32
    %dma_wait3A_157 = arith.constant 0 : i32
    %dma_wait3A_158 = tpu.memref_slice %arg11[%dma_wait3A_155, %dma_wait3A_156, %dma_wait3A_157] : memref<2x2x640xi32, #tpu.memory_space<vmem>> -> memref<1x2x640xi32, #tpu.memory_space<vmem>>
    %dma_wait3A_159 = tpu.memref_squeeze %dma_wait3A_158 : memref<1x2x640xi32, #tpu.memory_space<vmem>> -> memref<2x640xi32, #tpu.memory_space<vmem>>
    %dma_wait3A_160 = arith.constant 0 : i32
    %dma_wait3A_161 = arith.constant 0 : i32
    %dma_wait3A_162 = tpu.memref_slice %arg3[%dma_wait3A_160, %dma_wait3A_161] : memref<2560x640xi32, #tpu.memory_space<hbm>> -> memref<2x640xi32, #tpu.memory_space<hbm>>
    %dma_wait3A_163 = arith.constant 0 : i32
    %dma_wait3A_164 = arith.constant 0 : i32
    %dma_wait3A_165 = tpu.memref_slice %arg11[%dma_wait3A_155, %dma_wait3A_163, %dma_wait3A_164] : memref<2x2x640xi32, #tpu.memory_space<vmem>> -> memref<1x2x640xi32, #tpu.memory_space<vmem>>
    %dma_wait3A_166 = tpu.memref_squeeze %dma_wait3A_165 : memref<1x2x640xi32, #tpu.memory_space<vmem>> -> memref<2x640xi32, #tpu.memory_space<vmem>>
    %dma_wait3A_167 = arith.constant 0 : i32
    %dma_wait3A_168 = arith.constant 0 : i32
    %dma_wait3A_169 = tpu.memref_slice %arg3[%dma_wait3A_167, %dma_wait3A_168] : memref<2560x640xi32, #tpu.memory_space<hbm>> -> memref<2x640xi32, #tpu.memory_space<hbm>>
    tpu.wait_dma2 semaphore(%arg18 : memref<!tpu.dma_semaphore, #tpu.memory_space<semaphore_mem>>) src(%dma_wait3A_169 : memref<2x640xi32, #tpu.memory_space<hbm>>) dst(%dma_wait3A_166 : memref<2x640xi32, #tpu.memory_space<vmem>>)
    %dma_wait3A_170 = arith.constant 1 : i32
    %dma_wait3A_171 = arith.constant 0 : i32
    %dma_wait3A_172 = arith.constant 0 : i32
    %dma_wait3A_173 = tpu.memref_slice %arg12[%dma_wait3A_170, %dma_wait3A_171, %dma_wait3A_172] : memref<2x2x640xi32, #tpu.memory_space<vmem>> -> memref<1x2x640xi32, #tpu.memory_space<vmem>>
    %dma_wait3A_174 = tpu.memref_squeeze %dma_wait3A_173 : memref<1x2x640xi32, #tpu.memory_space<vmem>> -> memref<2x640xi32, #tpu.memory_space<vmem>>
    %dma_wait3A_175 = arith.constant 0 : i32
    %dma_wait3A_176 = arith.constant 0 : i32
    %dma_wait3A_177 = tpu.memref_slice %arg5[%dma_wait3A_175, %dma_wait3A_176] : memref<2560x640xi32, #tpu.memory_space<hbm>> -> memref<2x640xi32, #tpu.memory_space<hbm>>
    %dma_wait3A_178 = arith.constant 0 : i32
    %dma_wait3A_179 = arith.constant 0 : i32
    %dma_wait3A_180 = tpu.memref_slice %arg12[%dma_wait3A_170, %dma_wait3A_178, %dma_wait3A_179] : memref<2x2x640xi32, #tpu.memory_space<vmem>> -> memref<1x2x640xi32, #tpu.memory_space<vmem>>
    %dma_wait3A_181 = tpu.memref_squeeze %dma_wait3A_180 : memref<1x2x640xi32, #tpu.memory_space<vmem>> -> memref<2x640xi32, #tpu.memory_space<vmem>>
    %dma_wait3A_182 = arith.constant 0 : i32
    %dma_wait3A_183 = arith.constant 0 : i32
    %dma_wait3A_184 = tpu.memref_slice %arg5[%dma_wait3A_182, %dma_wait3A_183] : memref<2560x640xi32, #tpu.memory_space<hbm>> -> memref<2x640xi32, #tpu.memory_space<hbm>>
    tpu.wait_dma2 semaphore(%arg18 : memref<!tpu.dma_semaphore, #tpu.memory_space<semaphore_mem>>) src(%dma_wait3A_184 : memref<2x640xi32, #tpu.memory_space<hbm>>) dst(%dma_wait3A_181 : memref<2x640xi32, #tpu.memory_space<vmem>>)
    %dma_start3A_185 = arith.constant 1 : i32
    %dma_start3A_186 = arith.constant 0 : i32
    %dma_start3A_187 = arith.constant 0 : i32
    %dma_start3A_188 = arith.constant 0 : i32
    %dma_start3A_189 = arith.constant 0 : i32
    %dma_start3A_190 = tpu.memref_slice %arg13[%dma_start3A_187, %dma_start3A_188, %dma_start3A_189] : memref<2x640x16xf32, #tpu.memory_space<vmem>> -> memref<1x640x16xf32, #tpu.memory_space<vmem>>
    %dma_start3A_191 = tpu.memref_squeeze %dma_start3A_190 : memref<1x640x16xf32, #tpu.memory_space<vmem>> -> memref<640x16xf32, #tpu.memory_space<vmem>>
    %dma_start3A_192 = arith.constant 0 : i32
    %dma_start3A_193 = arith.constant 0 : i32
    %dma_start3A_194 = tpu.memref_slice %arg11[%dma_start3A_185, %dma_start3A_192, %dma_start3A_193] : memref<2x2x640xi32, #tpu.memory_space<vmem>> -> memref<1x2x640xi32, #tpu.memory_space<vmem>>
    %dma_start3A_195 = tpu.memref_squeeze %dma_start3A_194 : memref<1x2x640xi32, #tpu.memory_space<vmem>> -> memref<2x640xi32, #tpu.memory_space<vmem>>
    %dma_start3A_196 = arith.constant 0 : i32
    %dma_start3A_197 = tpu.memref_slice %dma_start3A_195[%dma_start3A_186, %dma_start3A_196] : memref<2x640xi32, #tpu.memory_space<vmem>> -> memref<1x640xi32, #tpu.memory_space<vmem>>
    %dma_start3A_198 = tpu.memref_squeeze %dma_start3A_197 : memref<1x640xi32, #tpu.memory_space<vmem>> -> memref<640xi32, #tpu.memory_space<vmem>>
    %dma_start3A_199 = arith.constant 0 : i32
    %dma_start3A_200 = arith.constant 0 : i32
    %dma_start3A_201 = tpu.memref_slice %arg2[%dma_start3A_199, %dma_start3A_200] : memref<201728x16xf32, #tpu.memory_space<hbm>> -> memref<201728x16xf32, #tpu.memory_space<hbm>>
    tpu.enqueue_indirect_dma source(%dma_start3A_201 : memref<201728x16xf32, #tpu.memory_space<hbm>>) target(%dma_start3A_191 : memref<640x16xf32, #tpu.memory_space<vmem>>) offsets(%dma_start3A_198 : memref<640xi32, #tpu.memory_space<vmem>>) semaphore(%arg14 : memref<!tpu.dma_semaphore, #tpu.memory_space<semaphore_mem>>)
    %scan3A = arith.constant 0 : i32
    %scan3A_202 = arith.constant 1 : i32
    %scan3A_203 = arith.constant 79 : i32
    %scan3A_204 = arith.addi %scan3A_202, %scan3A_203 : i32
    %scan3A_205 = arith.constant 1 : i32
    %scan3A_206 = scf.for %scan3A_236 = %scan3A_202 to %scan3A_204 step %scan3A_205 iter_args(%scan3A_237 = %scan3A) -> (i32)  : i32 {
      %jit3A = arith.constant 2 : i32
      %eq3A_238 = arith.constant 0 : i32
      %eq3A_239 = arith.cmpi eq, %jit3A, %eq3A_238 : i32
      %jit3A_240 = arith.constant 1 : i32
      %select_n3A = arith.select %eq3A_239, %jit3A_240, %jit3A : i32
      %rem3A = arith.remsi %scan3A_236, %select_n3A : i32
      %ne3A = arith.constant 0 : i32
      %ne3A_241 = arith.cmpi ne, %rem3A, %ne3A : i32
      %lt3A = arith.constant 0 : i32
      %lt3A_242 = arith.cmpi slt, %rem3A, %lt3A : i32
      %lt3A_243 = arith.constant 0 : i32
      %lt3A_244 = arith.cmpi slt, %select_n3A, %lt3A_243 : i32
      %ne3A_245 = arith.xori %lt3A_242, %lt3A_244 : i1
      %and3A = arith.andi %ne3A_245, %ne3A_241 : i1
      %add3A_246 = arith.addi %rem3A, %select_n3A : i32
      %select_n3A_247 = arith.select %and3A, %add3A_246, %rem3A : i32
      %add3A_248 = arith.constant 1 : i32
      %add3A_249 = arith.addi %scan3A_236, %add3A_248 : i32
      %jit3A_250 = arith.constant 2 : i32
      %eq3A_251 = arith.constant 0 : i32
      %eq3A_252 = arith.cmpi eq, %jit3A_250, %eq3A_251 : i32
      %jit3A_253 = arith.constant 1 : i32
      %select_n3A_254 = arith.select %eq3A_252, %jit3A_253, %jit3A_250 : i32
      %rem3A_255 = arith.remsi %add3A_249, %select_n3A_254 : i32
      %ne3A_256 = arith.constant 0 : i32
      %ne3A_257 = arith.cmpi ne, %rem3A_255, %ne3A_256 : i32
      %lt3A_258 = arith.constant 0 : i32
      %lt3A_259 = arith.cmpi slt, %rem3A_255, %lt3A_258 : i32
      %lt3A_260 = arith.constant 0 : i32
      %lt3A_261 = arith.cmpi slt, %select_n3A_254, %lt3A_260 : i32
      %ne3A_262 = arith.xori %lt3A_259, %lt3A_261 : i1
      %and3A_263 = arith.andi %ne3A_262, %ne3A_257 : i1
      %add3A_264 = arith.addi %rem3A_255, %select_n3A_254 : i32
      %select_n3A_265 = arith.select %and3A_263, %add3A_264, %rem3A_255 : i32
      %add3A_266 = arith.constant 1 : i32
      %add3A_267 = arith.addi %scan3A_236, %add3A_266 : i32
      %lt3A_268 = arith.constant 80 : i32
      %lt3A_269 = arith.cmpi slt, %add3A_267, %lt3A_268 : i32
      %dma_wait3A_270 = arith.constant 0 : i32
      %dma_wait3A_271 = arith.constant 0 : i32
      %dma_wait3A_272 = arith.constant 0 : i32
      %dma_wait3A_273 = arith.constant 0 : i32
      %dma_wait3A_274 = arith.constant 0 : i32
      %dma_wait3A_275 = tpu.memref_slice %arg13[%dma_wait3A_272, %dma_wait3A_273, %dma_wait3A_274] : memref<2x640x16xf32, #tpu.memory_space<vmem>> -> memref<1x640x16xf32, #tpu.memory_space<vmem>>
      %dma_wait3A_276 = tpu.memref_squeeze %dma_wait3A_275 : memref<1x640x16xf32, #tpu.memory_space<vmem>> -> memref<640x16xf32, #tpu.memory_space<vmem>>
      %dma_wait3A_277 = arith.constant 0 : i32
      %dma_wait3A_278 = arith.constant 0 : i32
      %dma_wait3A_279 = tpu.memref_slice %arg11[%dma_wait3A_270, %dma_wait3A_277, %dma_wait3A_278] : memref<2x2x640xi32, #tpu.memory_space<vmem>> -> memref<1x2x640xi32, #tpu.memory_space<vmem>>
      %dma_wait3A_280 = tpu.memref_squeeze %dma_wait3A_279 : memref<1x2x640xi32, #tpu.memory_space<vmem>> -> memref<2x640xi32, #tpu.memory_space<vmem>>
      %dma_wait3A_281 = arith.constant 0 : i32
      %dma_wait3A_282 = tpu.memref_slice %dma_wait3A_280[%dma_wait3A_271, %dma_wait3A_281] : memref<2x640xi32, #tpu.memory_space<vmem>> -> memref<1x640xi32, #tpu.memory_space<vmem>>
      %dma_wait3A_283 = tpu.memref_squeeze %dma_wait3A_282 : memref<1x640xi32, #tpu.memory_space<vmem>> -> memref<640xi32, #tpu.memory_space<vmem>>
      %dma_wait3A_284 = arith.constant 0 : i32
      %dma_wait3A_285 = arith.constant 0 : i32
      %dma_wait3A_286 = tpu.memref_slice %arg2[%dma_wait3A_284, %dma_wait3A_285] : memref<201728x16xf32, #tpu.memory_space<hbm>> -> memref<201728x16xf32, #tpu.memory_space<hbm>>
      tpu.wait_indirect_dma semaphore(%arg14 : memref<!tpu.dma_semaphore, #tpu.memory_space<semaphore_mem>>) src(%dma_wait3A_286 : memref<201728x16xf32, #tpu.memory_space<hbm>>) dst(%dma_wait3A_276 : memref<640x16xf32, #tpu.memory_space<vmem>>)
      %dma_start3A_287 = arith.constant 0 : i32
      %dma_start3A_288 = arith.constant 0 : i32
      %dma_start3A_289 = arith.constant 0 : i32
      %dma_start3A_290 = arith.constant 0 : i32
      %dma_start3A_291 = tpu.memref_slice %arg13[%dma_start3A_287, %dma_start3A_289, %dma_start3A_290] : memref<2x640x16xf32, #tpu.memory_space<vmem>> -> memref<1x640x16xf32, #tpu.memory_space<vmem>>
      %dma_start3A_292 = tpu.memref_squeeze %dma_start3A_291 : memref<1x640x16xf32, #tpu.memory_space<vmem>> -> memref<640x16xf32, #tpu.memory_space<vmem>>
      %dma_start3A_293 = arith.constant 0 : i32
      %dma_start3A_294 = arith.constant 0 : i32
      %dma_start3A_295 = tpu.memref_slice %arg12[%select_n3A_247, %dma_start3A_293, %dma_start3A_294] : memref<2x2x640xi32, #tpu.memory_space<vmem>> -> memref<1x2x640xi32, #tpu.memory_space<vmem>>
      %dma_start3A_296 = tpu.memref_squeeze %dma_start3A_295 : memref<1x2x640xi32, #tpu.memory_space<vmem>> -> memref<2x640xi32, #tpu.memory_space<vmem>>
      %dma_start3A_297 = arith.constant 0 : i32
      %dma_start3A_298 = tpu.memref_slice %dma_start3A_296[%dma_start3A_288, %dma_start3A_297] : memref<2x640xi32, #tpu.memory_space<vmem>> -> memref<1x640xi32, #tpu.memory_space<vmem>>
      %dma_start3A_299 = tpu.memref_squeeze %dma_start3A_298 : memref<1x640xi32, #tpu.memory_space<vmem>> -> memref<640xi32, #tpu.memory_space<vmem>>
      %dma_start3A_300 = arith.constant 0 : i32
      %dma_start3A_301 = arith.constant 0 : i32
      %dma_start3A_302 = tpu.memref_slice %arg10[%dma_start3A_300, %dma_start3A_301] : memref<100864x16xf32, #tpu.memory_space<vmem_shared>> -> memref<100864x16xf32, #tpu.memory_space<vmem_shared>>
      tpu.enqueue_indirect_dma source(%dma_start3A_292 : memref<640x16xf32, #tpu.memory_space<vmem>>) target(%dma_start3A_302 : memref<100864x16xf32, #tpu.memory_space<vmem_shared>>) offsets(%dma_start3A_299 : memref<640xi32, #tpu.memory_space<vmem>>) semaphore(%arg16 : memref<!tpu.dma_semaphore, #tpu.memory_space<semaphore_mem>>) {add = true}
      %dma_wait3A_303 = arith.constant 1 : i32
      %dma_wait3A_304 = arith.constant 0 : i32
      %dma_wait3A_305 = arith.constant 0 : i32
      %dma_wait3A_306 = arith.constant 0 : i32
      %dma_wait3A_307 = arith.constant 0 : i32
      %dma_wait3A_308 = tpu.memref_slice %arg13[%dma_wait3A_303, %dma_wait3A_306, %dma_wait3A_307] : memref<2x640x16xf32, #tpu.memory_space<vmem>> -> memref<1x640x16xf32, #tpu.memory_space<vmem>>
      %dma_wait3A_309 = tpu.memref_squeeze %dma_wait3A_308 : memref<1x640x16xf32, #tpu.memory_space<vmem>> -> memref<640x16xf32, #tpu.memory_space<vmem>>
      %dma_wait3A_310 = arith.constant 0 : i32
      %dma_wait3A_311 = arith.constant 0 : i32
      %dma_wait3A_312 = tpu.memref_slice %arg12[%dma_wait3A_304, %dma_wait3A_310, %dma_wait3A_311] : memref<2x2x640xi32, #tpu.memory_space<vmem>> -> memref<1x2x640xi32, #tpu.memory_space<vmem>>
      %dma_wait3A_313 = tpu.memref_squeeze %dma_wait3A_312 : memref<1x2x640xi32, #tpu.memory_space<vmem>> -> memref<2x640xi32, #tpu.memory_space<vmem>>
      %dma_wait3A_314 = arith.constant 0 : i32
      %dma_wait3A_315 = tpu.memref_slice %dma_wait3A_313[%dma_wait3A_305, %dma_wait3A_314] : memref<2x640xi32, #tpu.memory_space<vmem>> -> memref<1x640xi32, #tpu.memory_space<vmem>>
      %dma_wait3A_316 = tpu.memref_squeeze %dma_wait3A_315 : memref<1x640xi32, #tpu.memory_space<vmem>> -> memref<640xi32, #tpu.memory_space<vmem>>
      %dma_wait3A_317 = arith.constant 0 : i32
      %dma_wait3A_318 = arith.constant 0 : i32
      %dma_wait3A_319 = tpu.memref_slice %arg10[%dma_wait3A_317, %dma_wait3A_318] : memref<100864x16xf32, #tpu.memory_space<vmem_shared>> -> memref<100864x16xf32, #tpu.memory_space<vmem_shared>>
      tpu.wait_indirect_dma semaphore(%arg17 : memref<!tpu.dma_semaphore, #tpu.memory_space<semaphore_mem>>) src(%dma_wait3A_309 : memref<640x16xf32, #tpu.memory_space<vmem>>) dst(%dma_wait3A_319 : memref<100864x16xf32, #tpu.memory_space<vmem_shared>>)
      %convert_element_type3A_320 = arith.extui %lt3A_269 : i1 to i32
      %cond3A_321 = arith.constant 0 : i32
      %cond3A_322 = arith.cmpi ne, %convert_element_type3A_320, %cond3A_321 : i32
      scf.if %cond3A_322 {
        %add3A_393 = arith.constant 1 : i32
        %add3A_394 = arith.addi %scan3A_236, %add3A_393 : i32
        %mul3A_395 = arith.constant 160 : i32
        %mul3A_396 = arith.muli %arg1, %mul3A_395 : i32
        %mul3A_397 = arith.constant 2 : i32
        %mul3A_398 = arith.muli %add3A_394, %mul3A_397 : i32
        %add3A_399 = arith.addi %mul3A_396, %mul3A_398 : i32
        %eq3A_400 = arith.constant 0 : i32
        %eq3A_401 = arith.cmpi eq, %arg0, %eq3A_400 : i32
        %convert_element_type3A_402 = arith.extui %eq3A_401 : i1 to i32
        %cond3A_403 = arith.constant 0 : i32
        %cond3A_404 = arith.cmpi ne, %convert_element_type3A_402, %cond3A_403 : i32
        scf.if %cond3A_404 {
          %dma_start3A_422 = arith.constant 0 : i32
          %dma_start3A_423 = arith.constant 0 : i32
          %dma_start3A_424 = tpu.memref_slice %arg11[%select_n3A_265, %dma_start3A_422, %dma_start3A_423] : memref<2x2x640xi32, #tpu.memory_space<vmem>> -> memref<1x2x640xi32, #tpu.memory_space<vmem>>
          %dma_start3A_425 = tpu.memref_squeeze %dma_start3A_424 : memref<1x2x640xi32, #tpu.memory_space<vmem>> -> memref<2x640xi32, #tpu.memory_space<vmem>>
          %dma_start3A_426 = arith.constant 0 : i32
          %dma_start3A_427 = tpu.memref_slice %arg3[%add3A_399, %dma_start3A_426] : memref<2560x640xi32, #tpu.memory_space<hbm>> -> memref<2x640xi32, #tpu.memory_space<hbm>>
          %dma_start3A_428 = arith.constant 0 : i32
          %dma_start3A_429 = arith.constant 0 : i32
          %dma_start3A_430 = tpu.memref_slice %arg11[%select_n3A_265, %dma_start3A_428, %dma_start3A_429] : memref<2x2x640xi32, #tpu.memory_space<vmem>> -> memref<1x2x640xi32, #tpu.memory_space<vmem>>
          %dma_start3A_431 = tpu.memref_squeeze %dma_start3A_430 : memref<1x2x640xi32, #tpu.memory_space<vmem>> -> memref<2x640xi32, #tpu.memory_space<vmem>>
          %dma_start3A_432 = arith.constant 0 : i32
          %dma_start3A_433 = tpu.memref_slice %arg3[%add3A_399, %dma_start3A_432] : memref<2560x640xi32, #tpu.memory_space<hbm>> -> memref<2x640xi32, #tpu.memory_space<hbm>>
          tpu.enqueue_dma source(%dma_start3A_433 : memref<2x640xi32, #tpu.memory_space<hbm>>) target(%dma_start3A_431 : memref<2x640xi32, #tpu.memory_space<vmem>>) target_semaphore(%arg18 : memref<!tpu.dma_semaphore, #tpu.memory_space<semaphore_mem>>)
        } else {
        }
        %eq3A_405 = arith.constant 1 : i32
        %eq3A_406 = arith.cmpi eq, %arg0, %eq3A_405 : i32
        %convert_element_type3A_407 = arith.extui %eq3A_406 : i1 to i32
        %cond3A_408 = arith.constant 0 : i32
        %cond3A_409 = arith.cmpi ne, %convert_element_type3A_407, %cond3A_408 : i32
        scf.if %cond3A_409 {
          %dma_start3A_422 = arith.constant 0 : i32
          %dma_start3A_423 = arith.constant 0 : i32
          %dma_start3A_424 = tpu.memref_slice %arg11[%select_n3A_265, %dma_start3A_422, %dma_start3A_423] : memref<2x2x640xi32, #tpu.memory_space<vmem>> -> memref<1x2x640xi32, #tpu.memory_space<vmem>>
          %dma_start3A_425 = tpu.memref_squeeze %dma_start3A_424 : memref<1x2x640xi32, #tpu.memory_space<vmem>> -> memref<2x640xi32, #tpu.memory_space<vmem>>
          %dma_start3A_426 = arith.constant 0 : i32
          %dma_start3A_427 = tpu.memref_slice %arg4[%add3A_399, %dma_start3A_426] : memref<2560x640xi32, #tpu.memory_space<hbm>> -> memref<2x640xi32, #tpu.memory_space<hbm>>
          %dma_start3A_428 = arith.constant 0 : i32
          %dma_start3A_429 = arith.constant 0 : i32
          %dma_start3A_430 = tpu.memref_slice %arg11[%select_n3A_265, %dma_start3A_428, %dma_start3A_429] : memref<2x2x640xi32, #tpu.memory_space<vmem>> -> memref<1x2x640xi32, #tpu.memory_space<vmem>>
          %dma_start3A_431 = tpu.memref_squeeze %dma_start3A_430 : memref<1x2x640xi32, #tpu.memory_space<vmem>> -> memref<2x640xi32, #tpu.memory_space<vmem>>
          %dma_start3A_432 = arith.constant 0 : i32
          %dma_start3A_433 = tpu.memref_slice %arg4[%add3A_399, %dma_start3A_432] : memref<2560x640xi32, #tpu.memory_space<hbm>> -> memref<2x640xi32, #tpu.memory_space<hbm>>
          tpu.enqueue_dma source(%dma_start3A_433 : memref<2x640xi32, #tpu.memory_space<hbm>>) target(%dma_start3A_431 : memref<2x640xi32, #tpu.memory_space<vmem>>) target_semaphore(%arg18 : memref<!tpu.dma_semaphore, #tpu.memory_space<semaphore_mem>>)
        } else {
        }
        %dma_start3A_410 = arith.constant 0 : i32
        %dma_start3A_411 = arith.constant 0 : i32
        %dma_start3A_412 = tpu.memref_slice %arg12[%select_n3A_265, %dma_start3A_410, %dma_start3A_411] : memref<2x2x640xi32, #tpu.memory_space<vmem>> -> memref<1x2x640xi32, #tpu.memory_space<vmem>>
        %dma_start3A_413 = tpu.memref_squeeze %dma_start3A_412 : memref<1x2x640xi32, #tpu.memory_space<vmem>> -> memref<2x640xi32, #tpu.memory_space<vmem>>
        %dma_start3A_414 = arith.constant 0 : i32
        %dma_start3A_415 = tpu.memref_slice %arg5[%add3A_399, %dma_start3A_414] : memref<2560x640xi32, #tpu.memory_space<hbm>> -> memref<2x640xi32, #tpu.memory_space<hbm>>
        %dma_start3A_416 = arith.constant 0 : i32
        %dma_start3A_417 = arith.constant 0 : i32
        %dma_start3A_418 = tpu.memref_slice %arg12[%select_n3A_265, %dma_start3A_416, %dma_start3A_417] : memref<2x2x640xi32, #tpu.memory_space<vmem>> -> memref<1x2x640xi32, #tpu.memory_space<vmem>>
        %dma_start3A_419 = tpu.memref_squeeze %dma_start3A_418 : memref<1x2x640xi32, #tpu.memory_space<vmem>> -> memref<2x640xi32, #tpu.memory_space<vmem>>
        %dma_start3A_420 = arith.constant 0 : i32
        %dma_start3A_421 = tpu.memref_slice %arg5[%add3A_399, %dma_start3A_420] : memref<2560x640xi32, #tpu.memory_space<hbm>> -> memref<2x640xi32, #tpu.memory_space<hbm>>
        tpu.enqueue_dma source(%dma_start3A_421 : memref<2x640xi32, #tpu.memory_space<hbm>>) target(%dma_start3A_419 : memref<2x640xi32, #tpu.memory_space<vmem>>) target_semaphore(%arg18 : memref<!tpu.dma_semaphore, #tpu.memory_space<semaphore_mem>>)
      } else {
      }
      %dma_start3A_323 = arith.constant 1 : i32
      %dma_start3A_324 = arith.constant 1 : i32
      %dma_start3A_325 = arith.constant 0 : i32
      %dma_start3A_326 = arith.constant 0 : i32
      %dma_start3A_327 = tpu.memref_slice %arg13[%dma_start3A_324, %dma_start3A_325, %dma_start3A_326] : memref<2x640x16xf32, #tpu.memory_space<vmem>> -> memref<1x640x16xf32, #tpu.memory_space<vmem>>
      %dma_start3A_328 = tpu.memref_squeeze %dma_start3A_327 : memref<1x640x16xf32, #tpu.memory_space<vmem>> -> memref<640x16xf32, #tpu.memory_space<vmem>>
      %dma_start3A_329 = arith.constant 0 : i32
      %dma_start3A_330 = arith.constant 0 : i32
      %dma_start3A_331 = tpu.memref_slice %arg11[%select_n3A_247, %dma_start3A_329, %dma_start3A_330] : memref<2x2x640xi32, #tpu.memory_space<vmem>> -> memref<1x2x640xi32, #tpu.memory_space<vmem>>
      %dma_start3A_332 = tpu.memref_squeeze %dma_start3A_331 : memref<1x2x640xi32, #tpu.memory_space<vmem>> -> memref<2x640xi32, #tpu.memory_space<vmem>>
      %dma_start3A_333 = arith.constant 0 : i32
      %dma_start3A_334 = tpu.memref_slice %dma_start3A_332[%dma_start3A_323, %dma_start3A_333] : memref<2x640xi32, #tpu.memory_space<vmem>> -> memref<1x640xi32, #tpu.memory_space<vmem>>
      %dma_start3A_335 = tpu.memref_squeeze %dma_start3A_334 : memref<1x640xi32, #tpu.memory_space<vmem>> -> memref<640xi32, #tpu.memory_space<vmem>>
      %dma_start3A_336 = arith.constant 0 : i32
      %dma_start3A_337 = arith.constant 0 : i32
      %dma_start3A_338 = tpu.memref_slice %arg2[%dma_start3A_336, %dma_start3A_337] : memref<201728x16xf32, #tpu.memory_space<hbm>> -> memref<201728x16xf32, #tpu.memory_space<hbm>>
      tpu.enqueue_indirect_dma source(%dma_start3A_338 : memref<201728x16xf32, #tpu.memory_space<hbm>>) target(%dma_start3A_328 : memref<640x16xf32, #tpu.memory_space<vmem>>) offsets(%dma_start3A_335 : memref<640xi32, #tpu.memory_space<vmem>>) semaphore(%arg15 : memref<!tpu.dma_semaphore, #tpu.memory_space<semaphore_mem>>)
      %dma_wait3A_339 = arith.constant 0 : i32
      %dma_wait3A_340 = arith.constant 0 : i32
      %dma_wait3A_341 = arith.constant 1 : i32
      %dma_wait3A_342 = arith.constant 0 : i32
      %dma_wait3A_343 = arith.constant 0 : i32
      %dma_wait3A_344 = tpu.memref_slice %arg13[%dma_wait3A_341, %dma_wait3A_342, %dma_wait3A_343] : memref<2x640x16xf32, #tpu.memory_space<vmem>> -> memref<1x640x16xf32, #tpu.memory_space<vmem>>
      %dma_wait3A_345 = tpu.memref_squeeze %dma_wait3A_344 : memref<1x640x16xf32, #tpu.memory_space<vmem>> -> memref<640x16xf32, #tpu.memory_space<vmem>>
      %dma_wait3A_346 = arith.constant 0 : i32
      %dma_wait3A_347 = arith.constant 0 : i32
      %dma_wait3A_348 = tpu.memref_slice %arg11[%dma_wait3A_339, %dma_wait3A_346, %dma_wait3A_347] : memref<2x2x640xi32, #tpu.memory_space<vmem>> -> memref<1x2x640xi32, #tpu.memory_space<vmem>>
      %dma_wait3A_349 = tpu.memref_squeeze %dma_wait3A_348 : memref<1x2x640xi32, #tpu.memory_space<vmem>> -> memref<2x640xi32, #tpu.memory_space<vmem>>
      %dma_wait3A_350 = arith.constant 0 : i32
      %dma_wait3A_351 = tpu.memref_slice %dma_wait3A_349[%dma_wait3A_340, %dma_wait3A_350] : memref<2x640xi32, #tpu.memory_space<vmem>> -> memref<1x640xi32, #tpu.memory_space<vmem>>
      %dma_wait3A_352 = tpu.memref_squeeze %dma_wait3A_351 : memref<1x640xi32, #tpu.memory_space<vmem>> -> memref<640xi32, #tpu.memory_space<vmem>>
      %dma_wait3A_353 = arith.constant 0 : i32
      %dma_wait3A_354 = arith.constant 0 : i32
      %dma_wait3A_355 = tpu.memref_slice %arg2[%dma_wait3A_353, %dma_wait3A_354] : memref<201728x16xf32, #tpu.memory_space<hbm>> -> memref<201728x16xf32, #tpu.memory_space<hbm>>
      tpu.wait_indirect_dma semaphore(%arg15 : memref<!tpu.dma_semaphore, #tpu.memory_space<semaphore_mem>>) src(%dma_wait3A_355 : memref<201728x16xf32, #tpu.memory_space<hbm>>) dst(%dma_wait3A_345 : memref<640x16xf32, #tpu.memory_space<vmem>>)
      %dma_start3A_356 = arith.constant 1 : i32
      %dma_start3A_357 = arith.constant 1 : i32
      %dma_start3A_358 = arith.constant 0 : i32
      %dma_start3A_359 = arith.constant 0 : i32
      %dma_start3A_360 = tpu.memref_slice %arg13[%dma_start3A_356, %dma_start3A_358, %dma_start3A_359] : memref<2x640x16xf32, #tpu.memory_space<vmem>> -> memref<1x640x16xf32, #tpu.memory_space<vmem>>
      %dma_start3A_361 = tpu.memref_squeeze %dma_start3A_360 : memref<1x640x16xf32, #tpu.memory_space<vmem>> -> memref<640x16xf32, #tpu.memory_space<vmem>>
      %dma_start3A_362 = arith.constant 0 : i32
      %dma_start3A_363 = arith.constant 0 : i32
      %dma_start3A_364 = tpu.memref_slice %arg12[%select_n3A_247, %dma_start3A_362, %dma_start3A_363] : memref<2x2x640xi32, #tpu.memory_space<vmem>> -> memref<1x2x640xi32, #tpu.memory_space<vmem>>
      %dma_start3A_365 = tpu.memref_squeeze %dma_start3A_364 : memref<1x2x640xi32, #tpu.memory_space<vmem>> -> memref<2x640xi32, #tpu.memory_space<vmem>>
      %dma_start3A_366 = arith.constant 0 : i32
      %dma_start3A_367 = tpu.memref_slice %dma_start3A_365[%dma_start3A_357, %dma_start3A_366] : memref<2x640xi32, #tpu.memory_space<vmem>> -> memref<1x640xi32, #tpu.memory_space<vmem>>
      %dma_start3A_368 = tpu.memref_squeeze %dma_start3A_367 : memref<1x640xi32, #tpu.memory_space<vmem>> -> memref<640xi32, #tpu.memory_space<vmem>>
      %dma_start3A_369 = arith.constant 0 : i32
      %dma_start3A_370 = arith.constant 0 : i32
      %dma_start3A_371 = tpu.memref_slice %arg10[%dma_start3A_369, %dma_start3A_370] : memref<100864x16xf32, #tpu.memory_space<vmem_shared>> -> memref<100864x16xf32, #tpu.memory_space<vmem_shared>>
      tpu.enqueue_indirect_dma source(%dma_start3A_361 : memref<640x16xf32, #tpu.memory_space<vmem>>) target(%dma_start3A_371 : memref<100864x16xf32, #tpu.memory_space<vmem_shared>>) offsets(%dma_start3A_368 : memref<640xi32, #tpu.memory_space<vmem>>) semaphore(%arg17 : memref<!tpu.dma_semaphore, #tpu.memory_space<semaphore_mem>>) {add = true}
      %dma_wait3A_372 = arith.constant 0 : i32
      %dma_wait3A_373 = arith.constant 0 : i32
      %dma_wait3A_374 = arith.constant 0 : i32
      %dma_wait3A_375 = arith.constant 0 : i32
      %dma_wait3A_376 = arith.constant 0 : i32
      %dma_wait3A_377 = tpu.memref_slice %arg13[%dma_wait3A_372, %dma_wait3A_375, %dma_wait3A_376] : memref<2x640x16xf32, #tpu.memory_space<vmem>> -> memref<1x640x16xf32, #tpu.memory_space<vmem>>
      %dma_wait3A_378 = tpu.memref_squeeze %dma_wait3A_377 : memref<1x640x16xf32, #tpu.memory_space<vmem>> -> memref<640x16xf32, #tpu.memory_space<vmem>>
      %dma_wait3A_379 = arith.constant 0 : i32
      %dma_wait3A_380 = arith.constant 0 : i32
      %dma_wait3A_381 = tpu.memref_slice %arg12[%dma_wait3A_373, %dma_wait3A_379, %dma_wait3A_380] : memref<2x2x640xi32, #tpu.memory_space<vmem>> -> memref<1x2x640xi32, #tpu.memory_space<vmem>>
      %dma_wait3A_382 = tpu.memref_squeeze %dma_wait3A_381 : memref<1x2x640xi32, #tpu.memory_space<vmem>> -> memref<2x640xi32, #tpu.memory_space<vmem>>
      %dma_wait3A_383 = arith.constant 0 : i32
      %dma_wait3A_384 = tpu.memref_slice %dma_wait3A_382[%dma_wait3A_374, %dma_wait3A_383] : memref<2x640xi32, #tpu.memory_space<vmem>> -> memref<1x640xi32, #tpu.memory_space<vmem>>
      %dma_wait3A_385 = tpu.memref_squeeze %dma_wait3A_384 : memref<1x640xi32, #tpu.memory_space<vmem>> -> memref<640xi32, #tpu.memory_space<vmem>>
      %dma_wait3A_386 = arith.constant 0 : i32
      %dma_wait3A_387 = arith.constant 0 : i32
      %dma_wait3A_388 = tpu.memref_slice %arg10[%dma_wait3A_386, %dma_wait3A_387] : memref<100864x16xf32, #tpu.memory_space<vmem_shared>> -> memref<100864x16xf32, #tpu.memory_space<vmem_shared>>
      tpu.wait_indirect_dma semaphore(%arg16 : memref<!tpu.dma_semaphore, #tpu.memory_space<semaphore_mem>>) src(%dma_wait3A_378 : memref<640x16xf32, #tpu.memory_space<vmem>>) dst(%dma_wait3A_388 : memref<100864x16xf32, #tpu.memory_space<vmem_shared>>)
      %convert_element_type3A_389 = arith.extui %lt3A_269 : i1 to i32
      %cond3A_390 = arith.constant 0 : i32
      %cond3A_391 = arith.cmpi ne, %convert_element_type3A_389, %cond3A_390 : i32
      scf.if %cond3A_391 {
        %dma_wait3A_393 = arith.constant 0 : i32
        %dma_wait3A_394 = arith.constant 0 : i32
        %dma_wait3A_395 = tpu.memref_slice %arg11[%select_n3A_265, %dma_wait3A_393, %dma_wait3A_394] : memref<2x2x640xi32, #tpu.memory_space<vmem>> -> memref<1x2x640xi32, #tpu.memory_space<vmem>>
        %dma_wait3A_396 = tpu.memref_squeeze %dma_wait3A_395 : memref<1x2x640xi32, #tpu.memory_space<vmem>> -> memref<2x640xi32, #tpu.memory_space<vmem>>
        %dma_wait3A_397 = arith.constant 0 : i32
        %dma_wait3A_398 = arith.constant 0 : i32
        %dma_wait3A_399 = tpu.memref_slice %arg3[%dma_wait3A_397, %dma_wait3A_398] : memref<2560x640xi32, #tpu.memory_space<hbm>> -> memref<2x640xi32, #tpu.memory_space<hbm>>
        %dma_wait3A_400 = arith.constant 0 : i32
        %dma_wait3A_401 = arith.constant 0 : i32
        %dma_wait3A_402 = tpu.memref_slice %arg11[%select_n3A_265, %dma_wait3A_400, %dma_wait3A_401] : memref<2x2x640xi32, #tpu.memory_space<vmem>> -> memref<1x2x640xi32, #tpu.memory_space<vmem>>
        %dma_wait3A_403 = tpu.memref_squeeze %dma_wait3A_402 : memref<1x2x640xi32, #tpu.memory_space<vmem>> -> memref<2x640xi32, #tpu.memory_space<vmem>>
        %dma_wait3A_404 = arith.constant 0 : i32
        %dma_wait3A_405 = arith.constant 0 : i32
        %dma_wait3A_406 = tpu.memref_slice %arg3[%dma_wait3A_404, %dma_wait3A_405] : memref<2560x640xi32, #tpu.memory_space<hbm>> -> memref<2x640xi32, #tpu.memory_space<hbm>>
        tpu.wait_dma2 semaphore(%arg18 : memref<!tpu.dma_semaphore, #tpu.memory_space<semaphore_mem>>) src(%dma_wait3A_406 : memref<2x640xi32, #tpu.memory_space<hbm>>) dst(%dma_wait3A_403 : memref<2x640xi32, #tpu.memory_space<vmem>>)
        %dma_wait3A_407 = arith.constant 0 : i32
        %dma_wait3A_408 = arith.constant 0 : i32
        %dma_wait3A_409 = tpu.memref_slice %arg12[%select_n3A_265, %dma_wait3A_407, %dma_wait3A_408] : memref<2x2x640xi32, #tpu.memory_space<vmem>> -> memref<1x2x640xi32, #tpu.memory_space<vmem>>
        %dma_wait3A_410 = tpu.memref_squeeze %dma_wait3A_409 : memref<1x2x640xi32, #tpu.memory_space<vmem>> -> memref<2x640xi32, #tpu.memory_space<vmem>>
        %dma_wait3A_411 = arith.constant 0 : i32
        %dma_wait3A_412 = arith.constant 0 : i32
        %dma_wait3A_413 = tpu.memref_slice %arg5[%dma_wait3A_411, %dma_wait3A_412] : memref<2560x640xi32, #tpu.memory_space<hbm>> -> memref<2x640xi32, #tpu.memory_space<hbm>>
        %dma_wait3A_414 = arith.constant 0 : i32
        %dma_wait3A_415 = arith.constant 0 : i32
        %dma_wait3A_416 = tpu.memref_slice %arg12[%select_n3A_265, %dma_wait3A_414, %dma_wait3A_415] : memref<2x2x640xi32, #tpu.memory_space<vmem>> -> memref<1x2x640xi32, #tpu.memory_space<vmem>>
        %dma_wait3A_417 = tpu.memref_squeeze %dma_wait3A_416 : memref<1x2x640xi32, #tpu.memory_space<vmem>> -> memref<2x640xi32, #tpu.memory_space<vmem>>
        %dma_wait3A_418 = arith.constant 0 : i32
        %dma_wait3A_419 = arith.constant 0 : i32
        %dma_wait3A_420 = tpu.memref_slice %arg5[%dma_wait3A_418, %dma_wait3A_419] : memref<2560x640xi32, #tpu.memory_space<hbm>> -> memref<2x640xi32, #tpu.memory_space<hbm>>
        tpu.wait_dma2 semaphore(%arg18 : memref<!tpu.dma_semaphore, #tpu.memory_space<semaphore_mem>>) src(%dma_wait3A_420 : memref<2x640xi32, #tpu.memory_space<hbm>>) dst(%dma_wait3A_417 : memref<2x640xi32, #tpu.memory_space<vmem>>)
        %dma_start3A_421 = arith.constant 0 : i32
        %dma_start3A_422 = arith.constant 0 : i32
        %dma_start3A_423 = arith.constant 0 : i32
        %dma_start3A_424 = arith.constant 0 : i32
        %dma_start3A_425 = tpu.memref_slice %arg13[%dma_start3A_422, %dma_start3A_423, %dma_start3A_424] : memref<2x640x16xf32, #tpu.memory_space<vmem>> -> memref<1x640x16xf32, #tpu.memory_space<vmem>>
        %dma_start3A_426 = tpu.memref_squeeze %dma_start3A_425 : memref<1x640x16xf32, #tpu.memory_space<vmem>> -> memref<640x16xf32, #tpu.memory_space<vmem>>
        %dma_start3A_427 = arith.constant 0 : i32
        %dma_start3A_428 = arith.constant 0 : i32
        %dma_start3A_429 = tpu.memref_slice %arg11[%select_n3A_265, %dma_start3A_427, %dma_start3A_428] : memref<2x2x640xi32, #tpu.memory_space<vmem>> -> memref<1x2x640xi32, #tpu.memory_space<vmem>>
        %dma_start3A_430 = tpu.memref_squeeze %dma_start3A_429 : memref<1x2x640xi32, #tpu.memory_space<vmem>> -> memref<2x640xi32, #tpu.memory_space<vmem>>
        %dma_start3A_431 = arith.constant 0 : i32
        %dma_start3A_432 = tpu.memref_slice %dma_start3A_430[%dma_start3A_421, %dma_start3A_431] : memref<2x640xi32, #tpu.memory_space<vmem>> -> memref<1x640xi32, #tpu.memory_space<vmem>>
        %dma_start3A_433 = tpu.memref_squeeze %dma_start3A_432 : memref<1x640xi32, #tpu.memory_space<vmem>> -> memref<640xi32, #tpu.memory_space<vmem>>
        %dma_start3A_434 = arith.constant 0 : i32
        %dma_start3A_435 = arith.constant 0 : i32
        %dma_start3A_436 = tpu.memref_slice %arg2[%dma_start3A_434, %dma_start3A_435] : memref<201728x16xf32, #tpu.memory_space<hbm>> -> memref<201728x16xf32, #tpu.memory_space<hbm>>
        tpu.enqueue_indirect_dma source(%dma_start3A_436 : memref<201728x16xf32, #tpu.memory_space<hbm>>) target(%dma_start3A_426 : memref<640x16xf32, #tpu.memory_space<vmem>>) offsets(%dma_start3A_433 : memref<640xi32, #tpu.memory_space<vmem>>) semaphore(%arg14 : memref<!tpu.dma_semaphore, #tpu.memory_space<semaphore_mem>>)
      } else {
      }
      %scan3A_392 = arith.constant 0 : i32
      scf.yield %scan3A_392 : i32
    }
    %scan3A_207 = arith.constant 79 : i32
    %dma_wait3A_208 = arith.constant 1 : i32
    %dma_wait3A_209 = arith.constant 0 : i32
    %dma_wait3A_210 = arith.constant 0 : i32
    %dma_wait3A_211 = arith.constant 0 : i32
    %dma_wait3A_212 = arith.constant 0 : i32
    %dma_wait3A_213 = tpu.memref_slice %arg13[%dma_wait3A_208, %dma_wait3A_211, %dma_wait3A_212] : memref<2x640x16xf32, #tpu.memory_space<vmem>> -> memref<1x640x16xf32, #tpu.memory_space<vmem>>
    %dma_wait3A_214 = tpu.memref_squeeze %dma_wait3A_213 : memref<1x640x16xf32, #tpu.memory_space<vmem>> -> memref<640x16xf32, #tpu.memory_space<vmem>>
    %dma_wait3A_215 = arith.constant 0 : i32
    %dma_wait3A_216 = arith.constant 0 : i32
    %dma_wait3A_217 = tpu.memref_slice %arg12[%dma_wait3A_209, %dma_wait3A_215, %dma_wait3A_216] : memref<2x2x640xi32, #tpu.memory_space<vmem>> -> memref<1x2x640xi32, #tpu.memory_space<vmem>>
    %dma_wait3A_218 = tpu.memref_squeeze %dma_wait3A_217 : memref<1x2x640xi32, #tpu.memory_space<vmem>> -> memref<2x640xi32, #tpu.memory_space<vmem>>
    %dma_wait3A_219 = arith.constant 0 : i32
    %dma_wait3A_220 = tpu.memref_slice %dma_wait3A_218[%dma_wait3A_210, %dma_wait3A_219] : memref<2x640xi32, #tpu.memory_space<vmem>> -> memref<1x640xi32, #tpu.memory_space<vmem>>
    %dma_wait3A_221 = tpu.memref_squeeze %dma_wait3A_220 : memref<1x640xi32, #tpu.memory_space<vmem>> -> memref<640xi32, #tpu.memory_space<vmem>>
    %dma_wait3A_222 = arith.constant 0 : i32
    %dma_wait3A_223 = arith.constant 0 : i32
    %dma_wait3A_224 = tpu.memref_slice %arg10[%dma_wait3A_222, %dma_wait3A_223] : memref<100864x16xf32, #tpu.memory_space<vmem_shared>> -> memref<100864x16xf32, #tpu.memory_space<vmem_shared>>
    tpu.wait_indirect_dma semaphore(%arg17 : memref<!tpu.dma_semaphore, #tpu.memory_space<semaphore_mem>>) src(%dma_wait3A_214 : memref<640x16xf32, #tpu.memory_space<vmem>>) dst(%dma_wait3A_224 : memref<100864x16xf32, #tpu.memory_space<vmem_shared>>)
    %barrier3A_225 = arith.constant 0 : index
    tpu.barrier barrier_id(%barrier3A_225)
    %eq3A_226 = arith.constant 0 : i32
    %eq3A_227 = arith.cmpi eq, %arg0, %eq3A_226 : i32
    %convert_element_type3A_228 = arith.extui %eq3A_227 : i1 to i32
    %cond3A_229 = arith.constant 0 : i32
    %cond3A_230 = arith.cmpi ne, %convert_element_type3A_228, %cond3A_229 : i32
    scf.if %cond3A_230 {
      "tpu.region"() ({
        %run_scoped3A_236 = tpu.sem_alloc : memref<!tpu.dma_semaphore, #tpu.memory_space<semaphore_mem>>
        %dma_start3A_237 = arith.constant 0 : i32
        %dma_start3A_238 = tpu.memref_slice %arg8[%mul3A_0, %dma_start3A_237] : memref<100864x16xf32, #tpu.memory_space<hbm>> -> memref<6304x16xf32, #tpu.memory_space<hbm>>
        %dma_start3A_239 = arith.constant 0 : i32
        %dma_start3A_240 = tpu.memref_slice %arg10[%mul3A_0, %dma_start3A_239] : memref<100864x16xf32, #tpu.memory_space<vmem_shared>> -> memref<6304x16xf32, #tpu.memory_space<vmem_shared>>
        tpu.enqueue_dma source(%dma_start3A_240 : memref<6304x16xf32, #tpu.memory_space<vmem_shared>>) target(%dma_start3A_238 : memref<6304x16xf32, #tpu.memory_space<hbm>>) target_semaphore(%run_scoped3A_236 : memref<!tpu.dma_semaphore, #tpu.memory_space<semaphore_mem>>)
        %dma_wait3A_241 = arith.constant 0 : i32
        %dma_wait3A_242 = tpu.memref_slice %arg8[%mul3A_0, %dma_wait3A_241] : memref<100864x16xf32, #tpu.memory_space<hbm>> -> memref<6304x16xf32, #tpu.memory_space<hbm>>
        %dma_wait3A_243 = arith.constant 0 : i32
        %dma_wait3A_244 = tpu.memref_slice %arg10[%mul3A_0, %dma_wait3A_243] : memref<100864x16xf32, #tpu.memory_space<vmem_shared>> -> memref<6304x16xf32, #tpu.memory_space<vmem_shared>>
        tpu.wait_dma2 semaphore(%run_scoped3A_236 : memref<!tpu.dma_semaphore, #tpu.memory_space<semaphore_mem>>) src(%dma_wait3A_244 : memref<6304x16xf32, #tpu.memory_space<vmem_shared>>) dst(%dma_wait3A_242 : memref<6304x16xf32, #tpu.memory_space<hbm>>)
        tpu.yield
      }) : () -> ()
    } else {
    }
    %eq3A_231 = arith.constant 1 : i32
    %eq3A_232 = arith.cmpi eq, %arg0, %eq3A_231 : i32
    %convert_element_type3A_233 = arith.extui %eq3A_232 : i1 to i32
    %cond3A_234 = arith.constant 0 : i32
    %cond3A_235 = arith.cmpi ne, %convert_element_type3A_233, %cond3A_234 : i32
    scf.if %cond3A_235 {
      "tpu.region"() ({
        %run_scoped3A_236 = tpu.sem_alloc : memref<!tpu.dma_semaphore, #tpu.memory_space<semaphore_mem>>
        %dma_start3A_237 = arith.constant 0 : i32
        %dma_start3A_238 = tpu.memref_slice %arg9[%mul3A_0, %dma_start3A_237] : memref<100864x16xf32, #tpu.memory_space<hbm>> -> memref<6304x16xf32, #tpu.memory_space<hbm>>
        %dma_start3A_239 = arith.constant 0 : i32
        %dma_start3A_240 = tpu.memref_slice %arg10[%mul3A_0, %dma_start3A_239] : memref<100864x16xf32, #tpu.memory_space<vmem_shared>> -> memref<6304x16xf32, #tpu.memory_space<vmem_shared>>
        tpu.enqueue_dma source(%dma_start3A_240 : memref<6304x16xf32, #tpu.memory_space<vmem_shared>>) target(%dma_start3A_238 : memref<6304x16xf32, #tpu.memory_space<hbm>>) target_semaphore(%run_scoped3A_236 : memref<!tpu.dma_semaphore, #tpu.memory_space<semaphore_mem>>)
        %dma_wait3A_241 = arith.constant 0 : i32
        %dma_wait3A_242 = tpu.memref_slice %arg9[%mul3A_0, %dma_wait3A_241] : memref<100864x16xf32, #tpu.memory_space<hbm>> -> memref<6304x16xf32, #tpu.memory_space<hbm>>
        %dma_wait3A_243 = arith.constant 0 : i32
        %dma_wait3A_244 = tpu.memref_slice %arg10[%mul3A_0, %dma_wait3A_243] : memref<100864x16xf32, #tpu.memory_space<vmem_shared>> -> memref<6304x16xf32, #tpu.memory_space<vmem_shared>>
        tpu.wait_dma2 semaphore(%run_scoped3A_236 : memref<!tpu.dma_semaphore, #tpu.memory_space<semaphore_mem>>) src(%dma_wait3A_244 : memref<6304x16xf32, #tpu.memory_space<vmem_shared>>) dst(%dma_wait3A_242 : memref<6304x16xf32, #tpu.memory_space<hbm>>)
        tpu.yield
      }) : () -> ()
    } else {
    }
    return
  }
}

module attributes {stable_mosaic.version = 14 : i64} {
  func.func @body(%arg0: i32, %arg1: memref<1576x128xf32, #tpu.memory_space<vmem>>, %arg2: memref<1576x128xf32, #tpu.memory_space<vmem>>, %arg3: memref<128x128xf32, #tpu.memory_space<vmem>>, %arg4: memref<128x128xf32, #tpu.memory_space<vmem>>, %arg5: memref<128x128xf32, #tpu.memory_space<vmem>>, %arg6: memref<128x128xf32, #tpu.memory_space<vmem>>, %arg7: memref<128x128xf32, #tpu.memory_space<vmem>>, %arg8: memref<128x128xf32, #tpu.memory_space<vmem>>, %arg9: memref<128x128xf32, #tpu.memory_space<vmem>>, %arg10: memref<128x128xf32, #tpu.memory_space<vmem>>, %arg11: memref<1x128xf32, #tpu.memory_space<vmem>>, %arg12: memref<1x128xf32, #tpu.memory_space<vmem>>, %arg13: memref<1576x128xf32, #tpu.memory_space<vmem>>, %arg14: memref<1576x128xf32, #tpu.memory_space<vmem>>, %arg15: memref<1576x128xf32, #tpu.memory_space<vmem>>, %arg16: memref<1576x128xf32, #tpu.memory_space<vmem>>) attributes {dimension_semantics = [#tpu.dimension_semantics<arbitrary>], iteration_bounds = array<i64: 8>, scalar_prefetch = 0 : i64, scratch_operands = 0 : i64, tpu.core_type = #tpu.core_type<tc>, window_params = [{transform_indices = @transform_0, window_bounds = array<i64: 1576, 128>}, {transform_indices = @transform_1, window_bounds = array<i64: 1576, 128>}, {pipeline_mode = #tpu.pipeline_mode<synchronous>, transform_indices = @transform_2, window_bounds = array<i64: 128, 128>}, {pipeline_mode = #tpu.pipeline_mode<synchronous>, transform_indices = @transform_3, window_bounds = array<i64: 128, 128>}, {pipeline_mode = #tpu.pipeline_mode<synchronous>, transform_indices = @transform_4, window_bounds = array<i64: 128, 128>}, {pipeline_mode = #tpu.pipeline_mode<synchronous>, transform_indices = @transform_5, window_bounds = array<i64: 128, 128>}, {pipeline_mode = #tpu.pipeline_mode<synchronous>, transform_indices = @transform_6, window_bounds = array<i64: 128, 128>}, {pipeline_mode = #tpu.pipeline_mode<synchronous>, transform_indices = @transform_7, window_bounds = array<i64: 128, 128>}, {pipeline_mode = #tpu.pipeline_mode<synchronous>, transform_indices = @transform_8, window_bounds = array<i64: 128, 128>}, {pipeline_mode = #tpu.pipeline_mode<synchronous>, transform_indices = @transform_9, window_bounds = array<i64: 128, 128>}, {pipeline_mode = #tpu.pipeline_mode<synchronous>, transform_indices = @transform_10, window_bounds = array<i64: 1, 128>}, {pipeline_mode = #tpu.pipeline_mode<synchronous>, transform_indices = @transform_11, window_bounds = array<i64: 1, 128>}, {transform_indices = @transform_12, window_bounds = array<i64: 1576, 128>}, {transform_indices = @transform_13, window_bounds = array<i64: 1576, 128>}, {transform_indices = @transform_14, window_bounds = array<i64: 1576, 128>}, {transform_indices = @transform_15, window_bounds = array<i64: 1576, 128>}]} {
    %get3A = arith.constant 0 : index
    %get3A_0 = arith.constant 0 : index
    %get3A_1 = vector.load %arg1[%get3A, %get3A_0] : memref<1576x128xf32, #tpu.memory_space<vmem>>, vector<1576x128xf32>
    %get3A_2 = arith.constant 0 : index
    %get3A_3 = arith.constant 0 : index
    %get3A_4 = vector.load %arg2[%get3A_2, %get3A_3] : memref<1576x128xf32, #tpu.memory_space<vmem>>, vector<1576x128xf32>
    %get3A_5 = arith.constant 0 : index
    %get3A_6 = arith.constant 0 : index
    %get3A_7 = vector.load %arg3[%get3A_5, %get3A_6] : memref<128x128xf32, #tpu.memory_space<vmem>>, vector<128x128xf32>
    %dot_general3A = arith.constant dense<0.000000e+00> : vector<1576x128xf32>
    %dot_general3A_8 = tpu.matmul %get3A_1, %get3A_7, %dot_general3A {dimension_numbers = #tpu.dot_dimension_numbers<[1], [0], [0], [1], [0, 0, 1, 1], [], []>, transpose_lhs_hint = false} : vector<1576x128xf32>, vector<128x128xf32>, vector<1576x128xf32> -> vector<1576x128xf32>
    %get3A_9 = arith.constant 0 : index
    %get3A_10 = arith.constant 0 : index
    %get3A_11 = vector.load %arg4[%get3A_9, %get3A_10] : memref<128x128xf32, #tpu.memory_space<vmem>>, vector<128x128xf32>
    %dot_general3A_12 = arith.constant dense<0.000000e+00> : vector<1576x128xf32>
    %dot_general3A_13 = tpu.matmul %get3A_4, %get3A_11, %dot_general3A_12 {dimension_numbers = #tpu.dot_dimension_numbers<[1], [0], [0], [1], [0, 0, 1, 1], [], []>, transpose_lhs_hint = false} : vector<1576x128xf32>, vector<128x128xf32>, vector<1576x128xf32> -> vector<1576x128xf32>
    %add3A = arith.addf %dot_general3A_8, %dot_general3A_13 : vector<1576x128xf32>
    %swap3A = arith.constant 0 : index
    %swap3A_14 = arith.constant 0 : index
    %swap3A_15 = vector.load %arg13[%swap3A, %swap3A_14] : memref<1576x128xf32, #tpu.memory_space<vmem>>, vector<1576x128xf32>
    tpu.vector_store %arg13[%swap3A, %swap3A_14], %add3A {strides = array<i32>} : memref<1576x128xf32, #tpu.memory_space<vmem>>, vector<1576x128xf32>,
    %get3A_16 = arith.constant 0 : index
    %get3A_17 = arith.constant 0 : index
    %get3A_18 = vector.load %arg5[%get3A_16, %get3A_17] : memref<128x128xf32, #tpu.memory_space<vmem>>, vector<128x128xf32>
    %dot_general3A_19 = arith.constant dense<0.000000e+00> : vector<1576x128xf32>
    %dot_general3A_20 = tpu.matmul %get3A_1, %get3A_18, %dot_general3A_19 {dimension_numbers = #tpu.dot_dimension_numbers<[1], [0], [0], [1], [0, 0, 1, 1], [], []>, transpose_lhs_hint = false} : vector<1576x128xf32>, vector<128x128xf32>, vector<1576x128xf32> -> vector<1576x128xf32>
    %get3A_21 = arith.constant 0 : index
    %get3A_22 = arith.constant 0 : index
    %get3A_23 = vector.load %arg6[%get3A_21, %get3A_22] : memref<128x128xf32, #tpu.memory_space<vmem>>, vector<128x128xf32>
    %dot_general3A_24 = arith.constant dense<0.000000e+00> : vector<1576x128xf32>
    %dot_general3A_25 = tpu.matmul %get3A_4, %get3A_23, %dot_general3A_24 {dimension_numbers = #tpu.dot_dimension_numbers<[1], [0], [0], [1], [0, 0, 1, 1], [], []>, transpose_lhs_hint = false} : vector<1576x128xf32>, vector<128x128xf32>, vector<1576x128xf32> -> vector<1576x128xf32>
    %add3A_26 = arith.addf %dot_general3A_20, %dot_general3A_25 : vector<1576x128xf32>
    %swap3A_27 = arith.constant 0 : index
    %swap3A_28 = arith.constant 0 : index
    %swap3A_29 = vector.load %arg14[%swap3A_27, %swap3A_28] : memref<1576x128xf32, #tpu.memory_space<vmem>>, vector<1576x128xf32>
    tpu.vector_store %arg14[%swap3A_27, %swap3A_28], %add3A_26 {strides = array<i32>} : memref<1576x128xf32, #tpu.memory_space<vmem>>, vector<1576x128xf32>,
    %get3A_30 = arith.constant 0 : index
    %get3A_31 = arith.constant 0 : index
    %get3A_32 = vector.load %arg7[%get3A_30, %get3A_31] : memref<128x128xf32, #tpu.memory_space<vmem>>, vector<128x128xf32>
    %dot_general3A_33 = arith.constant dense<0.000000e+00> : vector<1576x128xf32>
    %dot_general3A_34 = tpu.matmul %get3A_1, %get3A_32, %dot_general3A_33 {dimension_numbers = #tpu.dot_dimension_numbers<[1], [0], [0], [1], [0, 0, 1, 1], [], []>, transpose_lhs_hint = false} : vector<1576x128xf32>, vector<128x128xf32>, vector<1576x128xf32> -> vector<1576x128xf32>
    %get3A_35 = arith.constant 0 : index
    %get3A_36 = arith.constant 0 : index
    %get3A_37 = vector.load %arg8[%get3A_35, %get3A_36] : memref<128x128xf32, #tpu.memory_space<vmem>>, vector<128x128xf32>
    %dot_general3A_38 = arith.constant dense<0.000000e+00> : vector<1576x128xf32>
    %dot_general3A_39 = tpu.matmul %get3A_4, %get3A_37, %dot_general3A_38 {dimension_numbers = #tpu.dot_dimension_numbers<[1], [0], [0], [1], [0, 0, 1, 1], [], []>, transpose_lhs_hint = false} : vector<1576x128xf32>, vector<128x128xf32>, vector<1576x128xf32> -> vector<1576x128xf32>
    %add3A_40 = arith.addf %dot_general3A_34, %dot_general3A_39 : vector<1576x128xf32>
    %get3A_41 = arith.constant 0 : index
    %get3A_42 = arith.constant 0 : index
    %get3A_43 = vector.load %arg11[%get3A_41, %get3A_42] : memref<1x128xf32, #tpu.memory_space<vmem>>, vector<1x128xf32>
    %add3A_44 = vector.broadcast %get3A_43 : vector<1x128xf32> to vector<1576x128xf32>
    %add3A_45 = arith.addf %add3A_40, %add3A_44 : vector<1576x128xf32>
    %swap3A_46 = arith.constant 0 : index
    %swap3A_47 = arith.constant 0 : index
    %swap3A_48 = vector.load %arg15[%swap3A_46, %swap3A_47] : memref<1576x128xf32, #tpu.memory_space<vmem>>, vector<1576x128xf32>
    tpu.vector_store %arg15[%swap3A_46, %swap3A_47], %add3A_45 {strides = array<i32>} : memref<1576x128xf32, #tpu.memory_space<vmem>>, vector<1576x128xf32>,
    %get3A_49 = arith.constant 0 : index
    %get3A_50 = arith.constant 0 : index
    %get3A_51 = vector.load %arg9[%get3A_49, %get3A_50] : memref<128x128xf32, #tpu.memory_space<vmem>>, vector<128x128xf32>
    %dot_general3A_52 = arith.constant dense<0.000000e+00> : vector<1576x128xf32>
    %dot_general3A_53 = tpu.matmul %get3A_1, %get3A_51, %dot_general3A_52 {dimension_numbers = #tpu.dot_dimension_numbers<[1], [0], [0], [1], [0, 0, 1, 1], [], []>, transpose_lhs_hint = false} : vector<1576x128xf32>, vector<128x128xf32>, vector<1576x128xf32> -> vector<1576x128xf32>
    %get3A_54 = arith.constant 0 : index
    %get3A_55 = arith.constant 0 : index
    %get3A_56 = vector.load %arg10[%get3A_54, %get3A_55] : memref<128x128xf32, #tpu.memory_space<vmem>>, vector<128x128xf32>
    %dot_general3A_57 = arith.constant dense<0.000000e+00> : vector<1576x128xf32>
    %dot_general3A_58 = tpu.matmul %get3A_4, %get3A_56, %dot_general3A_57 {dimension_numbers = #tpu.dot_dimension_numbers<[1], [0], [0], [1], [0, 0, 1, 1], [], []>, transpose_lhs_hint = false} : vector<1576x128xf32>, vector<128x128xf32>, vector<1576x128xf32> -> vector<1576x128xf32>
    %add3A_59 = arith.addf %dot_general3A_53, %dot_general3A_58 : vector<1576x128xf32>
    %get3A_60 = arith.constant 0 : index
    %get3A_61 = arith.constant 0 : index
    %get3A_62 = vector.load %arg12[%get3A_60, %get3A_61] : memref<1x128xf32, #tpu.memory_space<vmem>>, vector<1x128xf32>
    %add3A_63 = vector.broadcast %get3A_62 : vector<1x128xf32> to vector<1576x128xf32>
    %add3A_64 = arith.addf %add3A_59, %add3A_63 : vector<1576x128xf32>
    %swap3A_65 = arith.constant 0 : index
    %swap3A_66 = arith.constant 0 : index
    %swap3A_67 = vector.load %arg16[%swap3A_65, %swap3A_66] : memref<1576x128xf32, #tpu.memory_space<vmem>>, vector<1576x128xf32>
    tpu.vector_store %arg16[%swap3A_65, %swap3A_66], %add3A_64 {strides = array<i32>} : memref<1576x128xf32, #tpu.memory_space<vmem>>, vector<1576x128xf32>,
    return
  }
  func.func @transform_0(%arg0: i32) -> (i32, i32) {
    %c0_i32 = arith.constant 0 : i32
    %c0_i32_0 = arith.constant 0 : i32
    return %arg0, %c0_i32 : i32, i32
  }
  func.func @transform_1(%arg0: i32) -> (i32, i32) {
    %c0_i32 = arith.constant 0 : i32
    %c0_i32_0 = arith.constant 0 : i32
    return %arg0, %c0_i32 : i32, i32
  }
  func.func @transform_2(%arg0: i32) -> (i32, i32) {
    %c0_i32 = arith.constant 0 : i32
    %c0_i32_0 = arith.constant 0 : i32
    %c0_i32_1 = arith.constant 0 : i32
    return %c0_i32, %c0_i32_0 : i32, i32
  }
  func.func @transform_3(%arg0: i32) -> (i32, i32) {
    %c0_i32 = arith.constant 0 : i32
    %c0_i32_0 = arith.constant 0 : i32
    %c0_i32_1 = arith.constant 0 : i32
    return %c0_i32, %c0_i32_0 : i32, i32
  }
  func.func @transform_4(%arg0: i32) -> (i32, i32) {
    %c0_i32 = arith.constant 0 : i32
    %c0_i32_0 = arith.constant 0 : i32
    %c0_i32_1 = arith.constant 0 : i32
    return %c0_i32, %c0_i32_0 : i32, i32
  }
  func.func @transform_5(%arg0: i32) -> (i32, i32) {
    %c0_i32 = arith.constant 0 : i32
    %c0_i32_0 = arith.constant 0 : i32
    %c0_i32_1 = arith.constant 0 : i32
    return %c0_i32, %c0_i32_0 : i32, i32
  }
  func.func @transform_6(%arg0: i32) -> (i32, i32) {
    %c0_i32 = arith.constant 0 : i32
    %c0_i32_0 = arith.constant 0 : i32
    %c0_i32_1 = arith.constant 0 : i32
    return %c0_i32, %c0_i32_0 : i32, i32
  }
  func.func @transform_7(%arg0: i32) -> (i32, i32) {
    %c0_i32 = arith.constant 0 : i32
    %c0_i32_0 = arith.constant 0 : i32
    %c0_i32_1 = arith.constant 0 : i32
    return %c0_i32, %c0_i32_0 : i32, i32
  }
  func.func @transform_8(%arg0: i32) -> (i32, i32) {
    %c0_i32 = arith.constant 0 : i32
    %c0_i32_0 = arith.constant 0 : i32
    %c0_i32_1 = arith.constant 0 : i32
    return %c0_i32, %c0_i32_0 : i32, i32
  }
  func.func @transform_9(%arg0: i32) -> (i32, i32) {
    %c0_i32 = arith.constant 0 : i32
    %c0_i32_0 = arith.constant 0 : i32
    %c0_i32_1 = arith.constant 0 : i32
    return %c0_i32, %c0_i32_0 : i32, i32
  }
  func.func @transform_10(%arg0: i32) -> (i32, i32) {
    %c0_i32 = arith.constant 0 : i32
    %c0_i32_0 = arith.constant 0 : i32
    %c0_i32_1 = arith.constant 0 : i32
    return %c0_i32, %c0_i32_0 : i32, i32
  }
  func.func @transform_11(%arg0: i32) -> (i32, i32) {
    %c0_i32 = arith.constant 0 : i32
    %c0_i32_0 = arith.constant 0 : i32
    %c0_i32_1 = arith.constant 0 : i32
    return %c0_i32, %c0_i32_0 : i32, i32
  }
  func.func @transform_12(%arg0: i32) -> (i32, i32) {
    %c0_i32 = arith.constant 0 : i32
    %c0_i32_0 = arith.constant 0 : i32
    return %arg0, %c0_i32 : i32, i32
  }
  func.func @transform_13(%arg0: i32) -> (i32, i32) {
    %c0_i32 = arith.constant 0 : i32
    %c0_i32_0 = arith.constant 0 : i32
    return %arg0, %c0_i32 : i32, i32
  }
  func.func @transform_14(%arg0: i32) -> (i32, i32) {
    %c0_i32 = arith.constant 0 : i32
    %c0_i32_0 = arith.constant 0 : i32
    return %arg0, %c0_i32 : i32, i32
  }
  func.func @transform_15(%arg0: i32) -> (i32, i32) {
    %c0_i32 = arith.constant 0 : i32
    %c0_i32_0 = arith.constant 0 : i32
    return %arg0, %c0_i32 : i32, i32
  }
}

module attributes {stable_mosaic.version = 14 : i64} {
  func.func @body(%arg0: memref<16x6304xf32, #tpu.memory_space<vmem>>, %arg1: memref<16x6304xf32, #tpu.memory_space<vmem>>) attributes {dimension_semantics = [], scalar_prefetch = 0 : i64, scratch_operands = 0 : i64, tpu.core_type = #tpu.core_type<tc>} {
    %get3A = arith.constant 0 : index
    %get3A_0 = arith.constant 0 : index
    %get3A_1 = vector.load %arg0[%get3A, %get3A_0] : memref<16x6304xf32, #tpu.memory_space<vmem>>, vector<16x6304xf32>
    %max3A = arith.constant 1.000000e+00 : f32
    %max3A_2 = vector.broadcast %max3A : f32 to vector<16x6304xf32>
    %max3A_3 = arith.maximumf %get3A_1, %max3A_2 : vector<16x6304xf32>
    %div3A = arith.constant 1.000000e+00 : f32
    %div3A_4 = vector.broadcast %div3A : f32 to vector<16x6304xf32>
    %div3A_5 = arith.divf %div3A_4, %max3A_3 : vector<16x6304xf32>
    %swap3A = arith.constant 0 : index
    %swap3A_6 = arith.constant 0 : index
    %swap3A_7 = vector.load %arg1[%swap3A, %swap3A_6] : memref<16x6304xf32, #tpu.memory_space<vmem>>, vector<16x6304xf32>
    tpu.vector_store %arg1[%swap3A, %swap3A_6], %div3A_5 {strides = array<i32>} : memref<16x6304xf32, #tpu.memory_space<vmem>>, vector<16x6304xf32>,
    return
  }
}

module attributes {stable_mosaic.version = 14 : i64} {
  func.func @body(%arg0: i32, %arg1: memref<1576x128xf32, #tpu.memory_space<vmem>>, %arg2: memref<1576x128xf32, #tpu.memory_space<vmem>>, %arg3: memref<1576x128xf32, #tpu.memory_space<vmem>>, %arg4: memref<1576x128xf32, #tpu.memory_space<vmem>>, %arg5: memref<1576x128xf32, #tpu.memory_space<vmem>>, %arg6: memref<128x128xf32, #tpu.memory_space<vmem>>, %arg7: memref<128x128xf32, #tpu.memory_space<vmem>>, %arg8: memref<128x128xf32, #tpu.memory_space<vmem>>, %arg9: memref<128x128xf32, #tpu.memory_space<vmem>>, %arg10: memref<128x128xf32, #tpu.memory_space<vmem>>, %arg11: memref<128x128xf32, #tpu.memory_space<vmem>>, %arg12: memref<128x128xf32, #tpu.memory_space<vmem>>, %arg13: memref<128x128xf32, #tpu.memory_space<vmem>>, %arg14: memref<1x128xf32, #tpu.memory_space<vmem>>, %arg15: memref<1x128xf32, #tpu.memory_space<vmem>>, %arg16: memref<1576x128xf32, #tpu.memory_space<vmem>>, %arg17: memref<1576x128xf32, #tpu.memory_space<vmem>>, %arg18: memref<1576x128xf32, #tpu.memory_space<vmem>>, %arg19: memref<1576x128xf32, #tpu.memory_space<vmem>>) attributes {dimension_semantics = [#tpu.dimension_semantics<arbitrary>], iteration_bounds = array<i64: 8>, scalar_prefetch = 0 : i64, scratch_operands = 0 : i64, tpu.core_type = #tpu.core_type<tc>, window_params = [{transform_indices = @transform_0, window_bounds = array<i64: 1576, 128>}, {transform_indices = @transform_1, window_bounds = array<i64: 1576, 128>}, {transform_indices = @transform_2, window_bounds = array<i64: 1576, 128>}, {transform_indices = @transform_3, window_bounds = array<i64: 1576, 128>}, {transform_indices = @transform_4, window_bounds = array<i64: 1576, 128>}, {pipeline_mode = #tpu.pipeline_mode<synchronous>, transform_indices = @transform_5, window_bounds = array<i64: 128, 128>}, {pipeline_mode = #tpu.pipeline_mode<synchronous>, transform_indices = @transform_6, window_bounds = array<i64: 128, 128>}, {pipeline_mode = #tpu.pipeline_mode<synchronous>, transform_indices = @transform_7, window_bounds = array<i64: 128, 128>}, {pipeline_mode = #tpu.pipeline_mode<synchronous>, transform_indices = @transform_8, window_bounds = array<i64: 128, 128>}, {pipeline_mode = #tpu.pipeline_mode<synchronous>, transform_indices = @transform_9, window_bounds = array<i64: 128, 128>}, {pipeline_mode = #tpu.pipeline_mode<synchronous>, transform_indices = @transform_10, window_bounds = array<i64: 128, 128>}, {pipeline_mode = #tpu.pipeline_mode<synchronous>, transform_indices = @transform_11, window_bounds = array<i64: 128, 128>}, {pipeline_mode = #tpu.pipeline_mode<synchronous>, transform_indices = @transform_12, window_bounds = array<i64: 128, 128>}, {pipeline_mode = #tpu.pipeline_mode<synchronous>, transform_indices = @transform_13, window_bounds = array<i64: 1, 128>}, {pipeline_mode = #tpu.pipeline_mode<synchronous>, transform_indices = @transform_14, window_bounds = array<i64: 1, 128>}, {transform_indices = @transform_15, window_bounds = array<i64: 1576, 128>}, {transform_indices = @transform_16, window_bounds = array<i64: 1576, 128>}, {transform_indices = @transform_17, window_bounds = array<i64: 1576, 128>}, {transform_indices = @transform_18, window_bounds = array<i64: 1576, 128>}]} {
    %get3A = arith.constant 0 : index
    %get3A_0 = arith.constant 0 : index
    %get3A_1 = vector.load %arg3[%get3A, %get3A_0] : memref<1576x128xf32, #tpu.memory_space<vmem>>, vector<1576x128xf32>
    %get3A_2 = arith.constant 0 : index
    %get3A_3 = arith.constant 0 : index
    %get3A_4 = vector.load %arg1[%get3A_2, %get3A_3] : memref<1576x128xf32, #tpu.memory_space<vmem>>, vector<1576x128xf32>
    %mul3A = arith.mulf %get3A_4, %get3A_1 : vector<1576x128xf32>
    %get3A_5 = arith.constant 0 : index
    %get3A_6 = arith.constant 0 : index
    %get3A_7 = vector.load %arg4[%get3A_5, %get3A_6] : memref<1576x128xf32, #tpu.memory_space<vmem>>, vector<1576x128xf32>
    %add3A = arith.addf %mul3A, %get3A_7 : vector<1576x128xf32>
    %max3A = arith.constant 0.000000e+00 : f32
    %max3A_8 = vector.broadcast %max3A : f32 to vector<1576x128xf32>
    %max3A_9 = arith.maximumf %add3A, %max3A_8 : vector<1576x128xf32>
    %get3A_10 = arith.constant 0 : index
    %get3A_11 = arith.constant 0 : index
    %get3A_12 = vector.load %arg2[%get3A_10, %get3A_11] : memref<1576x128xf32, #tpu.memory_space<vmem>>, vector<1576x128xf32>
    %mul3A_13 = arith.mulf %get3A_12, %get3A_1 : vector<1576x128xf32>
    %get3A_14 = arith.constant 0 : index
    %get3A_15 = arith.constant 0 : index
    %get3A_16 = vector.load %arg5[%get3A_14, %get3A_15] : memref<1576x128xf32, #tpu.memory_space<vmem>>, vector<1576x128xf32>
    %add3A_17 = arith.addf %mul3A_13, %get3A_16 : vector<1576x128xf32>
    %max3A_18 = arith.constant 0.000000e+00 : f32
    %max3A_19 = vector.broadcast %max3A_18 : f32 to vector<1576x128xf32>
    %max3A_20 = arith.maximumf %add3A_17, %max3A_19 : vector<1576x128xf32>
    %get3A_21 = arith.constant 0 : index
    %get3A_22 = arith.constant 0 : index
    %get3A_23 = vector.load %arg6[%get3A_21, %get3A_22] : memref<128x128xf32, #tpu.memory_space<vmem>>, vector<128x128xf32>
    %dot_general3A = arith.constant dense<0.000000e+00> : vector<1576x128xf32>
    %dot_general3A_24 = tpu.matmul %max3A_9, %get3A_23, %dot_general3A {dimension_numbers = #tpu.dot_dimension_numbers<[1], [0], [0], [1], [0, 0, 1, 1], [], []>, transpose_lhs_hint = false} : vector<1576x128xf32>, vector<128x128xf32>, vector<1576x128xf32> -> vector<1576x128xf32>
    %get3A_25 = arith.constant 0 : index
    %get3A_26 = arith.constant 0 : index
    %get3A_27 = vector.load %arg7[%get3A_25, %get3A_26] : memref<128x128xf32, #tpu.memory_space<vmem>>, vector<128x128xf32>
    %dot_general3A_28 = arith.constant dense<0.000000e+00> : vector<1576x128xf32>
    %dot_general3A_29 = tpu.matmul %max3A_20, %get3A_27, %dot_general3A_28 {dimension_numbers = #tpu.dot_dimension_numbers<[1], [0], [0], [1], [0, 0, 1, 1], [], []>, transpose_lhs_hint = false} : vector<1576x128xf32>, vector<128x128xf32>, vector<1576x128xf32> -> vector<1576x128xf32>
    %add3A_30 = arith.addf %dot_general3A_24, %dot_general3A_29 : vector<1576x128xf32>
    %swap3A = arith.constant 0 : index
    %swap3A_31 = arith.constant 0 : index
    %swap3A_32 = vector.load %arg16[%swap3A, %swap3A_31] : memref<1576x128xf32, #tpu.memory_space<vmem>>, vector<1576x128xf32>
    tpu.vector_store %arg16[%swap3A, %swap3A_31], %add3A_30 {strides = array<i32>} : memref<1576x128xf32, #tpu.memory_space<vmem>>, vector<1576x128xf32>,
    %get3A_33 = arith.constant 0 : index
    %get3A_34 = arith.constant 0 : index
    %get3A_35 = vector.load %arg8[%get3A_33, %get3A_34] : memref<128x128xf32, #tpu.memory_space<vmem>>, vector<128x128xf32>
    %dot_general3A_36 = arith.constant dense<0.000000e+00> : vector<1576x128xf32>
    %dot_general3A_37 = tpu.matmul %max3A_9, %get3A_35, %dot_general3A_36 {dimension_numbers = #tpu.dot_dimension_numbers<[1], [0], [0], [1], [0, 0, 1, 1], [], []>, transpose_lhs_hint = false} : vector<1576x128xf32>, vector<128x128xf32>, vector<1576x128xf32> -> vector<1576x128xf32>
    %get3A_38 = arith.constant 0 : index
    %get3A_39 = arith.constant 0 : index
    %get3A_40 = vector.load %arg9[%get3A_38, %get3A_39] : memref<128x128xf32, #tpu.memory_space<vmem>>, vector<128x128xf32>
    %dot_general3A_41 = arith.constant dense<0.000000e+00> : vector<1576x128xf32>
    %dot_general3A_42 = tpu.matmul %max3A_20, %get3A_40, %dot_general3A_41 {dimension_numbers = #tpu.dot_dimension_numbers<[1], [0], [0], [1], [0, 0, 1, 1], [], []>, transpose_lhs_hint = false} : vector<1576x128xf32>, vector<128x128xf32>, vector<1576x128xf32> -> vector<1576x128xf32>
    %add3A_43 = arith.addf %dot_general3A_37, %dot_general3A_42 : vector<1576x128xf32>
    %swap3A_44 = arith.constant 0 : index
    %swap3A_45 = arith.constant 0 : index
    %swap3A_46 = vector.load %arg17[%swap3A_44, %swap3A_45] : memref<1576x128xf32, #tpu.memory_space<vmem>>, vector<1576x128xf32>
    tpu.vector_store %arg17[%swap3A_44, %swap3A_45], %add3A_43 {strides = array<i32>} : memref<1576x128xf32, #tpu.memory_space<vmem>>, vector<1576x128xf32>,
    %get3A_47 = arith.constant 0 : index
    %get3A_48 = arith.constant 0 : index
    %get3A_49 = vector.load %arg10[%get3A_47, %get3A_48] : memref<128x128xf32, #tpu.memory_space<vmem>>, vector<128x128xf32>
    %dot_general3A_50 = arith.constant dense<0.000000e+00> : vector<1576x128xf32>
    %dot_general3A_51 = tpu.matmul %max3A_9, %get3A_49, %dot_general3A_50 {dimension_numbers = #tpu.dot_dimension_numbers<[1], [0], [0], [1], [0, 0, 1, 1], [], []>, transpose_lhs_hint = false} : vector<1576x128xf32>, vector<128x128xf32>, vector<1576x128xf32> -> vector<1576x128xf32>
    %get3A_52 = arith.constant 0 : index
    %get3A_53 = arith.constant 0 : index
    %get3A_54 = vector.load %arg11[%get3A_52, %get3A_53] : memref<128x128xf32, #tpu.memory_space<vmem>>, vector<128x128xf32>
    %dot_general3A_55 = arith.constant dense<0.000000e+00> : vector<1576x128xf32>
    %dot_general3A_56 = tpu.matmul %max3A_20, %get3A_54, %dot_general3A_55 {dimension_numbers = #tpu.dot_dimension_numbers<[1], [0], [0], [1], [0, 0, 1, 1], [], []>, transpose_lhs_hint = false} : vector<1576x128xf32>, vector<128x128xf32>, vector<1576x128xf32> -> vector<1576x128xf32>
    %add3A_57 = arith.addf %dot_general3A_51, %dot_general3A_56 : vector<1576x128xf32>
    %get3A_58 = arith.constant 0 : index
    %get3A_59 = arith.constant 0 : index
    %get3A_60 = vector.load %arg14[%get3A_58, %get3A_59] : memref<1x128xf32, #tpu.memory_space<vmem>>, vector<1x128xf32>
    %add3A_61 = vector.broadcast %get3A_60 : vector<1x128xf32> to vector<1576x128xf32>
    %add3A_62 = arith.addf %add3A_57, %add3A_61 : vector<1576x128xf32>
    %swap3A_63 = arith.constant 0 : index
    %swap3A_64 = arith.constant 0 : index
    %swap3A_65 = vector.load %arg18[%swap3A_63, %swap3A_64] : memref<1576x128xf32, #tpu.memory_space<vmem>>, vector<1576x128xf32>
    tpu.vector_store %arg18[%swap3A_63, %swap3A_64], %add3A_62 {strides = array<i32>} : memref<1576x128xf32, #tpu.memory_space<vmem>>, vector<1576x128xf32>,
    %get3A_66 = arith.constant 0 : index
    %get3A_67 = arith.constant 0 : index
    %get3A_68 = vector.load %arg12[%get3A_66, %get3A_67] : memref<128x128xf32, #tpu.memory_space<vmem>>, vector<128x128xf32>
    %dot_general3A_69 = arith.constant dense<0.000000e+00> : vector<1576x128xf32>
    %dot_general3A_70 = tpu.matmul %max3A_9, %get3A_68, %dot_general3A_69 {dimension_numbers = #tpu.dot_dimension_numbers<[1], [0], [0], [1], [0, 0, 1, 1], [], []>, transpose_lhs_hint = false} : vector<1576x128xf32>, vector<128x128xf32>, vector<1576x128xf32> -> vector<1576x128xf32>
    %get3A_71 = arith.constant 0 : index
    %get3A_72 = arith.constant 0 : index
    %get3A_73 = vector.load %arg13[%get3A_71, %get3A_72] : memref<128x128xf32, #tpu.memory_space<vmem>>, vector<128x128xf32>
    %dot_general3A_74 = arith.constant dense<0.000000e+00> : vector<1576x128xf32>
    %dot_general3A_75 = tpu.matmul %max3A_20, %get3A_73, %dot_general3A_74 {dimension_numbers = #tpu.dot_dimension_numbers<[1], [0], [0], [1], [0, 0, 1, 1], [], []>, transpose_lhs_hint = false} : vector<1576x128xf32>, vector<128x128xf32>, vector<1576x128xf32> -> vector<1576x128xf32>
    %add3A_76 = arith.addf %dot_general3A_70, %dot_general3A_75 : vector<1576x128xf32>
    %get3A_77 = arith.constant 0 : index
    %get3A_78 = arith.constant 0 : index
    %get3A_79 = vector.load %arg15[%get3A_77, %get3A_78] : memref<1x128xf32, #tpu.memory_space<vmem>>, vector<1x128xf32>
    %add3A_80 = vector.broadcast %get3A_79 : vector<1x128xf32> to vector<1576x128xf32>
    %add3A_81 = arith.addf %add3A_76, %add3A_80 : vector<1576x128xf32>
    %swap3A_82 = arith.constant 0 : index
    %swap3A_83 = arith.constant 0 : index
    %swap3A_84 = vector.load %arg19[%swap3A_82, %swap3A_83] : memref<1576x128xf32, #tpu.memory_space<vmem>>, vector<1576x128xf32>
    tpu.vector_store %arg19[%swap3A_82, %swap3A_83], %add3A_81 {strides = array<i32>} : memref<1576x128xf32, #tpu.memory_space<vmem>>, vector<1576x128xf32>,
    return
  }
  func.func @transform_0(%arg0: i32) -> (i32, i32) {
    %c0_i32 = arith.constant 0 : i32
    %c0_i32_0 = arith.constant 0 : i32
    return %arg0, %c0_i32 : i32, i32
  }
  func.func @transform_1(%arg0: i32) -> (i32, i32) {
    %c0_i32 = arith.constant 0 : i32
    %c0_i32_0 = arith.constant 0 : i32
    return %arg0, %c0_i32 : i32, i32
  }
  func.func @transform_2(%arg0: i32) -> (i32, i32) {
    %c0_i32 = arith.constant 0 : i32
    %c0_i32_0 = arith.constant 0 : i32
    return %arg0, %c0_i32 : i32, i32
  }
  func.func @transform_3(%arg0: i32) -> (i32, i32) {
    %c0_i32 = arith.constant 0 : i32
    %c0_i32_0 = arith.constant 0 : i32
    return %arg0, %c0_i32 : i32, i32
  }
  func.func @transform_4(%arg0: i32) -> (i32, i32) {
    %c0_i32 = arith.constant 0 : i32
    %c0_i32_0 = arith.constant 0 : i32
    return %arg0, %c0_i32 : i32, i32
  }
  func.func @transform_5(%arg0: i32) -> (i32, i32) {
    %c0_i32 = arith.constant 0 : i32
    %c0_i32_0 = arith.constant 0 : i32
    %c0_i32_1 = arith.constant 0 : i32
    return %c0_i32, %c0_i32_0 : i32, i32
  }
  func.func @transform_6(%arg0: i32) -> (i32, i32) {
    %c0_i32 = arith.constant 0 : i32
    %c0_i32_0 = arith.constant 0 : i32
    %c0_i32_1 = arith.constant 0 : i32
    return %c0_i32, %c0_i32_0 : i32, i32
  }
  func.func @transform_7(%arg0: i32) -> (i32, i32) {
    %c0_i32 = arith.constant 0 : i32
    %c0_i32_0 = arith.constant 0 : i32
    %c0_i32_1 = arith.constant 0 : i32
    return %c0_i32, %c0_i32_0 : i32, i32
  }
  func.func @transform_8(%arg0: i32) -> (i32, i32) {
    %c0_i32 = arith.constant 0 : i32
    %c0_i32_0 = arith.constant 0 : i32
    %c0_i32_1 = arith.constant 0 : i32
    return %c0_i32, %c0_i32_0 : i32, i32
  }
  func.func @transform_9(%arg0: i32) -> (i32, i32) {
    %c0_i32 = arith.constant 0 : i32
    %c0_i32_0 = arith.constant 0 : i32
    %c0_i32_1 = arith.constant 0 : i32
    return %c0_i32, %c0_i32_0 : i32, i32
  }
  func.func @transform_10(%arg0: i32) -> (i32, i32) {
    %c0_i32 = arith.constant 0 : i32
    %c0_i32_0 = arith.constant 0 : i32
    %c0_i32_1 = arith.constant 0 : i32
    return %c0_i32, %c0_i32_0 : i32, i32
  }
  func.func @transform_11(%arg0: i32) -> (i32, i32) {
    %c0_i32 = arith.constant 0 : i32
    %c0_i32_0 = arith.constant 0 : i32
    %c0_i32_1 = arith.constant 0 : i32
    return %c0_i32, %c0_i32_0 : i32, i32
  }
  func.func @transform_12(%arg0: i32) -> (i32, i32) {
    %c0_i32 = arith.constant 0 : i32
    %c0_i32_0 = arith.constant 0 : i32
    %c0_i32_1 = arith.constant 0 : i32
    return %c0_i32, %c0_i32_0 : i32, i32
  }
  func.func @transform_13(%arg0: i32) -> (i32, i32) {
    %c0_i32 = arith.constant 0 : i32
    %c0_i32_0 = arith.constant 0 : i32
    %c0_i32_1 = arith.constant 0 : i32
    return %c0_i32, %c0_i32_0 : i32, i32
  }
  func.func @transform_14(%arg0: i32) -> (i32, i32) {
    %c0_i32 = arith.constant 0 : i32
    %c0_i32_0 = arith.constant 0 : i32
    %c0_i32_1 = arith.constant 0 : i32
    return %c0_i32, %c0_i32_0 : i32, i32
  }
  func.func @transform_15(%arg0: i32) -> (i32, i32) {
    %c0_i32 = arith.constant 0 : i32
    %c0_i32_0 = arith.constant 0 : i32
    return %arg0, %c0_i32 : i32, i32
  }
  func.func @transform_16(%arg0: i32) -> (i32, i32) {
    %c0_i32 = arith.constant 0 : i32
    %c0_i32_0 = arith.constant 0 : i32
    return %arg0, %c0_i32 : i32, i32
  }
  func.func @transform_17(%arg0: i32) -> (i32, i32) {
    %c0_i32 = arith.constant 0 : i32
    %c0_i32_0 = arith.constant 0 : i32
    return %arg0, %c0_i32 : i32, i32
  }
  func.func @transform_18(%arg0: i32) -> (i32, i32) {
    %c0_i32 = arith.constant 0 : i32
    %c0_i32_0 = arith.constant 0 : i32
    return %arg0, %c0_i32 : i32, i32
  }
}

module attributes {stable_mosaic.version = 14 : i64} {
  func.func @body(%arg0: i32, %arg1: memref<1576x128xf32, #tpu.memory_space<vmem>>, %arg2: memref<1576x128xf32, #tpu.memory_space<vmem>>, %arg3: memref<1576x128xf32, #tpu.memory_space<vmem>>, %arg4: memref<1576x128xf32, #tpu.memory_space<vmem>>, %arg5: memref<1576x128xf32, #tpu.memory_space<vmem>>, %arg6: memref<1576x128xf32, #tpu.memory_space<vmem>>, %arg7: memref<1576x128xf32, #tpu.memory_space<vmem>>) attributes {dimension_semantics = [#tpu.dimension_semantics<arbitrary>], iteration_bounds = array<i64: 8>, scalar_prefetch = 0 : i64, scratch_operands = 0 : i64, tpu.core_type = #tpu.core_type<tc>, window_params = [{transform_indices = @transform_0, window_bounds = array<i64: 1576, 128>}, {transform_indices = @transform_1, window_bounds = array<i64: 1576, 128>}, {transform_indices = @transform_2, window_bounds = array<i64: 1576, 128>}, {transform_indices = @transform_3, window_bounds = array<i64: 1576, 128>}, {transform_indices = @transform_4, window_bounds = array<i64: 1576, 128>}, {transform_indices = @transform_5, window_bounds = array<i64: 1576, 128>}, {transform_indices = @transform_6, window_bounds = array<i64: 1576, 128>}]} {
    %get3A = arith.constant 0 : index
    %get3A_0 = arith.constant 0 : index
    %get3A_1 = vector.load %arg3[%get3A, %get3A_0] : memref<1576x128xf32, #tpu.memory_space<vmem>>, vector<1576x128xf32>
    %get3A_2 = arith.constant 0 : index
    %get3A_3 = arith.constant 0 : index
    %get3A_4 = vector.load %arg1[%get3A_2, %get3A_3] : memref<1576x128xf32, #tpu.memory_space<vmem>>, vector<1576x128xf32>
    %mul3A = arith.mulf %get3A_4, %get3A_1 : vector<1576x128xf32>
    %get3A_5 = arith.constant 0 : index
    %get3A_6 = arith.constant 0 : index
    %get3A_7 = vector.load %arg4[%get3A_5, %get3A_6] : memref<1576x128xf32, #tpu.memory_space<vmem>>, vector<1576x128xf32>
    %add3A = arith.addf %mul3A, %get3A_7 : vector<1576x128xf32>
    %swap3A = arith.constant 0 : index
    %swap3A_8 = arith.constant 0 : index
    %swap3A_9 = vector.load %arg6[%swap3A, %swap3A_8] : memref<1576x128xf32, #tpu.memory_space<vmem>>, vector<1576x128xf32>
    tpu.vector_store %arg6[%swap3A, %swap3A_8], %add3A {strides = array<i32>} : memref<1576x128xf32, #tpu.memory_space<vmem>>, vector<1576x128xf32>,
    %get3A_10 = arith.constant 0 : index
    %get3A_11 = arith.constant 0 : index
    %get3A_12 = vector.load %arg2[%get3A_10, %get3A_11] : memref<1576x128xf32, #tpu.memory_space<vmem>>, vector<1576x128xf32>
    %mul3A_13 = arith.mulf %get3A_12, %get3A_1 : vector<1576x128xf32>
    %get3A_14 = arith.constant 0 : index
    %get3A_15 = arith.constant 0 : index
    %get3A_16 = vector.load %arg5[%get3A_14, %get3A_15] : memref<1576x128xf32, #tpu.memory_space<vmem>>, vector<1576x128xf32>
    %add3A_17 = arith.addf %mul3A_13, %get3A_16 : vector<1576x128xf32>
    %swap3A_18 = arith.constant 0 : index
    %swap3A_19 = arith.constant 0 : index
    %swap3A_20 = vector.load %arg7[%swap3A_18, %swap3A_19] : memref<1576x128xf32, #tpu.memory_space<vmem>>, vector<1576x128xf32>
    tpu.vector_store %arg7[%swap3A_18, %swap3A_19], %add3A_17 {strides = array<i32>} : memref<1576x128xf32, #tpu.memory_space<vmem>>, vector<1576x128xf32>,
    return
  }
  func.func @transform_0(%arg0: i32) -> (i32, i32) {
    %c0_i32 = arith.constant 0 : i32
    %c0_i32_0 = arith.constant 0 : i32
    return %arg0, %c0_i32 : i32, i32
  }
  func.func @transform_1(%arg0: i32) -> (i32, i32) {
    %c0_i32 = arith.constant 0 : i32
    %c0_i32_0 = arith.constant 0 : i32
    return %arg0, %c0_i32 : i32, i32
  }
  func.func @transform_2(%arg0: i32) -> (i32, i32) {
    %c0_i32 = arith.constant 0 : i32
    %c0_i32_0 = arith.constant 0 : i32
    return %arg0, %c0_i32 : i32, i32
  }
  func.func @transform_3(%arg0: i32) -> (i32, i32) {
    %c0_i32 = arith.constant 0 : i32
    %c0_i32_0 = arith.constant 0 : i32
    return %arg0, %c0_i32 : i32, i32
  }
  func.func @transform_4(%arg0: i32) -> (i32, i32) {
    %c0_i32 = arith.constant 0 : i32
    %c0_i32_0 = arith.constant 0 : i32
    return %arg0, %c0_i32 : i32, i32
  }
  func.func @transform_5(%arg0: i32) -> (i32, i32) {
    %c0_i32 = arith.constant 0 : i32
    %c0_i32_0 = arith.constant 0 : i32
    return %arg0, %c0_i32 : i32, i32
  }
  func.func @transform_6(%arg0: i32) -> (i32, i32) {
    %c0_i32 = arith.constant 0 : i32
    %c0_i32_0 = arith.constant 0 : i32
    return %arg0, %c0_i32 : i32, i32
  }
}

</mosaic_0001>

<sc_bundles>
// kernel: kernel.10.cloned.1.call-start
scs
__scs_entry_jumppad:
0x0: {  	(pc) =	sbr.rel $0x88, $3  }
0x1: {  	(tag) =	ssettag $0x0;
	lr =	simm.s32 $0x1  }
0x2: {  	[smem:$0x3F96] =	sst lr;
	_ =	strace $0xD0000000  }
0x3: {  	_ = 	snop  }
0x4: {  	_ = 	snop  }
0x5: {  	_ = 	snop  }
0x6: {  	_ = 	snop  }
0x7: {  	_ = 	snop  }
__scs_overlays_trampoline_lowered:
0x8: {  	[smem:$0x3FA5] =	sst s0  }
0x9: {  	[smem:$0x3FA6] =	sst s1  }
0xa: {  	[smem:$0x3FA7] =	sst s2  }
0xb: {  	[smem:$0x3FA8] =	sst s3  }
0xc: {  	[smem:$0x3FA9] =	sst s4  }
0xd: {  	[smem:$0x3FAA] =	sst s5  }
0xe: {  	[smem:$0x3FAB] =	sst s6  }
0xf: {  	[smem:$0x3FAC] =	sst s7  }
0x10: {  	[smem:$0x3FAD] =	sst s8  }
0x11: {  	[smem:$0x3FAE] =	sst s9;
	s0 =	simm.s32 @!p0 $0x0  }
0x12: {  	s1 =	sld [smem:$0x3F94];
	s0 =	simm.s32 @p0 $0x1  }
0x13: {  	[smem:$0x3FAF] =	sst s0;
	s0 =	simm.s32 @!p1 $0x0  }
0x14: {  	s2 =	sld [smem:$0x3F93];
	s0 =	simm.s32 @p1 $0x1  }
0x15: {  	[smem:$0x3FB0] =	sst s0;
	s0 =	simm.s32 @!p2 $0x0  }
0x16: {  	s3 =	sld [smem:$0x3FDB];
	s0 =	simm.s32 @p2 $0x1  }
0x17: {  	s4 =	simm.s32 $0x1BF5;
	[smem:$0x3FB2] =	sst s0  }
0x18: {  	s0 =	sld [smem:$0x3F95];
	_ =	swait.ge [sflag:s4], $0x0  }
0x19: {  	s7 =	sld [smem:$0x3F96]  }
0x1a: {  	s8 =	sadd.s32 $0xFFFFE003, lr  }
0x1b: {  	s9 =	sadd.s32 $0xFFFFFEF7, lr;
	s5 =	simm.s32 $0xFFFFFFFF;
	p2 =	slt.u32 s8, $0xFFFFF086  }
0x1c: {  	p1 =	slt.u32 s9, $0xF7A;
	s5 =	simm.s32 @!p2 $0x0  }
0x1d: {  	s5 =	simm.s32 @p1 $0x1;
	p0 =	seq.s32 s7, s2  }
0x1e: {  	s7 =	smul.u32 @!p0 $0xF7A, s2;
	p2 =	seq.s32 @!p0 s5, $0x0  }
0x1f: {  	s9 =	smul.u32 $0xF7A, s1;
	s8 =	simm.s32 @!p0 $0x1BF5;
	p2 =	por !p2, p0  }
0x20: {  	[sflag:s8] =	ssyncset.s32 @!p0 $0xFFFFF086;
	s6 =	sadd.s32 @!p0 s3, s7;
	s7 =	simm.s32 @!p0 $0x108  }
0x21: {  	s3 =	sadd.s32 s3, s9;
	s6 =	sadd.s32 @!p0 $0x88, s6;
	s7 =	simm.s32 @p2 $0x1082  }
0x22: {  	[simem:s7], [sflag:s8] =	dma.local @!p0 [hbm:s6], $0xF7A  }
0x23: {  	s9 =	sor.u32 $0xD0000000, s2;
	s6 =	simm.s32 $0x108;
	_ =	swait.ge @!p0 [sflag:s8], $0x0  }
0x24: {  	s3 =	sadd.s32 $0x88, s3;
	s6 =	simm.s32 @!p1 $0x1082;
	[sflag:s4] =	ssyncset.s32 $0xFFFFF086  }
0x25: {  	[simem:s6], [sflag:s4] =	dma.local [hbm:s3], $0xF7A  }
0x26: {  	[smem:$0x3F96] =	sst s1;
	(tag) =	ssettag s2;
	_ =	strace s9  }
0x27: {  	s1 =	sld [smem:$0x3FA6]  }
0x28: {  	s2 =	sld [smem:$0x3FA7]  }
0x29: {  	s4 =	sld [smem:$0x3FA9]  }
0x2a: {  	p0 =	seq.s32 s5, $0x0;
	s5 =	sld [smem:$0x3FAA]  }
0x2b: {  	s6 =	sld [smem:$0x3FAB]  }
0x2c: {  	s7 =	sld [smem:$0x3FAC]  }
0x2d: {  	s3 =	simm.s32 $0x108;
	s8 =	sld [smem:$0x3FAD]  }
0x2e: {  	s3 =	simm.s32 @!p0 $0x1082;
	s9 =	sld [smem:$0x3FAE]  }
0x2f: {  	lr =	sadd.s32 s0, s3;
	s0 =	sld [smem:$0x3FA5]  }
0x30: {  	s3 =	sld [smem:$0x3FA8]  }
0x31: {  	[smem:$0x3FB1] =	sst s10  }
0x32: {  	s10 =	sld [smem:$0x3FAF];
	_ =	sdelay $0x3  }
0x33: {  	p0 =	seq.s32 s10, $0x1;
	s10 =	sld [smem:$0x3FB1];
	_ =	sdelay $0x3  }
0x34: {  	[smem:$0x3FB1] =	sst s10  }
0x35: {  	s10 =	sld [smem:$0x3FB0];
	_ =	sdelay $0x3  }
0x36: {  	p1 =	seq.s32 s10, $0x1;
	s10 =	sld [smem:$0x3FB1];
	_ =	sdelay $0x3  }
0x37: {  	[smem:$0x3FB1] =	sst s10  }
0x38: {  	s10 =	sld [smem:$0x3FB2]  }
0x39: {  	_ = 	snop;
	(pc) =	sbr.ind lr, $3  }
0x3a: {  	_ = 	snop  }
0x3b: {  	_ = 	snop  }
0x3c: {  	p2 =	seq.s32 s10, $0x1;
	s10 =	sld [smem:$0x3FB1]  }
0x3d: {  	_ =	shalt  }
0x3e: {  	_ =	shalt  }
0x3f: {  	_ =	shalt  }
0x40: {  	_ =	shalt  }
0x41: {  	_ =	shalt  }
0x42: {  	_ =	shalt  }
0x43: {  	_ =	shalt  }
0x44: {  	_ =	shalt  }
0x45: {  	_ =	shalt  }
0x46: {  	_ =	shalt  }
0x47: {  	_ =	shalt  }
0x48: {  	_ =	shalt  }
0x49: {  	_ =	shalt  }
0x4a: {  	_ =	shalt  }
0x4b: {  	_ =	shalt  }
0x4c: {  	_ =	shalt  }
0x4d: {  	_ =	shalt  }
0x4e: {  	_ =	shalt  }
0x4f: {  	_ =	shalt  }
0x50: {  	_ =	shalt  }
0x51: {  	_ =	shalt  }
0x52: {  	_ =	shalt  }
0x53: {  	_ =	shalt  }
0x54: {  	_ =	shalt  }
0x55: {  	_ =	shalt  }
0x56: {  	_ =	shalt  }
0x57: {  	_ =	shalt  }
0x58: {  	_ =	shalt  }
0x59: {  	_ =	shalt  }
0x5a: {  	_ =	shalt  }
0x5b: {  	_ =	shalt  }
0x5c: {  	_ =	shalt  }
0x5d: {  	_ =	shalt  }
0x5e: {  	_ =	shalt  }
0x5f: {  	_ =	shalt  }
0x60: {  	_ =	shalt  }
0x61: {  	_ =	shalt  }
0x62: {  	_ =	shalt  }
0x63: {  	_ =	shalt  }
0x64: {  	_ =	shalt  }
0x65: {  	_ =	shalt  }
0x66: {  	_ =	shalt  }
0x67: {  	_ =	shalt  }
0x68: {  	_ =	shalt  }
0x69: {  	_ =	shalt  }
0x6a: {  	_ =	shalt  }
0x6b: {  	_ =	shalt  }
0x6c: {  	_ =	shalt  }
0x6d: {  	_ =	shalt  }
0x6e: {  	_ =	shalt  }
0x6f: {  	_ =	shalt  }
0x70: {  	_ =	shalt  }
0x71: {  	_ =	shalt  }
0x72: {  	_ =	shalt  }
0x73: {  	_ =	shalt  }
0x74: {  	_ =	shalt  }
0x75: {  	_ =	shalt  }
0x76: {  	_ =	shalt  }
0x77: {  	_ =	shalt  }
0x78: {  	_ =	shalt  }
0x79: {  	_ =	shalt  }
0x7a: {  	_ =	shalt  }
0x7b: {  	_ =	shalt  }
0x7c: {  	_ =	shalt  }
0x7d: {  	_ =	shalt  }
0x7e: {  	_ =	shalt  }
0x7f: {  	_ =	shalt  }
0x80: {  	_ =	shalt  }
0x81: {  	_ =	shalt  }
0x82: {  	_ =	shalt  }
0x83: {  	_ =	shalt  }
0x84: {  	_ =	shalt  }
0x85: {  	_ =	shalt  }
0x86: {  	_ =	shalt  }
0x87: {  	_ =	shalt  }
.Lfunc_end0:
.L_simem_size_0:
called_computation_lowered:
.L_overlay_start_0:
0x88: {  	s2 =	sld [smem:$0x3FD9]  }
0x89: {  	s3 =	sld [smem:$0x3FFE];
	_ =	sdelay $0x1  }
0x8a: {  	s1 =	srdreg.scid  }
0x8b: {  	s0 =	sand.u32 $0x1, s1  }
0x8c: {  	s17 =	sshll.u32 s0, $0xA;
	s2 =	sadd.s32 s3, s2  }
0x8d: {  	s2 =	sadd.s32 s2, s17  }
0x8e: {  	[smem:$0x3FBD] =	sst s2  }
0x8f: {  	_ = 	snop  }
0x90: {  	s2 =	sld [smem:$0x3FD0];
	(tm) =	ssettm $0x1  }
0x91: {  	s18 =	sld [smem:$0x3FFB];
	_ =	sdelay $0x3  }
0x92: {  	_ =	strace s18  }
0x93: {  	s3 =	sld [smem:$0x3FFC];
	_ =	sdelay $0x3  }
0x94: {  	_ =	strace s3  }
0x95: {  	s3 =	sld [smem:$0x3FFD];
	_ =	sdelay $0x3  }
0x96: {  	_ =	strace s3  }
0x97: {  	_ =	strace $0x8FFFFFFF  }
0x98: {  	s19 =	sld [smem:$0x3FDB];
	_ =	sdelay $0x1  }
0x99: {  	s4 =	simm.s32 $_scs_section_size  }
0x9a: {  	s5 =	simm.s32 $_size__tile_overlayer_lowered;
	s6 =	simm.s32 $_tile_overlayer_lowered  }
0x9b: {  	s22 =	simm.s32 $0x1BFF;
	s21 =	sshll.u32 s6, $0x1;
	s3 =	sadd.s32 s4, s19  }
0x9c: {  	s7 =	simm.s32 $0x0;
	s20 =	sshll.u32 s5, $0x1;
	s5 =	sadd.s32 s21, s3  }
0x9d: {  	[timem:s7], [sflag:s22] =	dma.local [hbm:s5], s20  }
0x9e: {  	_ =	swait.ge [sflag:s22], s20  }
0x9f: {  	s4 =	ssub.s32 $0x0, s20;
	[sflag:s22] =	ssyncset.done $0x0  }
0xa0: {  	[sflag:s22] =	ssyncadd.s32 s4;
	_ =	sdelay $0x1  }
0xa1: {  	s23 =	simm.s32 $0x1B8B  }
0xa2: {  	_ =	swait.ge [sflag:s23], $0x1  }
0xa3: {  	[sflag:s23] =	ssyncset.done $0x0  }
0xa4: {  	s25 =	simm.s32 $0x1B8E;
	s24 =	sld [smem:$0x3FFE];
	[sflag:s23] =	ssyncadd.s32 $0xFFFFFFFF  }
0xa5: {  	s26 =	simm.s32 $execute0_lowered;
	[smem:$0x3FD2] =	sst s25  }
0xa6: {  	s5 =	sshll.u32 s26, $0x1;
	_ =	strace $0x80000046;
	[dreg:$0x1] =	wrdreg $0xFFFFFFFF  }
0xa7: {  	s28 =	simm.s32 $_size_execute0_lowered;
	s3 =	sadd.s32 s3, s5;
	[dreg:$0x0] =	wrdreg $0x0  }
0xa8: {  	s5 =	sshll.u32 s28, $0x1;
	[dreg:$0x2] =	wrdreg s3  }
0xa9: {  	[dreg:$0x3] =	wrdreg s5  }
0xaa: {  	[dreg:$0x4] =	wrdreg $0xC0  }
0xab: {  	_ =	task [dreg:s7], $0x5FFFF  }
0xac: {  	[dreg:$0x1] =	wrdreg $0xFFFFFFFF  }
0xad: {  	[dreg:$0x0] =	wrdreg $0x60  }
0xae: {  	[dreg:$0x2] =	wrdreg s24  }
0xaf: {  	[dreg:$0x3] =	wrdreg s2  }
0xb0: {  	[dreg:$0x4] =	wrdreg $0x0  }
0xb1: {  	[dreg:$0x5] =	wrdreg $0x1DA000  }
0xb2: {  	[dreg:$0x6] =	wrdreg $0x9  }
0xb3: {  	_ =	task.clear_ibuf [dreg:s7], $0x7FFFF;
	_ =	strace $0x90000046  }
0xb4: {  	s29 =	simm.s32 $0x9;
	_ =	strace $0x80000048  }
0xb5: {  	_ =	swait.ge [sflag:s29], $0x1  }
0xb6: {  	[sflag:s29] =	ssyncadd.s32 $0xFFFFFFFF  }
0xb7: {  	_ =	strace $0x90000048  }
0xb8: {  	_ =	sfence  }
0xb9: {  	s30 =	sld [smem:$0x0];
	_ =	sdelay $0x2  }
0xba: {  	s31 =	sshll.u32 s1, $0xD;
	s1 =	sshrl.u32 s1, $0x2  }
0xbb: {  	s3 =	sand.u32 $0x4000, s31;
	s1 =	sadd.s32 s1, s30  }
0xbc: {  	s0 =	sor.u32 s3, s0;
	s1 =	sshll.u32 s1, $0x11  }
0xbd: {  	s0 =	sor.u32 s1, s0  }
0xbe: {  	s0 =	sadd.s32 $0x8F2B, s0  }
0xbf: {  	[sflag:s0] =	ssyncadd.remote.s32 $0x1  }
0xc0: {  	_ =	sfence.sel $0xFFFF  }
0xc1: {  	[dreg:$0x0] =	wrdreg $0xFFFFFFFF;
	(pc) =	sbr.abs _section_cstart, $3  }
0xc2: {  	[dreg:$0x1] =	wrdreg $0xFFFFFFFF  }
0xc3: {  	_ =	task.clear_ibuf [dreg:s7], $0x2FFFF;
	_ =	strace $0x9FFFFFFF  }
0xc4: {  	(tm) =	ssettm $0x7FFFFFFF  }
0xc5: {  	_ =	shalt  }
tec
execute0_lowered:
.L_overlay_start_1:
0x0: {  	(tag) =	ssettag $0x1  }
0x1: {  	s0 =	rddreg [dreg:$0x0]  }
0x2: {  	s15 =	rddreg [dreg:$0x1]  }
0x3: {  	s2 =	rddreg [dreg:$0x2]  }
0x4: {  	s3 =	rddreg [dreg:$0x3];
	s5 =	simm.s32 $0x0;
	s16 =	stileid.u32  }
0x5: {  	s4 =	srdreg.scid;
	s28 =	simm.s32 $0x19A00;
	s29 =	simm.s32 $0x1  }
0x6: {  	s30 =	simm.s32 $0x18E00;
	s31 =	simm.s32 $0x2;
	[smem:$0x7FF] =	sst s5  }
0x7: {  	s6 =	sadd.s32 $0xA2E00, s0;
	s1 =	smul.u32 $0x18A00, s16;
	s7 =	sadd.s32 $0xE600, s0  }
0x8: {  	s9 =	smul.u32 $0x18A0, s16;
	s4 =	sand.u32 $0x1, s4;
	s12 =	sadd.s32 $0x105600, s0  }
0x9: {  	s21 =	sshll.u32 s16, $0x6;
	s16 =	smul.u32 $0x3200, s16;
	_ =	strace $0x80000047  }
0xa: {  	s10 =	ssub.s32 $0x2, s4;
	p0 =	seq.s32 s4, $0x0;
	s8 =	sshrl.u32 s1, $0x3  }
0xb: {  	s19 =	sshrl.u32 s9, $0x3;
	s11 =	sshrl.u32 s10, $0x1;
	s23 =	sadd.s32 s12, s16  }
0xc: {  	s25 =	sor.u32 $0x80, s16;
	s13 =	sadd.s32 s8, s0;
	s0 =	sadd.s32 s19, s0  }
0xd: {  	s14 =	ssub.s32 s10, s11;
	s8 =	sadd.s32 s1, s2;
	[dreg:$0x9] =	wrdreg s25  }
0xe: {  	s11 =	sadd.s32 s9, s3;
	s9 =	sadd.s32 s12, s25;
	[dreg:$0x7] =	wrdreg s23  }
0xf: {  	s10 =	sor.u32 $0x1C08, s21;
	s20 =	sadd.s32 $0x137600, s13;
	[dreg:$0xd] =	wrdreg s9  }
0x10: {  	s21 =	sadd.s32 $0x100, s23;
	s22 =	sadd.s32 $0x168A00, s0;
	[dreg:$0x5] =	wrdreg s20  }
0x11: {  	s23 =	simm.s32 $0x8;
	s24 =	sadd.s32 $0x1A0200, s13;
	[dreg:$0x6] =	wrdreg s22  }
0x12: {  	s12 =	simm.s32 $0x4;
	s13 =	sadd.s32 $0x16EE00, s13;
	[dreg:$0x8] =	wrdreg s24  }
0x13: {  	s0 =	sadd.s32 $0x16BC00, s0;
	s26 =	smax.u32 s14, $0x1;
	[dreg:$0xa] =	wrdreg s13  }
.Ltmp0:
0x14: {  	s9 =	simm.s32 $0x1F2A0;
	[dreg:$0xb] =	wrdreg s0;
	(pc) =	sbr.rel .LBB2_1-.Ltmp0, $4  }
0x15: {  	s14 =	simm.s32 $0x7;
	s0 =	smov.u32 s7;
	[dreg:$0xc] =	wrdreg s26  }
0x16: {  	s22 =	sor.u32 $0x100, s16;
	s26 =	simm.s32 $0x200;
	s0 =	smov.u32 @p0 s15  }
0x17: {  	p0 =	sne.s32 s4, $0x0;
	s4 =	simm.s32 $0x1BA00;
	s0 =	sadd.s32 s0, s16  }
0x18: {  	v0 =	vimm.f32 $1.000000000e+00;
	s16 =	simm.s32 $0x0;
	[dreg:$0xe] =	wrdreg s0;
	s0 =	simm.s32 $0x5  }
.LBB2_5:
0x19: {  	_ =	swait.ge [sflag:s12], $0x2000  }
0x1a: {  	[sflag:s12] =	ssyncset.done $0x0  }
0x1b: {  	[sflag:s12] =	ssyncadd.s32 $0xFFFFE000  }
0x1c: {  	[bflag:$0x0] =	sbarrier.arrive @p0 $0xFFFF  }
0x1d: {  	s1 =	sshrl.u32 @p0 s8, $0x3;
	s13 =	rddreg [dreg:$0x8]  }
0x1e: {  	[hbm:s13], [sflag:s10] =	dma.local @p0 [spmem:s1], $0x3140  }
0x1f: {  	s1 =	simm.s32 @p0 $0x8  }
0x20: {  	_ =	swait.ge @p0 [sflag:s1], $0x3140  }
0x21: {  	[sflag:s1] =	ssyncset.done @p0 $0x0  }
0x22: {  	[sflag:s1] =	ssyncadd.s32 @p0 $0xFFFFCEC0;
	s1 =	simm.s32 @!p0 $0x7  }
0x23: {  	_ =	swait.ge @!p0 [sflag:s1], $0x200  }
0x24: {  	[sflag:s1] =	ssyncset.done @!p0 $0x0  }
0x25: {  	[sflag:s1] =	ssyncadd.s32 @!p0 $0xFFFFFE00  }
0x26: {  	[bflag:$0x0] =	sbarrier.arrive @!p0 $0xFFFF  }
0x27: {  	s1 =	sshrl.u32 @!p0 s8, $0x3;
	s13 =	rddreg [dreg:$0xa]  }
0x28: {  	[hbm:s13], [sflag:s10] =	dma.local @!p0 [spmem:s1], $0x3140  }
0x29: {  	s1 =	simm.s32 @!p0 $0x8  }
0x2a: {  	_ =	swait.ge @!p0 [sflag:s1], $0x3140  }
0x2b: {  	[sflag:s1] =	ssyncset.done @!p0 $0x0  }
0x2c: {  	s13 =	sshrl.u32 @!p0 s11, $0x3;
	s17 =	rddreg [dreg:$0xb];
	[sflag:s1] =	ssyncadd.s32 @!p0 $0xFFFFCEC0  }
0x2d: {  	[hbm:s17], [sflag:s10] =	dma.local @!p0 [spmem:s13], $0x314  }
0x2e: {  	_ =	swait.ge @!p0 [sflag:s1], $0x314  }
0x2f: {  	s16 =	sadd.s32 $0x1, s16;
	s25 =	rddreg [dreg:$0xc]  }
0x30: {  	p1 =	sne.s32 s16, s25  }
.Ltmp1:
0x31: {  	_ = 	snop;
	(pc) =	sbr.rel @!p1 .LBB2_6-.Ltmp1, $3  }
0x32: {  	_ =	sdelay $0x1  }
0x33: {  	[sflag:s1] =	ssyncset.done @!p0 $0x0  }
0x34: {  	[sflag:s1] =	ssyncadd.s32 @!p0 $0xFFFFFCEC  }
.LBB2_1:
0x35: {  	s1 =	sshrl.u32 s8, $0x3;
	s13 =	rddreg [dreg:$0x5]  }
0x36: {  	[spmem:s1], [sflag:s10] =	dma.local [hbm:s13], $0x3140  }
0x37: {  	_ =	swait.ge [sflag:s23], $0x3140  }
0x38: {  	[sflag:s23] =	ssyncset.done $0x0  }
0x39: {  	s19 =	sshrl.u32 s11, $0x3;
	s20 =	rddreg [dreg:$0x6];
	[sflag:s23] =	ssyncadd.s32 $0xFFFFCEC0  }
0x3a: {  	[spmem:s19], [sflag:s10] =	dma.local [hbm:s20], $0x314  }
0x3b: {  	_ =	swait.ge [sflag:s23], $0x314  }
0x3c: {  	[sflag:s23] =	ssyncset.done $0x0  }
0x3d: {  	[sflag:s23] =	ssyncadd.s32 $0xFFFFFCEC  }
0x3e: {  	[tilespmem:$0x1F2A0] =	vst v0  }
0x3f: {  	[tilespmem:$0x1F2B0] =	vst v0  }
0x40: {  	[tilespmem:$0x1F2C0] =	vst v0  }
0x41: {  	[tilespmem:$0x1F2D0] =	vst v0  }
0x42: {  	[tilespmem:$0x1F2E0] =	vst v0  }
0x43: {  	[tilespmem:$0x1F2F0] =	vst v0  }
0x44: {  	[tilespmem:$0x1F300] =	vst v0  }
0x45: {  	[tilespmem:$0x1F310] =	vst v0  }
0x46: {  	[tilespmem:$0x1F320] =	vst v0  }
0x47: {  	[tilespmem:$0x1F330] =	vst v0  }
0x48: {  	[tilespmem:$0x1F340] =	vst v0  }
0x49: {  	[tilespmem:$0x1F350] =	vst v0  }
0x4a: {  	[tilespmem:$0x1F360] =	vst v0  }
0x4b: {  	[tilespmem:$0x1F370] =	vst v0  }
0x4c: {  	[tilespmem:$0x1F380] =	vst v0  }
0x4d: {  	[tilespmem:$0x1F390] =	vst v0  }
0x4e: {  	[tilespmem:$0x1F3A0] =	vst v0  }
0x4f: {  	[tilespmem:$0x1F3B0] =	vst v0  }
0x50: {  	[tilespmem:$0x1F3C0] =	vst v0  }
0x51: {  	[tilespmem:$0x1F3D0] =	vst v0  }
0x52: {  	[tilespmem:$0x1F3E0] =	vst v0  }
0x53: {  	[tilespmem:$0x1F3F0] =	vst v0  }
0x54: {  	[tilespmem:$0x1F400] =	vst v0  }
0x55: {  	[tilespmem:$0x1F410] =	vst v0  }
0x56: {  	[tilespmem:$0x1F420] =	vst v0  }
0x57: {  	[tilespmem:$0x1F430] =	vst v0  }
0x58: {  	[tilespmem:$0x1F440] =	vst v0  }
0x59: {  	[tilespmem:$0x1F450] =	vst v0  }
0x5a: {  	[tilespmem:$0x1F460] =	vst v0  }
0x5b: {  	[tilespmem:$0x1F470] =	vst v0  }
0x5c: {  	[tilespmem:$0x1F480] =	vst v0  }
0x5d: {  	[tilespmem:$0x1F490] =	vst v0  }
0x5e: {  	[bflag:$0x0] =	sbarrier.arrive $0xFFFF  }
0x5f: {  	s25 =	simm.s32 $0x18A00;
	s24 =	rddreg [dreg:$0xe]  }
0x60: {  	[tilespmem:s25], [sflag:$0x8] =	stream.linear.gather [hbm4b:s24+s5], $0x400, $0x38;
	[tilespmem:$0x1F4A0] =	vst v63  }
0x61: {  	_ =	swait.ge [sflag:s23], $0x400  }
0x62: {  	[sflag:s23] =	ssyncset.done $0x0  }
0x63: {  	s17 =	simm.s32 $0x19200;
	s18 =	rddreg [dreg:$0x7];
	[sflag:s23] =	ssyncadd.s32 $0xFFFFFC00  }
0x64: {  	[tilespmem:s17], [sflag:$0x8] =	stream.linear.gather [hbm4b:s18+s5], $0x400, $0x38;
	[tilespmem:$0x1F4A0] =	vst v63  }
0x65: {  	_ =	swait.ge [sflag:s23], $0x400  }
0x66: {  	[sflag:s23] =	ssyncset.done $0x0  }
0x67: {  	[sflag:s23] =	ssyncadd.s32 $0xFFFFFC00  }
0x68: {  	[tilespmem:s28], [sflag:$0x1] =	stream.indirect.gather [hbm4b:s6+s26], $0x10, s25, s26, $0xb8;
	[tilespmem:$0x1F4A0] =	vst v63  }
0x69: {  	_ =	swait.ge [sflag:s29], $0x2000  }
0x6a: {  	[sflag:s29] =	ssyncset.done $0x0  }
0x6b: {  	[sflag:s29] =	ssyncadd.s32 $0xFFFFE000  }
0x6c: {  	[spmem:s2] =	stream.indirect.scatter.add.f32 [tilespmem:s28], [sflag:$0x3], $0x10, s17, s26, $0xb8;
	[tilespmem:$0x1F4A0] =	vst v63  }
0x6d: {  	s1 =	simm.s32 @!p0 $0x200;
	s13 =	simm.s32 @!p0 $0x19200;
	s17 =	simm.s32 @!p0 $0x1F2A0  }
0x6e: {  	[spmem:s3] =	stream.indirect.scatter.add.f32 @!p0 [tilespmem:s17], [sflag:$0x6], $0x1, s13, s1, $0xb8;
	[tilespmem:$0x1F4A0] =	vst v63  }
0x6f: {  	s13 =	smov.u32 s15  }
0x70: {  	s18 =	rddreg [dreg:$0x9];
	s13 =	smov.u32 @p0 s7  }
0x71: {  	s13 =	sadd.s32 s13, s18  }
0x72: {  	[tilespmem:s30], [sflag:$0x5] =	stream.linear.gather [hbm4b:s13+s5], $0x400, $0x38;
	[tilespmem:$0x1F4A0] =	vst v63  }
0x73: {  	s20 =	simm.s32 $0x19600;
	s19 =	rddreg [dreg:$0xd]  }
0x74: {  	[tilespmem:s20], [sflag:$0x5] =	stream.linear.gather [hbm4b:s19+s5], $0x400, $0x38;
	[tilespmem:$0x1F4A0] =	vst v63  }
0x75: {  	s24 =	simm.s32 $0x18C00  }
0x76: {  	[tilespmem:s4], [sflag:$0x2] =	stream.indirect.gather [hbm4b:s6+s26], $0x10, s24, s26, $0xb8;
	[tilespmem:$0x1F4A0] =	vst v63  }
0x77: {  	_ =	swait.ge [sflag:s31], $0x2000  }
0x78: {  	[sflag:s31] =	ssyncset.done $0x0  }
0x79: {  	s25 =	simm.s32 $0x19400;
	s13 =	simm.s32 @p0 $0x3;
	[sflag:s31] =	ssyncadd.s32 $0xFFFFE000  }
0x7a: {  	[spmem:s2] =	stream.indirect.scatter.add.f32 [tilespmem:s4], [sflag:$0x4], $0x10, s25, s26, $0xb8;
	[tilespmem:$0x1F4A0] =	vst v63  }
0x7b: {  	_ =	swait.ge @p0 [sflag:s13], $0x2000  }
0x7c: {  	[sflag:s13] =	ssyncset.done @p0 $0x0  }
0x7d: {  	[sflag:s13] =	ssyncadd.s32 @p0 $0xFFFFE000;
	s13 =	simm.s32 @!p0 $0x19400  }
0x7e: {  	[spmem:s3] =	stream.indirect.scatter.add.f32 @!p0 [tilespmem:s17], [sflag:$0x7], $0x1, s13, s1, $0xb8;
	[tilespmem:$0x1F4A0] =	vst v63  }
0x7f: {  	s1 =	simm.s32 @!p0 $0x3  }
0x80: {  	_ =	swait.ge @!p0 [sflag:s1], $0x2000  }
0x81: {  	[sflag:s1] =	ssyncset.done @!p0 $0x0  }
0x82: {  	[sflag:s1] =	ssyncadd.s32 @!p0 $0xFFFFE000;
	s1 =	simm.s32 @!p0 $0x6  }
0x83: {  	_ =	swait.ge @!p0 [sflag:s1], $0x200  }
0x84: {  	[sflag:s1] =	ssyncset.done @!p0 $0x0  }
0x85: {  	[sflag:s1] =	ssyncadd.s32 @!p0 $0xFFFFFE00  }
0x86: {  	_ =	swait.ge [sflag:s0], $0x400  }
0x87: {  	[sflag:s0] =	ssyncset.done $0x0  }
.Ltmp2:
0x88: {  	[sflag:s0] =	ssyncadd.s32 $0xFFFFFC00;
	(pc) =	sbr.rel .LBB2_2-.Ltmp2, $4  }
0x89: {  	_ =	swait.ge [sflag:s0], $0x400  }
0x8a: {  	s18 =	simm.s32 $0x2;
	[sflag:s0] =	ssyncset.done $0x0  }
0x8b: {  	s19 =	simm.s32 $0x0;
	s17 =	simm.s32 $0x400;
	[sflag:s0] =	ssyncadd.s32 $0xFFFFFC00  }
0x8c: {  	[tilespmem:s28], [sflag:$0x1] =	stream.indirect.gather [hbm4b:s6+s26], $0x10, s30, s26, $0xb8;
	[tilespmem:$0x1F4A0] =	vst v63  }
.LBB2_4:
0x8d: {  	s1 =	sadd.s32 $0x18C00, s20  }
0x8e: {  	[tilespmem:s4], [sflag:$0x2] =	stream.indirect.gather [hbm4b:s6+s26], $0x10, s1, s26, $0xb8;
	[tilespmem:$0x1F4A0] =	vst v63  }
0x8f: {  	_ =	swait.ge [sflag:s31], $0x2000  }
0x90: {  	[sflag:s31] =	ssyncset.done $0x0  }
0x91: {  	s1 =	sadd.s32 $0x19400, s20;
	s20 =	simm.s32 @p0 $0x3;
	[sflag:s31] =	ssyncadd.s32 $0xFFFFE000  }
0x92: {  	[spmem:s2] =	stream.indirect.scatter.add.f32 [tilespmem:s4], [sflag:$0x4], $0x10, s1, s26, $0xb8;
	[tilespmem:$0x1F4A0] =	vst v63  }
0x93: {  	_ =	swait.ge @p0 [sflag:s20], $0x2000  }
0x94: {  	[sflag:s20] =	ssyncset.done @p0 $0x0  }
0x95: {  	s24 =	simm.s32 @!p0 $0x1F2A0;
	[sflag:s20] =	ssyncadd.s32 @p0 $0xFFFFE000;
	s20 =	simm.s32 @!p0 $0x200  }
0x96: {  	[spmem:s3] =	stream.indirect.scatter.add.f32 @!p0 [tilespmem:s24], [sflag:$0x7], $0x1, s1, s20, $0xb8;
	[tilespmem:$0x1F4A0] =	vst v63  }
0x97: {  	s1 =	simm.s32 @!p0 $0x3  }
0x98: {  	_ =	swait.ge @!p0 [sflag:s1], $0x2000  }
0x99: {  	[sflag:s1] =	ssyncset.done @!p0 $0x0  }
0x9a: {  	[sflag:s1] =	ssyncadd.s32 @!p0 $0xFFFFE000;
	s1 =	simm.s32 @!p0 $0x6  }
0x9b: {  	_ =	swait.ge @!p0 [sflag:s1], $0x200  }
0x9c: {  	[sflag:s1] =	ssyncset.done @!p0 $0x0  }
0x9d: {  	s19 =	sadd.s32 @!p1 $0x80, s19;
	[sflag:s1] =	ssyncadd.s32 @!p0 $0xFFFFFE00;
	s1 =	simm.s32 @!p1 $0x5  }
0x9e: {  	p2 =	sne.s32 @!p1 s19, $0x3180;
	_ =	swait.ge @!p1 [sflag:s1], $0x400  }
0x9f: {  	p2 =	por p1, !p2;
	[sflag:s1] =	ssyncset.done @!p1 $0x0  }
.Ltmp3:
0xa0: {  	[sflag:s1] =	ssyncadd.s32 @!p1 $0xFFFFFC00;
	(pc) =	sbr.rel @p2 .LBB2_5-.Ltmp3, $4  }
0xa1: {  	s13 =	sshll.u32 @!p1 s13, $0xA;
	s17 =	sadd.s32 @!p1 $0x400, s17;
	_ =	swait.ge @!p1 [sflag:s1], $0x400  }
0xa2: {  	s18 =	sadd.s32 @!p1 $0x1, s18;
	s13 =	sor.u32 @!p1 $0x18A00, s13;
	[sflag:s1] =	ssyncset.done @!p1 $0x0  }
0xa3: {  	s20 =	simm.s32 @!p1 $0x19A00;
	[sflag:s1] =	ssyncadd.s32 @!p1 $0xFFFFFC00;
	s1 =	simm.s32 @!p1 $0x200  }
0xa4: {  	[tilespmem:s20], [sflag:$0x1] =	stream.indirect.gather @!p1 [hbm4b:s6+s1], $0x10, s13, s1, $0xb8;
	[tilespmem:$0x1F4A0] =	vst v63  }
.LBB2_2:
0xa5: {  	_ =	swait.ge [sflag:s29], $0x2000  }
0xa6: {  	s20 =	sand.u32 $0x400, s17;
	[sflag:s29] =	ssyncset.done $0x0  }
0xa7: {  	s1 =	sor.u32 $0x19200, s20;
	[sflag:s29] =	ssyncadd.s32 $0xFFFFE000  }
0xa8: {  	[spmem:s2] =	stream.indirect.scatter.add.f32 [tilespmem:s28], [sflag:$0x3], $0x10, s1, s26, $0xb8;
	[tilespmem:$0x1F4A0] =	vst v63  }
0xa9: {  	_ =	swait.ge @p0 [sflag:s12], $0x2000  }
0xaa: {  	[sflag:s12] =	ssyncset.done @p0 $0x0  }
0xab: {  	s1 =	smov.u32 @p0 s7;
	[sflag:s12] =	ssyncadd.s32 @p0 $0xFFFFE000  }
0xac: {  	[spmem:s3] =	stream.indirect.scatter.add.f32 @!p0 [tilespmem:s9], [sflag:$0x6], $0x1, s1, s26, $0xb8;
	[tilespmem:$0x1F4A0] =	vst v63  }
0xad: {  	p1 =	seq.s32 s19, $0x3100;
	_ =	swait.ge @!p0 [sflag:s12], $0x2000  }
.Ltmp4:
0xae: {  	[sflag:s12] =	ssyncset.done @!p0 $0x0;
	(pc) =	sbr.rel @p1 .LBB2_4-.Ltmp4, $4  }
0xaf: {  	[sflag:s12] =	ssyncadd.s32 @!p0 $0xFFFFE000  }
0xb0: {  	_ =	swait.ge @!p0 [sflag:s14], $0x200  }
0xb1: {  	[sflag:s14] =	ssyncset.done @!p0 $0x0  }
0xb2: {  	s13 =	sand.u32 $0x1, s18;
	s1 =	smov.u32 @!p0 s15;
	[sflag:s14] =	ssyncadd.s32 @!p0 $0xFFFFFE00  }
.Ltmp5:
0xb3: {  	s24 =	sshll.u32 s13, $0xA;
	s1 =	sadd.s32 s1, s22;
	(pc) =	sbr.rel .LBB2_4-.Ltmp5, $4  }
0xb4: {  	s25 =	sor.u32 $0x18A00, s24;
	s1 =	sadd.s32 s19, s1  }
0xb5: {  	[tilespmem:s25], [sflag:$0x5] =	stream.linear.gather [hbm4b:s1+s5], $0x400, $0x38;
	[tilespmem:$0x1F4A0] =	vst v63  }
0xb6: {  	s24 =	sor.u32 $0x19200, s24;
	s25 =	sadd.s32 s19, s21  }
0xb7: {  	[tilespmem:s24], [sflag:$0x5] =	stream.linear.gather [hbm4b:s25+s5], $0x400, $0x38;
	[tilespmem:$0x1F4A0] =	vst v63  }
.LBB2_6:
0xb8: {  	_ =	sfence.sel $0x180000  }
0xb9: {  	[bflag:$0x0] =	sbarrier.arrive $0xFFFF  }
0xba: {  	_ =	strace $0x90000047  }
0xbb: {  	s0 =	stileid.u32;
	[bflag:$0x2] =	sbarrier.arrive $0xFFFF  }
0xbc: {  	p0 =	sne.s32 s0, $0x0;
	s0 =	rddreg [dreg:$0x4]  }
0xbd: {  	s0 =	sadd.s32 @!p0 $0x100000, s0  }
0xbe: {  	[sflag:s0] =	ssyncadd.tile.s32 @!p0 $0x1;
	_ =	shalt  }
.Lfunc_end2:
_tile_overlayer_lowered:
.L_overlay_start_2:
0xbf: {  	(tag) =	ssettag $0x2  }
0xc0: {  	s0 =	rddreg [dreg:$0x0];
	s2 =	stileid.u32  }
0xc1: {  	s1 =	rddreg [dreg:$0x1];
	p0 =	sne.s32 s2, $0x0  }
0xc2: {  	s3 =	rddreg [dreg:$0x2];
	[bflag:$0x3] =	sbarrier.arrive $0xFFFF;
	s2 =	simm.s32 @!p0 $0x1C08  }
0xc3: {  	[timem:s3], [sflag:s2] =	dma.local @!p0 [hbm:s0], s1  }
0xc4: {  	s0 =	simm.s32 @!p0 $0x8  }
0xc5: {  	_ =	swait.ge @!p0 [sflag:s0], s1  }
0xc6: {  	s1 =	ssub.s32 @!p0 $0x0, s1;
	[sflag:s0] =	ssyncset.done @!p0 $0x0  }
0xc7: {  	[sflag:s0] =	ssyncadd.s32 @!p0 s1  }
0xc8: {  	[bflag:$0x3] =	sbarrier.arrive $0xFFFF  }
0xc9: {  	_ =	shalt  }

// kernel: kernel.13.cloned.1.call-start
scs
__scs_entry_jumppad:
0x0: {  	(pc) =	sbr.rel $0x88, $3  }
0x1: {  	(tag) =	ssettag $0x0;
	lr =	simm.s32 $0x1  }
0x2: {  	[smem:$0x3F96] =	sst lr;
	_ =	strace $0xD0000000  }
0x3: {  	_ = 	snop  }
0x4: {  	_ = 	snop  }
0x5: {  	_ = 	snop  }
0x6: {  	_ = 	snop  }
0x7: {  	_ = 	snop  }
__scs_overlays_trampoline_lowered:
0x8: {  	[smem:$0x3FA5] =	sst s0  }
0x9: {  	[smem:$0x3FA6] =	sst s1  }
0xa: {  	[smem:$0x3FA7] =	sst s2  }
0xb: {  	[smem:$0x3FA8] =	sst s3  }
0xc: {  	[smem:$0x3FA9] =	sst s4  }
0xd: {  	[smem:$0x3FAA] =	sst s5  }
0xe: {  	[smem:$0x3FAB] =	sst s6  }
0xf: {  	[smem:$0x3FAC] =	sst s7  }
0x10: {  	[smem:$0x3FAD] =	sst s8  }
0x11: {  	[smem:$0x3FAE] =	sst s9;
	s0 =	simm.s32 @!p0 $0x0  }
0x12: {  	s1 =	sld [smem:$0x3F94];
	s0 =	simm.s32 @p0 $0x1  }
0x13: {  	[smem:$0x3FAF] =	sst s0;
	s0 =	simm.s32 @!p1 $0x0  }
0x14: {  	s2 =	sld [smem:$0x3F93];
	s0 =	simm.s32 @p1 $0x1  }
0x15: {  	[smem:$0x3FB0] =	sst s0;
	s0 =	simm.s32 @!p2 $0x0  }
0x16: {  	s3 =	sld [smem:$0x3FDB];
	s0 =	simm.s32 @p2 $0x1  }
0x17: {  	s4 =	simm.s32 $0x1BF5;
	[smem:$0x3FB2] =	sst s0  }
0x18: {  	s0 =	sld [smem:$0x3F95];
	_ =	swait.ge [sflag:s4], $0x0  }
0x19: {  	s7 =	sld [smem:$0x3F96]  }
0x1a: {  	s8 =	sadd.s32 $0xFFFFE003, lr  }
0x1b: {  	s9 =	sadd.s32 $0xFFFFFEF7, lr;
	s5 =	simm.s32 $0xFFFFFFFF;
	p2 =	slt.u32 s8, $0xFFFFF086  }
0x1c: {  	p1 =	slt.u32 s9, $0xF7A;
	s5 =	simm.s32 @!p2 $0x0  }
0x1d: {  	s5 =	simm.s32 @p1 $0x1;
	p0 =	seq.s32 s7, s2  }
0x1e: {  	s7 =	smul.u32 @!p0 $0xF7A, s2;
	p2 =	seq.s32 @!p0 s5, $0x0  }
0x1f: {  	s9 =	smul.u32 $0xF7A, s1;
	s8 =	simm.s32 @!p0 $0x1BF5;
	p2 =	por !p2, p0  }
0x20: {  	[sflag:s8] =	ssyncset.s32 @!p0 $0xFFFFF086;
	s6 =	sadd.s32 @!p0 s3, s7;
	s7 =	simm.s32 @!p0 $0x108  }
0x21: {  	s3 =	sadd.s32 s3, s9;
	s6 =	sadd.s32 @!p0 $0x88, s6;
	s7 =	simm.s32 @p2 $0x1082  }
0x22: {  	[simem:s7], [sflag:s8] =	dma.local @!p0 [hbm:s6], $0xF7A  }
0x23: {  	s9 =	sor.u32 $0xD0000000, s2;
	s6 =	simm.s32 $0x108;
	_ =	swait.ge @!p0 [sflag:s8], $0x0  }
0x24: {  	s3 =	sadd.s32 $0x88, s3;
	s6 =	simm.s32 @!p1 $0x1082;
	[sflag:s4] =	ssyncset.s32 $0xFFFFF086  }
0x25: {  	[simem:s6], [sflag:s4] =	dma.local [hbm:s3], $0xF7A  }
0x26: {  	[smem:$0x3F96] =	sst s1;
	(tag) =	ssettag s2;
	_ =	strace s9  }
0x27: {  	s1 =	sld [smem:$0x3FA6]  }
0x28: {  	s2 =	sld [smem:$0x3FA7]  }
0x29: {  	s4 =	sld [smem:$0x3FA9]  }
0x2a: {  	p0 =	seq.s32 s5, $0x0;
	s5 =	sld [smem:$0x3FAA]  }
0x2b: {  	s6 =	sld [smem:$0x3FAB]  }
0x2c: {  	s7 =	sld [smem:$0x3FAC]  }
0x2d: {  	s3 =	simm.s32 $0x108;
	s8 =	sld [smem:$0x3FAD]  }
0x2e: {  	s3 =	simm.s32 @!p0 $0x1082;
	s9 =	sld [smem:$0x3FAE]  }
0x2f: {  	lr =	sadd.s32 s0, s3;
	s0 =	sld [smem:$0x3FA5]  }
0x30: {  	s3 =	sld [smem:$0x3FA8]  }
0x31: {  	[smem:$0x3FB1] =	sst s10  }
0x32: {  	s10 =	sld [smem:$0x3FAF];
	_ =	sdelay $0x3  }
0x33: {  	p0 =	seq.s32 s10, $0x1;
	s10 =	sld [smem:$0x3FB1];
	_ =	sdelay $0x3  }
0x34: {  	[smem:$0x3FB1] =	sst s10  }
0x35: {  	s10 =	sld [smem:$0x3FB0];
	_ =	sdelay $0x3  }
0x36: {  	p1 =	seq.s32 s10, $0x1;
	s10 =	sld [smem:$0x3FB1];
	_ =	sdelay $0x3  }
0x37: {  	[smem:$0x3FB1] =	sst s10  }
0x38: {  	s10 =	sld [smem:$0x3FB2]  }
0x39: {  	_ = 	snop;
	(pc) =	sbr.ind lr, $3  }
0x3a: {  	_ = 	snop  }
0x3b: {  	_ = 	snop  }
0x3c: {  	p2 =	seq.s32 s10, $0x1;
	s10 =	sld [smem:$0x3FB1]  }
0x3d: {  	_ =	shalt  }
0x3e: {  	_ =	shalt  }
0x3f: {  	_ =	shalt  }
0x40: {  	_ =	shalt  }
0x41: {  	_ =	shalt  }
0x42: {  	_ =	shalt  }
0x43: {  	_ =	shalt  }
0x44: {  	_ =	shalt  }
0x45: {  	_ =	shalt  }
0x46: {  	_ =	shalt  }
0x47: {  	_ =	shalt  }
0x48: {  	_ =	shalt  }
0x49: {  	_ =	shalt  }
0x4a: {  	_ =	shalt  }
0x4b: {  	_ =	shalt  }
0x4c: {  	_ =	shalt  }
0x4d: {  	_ =	shalt  }
0x4e: {  	_ =	shalt  }
0x4f: {  	_ =	shalt  }
0x50: {  	_ =	shalt  }
0x51: {  	_ =	shalt  }
0x52: {  	_ =	shalt  }
0x53: {  	_ =	shalt  }
0x54: {  	_ =	shalt  }
0x55: {  	_ =	shalt  }
0x56: {  	_ =	shalt  }
0x57: {  	_ =	shalt  }
0x58: {  	_ =	shalt  }
0x59: {  	_ =	shalt  }
0x5a: {  	_ =	shalt  }
0x5b: {  	_ =	shalt  }
0x5c: {  	_ =	shalt  }
0x5d: {  	_ =	shalt  }
0x5e: {  	_ =	shalt  }
0x5f: {  	_ =	shalt  }
0x60: {  	_ =	shalt  }
0x61: {  	_ =	shalt  }
0x62: {  	_ =	shalt  }
0x63: {  	_ =	shalt  }
0x64: {  	_ =	shalt  }
0x65: {  	_ =	shalt  }
0x66: {  	_ =	shalt  }
0x67: {  	_ =	shalt  }
0x68: {  	_ =	shalt  }
0x69: {  	_ =	shalt  }
0x6a: {  	_ =	shalt  }
0x6b: {  	_ =	shalt  }
0x6c: {  	_ =	shalt  }
0x6d: {  	_ =	shalt  }
0x6e: {  	_ =	shalt  }
0x6f: {  	_ =	shalt  }
0x70: {  	_ =	shalt  }
0x71: {  	_ =	shalt  }
0x72: {  	_ =	shalt  }
0x73: {  	_ =	shalt  }
0x74: {  	_ =	shalt  }
0x75: {  	_ =	shalt  }
0x76: {  	_ =	shalt  }
0x77: {  	_ =	shalt  }
0x78: {  	_ =	shalt  }
0x79: {  	_ =	shalt  }
0x7a: {  	_ =	shalt  }
0x7b: {  	_ =	shalt  }
0x7c: {  	_ =	shalt  }
0x7d: {  	_ =	shalt  }
0x7e: {  	_ =	shalt  }
0x7f: {  	_ =	shalt  }
0x80: {  	_ =	shalt  }
0x81: {  	_ =	shalt  }
0x82: {  	_ =	shalt  }
0x83: {  	_ =	shalt  }
0x84: {  	_ =	shalt  }
0x85: {  	_ =	shalt  }
0x86: {  	_ =	shalt  }
0x87: {  	_ =	shalt  }
.Lfunc_end0:
.L_simem_size_0:
called_computation.1_lowered:
.L_overlay_start_0:
0x88: {  	s2 =	sld [smem:$0x3FD9]  }
0x89: {  	s3 =	sld [smem:$0x3FFE];
	_ =	sdelay $0x1  }
0x8a: {  	s1 =	srdreg.scid  }
0x8b: {  	s0 =	sand.u32 $0x1, s1  }
0x8c: {  	s17 =	sshll.u32 s0, $0xA;
	s2 =	sadd.s32 s3, s2  }
0x8d: {  	s2 =	sadd.s32 s2, s17  }
0x8e: {  	[smem:$0x3FBD] =	sst s2  }
0x8f: {  	_ = 	snop  }
0x90: {  	s2 =	sld [smem:$0x3FD0];
	(tm) =	ssettm $0x1  }
0x91: {  	s18 =	sld [smem:$0x3FFB];
	_ =	sdelay $0x3  }
0x92: {  	_ =	strace s18  }
0x93: {  	s3 =	sld [smem:$0x3FFC];
	_ =	sdelay $0x3  }
0x94: {  	_ =	strace s3  }
0x95: {  	s3 =	sld [smem:$0x3FFD];
	_ =	sdelay $0x3  }
0x96: {  	_ =	strace s3  }
0x97: {  	_ =	strace $0x8FFFFFFF  }
0x98: {  	s19 =	sld [smem:$0x3FDB];
	_ =	sdelay $0x1  }
0x99: {  	s4 =	simm.s32 $_scs_section_size  }
0x9a: {  	s5 =	simm.s32 $_size__tile_overlayer_lowered;
	s6 =	simm.s32 $_tile_overlayer_lowered  }
0x9b: {  	s22 =	simm.s32 $0x1BFF;
	s21 =	sshll.u32 s6, $0x1;
	s3 =	sadd.s32 s4, s19  }
0x9c: {  	s7 =	simm.s32 $0x0;
	s20 =	sshll.u32 s5, $0x1;
	s5 =	sadd.s32 s21, s3  }
0x9d: {  	[timem:s7], [sflag:s22] =	dma.local [hbm:s5], s20  }
0x9e: {  	_ =	swait.ge [sflag:s22], s20  }
0x9f: {  	s4 =	ssub.s32 $0x0, s20;
	[sflag:s22] =	ssyncset.done $0x0  }
0xa0: {  	[sflag:s22] =	ssyncadd.s32 s4;
	_ =	sdelay $0x1  }
0xa1: {  	s23 =	simm.s32 $0x1B8B  }
0xa2: {  	_ =	swait.ge [sflag:s23], $0x1  }
0xa3: {  	[sflag:s23] =	ssyncset.done $0x0  }
0xa4: {  	s25 =	simm.s32 $0x1B8E;
	s24 =	sld [smem:$0x3FFE];
	[sflag:s23] =	ssyncadd.s32 $0xFFFFFFFF  }
0xa5: {  	s26 =	simm.s32 $execute0_lowered;
	[smem:$0x3FD2] =	sst s25  }
0xa6: {  	s5 =	sshll.u32 s26, $0x1;
	_ =	strace $0x80000049;
	[dreg:$0x1] =	wrdreg $0xFFFFFFFF  }
0xa7: {  	s28 =	simm.s32 $_size_execute0_lowered;
	s3 =	sadd.s32 s3, s5;
	[dreg:$0x0] =	wrdreg $0x0  }
0xa8: {  	s5 =	sshll.u32 s28, $0x1;
	[dreg:$0x2] =	wrdreg s3  }
0xa9: {  	[dreg:$0x3] =	wrdreg s5  }
0xaa: {  	[dreg:$0x4] =	wrdreg $0xC0  }
0xab: {  	_ =	task [dreg:s7], $0x5FFFF  }
0xac: {  	[dreg:$0x1] =	wrdreg $0xFFFFFFFF  }
0xad: {  	[dreg:$0x0] =	wrdreg $0x60  }
0xae: {  	[dreg:$0x2] =	wrdreg s24  }
0xaf: {  	[dreg:$0x3] =	wrdreg s2  }
0xb0: {  	[dreg:$0x4] =	wrdreg $0x0  }
0xb1: {  	[dreg:$0x5] =	wrdreg $0x9  }
0xb2: {  	_ =	task.clear_ibuf [dreg:s7], $0x6FFFF;
	_ =	strace $0x90000049  }
0xb3: {  	s29 =	simm.s32 $0x9;
	_ =	strace $0x8000004B  }
0xb4: {  	_ =	swait.ge [sflag:s29], $0x1  }
0xb5: {  	[sflag:s29] =	ssyncadd.s32 $0xFFFFFFFF  }
0xb6: {  	_ =	strace $0x9000004B  }
0xb7: {  	_ =	sfence  }
0xb8: {  	s30 =	sld [smem:$0x0];
	_ =	sdelay $0x2  }
0xb9: {  	s31 =	sshll.u32 s1, $0xD;
	s1 =	sshrl.u32 s1, $0x2  }
0xba: {  	s3 =	sand.u32 $0x4000, s31;
	s1 =	sadd.s32 s1, s30  }
0xbb: {  	s0 =	sor.u32 s3, s0;
	s1 =	sshll.u32 s1, $0x11  }
0xbc: {  	s0 =	sor.u32 s1, s0  }
0xbd: {  	s0 =	sadd.s32 $0x8F2B, s0  }
0xbe: {  	[sflag:s0] =	ssyncadd.remote.s32 $0x1  }
0xbf: {  	_ =	sfence.sel $0xFFFF  }
0xc0: {  	[dreg:$0x0] =	wrdreg $0xFFFFFFFF;
	(pc) =	sbr.abs _section_cstart, $3  }
0xc1: {  	[dreg:$0x1] =	wrdreg $0xFFFFFFFF  }
0xc2: {  	_ =	task.clear_ibuf [dreg:s7], $0x2FFFF;
	_ =	strace $0x9FFFFFFF  }
0xc3: {  	(tm) =	ssettm $0x7FFFFFFF  }
tec
execute0_lowered:
.L_overlay_start_1:
0x0: {  	(tag) =	ssettag $0x1  }
0x1: {  	s0 =	rddreg [dreg:$0x0]  }
0x2: {  	s1 =	rddreg [dreg:$0x1]  }
0x3: {  	s2 =	rddreg [dreg:$0x2];
	s3 =	simm.s32 $0x0;
	s15 =	stileid.u32  }
0x4: {  	s6 =	srdreg.scid;
	s16 =	simm.s32 $0x6;
	s17 =	simm.s32 $0x18A00  }
0x5: {  	s18 =	simm.s32 $0x19400;
	s19 =	simm.s32 $0x280;
	s20 =	simm.s32 $0x19E00  }
0x6: {  	s21 =	simm.s32 $0x1;
	s22 =	simm.s32 $0x18F00;
	s28 =	simm.s32 $0x3  }
0x7: {  	s29 =	simm.s32 $0x5;
	s30 =	simm.s32 $0x4;
	s31 =	simm.s32 $0x2  }
0x8: {  	[smem:$0x7FF] =	sst s3;
	s5 =	smul.u32 $0x18A00, s15;
	s4 =	sadd.s32 $0x3FA00, s0  }
0x9: {  	s8 =	sadd.s32 $0x1D1600, s0;
	s9 =	sadd.s32 $0x105600, s0;
	s7 =	sand.u32 $0x1, s6  }
0xa: {  	s10 =	sadd.s32 $0x16BC00, s0;
	s14 =	smul.u32 $0x3200, s15;
	s24 =	sshll.u32 s15, $0x6  }
0xb: {  	_ =	strace $0x8000004A;
	s11 =	ssub.s32 $0x2, s7;
	p0 =	seq.s32 s7, $0x0  }
0xc: {  	s12 =	sshrl.u32 s5, $0x3;
	s13 =	sshrl.u32 s11, $0x1;
	s5 =	sadd.s32 s5, s2  }
0xd: {  	s25 =	sor.u32 $0xA0, s14;
	s7 =	sadd.s32 s9, s14;
	s8 =	smov.u32 @p0 s1  }
0xe: {  	s23 =	sadd.s32 s12, s0;
	s0 =	sadd.s32 $0x19D000, s0;
	s11 =	ssub.s32 s11, s13  }
0xf: {  	s9 =	sadd.s32 s9, s25;
	s1 =	sadd.s32 s8, s25;
	s13 =	sadd.s32 $0x140, s7  }
0x10: {  	s15 =	sshrl.u32 s5, $0x3;
	s25 =	simm.s32 $0x1C600;
	[dreg:$0x5] =	wrdreg s9  }
0x11: {  	s6 =	sadd.s32 $0x137600, s23;
	s26 =	smax.u32 s11, $0x1;
	[dreg:$0x7] =	wrdreg s1  }
0x12: {  	s0 =	smov.u32 @p0 s10;
	s10 =	sadd.s32 s8, s14;
	[dreg:$0x4] =	wrdreg s6  }
0x13: {  	s23 =	simm.s32 $0x19900;
	s6 =	sor.u32 $0x1C06, s24;
	[dreg:$0x6] =	wrdreg s26  }
0x14: {  	s12 =	sadd.s32 s0, s12;
	s14 =	sadd.s32 $0x140, s10;
	s24 =	simm.s32 $0x0  }
.LBB2_1:
0x15: {  	s0 =	rddreg [dreg:$0x4]  }
0x16: {  	[spmem:s15], [sflag:s6] =	dma.local [hbm:s0], $0x3140  }
0x17: {  	_ =	swait.ge [sflag:s16], $0x3140  }
0x18: {  	[sflag:s16] =	ssyncset.done $0x0  }
0x19: {  	[sflag:s16] =	ssyncadd.s32 $0xFFFFCEC0  }
0x1a: {  	[bflag:$0x0] =	sbarrier.arrive $0xFFFF  }
0x1b: {  	[tilespmem:s17], [sflag:$0x6] =	stream.linear.gather [hbm4b:s10+s3], $0x500, $0x38;
	[tilespmem:$0x1EE00] =	vst v63  }
0x1c: {  	_ =	swait.ge [sflag:s16], $0x500  }
0x1d: {  	[sflag:s16] =	ssyncset.done $0x0  }
0x1e: {  	[sflag:s16] =	ssyncadd.s32 $0xFFFFFB00  }
0x1f: {  	[tilespmem:s18], [sflag:$0x6] =	stream.linear.gather [hbm4b:s7+s3], $0x500, $0x38;
	[tilespmem:$0x1EE00] =	vst v63  }
0x20: {  	_ =	swait.ge [sflag:s16], $0x500  }
0x21: {  	[sflag:s16] =	ssyncset.done $0x0  }
0x22: {  	[sflag:s16] =	ssyncadd.s32 $0xFFFFFB00  }
0x23: {  	[tilespmem:s20], [sflag:$0x1] =	stream.indirect.gather [hbm4b:s4+s19], $0x10, s17, s19, $0xb8;
	[tilespmem:$0x1EE00] =	vst v63  }
0x24: {  	_ =	swait.ge [sflag:s21], $0x2800  }
0x25: {  	[sflag:s21] =	ssyncset.done $0x0  }
0x26: {  	[sflag:s21] =	ssyncadd.s32 $0xFFFFD800  }
0x27: {  	[spmem:s2] =	stream.indirect.scatter.add.f32 [tilespmem:s20], [sflag:$0x3], $0x10, s18, s19, $0xb8;
	[tilespmem:$0x1EE00] =	vst v63  }
0x28: {  	s26 =	rddreg [dreg:$0x7]  }
0x29: {  	[tilespmem:s22], [sflag:$0x5] =	stream.linear.gather [hbm4b:s26+s3], $0x500, $0x38;
	[tilespmem:$0x1EE00] =	vst v63  }
0x2a: {  	s1 =	rddreg [dreg:$0x5]  }
0x2b: {  	[tilespmem:s23], [sflag:$0x5] =	stream.linear.gather [hbm4b:s1+s3], $0x500, $0x38;
	[tilespmem:$0x1EE00] =	vst v63  }
0x2c: {  	s5 =	simm.s32 $0x18C80  }
0x2d: {  	[tilespmem:s25], [sflag:$0x2] =	stream.indirect.gather [hbm4b:s4+s19], $0x10, s5, s19, $0xb8;
	[tilespmem:$0x1EE00] =	vst v63  }
0x2e: {  	_ =	swait.ge [sflag:s31], $0x2800  }
0x2f: {  	[sflag:s31] =	ssyncset.done $0x0  }
0x30: {  	s8 =	simm.s32 $0x19680;
	[sflag:s31] =	ssyncadd.s32 $0xFFFFD800  }
0x31: {  	[spmem:s2] =	stream.indirect.scatter.add.f32 [tilespmem:s25], [sflag:$0x4], $0x10, s8, s19, $0xb8;
	[tilespmem:$0x1EE00] =	vst v63  }
0x32: {  	_ =	swait.ge [sflag:s28], $0x2800  }
0x33: {  	[sflag:s28] =	ssyncset.done $0x0  }
0x34: {  	[sflag:s28] =	ssyncadd.s32 $0xFFFFD800  }
0x35: {  	_ =	swait.ge [sflag:s29], $0x500  }
0x36: {  	[sflag:s29] =	ssyncset.done $0x0  }
0x37: {  	[sflag:s29] =	ssyncadd.s32 $0xFFFFFB00  }
0x38: {  	_ =	swait.ge [sflag:s29], $0x500  }
0x39: {  	[sflag:s29] =	ssyncset.done $0x0  }
0x3a: {  	s9 =	sand.u32 $0x1, s31;
	[sflag:s29] =	ssyncadd.s32 $0xFFFFFB00  }
0x3b: {  	[tilespmem:s20], [sflag:$0x1] =	stream.indirect.gather [hbm4b:s4+s19], $0x10, s22, s19, $0xb8;
	[tilespmem:$0x1EE00] =	vst v63  }
0x3c: {  	p0 =	seq.s32 s9, $0x1;
	s0 =	simm.s32 $0x0;
	_ =	swait.ge [sflag:s21], $0x2800  }
0x3d: {  	s0 =	simm.s32 @!p0 $0x500;
	[sflag:s21] =	ssyncset.done $0x0  }
0x3e: {  	s1 =	sadd.s32 $0x19400, s0;
	[sflag:s21] =	ssyncadd.s32 $0xFFFFD800  }
0x3f: {  	[spmem:s2] =	stream.indirect.scatter.add.f32 [tilespmem:s20], [sflag:$0x3], $0x10, s1, s19, $0xb8;
	[tilespmem:$0x1EE00] =	vst v63  }
0x40: {  	s1 =	simm.s32 $0x500;
	_ =	swait.ge [sflag:s30], $0x2800  }
0x41: {  	s1 =	simm.s32 @!p0 $0x0;
	[sflag:s30] =	ssyncset.done $0x0  }
0x42: {  	s5 =	sor.u32 $0x18A00, s1;
	[sflag:s30] =	ssyncadd.s32 $0xFFFFD800  }
0x43: {  	[tilespmem:s5], [sflag:$0x5] =	stream.linear.gather [hbm4b:s14+s3], $0x500, $0x38;
	[tilespmem:$0x1EE00] =	vst v63  }
0x44: {  	s1 =	sadd.s32 $0x19400, s1  }
0x45: {  	[tilespmem:s1], [sflag:$0x5] =	stream.linear.gather [hbm4b:s13+s3], $0x500, $0x38;
	[tilespmem:$0x1EE00] =	vst v63  }
0x46: {  	s11 =	sadd.s32 $0x18C80, s0  }
0x47: {  	[tilespmem:s25], [sflag:$0x2] =	stream.indirect.gather [hbm4b:s4+s19], $0x10, s11, s19, $0xb8;
	[tilespmem:$0x1EE00] =	vst v63  }
0x48: {  	_ =	swait.ge [sflag:s31], $0x2800  }
0x49: {  	[sflag:s31] =	ssyncset.done $0x0  }
0x4a: {  	s0 =	sadd.s32 $0x19680, s0;
	[sflag:s31] =	ssyncadd.s32 $0xFFFFD800  }
0x4b: {  	[spmem:s2] =	stream.indirect.scatter.add.f32 [tilespmem:s25], [sflag:$0x4], $0x10, s0, s19, $0xb8;
	[tilespmem:$0x1EE00] =	vst v63  }
0x4c: {  	_ =	swait.ge [sflag:s28], $0x2800  }
0x4d: {  	[sflag:s28] =	ssyncset.done $0x0  }
0x4e: {  	[sflag:s28] =	ssyncadd.s32 $0xFFFFD800  }
0x4f: {  	_ =	swait.ge [sflag:s29], $0x500  }
0x50: {  	[sflag:s29] =	ssyncset.done $0x0  }
0x51: {  	[sflag:s29] =	ssyncadd.s32 $0xFFFFFB00  }
0x52: {  	s26 =	simm.s32 $0x3;
	_ =	swait.ge [sflag:s29], $0x500  }
0x53: {  	s8 =	simm.s32 $0x4;
	s1 =	sand.u32 $0x1, s26;
	[sflag:s29] =	ssyncset.done $0x0  }
0x54: {  	s26 =	sadd.s32 $0xA0, s13;
	s0 =	sadd.s32 $0xA0, s14;
	[sflag:s29] =	ssyncadd.s32 $0xFFFFFB00  }
.LBB2_2:
0x55: {  	[tilespmem:s20], [sflag:$0x1] =	stream.indirect.gather [hbm4b:s4+s19], $0x10, s5, s19, $0xb8;
	[tilespmem:$0x1EE00] =	vst v63  }
0x56: {  	s5 =	smov.u32 s8;
	p1 =	seq.s32 s1, $0x1  }
0x57: {  	s1 =	sand.u32 $0x1, s8;
	s11 =	simm.s32 $0x0;
	_ =	swait.ge [sflag:s21], $0x2800  }
0x58: {  	s9 =	sadd.s32 $0x1, s8;
	s11 =	simm.s32 @!p1 $0x500;
	[sflag:s21] =	ssyncset.done $0x0  }
0x59: {  	p0 =	sne.s32 s8, $0x4F;
	s5 =	sadd.s32 $0x19400, s11;
	[sflag:s21] =	ssyncadd.s32 $0xFFFFD800  }
0x5a: {  	[spmem:s2] =	stream.indirect.scatter.add.f32 [tilespmem:s20], [sflag:$0x3], $0x10, s5, s19, $0xb8;
	[tilespmem:$0x1EE00] =	vst v63  }
0x5b: {  	s8 =	simm.s32 $0x500;
	_ =	swait.ge [sflag:s30], $0x2800  }
0x5c: {  	s8 =	simm.s32 @!p1 $0x0;
	[sflag:s30] =	ssyncset.done $0x0  }
0x5d: {  	s5 =	sor.u32 $0x18A00, s8;
	[sflag:s30] =	ssyncadd.s32 $0xFFFFD800  }
0x5e: {  	[tilespmem:s5], [sflag:$0x5] =	stream.linear.gather [hbm4b:s0+s3], $0x500, $0x38;
	[tilespmem:$0x1EE00] =	vst v63  }
0x5f: {  	s8 =	sadd.s32 $0x19400, s8  }
0x60: {  	[tilespmem:s8], [sflag:$0x5] =	stream.linear.gather [hbm4b:s26+s3], $0x500, $0x38;
	[tilespmem:$0x1EE00] =	vst v63  }
0x61: {  	s8 =	sadd.s32 $0x18C80, s11  }
0x62: {  	[tilespmem:s25], [sflag:$0x2] =	stream.indirect.gather [hbm4b:s4+s19], $0x10, s8, s19, $0xb8;
	[tilespmem:$0x1EE00] =	vst v63  }
0x63: {  	_ =	swait.ge [sflag:s31], $0x2800  }
0x64: {  	[sflag:s31] =	ssyncset.done $0x0  }
0x65: {  	s8 =	sadd.s32 $0x19680, s11;
	[sflag:s31] =	ssyncadd.s32 $0xFFFFD800  }
0x66: {  	[spmem:s2] =	stream.indirect.scatter.add.f32 [tilespmem:s25], [sflag:$0x4], $0x10, s8, s19, $0xb8;
	[tilespmem:$0x1EE00] =	vst v63  }
0x67: {  	_ =	swait.ge [sflag:s28], $0x2800  }
0x68: {  	[sflag:s28] =	ssyncset.done $0x0  }
0x69: {  	[sflag:s28] =	ssyncadd.s32 $0xFFFFD800  }
0x6a: {  	_ =	swait.ge [sflag:s29], $0x500  }
.Ltmp0:
0x6b: {  	[sflag:s29] =	ssyncset.done $0x0;
	(pc) =	sbr.rel @p0 .LBB2_2-.Ltmp0, $4  }
0x6c: {  	[sflag:s29] =	ssyncadd.s32 $0xFFFFFB00  }
0x6d: {  	_ =	swait.ge [sflag:s29], $0x500  }
0x6e: {  	s0 =	sadd.s32 $0xA0, s0;
	[sflag:s29] =	ssyncset.done $0x0  }
0x6f: {  	s26 =	sadd.s32 $0xA0, s26;
	s8 =	smov.u32 s9;
	[sflag:s29] =	ssyncadd.s32 $0xFFFFFB00  }
0x70: {  	[tilespmem:s20], [sflag:$0x1] =	stream.indirect.gather [hbm4b:s4+s19], $0x10, s5, s19, $0xb8;
	[tilespmem:$0x1EE00] =	vst v63  }
0x71: {  	p0 =	seq.s32 s1, $0x1;
	s1 =	simm.s32 $0x0;
	_ =	swait.ge [sflag:s21], $0x2800  }
0x72: {  	s1 =	simm.s32 @!p0 $0x500;
	[sflag:s21] =	ssyncset.done $0x0  }
0x73: {  	s9 =	sadd.s32 $0x19400, s1;
	[sflag:s21] =	ssyncadd.s32 $0xFFFFD800  }
0x74: {  	[spmem:s2] =	stream.indirect.scatter.add.f32 [tilespmem:s20], [sflag:$0x3], $0x10, s9, s19, $0xb8;
	[tilespmem:$0x1EE00] =	vst v63  }
0x75: {  	s5 =	simm.s32 $0x500;
	_ =	swait.ge [sflag:s30], $0x2800  }
0x76: {  	s5 =	simm.s32 @!p0 $0x0;
	[sflag:s30] =	ssyncset.done $0x0  }
0x77: {  	s8 =	sor.u32 $0x18A00, s5;
	[sflag:s30] =	ssyncadd.s32 $0xFFFFD800  }
0x78: {  	[tilespmem:s8], [sflag:$0x5] =	stream.linear.gather [hbm4b:s0+s3], $0x500, $0x38;
	[tilespmem:$0x1EE00] =	vst v63  }
0x79: {  	s11 =	sadd.s32 $0x19400, s5  }
0x7a: {  	[tilespmem:s11], [sflag:$0x5] =	stream.linear.gather [hbm4b:s26+s3], $0x500, $0x38;
	[tilespmem:$0x1EE00] =	vst v63  }
0x7b: {  	s26 =	sadd.s32 $0x18C80, s1  }
0x7c: {  	[tilespmem:s25], [sflag:$0x2] =	stream.indirect.gather [hbm4b:s4+s19], $0x10, s26, s19, $0xb8;
	[tilespmem:$0x1EE00] =	vst v63  }
0x7d: {  	_ =	swait.ge [sflag:s31], $0x2800  }
0x7e: {  	[sflag:s31] =	ssyncset.done $0x0  }
0x7f: {  	s5 =	sadd.s32 $0x19680, s1;
	[sflag:s31] =	ssyncadd.s32 $0xFFFFD800  }
0x80: {  	[spmem:s2] =	stream.indirect.scatter.add.f32 [tilespmem:s25], [sflag:$0x4], $0x10, s5, s19, $0xb8;
	[tilespmem:$0x1EE00] =	vst v63  }
0x81: {  	_ =	swait.ge [sflag:s28], $0x2800  }
0x82: {  	[sflag:s28] =	ssyncset.done $0x0  }
0x83: {  	[sflag:s28] =	ssyncadd.s32 $0xFFFFD800  }
0x84: {  	_ =	swait.ge [sflag:s29], $0x500  }
0x85: {  	[sflag:s29] =	ssyncset.done $0x0  }
0x86: {  	[sflag:s29] =	ssyncadd.s32 $0xFFFFFB00  }
0x87: {  	_ =	swait.ge [sflag:s29], $0x500  }
0x88: {  	[sflag:s29] =	ssyncset.done $0x0  }
0x89: {  	[sflag:s29] =	ssyncadd.s32 $0xFFFFFB00  }
0x8a: {  	[tilespmem:s20], [sflag:$0x1] =	stream.indirect.gather [hbm4b:s4+s19], $0x10, s8, s19, $0xb8;
	[tilespmem:$0x1EE00] =	vst v63  }
0x8b: {  	_ =	swait.ge [sflag:s21], $0x2800  }
0x8c: {  	[sflag:s21] =	ssyncset.done $0x0  }
0x8d: {  	[sflag:s21] =	ssyncadd.s32 $0xFFFFD800  }
0x8e: {  	[spmem:s2] =	stream.indirect.scatter.add.f32 [tilespmem:s20], [sflag:$0x3], $0x10, s23, s19, $0xb8;
	[tilespmem:$0x1EE00] =	vst v63  }
0x8f: {  	_ =	swait.ge [sflag:s30], $0x2800  }
0x90: {  	[sflag:s30] =	ssyncset.done $0x0  }
0x91: {  	s9 =	simm.s32 $0x19180;
	[sflag:s30] =	ssyncadd.s32 $0xFFFFD800  }
0x92: {  	[tilespmem:s25], [sflag:$0x2] =	stream.indirect.gather [hbm4b:s4+s19], $0x10, s9, s19, $0xb8;
	[tilespmem:$0x1EE00] =	vst v63  }
0x93: {  	_ =	swait.ge [sflag:s31], $0x2800  }
0x94: {  	[sflag:s31] =	ssyncset.done $0x0  }
0x95: {  	s11 =	simm.s32 $0x19B80;
	[sflag:s31] =	ssyncadd.s32 $0xFFFFD800  }
0x96: {  	[spmem:s2] =	stream.indirect.scatter.add.f32 [tilespmem:s25], [sflag:$0x4], $0x10, s11, s19, $0xb8;
	[tilespmem:$0x1EE00] =	vst v63  }
0x97: {  	_ =	swait.ge [sflag:s28], $0x2800  }
0x98: {  	[sflag:s28] =	ssyncset.done $0x0  }
0x99: {  	[sflag:s28] =	ssyncadd.s32 $0xFFFFD800  }
0x9a: {  	_ =	swait.ge [sflag:s30], $0x2800  }
0x9b: {  	[sflag:s30] =	ssyncset.done $0x0  }
0x9c: {  	[sflag:s30] =	ssyncadd.s32 $0xFFFFD800  }
0x9d: {  	[bflag:$0x0] =	sbarrier.arrive $0xFFFF  }
0x9e: {  	[hbm:s12], [sflag:s6] =	dma.local [spmem:s15], $0x3140  }
0x9f: {  	_ =	swait.ge [sflag:s16], $0x3140  }
0xa0: {  	s24 =	sadd.s32 $0x1, s24;
	s26 =	rddreg [dreg:$0x6]  }
0xa1: {  	p0 =	sne.s32 s24, s26  }
.Ltmp1:
0xa2: {  	_ = 	snop;
	(pc) =	sbr.rel @p0 .LBB2_1-.Ltmp1, $3  }
0xa3: {  	_ =	sdelay $0x1  }
0xa4: {  	[sflag:s16] =	ssyncset.done $0x0  }
0xa5: {  	[sflag:s16] =	ssyncadd.s32 $0xFFFFCEC0  }
0xa6: {  	_ =	sfence.sel $0x180000  }
0xa7: {  	[bflag:$0x0] =	sbarrier.arrive $0xFFFF  }
0xa8: {  	_ =	strace $0x9000004A  }
0xa9: {  	s0 =	stileid.u32;
	[bflag:$0x2] =	sbarrier.arrive $0xFFFF  }
0xaa: {  	p0 =	sne.s32 s0, $0x0;
	s0 =	rddreg [dreg:$0x3]  }
0xab: {  	s0 =	sadd.s32 @!p0 $0x100000, s0  }
0xac: {  	[sflag:s0] =	ssyncadd.tile.s32 @!p0 $0x1;
	_ =	shalt  }
.Lfunc_end2:
_tile_overlayer_lowered:
.L_overlay_start_2:
0xad: {  	(tag) =	ssettag $0x2  }
0xae: {  	s0 =	rddreg [dreg:$0x0];
	s2 =	stileid.u32  }
0xaf: {  	s1 =	rddreg [dreg:$0x1];
	p0 =	sne.s32 s2, $0x0  }
0xb0: {  	s3 =	rddreg [dreg:$0x2];
	[bflag:$0x3] =	sbarrier.arrive $0xFFFF;
	s2 =	simm.s32 @!p0 $0x1C06  }
0xb1: {  	[timem:s3], [sflag:s2] =	dma.local @!p0 [hbm:s0], s1  }
0xb2: {  	s0 =	simm.s32 @!p0 $0x6  }
0xb3: {  	_ =	swait.ge @!p0 [sflag:s0], s1  }
0xb4: {  	s1 =	ssub.s32 @!p0 $0x0, s1;
	[sflag:s0] =	ssyncset.done @!p0 $0x0  }
0xb5: {  	[sflag:s0] =	ssyncadd.s32 @!p0 s1  }
0xb6: {  	[bflag:$0x3] =	sbarrier.arrive $0xFFFF  }
0xb7: {  	_ =	shalt  }

// kernel: kernel.16.cloned.1.call-start
scs
__scs_entry_jumppad:
0x0: {  	(pc) =	sbr.rel $0x88, $3  }
0x1: {  	(tag) =	ssettag $0x0;
	lr =	simm.s32 $0x1  }
0x2: {  	[smem:$0x3F96] =	sst lr;
	_ =	strace $0xD0000000  }
0x3: {  	_ = 	snop  }
0x4: {  	_ = 	snop  }
0x5: {  	_ = 	snop  }
0x6: {  	_ = 	snop  }
0x7: {  	_ = 	snop  }
__scs_overlays_trampoline_lowered:
0x8: {  	[smem:$0x3FA5] =	sst s0  }
0x9: {  	[smem:$0x3FA6] =	sst s1  }
0xa: {  	[smem:$0x3FA7] =	sst s2  }
0xb: {  	[smem:$0x3FA8] =	sst s3  }
0xc: {  	[smem:$0x3FA9] =	sst s4  }
0xd: {  	[smem:$0x3FAA] =	sst s5  }
0xe: {  	[smem:$0x3FAB] =	sst s6  }
0xf: {  	[smem:$0x3FAC] =	sst s7  }
0x10: {  	[smem:$0x3FAD] =	sst s8  }
0x11: {  	[smem:$0x3FAE] =	sst s9;
	s0 =	simm.s32 @!p0 $0x0  }
0x12: {  	s1 =	sld [smem:$0x3F94];
	s0 =	simm.s32 @p0 $0x1  }
0x13: {  	[smem:$0x3FAF] =	sst s0;
	s0 =	simm.s32 @!p1 $0x0  }
0x14: {  	s2 =	sld [smem:$0x3F93];
	s0 =	simm.s32 @p1 $0x1  }
0x15: {  	[smem:$0x3FB0] =	sst s0;
	s0 =	simm.s32 @!p2 $0x0  }
0x16: {  	s3 =	sld [smem:$0x3FDB];
	s0 =	simm.s32 @p2 $0x1  }
0x17: {  	s4 =	simm.s32 $0x1BF5;
	[smem:$0x3FB2] =	sst s0  }
0x18: {  	s0 =	sld [smem:$0x3F95];
	_ =	swait.ge [sflag:s4], $0x0  }
0x19: {  	s7 =	sld [smem:$0x3F96]  }
0x1a: {  	s8 =	sadd.s32 $0xFFFFE003, lr  }
0x1b: {  	s9 =	sadd.s32 $0xFFFFFEF7, lr;
	s5 =	simm.s32 $0xFFFFFFFF;
	p2 =	slt.u32 s8, $0xFFFFF086  }
0x1c: {  	p1 =	slt.u32 s9, $0xF7A;
	s5 =	simm.s32 @!p2 $0x0  }
0x1d: {  	s5 =	simm.s32 @p1 $0x1;
	p0 =	seq.s32 s7, s2  }
0x1e: {  	s7 =	smul.u32 @!p0 $0xF7A, s2;
	p2 =	seq.s32 @!p0 s5, $0x0  }
0x1f: {  	s9 =	smul.u32 $0xF7A, s1;
	s8 =	simm.s32 @!p0 $0x1BF5;
	p2 =	por !p2, p0  }
0x20: {  	[sflag:s8] =	ssyncset.s32 @!p0 $0xFFFFF086;
	s6 =	sadd.s32 @!p0 s3, s7;
	s7 =	simm.s32 @!p0 $0x108  }
0x21: {  	s3 =	sadd.s32 s3, s9;
	s6 =	sadd.s32 @!p0 $0x88, s6;
	s7 =	simm.s32 @p2 $0x1082  }
0x22: {  	[simem:s7], [sflag:s8] =	dma.local @!p0 [hbm:s6], $0xF7A  }
0x23: {  	s9 =	sor.u32 $0xD0000000, s2;
	s6 =	simm.s32 $0x108;
	_ =	swait.ge @!p0 [sflag:s8], $0x0  }
0x24: {  	s3 =	sadd.s32 $0x88, s3;
	s6 =	simm.s32 @!p1 $0x1082;
	[sflag:s4] =	ssyncset.s32 $0xFFFFF086  }
0x25: {  	[simem:s6], [sflag:s4] =	dma.local [hbm:s3], $0xF7A  }
0x26: {  	[smem:$0x3F96] =	sst s1;
	(tag) =	ssettag s2;
	_ =	strace s9  }
0x27: {  	s1 =	sld [smem:$0x3FA6]  }
0x28: {  	s2 =	sld [smem:$0x3FA7]  }
0x29: {  	s4 =	sld [smem:$0x3FA9]  }
0x2a: {  	p0 =	seq.s32 s5, $0x0;
	s5 =	sld [smem:$0x3FAA]  }
0x2b: {  	s6 =	sld [smem:$0x3FAB]  }
0x2c: {  	s7 =	sld [smem:$0x3FAC]  }
0x2d: {  	s3 =	simm.s32 $0x108;
	s8 =	sld [smem:$0x3FAD]  }
0x2e: {  	s3 =	simm.s32 @!p0 $0x1082;
	s9 =	sld [smem:$0x3FAE]  }
0x2f: {  	lr =	sadd.s32 s0, s3;
	s0 =	sld [smem:$0x3FA5]  }
0x30: {  	s3 =	sld [smem:$0x3FA8]  }
0x31: {  	[smem:$0x3FB1] =	sst s10  }
0x32: {  	s10 =	sld [smem:$0x3FAF];
	_ =	sdelay $0x3  }
0x33: {  	p0 =	seq.s32 s10, $0x1;
	s10 =	sld [smem:$0x3FB1];
	_ =	sdelay $0x3  }
0x34: {  	[smem:$0x3FB1] =	sst s10  }
0x35: {  	s10 =	sld [smem:$0x3FB0];
	_ =	sdelay $0x3  }
0x36: {  	p1 =	seq.s32 s10, $0x1;
	s10 =	sld [smem:$0x3FB1];
	_ =	sdelay $0x3  }
0x37: {  	[smem:$0x3FB1] =	sst s10  }
0x38: {  	s10 =	sld [smem:$0x3FB2]  }
0x39: {  	_ = 	snop;
	(pc) =	sbr.ind lr, $3  }
0x3a: {  	_ = 	snop  }
0x3b: {  	_ = 	snop  }
0x3c: {  	p2 =	seq.s32 s10, $0x1;
	s10 =	sld [smem:$0x3FB1]  }
0x3d: {  	_ =	shalt  }
0x3e: {  	_ =	shalt  }
0x3f: {  	_ =	shalt  }
0x40: {  	_ =	shalt  }
0x41: {  	_ =	shalt  }
0x42: {  	_ =	shalt  }
0x43: {  	_ =	shalt  }
0x44: {  	_ =	shalt  }
0x45: {  	_ =	shalt  }
0x46: {  	_ =	shalt  }
0x47: {  	_ =	shalt  }
0x48: {  	_ =	shalt  }
0x49: {  	_ =	shalt  }
0x4a: {  	_ =	shalt  }
0x4b: {  	_ =	shalt  }
0x4c: {  	_ =	shalt  }
0x4d: {  	_ =	shalt  }
0x4e: {  	_ =	shalt  }
0x4f: {  	_ =	shalt  }
0x50: {  	_ =	shalt  }
0x51: {  	_ =	shalt  }
0x52: {  	_ =	shalt  }
0x53: {  	_ =	shalt  }
0x54: {  	_ =	shalt  }
0x55: {  	_ =	shalt  }
0x56: {  	_ =	shalt  }
0x57: {  	_ =	shalt  }
0x58: {  	_ =	shalt  }
0x59: {  	_ =	shalt  }
0x5a: {  	_ =	shalt  }
0x5b: {  	_ =	shalt  }
0x5c: {  	_ =	shalt  }
0x5d: {  	_ =	shalt  }
0x5e: {  	_ =	shalt  }
0x5f: {  	_ =	shalt  }
0x60: {  	_ =	shalt  }
0x61: {  	_ =	shalt  }
0x62: {  	_ =	shalt  }
0x63: {  	_ =	shalt  }
0x64: {  	_ =	shalt  }
0x65: {  	_ =	shalt  }
0x66: {  	_ =	shalt  }
0x67: {  	_ =	shalt  }
0x68: {  	_ =	shalt  }
0x69: {  	_ =	shalt  }
0x6a: {  	_ =	shalt  }
0x6b: {  	_ =	shalt  }
0x6c: {  	_ =	shalt  }
0x6d: {  	_ =	shalt  }
0x6e: {  	_ =	shalt  }
0x6f: {  	_ =	shalt  }
0x70: {  	_ =	shalt  }
0x71: {  	_ =	shalt  }
0x72: {  	_ =	shalt  }
0x73: {  	_ =	shalt  }
0x74: {  	_ =	shalt  }
0x75: {  	_ =	shalt  }
0x76: {  	_ =	shalt  }
0x77: {  	_ =	shalt  }
0x78: {  	_ =	shalt  }
0x79: {  	_ =	shalt  }
0x7a: {  	_ =	shalt  }
0x7b: {  	_ =	shalt  }
0x7c: {  	_ =	shalt  }
0x7d: {  	_ =	shalt  }
0x7e: {  	_ =	shalt  }
0x7f: {  	_ =	shalt  }
0x80: {  	_ =	shalt  }
0x81: {  	_ =	shalt  }
0x82: {  	_ =	shalt  }
0x83: {  	_ =	shalt  }
0x84: {  	_ =	shalt  }
0x85: {  	_ =	shalt  }
0x86: {  	_ =	shalt  }
0x87: {  	_ =	shalt  }
.Lfunc_end0:
.L_simem_size_0:
called_computation.2_lowered:
.L_overlay_start_0:
0x88: {  	s2 =	sld [smem:$0x3FD9]  }
0x89: {  	s3 =	sld [smem:$0x3FFE];
	_ =	sdelay $0x1  }
0x8a: {  	s1 =	srdreg.scid  }
0x8b: {  	s0 =	sand.u32 $0x1, s1  }
0x8c: {  	s17 =	sshll.u32 s0, $0xA;
	s2 =	sadd.s32 s3, s2  }
0x8d: {  	s2 =	sadd.s32 s2, s17  }
0x8e: {  	[smem:$0x3FBD] =	sst s2  }
0x8f: {  	_ = 	snop  }
0x90: {  	s2 =	sld [smem:$0x3FD0];
	(tm) =	ssettm $0x1  }
0x91: {  	s18 =	sld [smem:$0x3FFB];
	_ =	sdelay $0x3  }
0x92: {  	_ =	strace s18  }
0x93: {  	s3 =	sld [smem:$0x3FFC];
	_ =	sdelay $0x3  }
0x94: {  	_ =	strace s3  }
0x95: {  	s3 =	sld [smem:$0x3FFD];
	_ =	sdelay $0x3  }
0x96: {  	_ =	strace s3  }
0x97: {  	_ =	strace $0x8FFFFFFF  }
0x98: {  	s19 =	sld [smem:$0x3FDB];
	_ =	sdelay $0x1  }
0x99: {  	s4 =	simm.s32 $_scs_section_size  }
0x9a: {  	s5 =	simm.s32 $_size__tile_overlayer_lowered;
	s6 =	simm.s32 $_tile_overlayer_lowered  }
0x9b: {  	s22 =	simm.s32 $0x1BFF;
	s21 =	sshll.u32 s6, $0x1;
	s3 =	sadd.s32 s4, s19  }
0x9c: {  	s7 =	simm.s32 $0x0;
	s20 =	sshll.u32 s5, $0x1;
	s5 =	sadd.s32 s21, s3  }
0x9d: {  	[timem:s7], [sflag:s22] =	dma.local [hbm:s5], s20  }
0x9e: {  	_ =	swait.ge [sflag:s22], s20  }
0x9f: {  	s4 =	ssub.s32 $0x0, s20;
	[sflag:s22] =	ssyncset.done $0x0  }
0xa0: {  	[sflag:s22] =	ssyncadd.s32 s4;
	_ =	sdelay $0x1  }
0xa1: {  	s23 =	simm.s32 $0x1B8B  }
0xa2: {  	_ =	swait.ge [sflag:s23], $0x1  }
0xa3: {  	[sflag:s23] =	ssyncset.done $0x0  }
0xa4: {  	s25 =	simm.s32 $0x1B8E;
	s24 =	sld [smem:$0x3FFE];
	[sflag:s23] =	ssyncadd.s32 $0xFFFFFFFF  }
0xa5: {  	s26 =	simm.s32 $execute0_lowered;
	[smem:$0x3FD2] =	sst s25  }
0xa6: {  	s5 =	sshll.u32 s26, $0x1;
	_ =	strace $0x8000004C;
	[dreg:$0x1] =	wrdreg $0xFFFFFFFF  }
0xa7: {  	s28 =	simm.s32 $_size_execute0_lowered;
	s3 =	sadd.s32 s3, s5;
	[dreg:$0x0] =	wrdreg $0x0  }
0xa8: {  	s5 =	sshll.u32 s28, $0x1;
	[dreg:$0x2] =	wrdreg s3  }
0xa9: {  	[dreg:$0x3] =	wrdreg s5  }
0xaa: {  	[dreg:$0x4] =	wrdreg $0xC0  }
0xab: {  	_ =	task [dreg:s7], $0x5FFFF  }
0xac: {  	[dreg:$0x1] =	wrdreg $0xFFFFFFFF  }
0xad: {  	[dreg:$0x0] =	wrdreg $0x60  }
0xae: {  	[dreg:$0x2] =	wrdreg s24  }
0xaf: {  	[dreg:$0x3] =	wrdreg s2  }
0xb0: {  	[dreg:$0x4] =	wrdreg $0x0  }
0xb1: {  	[dreg:$0x5] =	wrdreg $0x9  }
0xb2: {  	_ =	task.clear_ibuf [dreg:s7], $0x6FFFF;
	_ =	strace $0x9000004C  }
0xb3: {  	s29 =	simm.s32 $0x9;
	_ =	strace $0x8000004E  }
0xb4: {  	_ =	swait.ge [sflag:s29], $0x1  }
0xb5: {  	[sflag:s29] =	ssyncadd.s32 $0xFFFFFFFF  }
0xb6: {  	_ =	strace $0x9000004E  }
0xb7: {  	_ =	sfence  }
0xb8: {  	s30 =	sld [smem:$0x0];
	_ =	sdelay $0x2  }
0xb9: {  	s31 =	sshll.u32 s1, $0xD;
	s1 =	sshrl.u32 s1, $0x2  }
0xba: {  	s3 =	sand.u32 $0x4000, s31;
	s1 =	sadd.s32 s1, s30  }
0xbb: {  	s0 =	sor.u32 s3, s0;
	s1 =	sshll.u32 s1, $0x11  }
0xbc: {  	s0 =	sor.u32 s1, s0  }
0xbd: {  	s0 =	sadd.s32 $0x8F2B, s0  }
0xbe: {  	[sflag:s0] =	ssyncadd.remote.s32 $0x1  }
0xbf: {  	_ =	sfence.sel $0xFFFF  }
0xc0: {  	[dreg:$0x0] =	wrdreg $0xFFFFFFFF;
	(pc) =	sbr.abs _section_cstart, $3  }
0xc1: {  	[dreg:$0x1] =	wrdreg $0xFFFFFFFF  }
0xc2: {  	_ =	task.clear_ibuf [dreg:s7], $0x2FFFF;
	_ =	strace $0x9FFFFFFF  }
0xc3: {  	(tm) =	ssettm $0x7FFFFFFF  }
tec
execute0_lowered:
.L_overlay_start_1:
0x0: {  	(tag) =	ssettag $0x1  }
0x1: {  	s0 =	rddreg [dreg:$0x0]  }
0x2: {  	s1 =	rddreg [dreg:$0x1]  }
0x3: {  	s2 =	rddreg [dreg:$0x2];
	s3 =	simm.s32 $0x0;
	s15 =	stileid.u32  }
0x4: {  	s6 =	srdreg.scid;
	s16 =	simm.s32 $0x6;
	s17 =	simm.s32 $0x18A00  }
0x5: {  	s18 =	simm.s32 $0x19400;
	s19 =	simm.s32 $0x280;
	s20 =	simm.s32 $0x19E00  }
0x6: {  	s21 =	simm.s32 $0x1;
	s22 =	simm.s32 $0x18F00;
	s28 =	simm.s32 $0x3  }
0x7: {  	s29 =	simm.s32 $0x5;
	s30 =	simm.s32 $0x4;
	s31 =	simm.s32 $0x2  }
0x8: {  	[smem:$0x7FF] =	sst s3;
	s5 =	smul.u32 $0x18A00, s15;
	s4 =	sadd.s32 $0x70E00, s0  }
0x9: {  	s8 =	sadd.s32 $0x1D1600, s0;
	s9 =	sadd.s32 $0x105600, s0;
	s7 =	sand.u32 $0x1, s6  }
0xa: {  	s10 =	sadd.s32 $0xD3600, s0;
	s14 =	smul.u32 $0x3200, s15;
	s24 =	sshll.u32 s15, $0x6  }
0xb: {  	_ =	strace $0x8000004D;
	s11 =	ssub.s32 $0x2, s7;
	p0 =	seq.s32 s7, $0x0  }
0xc: {  	s12 =	sshrl.u32 s5, $0x3;
	s13 =	sshrl.u32 s11, $0x1;
	s5 =	sadd.s32 s5, s2  }
0xd: {  	s25 =	sor.u32 $0xA0, s14;
	s7 =	sadd.s32 s9, s14;
	s8 =	smov.u32 @p0 s1  }
0xe: {  	s23 =	sadd.s32 s12, s0;
	s0 =	sadd.s32 $0x19D000, s0;
	s11 =	ssub.s32 s11, s13  }
0xf: {  	s9 =	sadd.s32 s9, s25;
	s1 =	sadd.s32 s8, s25;
	s13 =	sadd.s32 $0x140, s7  }
0x10: {  	s15 =	sshrl.u32 s5, $0x3;
	s25 =	simm.s32 $0x1C600;
	[dreg:$0x5] =	wrdreg s9  }
0x11: {  	s6 =	sadd.s32 $0x137600, s23;
	s26 =	smax.u32 s11, $0x1;
	[dreg:$0x7] =	wrdreg s1  }
0x12: {  	s0 =	smov.u32 @p0 s10;
	s10 =	sadd.s32 s8, s14;
	[dreg:$0x4] =	wrdreg s6  }
0x13: {  	s23 =	simm.s32 $0x19900;
	s6 =	sor.u32 $0x1C06, s24;
	[dreg:$0x6] =	wrdreg s26  }
0x14: {  	s12 =	sadd.s32 s0, s12;
	s14 =	sadd.s32 $0x140, s10;
	s24 =	simm.s32 $0x0  }
.LBB2_1:
0x15: {  	s0 =	rddreg [dreg:$0x4]  }
0x16: {  	[spmem:s15], [sflag:s6] =	dma.local [hbm:s0], $0x3140  }
0x17: {  	_ =	swait.ge [sflag:s16], $0x3140  }
0x18: {  	[sflag:s16] =	ssyncset.done $0x0  }
0x19: {  	[sflag:s16] =	ssyncadd.s32 $0xFFFFCEC0  }
0x1a: {  	[bflag:$0x0] =	sbarrier.arrive $0xFFFF  }
0x1b: {  	[tilespmem:s17], [sflag:$0x6] =	stream.linear.gather [hbm4b:s10+s3], $0x500, $0x38;
	[tilespmem:$0x1EE00] =	vst v63  }
0x1c: {  	_ =	swait.ge [sflag:s16], $0x500  }
0x1d: {  	[sflag:s16] =	ssyncset.done $0x0  }
0x1e: {  	[sflag:s16] =	ssyncadd.s32 $0xFFFFFB00  }
0x1f: {  	[tilespmem:s18], [sflag:$0x6] =	stream.linear.gather [hbm4b:s7+s3], $0x500, $0x38;
	[tilespmem:$0x1EE00] =	vst v63  }
0x20: {  	_ =	swait.ge [sflag:s16], $0x500  }
0x21: {  	[sflag:s16] =	ssyncset.done $0x0  }
0x22: {  	[sflag:s16] =	ssyncadd.s32 $0xFFFFFB00  }
0x23: {  	[tilespmem:s20], [sflag:$0x1] =	stream.indirect.gather [hbm4b:s4+s19], $0x10, s17, s19, $0xb8;
	[tilespmem:$0x1EE00] =	vst v63  }
0x24: {  	_ =	swait.ge [sflag:s21], $0x2800  }
0x25: {  	[sflag:s21] =	ssyncset.done $0x0  }
0x26: {  	[sflag:s21] =	ssyncadd.s32 $0xFFFFD800  }
0x27: {  	[spmem:s2] =	stream.indirect.scatter.add.f32 [tilespmem:s20], [sflag:$0x3], $0x10, s18, s19, $0xb8;
	[tilespmem:$0x1EE00] =	vst v63  }
0x28: {  	s26 =	rddreg [dreg:$0x7]  }
0x29: {  	[tilespmem:s22], [sflag:$0x5] =	stream.linear.gather [hbm4b:s26+s3], $0x500, $0x38;
	[tilespmem:$0x1EE00] =	vst v63  }
0x2a: {  	s1 =	rddreg [dreg:$0x5]  }
0x2b: {  	[tilespmem:s23], [sflag:$0x5] =	stream.linear.gather [hbm4b:s1+s3], $0x500, $0x38;
	[tilespmem:$0x1EE00] =	vst v63  }
0x2c: {  	s5 =	simm.s32 $0x18C80  }
0x2d: {  	[tilespmem:s25], [sflag:$0x2] =	stream.indirect.gather [hbm4b:s4+s19], $0x10, s5, s19, $0xb8;
	[tilespmem:$0x1EE00] =	vst v63  }
0x2e: {  	_ =	swait.ge [sflag:s31], $0x2800  }
0x2f: {  	[sflag:s31] =	ssyncset.done $0x0  }
0x30: {  	s8 =	simm.s32 $0x19680;
	[sflag:s31] =	ssyncadd.s32 $0xFFFFD800  }
0x31: {  	[spmem:s2] =	stream.indirect.scatter.add.f32 [tilespmem:s25], [sflag:$0x4], $0x10, s8, s19, $0xb8;
	[tilespmem:$0x1EE00] =	vst v63  }
0x32: {  	_ =	swait.ge [sflag:s28], $0x2800  }
0x33: {  	[sflag:s28] =	ssyncset.done $0x0  }
0x34: {  	[sflag:s28] =	ssyncadd.s32 $0xFFFFD800  }
0x35: {  	_ =	swait.ge [sflag:s29], $0x500  }
0x36: {  	[sflag:s29] =	ssyncset.done $0x0  }
0x37: {  	[sflag:s29] =	ssyncadd.s32 $0xFFFFFB00  }
0x38: {  	_ =	swait.ge [sflag:s29], $0x500  }
0x39: {  	[sflag:s29] =	ssyncset.done $0x0  }
0x3a: {  	s9 =	sand.u32 $0x1, s31;
	[sflag:s29] =	ssyncadd.s32 $0xFFFFFB00  }
0x3b: {  	[tilespmem:s20], [sflag:$0x1] =	stream.indirect.gather [hbm4b:s4+s19], $0x10, s22, s19, $0xb8;
	[tilespmem:$0x1EE00] =	vst v63  }
0x3c: {  	p0 =	seq.s32 s9, $0x1;
	s0 =	simm.s32 $0x0;
	_ =	swait.ge [sflag:s21], $0x2800  }
0x3d: {  	s0 =	simm.s32 @!p0 $0x500;
	[sflag:s21] =	ssyncset.done $0x0  }
0x3e: {  	s1 =	sadd.s32 $0x19400, s0;
	[sflag:s21] =	ssyncadd.s32 $0xFFFFD800  }
0x3f: {  	[spmem:s2] =	stream.indirect.scatter.add.f32 [tilespmem:s20], [sflag:$0x3], $0x10, s1, s19, $0xb8;
	[tilespmem:$0x1EE00] =	vst v63  }
0x40: {  	s1 =	simm.s32 $0x500;
	_ =	swait.ge [sflag:s30], $0x2800  }
0x41: {  	s1 =	simm.s32 @!p0 $0x0;
	[sflag:s30] =	ssyncset.done $0x0  }
0x42: {  	s5 =	sor.u32 $0x18A00, s1;
	[sflag:s30] =	ssyncadd.s32 $0xFFFFD800  }
0x43: {  	[tilespmem:s5], [sflag:$0x5] =	stream.linear.gather [hbm4b:s14+s3], $0x500, $0x38;
	[tilespmem:$0x1EE00] =	vst v63  }
0x44: {  	s1 =	sadd.s32 $0x19400, s1  }
0x45: {  	[tilespmem:s1], [sflag:$0x5] =	stream.linear.gather [hbm4b:s13+s3], $0x500, $0x38;
	[tilespmem:$0x1EE00] =	vst v63  }
0x46: {  	s11 =	sadd.s32 $0x18C80, s0  }
0x47: {  	[tilespmem:s25], [sflag:$0x2] =	stream.indirect.gather [hbm4b:s4+s19], $0x10, s11, s19, $0xb8;
	[tilespmem:$0x1EE00] =	vst v63  }
0x48: {  	_ =	swait.ge [sflag:s31], $0x2800  }
0x49: {  	[sflag:s31] =	ssyncset.done $0x0  }
0x4a: {  	s0 =	sadd.s32 $0x19680, s0;
	[sflag:s31] =	ssyncadd.s32 $0xFFFFD800  }
0x4b: {  	[spmem:s2] =	stream.indirect.scatter.add.f32 [tilespmem:s25], [sflag:$0x4], $0x10, s0, s19, $0xb8;
	[tilespmem:$0x1EE00] =	vst v63  }
0x4c: {  	_ =	swait.ge [sflag:s28], $0x2800  }
0x4d: {  	[sflag:s28] =	ssyncset.done $0x0  }
0x4e: {  	[sflag:s28] =	ssyncadd.s32 $0xFFFFD800  }
0x4f: {  	_ =	swait.ge [sflag:s29], $0x500  }
0x50: {  	[sflag:s29] =	ssyncset.done $0x0  }
0x51: {  	[sflag:s29] =	ssyncadd.s32 $0xFFFFFB00  }
0x52: {  	s26 =	simm.s32 $0x3;
	_ =	swait.ge [sflag:s29], $0x500  }
0x53: {  	s8 =	simm.s32 $0x4;
	s1 =	sand.u32 $0x1, s26;
	[sflag:s29] =	ssyncset.done $0x0  }
0x54: {  	s26 =	sadd.s32 $0xA0, s13;
	s0 =	sadd.s32 $0xA0, s14;
	[sflag:s29] =	ssyncadd.s32 $0xFFFFFB00  }
.LBB2_2:
0x55: {  	[tilespmem:s20], [sflag:$0x1] =	stream.indirect.gather [hbm4b:s4+s19], $0x10, s5, s19, $0xb8;
	[tilespmem:$0x1EE00] =	vst v63  }
0x56: {  	s5 =	smov.u32 s8;
	p1 =	seq.s32 s1, $0x1  }
0x57: {  	s1 =	sand.u32 $0x1, s8;
	s11 =	simm.s32 $0x0;
	_ =	swait.ge [sflag:s21], $0x2800  }
0x58: {  	s9 =	sadd.s32 $0x1, s8;
	s11 =	simm.s32 @!p1 $0x500;
	[sflag:s21] =	ssyncset.done $0x0  }
0x59: {  	p0 =	sne.s32 s8, $0x4F;
	s5 =	sadd.s32 $0x19400, s11;
	[sflag:s21] =	ssyncadd.s32 $0xFFFFD800  }
0x5a: {  	[spmem:s2] =	stream.indirect.scatter.add.f32 [tilespmem:s20], [sflag:$0x3], $0x10, s5, s19, $0xb8;
	[tilespmem:$0x1EE00] =	vst v63  }
0x5b: {  	s8 =	simm.s32 $0x500;
	_ =	swait.ge [sflag:s30], $0x2800  }
0x5c: {  	s8 =	simm.s32 @!p1 $0x0;
	[sflag:s30] =	ssyncset.done $0x0  }
0x5d: {  	s5 =	sor.u32 $0x18A00, s8;
	[sflag:s30] =	ssyncadd.s32 $0xFFFFD800  }
0x5e: {  	[tilespmem:s5], [sflag:$0x5] =	stream.linear.gather [hbm4b:s0+s3], $0x500, $0x38;
	[tilespmem:$0x1EE00] =	vst v63  }
0x5f: {  	s8 =	sadd.s32 $0x19400, s8  }
0x60: {  	[tilespmem:s8], [sflag:$0x5] =	stream.linear.gather [hbm4b:s26+s3], $0x500, $0x38;
	[tilespmem:$0x1EE00] =	vst v63  }
0x61: {  	s8 =	sadd.s32 $0x18C80, s11  }
0x62: {  	[tilespmem:s25], [sflag:$0x2] =	stream.indirect.gather [hbm4b:s4+s19], $0x10, s8, s19, $0xb8;
	[tilespmem:$0x1EE00] =	vst v63  }
0x63: {  	_ =	swait.ge [sflag:s31], $0x2800  }
0x64: {  	[sflag:s31] =	ssyncset.done $0x0  }
0x65: {  	s8 =	sadd.s32 $0x19680, s11;
	[sflag:s31] =	ssyncadd.s32 $0xFFFFD800  }
0x66: {  	[spmem:s2] =	stream.indirect.scatter.add.f32 [tilespmem:s25], [sflag:$0x4], $0x10, s8, s19, $0xb8;
	[tilespmem:$0x1EE00] =	vst v63  }
0x67: {  	_ =	swait.ge [sflag:s28], $0x2800  }
0x68: {  	[sflag:s28] =	ssyncset.done $0x0  }
0x69: {  	[sflag:s28] =	ssyncadd.s32 $0xFFFFD800  }
0x6a: {  	_ =	swait.ge [sflag:s29], $0x500  }
.Ltmp0:
0x6b: {  	[sflag:s29] =	ssyncset.done $0x0;
	(pc) =	sbr.rel @p0 .LBB2_2-.Ltmp0, $4  }
0x6c: {  	[sflag:s29] =	ssyncadd.s32 $0xFFFFFB00  }
0x6d: {  	_ =	swait.ge [sflag:s29], $0x500  }
0x6e: {  	s0 =	sadd.s32 $0xA0, s0;
	[sflag:s29] =	ssyncset.done $0x0  }
0x6f: {  	s26 =	sadd.s32 $0xA0, s26;
	s8 =	smov.u32 s9;
	[sflag:s29] =	ssyncadd.s32 $0xFFFFFB00  }
0x70: {  	[tilespmem:s20], [sflag:$0x1] =	stream.indirect.gather [hbm4b:s4+s19], $0x10, s5, s19, $0xb8;
	[tilespmem:$0x1EE00] =	vst v63  }
0x71: {  	p0 =	seq.s32 s1, $0x1;
	s1 =	simm.s32 $0x0;
	_ =	swait.ge [sflag:s21], $0x2800  }
0x72: {  	s1 =	simm.s32 @!p0 $0x500;
	[sflag:s21] =	ssyncset.done $0x0  }
0x73: {  	s9 =	sadd.s32 $0x19400, s1;
	[sflag:s21] =	ssyncadd.s32 $0xFFFFD800  }
0x74: {  	[spmem:s2] =	stream.indirect.scatter.add.f32 [tilespmem:s20], [sflag:$0x3], $0x10, s9, s19, $0xb8;
	[tilespmem:$0x1EE00] =	vst v63  }
0x75: {  	s5 =	simm.s32 $0x500;
	_ =	swait.ge [sflag:s30], $0x2800  }
0x76: {  	s5 =	simm.s32 @!p0 $0x0;
	[sflag:s30] =	ssyncset.done $0x0  }
0x77: {  	s8 =	sor.u32 $0x18A00, s5;
	[sflag:s30] =	ssyncadd.s32 $0xFFFFD800  }
0x78: {  	[tilespmem:s8], [sflag:$0x5] =	stream.linear.gather [hbm4b:s0+s3], $0x500, $0x38;
	[tilespmem:$0x1EE00] =	vst v63  }
0x79: {  	s11 =	sadd.s32 $0x19400, s5  }
0x7a: {  	[tilespmem:s11], [sflag:$0x5] =	stream.linear.gather [hbm4b:s26+s3], $0x500, $0x38;
	[tilespmem:$0x1EE00] =	vst v63  }
0x7b: {  	s26 =	sadd.s32 $0x18C80, s1  }
0x7c: {  	[tilespmem:s25], [sflag:$0x2] =	stream.indirect.gather [hbm4b:s4+s19], $0x10, s26, s19, $0xb8;
	[tilespmem:$0x1EE00] =	vst v63  }
0x7d: {  	_ =	swait.ge [sflag:s31], $0x2800  }
0x7e: {  	[sflag:s31] =	ssyncset.done $0x0  }
0x7f: {  	s5 =	sadd.s32 $0x19680, s1;
	[sflag:s31] =	ssyncadd.s32 $0xFFFFD800  }
0x80: {  	[spmem:s2] =	stream.indirect.scatter.add.f32 [tilespmem:s25], [sflag:$0x4], $0x10, s5, s19, $0xb8;
	[tilespmem:$0x1EE00] =	vst v63  }
0x81: {  	_ =	swait.ge [sflag:s28], $0x2800  }
0x82: {  	[sflag:s28] =	ssyncset.done $0x0  }
0x83: {  	[sflag:s28] =	ssyncadd.s32 $0xFFFFD800  }
0x84: {  	_ =	swait.ge [sflag:s29], $0x500  }
0x85: {  	[sflag:s29] =	ssyncset.done $0x0  }
0x86: {  	[sflag:s29] =	ssyncadd.s32 $0xFFFFFB00  }
0x87: {  	_ =	swait.ge [sflag:s29], $0x500  }
0x88: {  	[sflag:s29] =	ssyncset.done $0x0  }
0x89: {  	[sflag:s29] =	ssyncadd.s32 $0xFFFFFB00  }
0x8a: {  	[tilespmem:s20], [sflag:$0x1] =	stream.indirect.gather [hbm4b:s4+s19], $0x10, s8, s19, $0xb8;
	[tilespmem:$0x1EE00] =	vst v63  }
0x8b: {  	_ =	swait.ge [sflag:s21], $0x2800  }
0x8c: {  	[sflag:s21] =	ssyncset.done $0x0  }
0x8d: {  	[sflag:s21] =	ssyncadd.s32 $0xFFFFD800  }
0x8e: {  	[spmem:s2] =	stream.indirect.scatter.add.f32 [tilespmem:s20], [sflag:$0x3], $0x10, s23, s19, $0xb8;
	[tilespmem:$0x1EE00] =	vst v63  }
0x8f: {  	_ =	swait.ge [sflag:s30], $0x2800  }
0x90: {  	[sflag:s30] =	ssyncset.done $0x0  }
0x91: {  	s9 =	simm.s32 $0x19180;
	[sflag:s30] =	ssyncadd.s32 $0xFFFFD800  }
0x92: {  	[tilespmem:s25], [sflag:$0x2] =	stream.indirect.gather [hbm4b:s4+s19], $0x10, s9, s19, $0xb8;
	[tilespmem:$0x1EE00] =	vst v63  }
0x93: {  	_ =	swait.ge [sflag:s31], $0x2800  }
0x94: {  	[sflag:s31] =	ssyncset.done $0x0  }
0x95: {  	s11 =	simm.s32 $0x19B80;
	[sflag:s31] =	ssyncadd.s32 $0xFFFFD800  }
0x96: {  	[spmem:s2] =	stream.indirect.scatter.add.f32 [tilespmem:s25], [sflag:$0x4], $0x10, s11, s19, $0xb8;
	[tilespmem:$0x1EE00] =	vst v63  }
0x97: {  	_ =	swait.ge [sflag:s28], $0x2800  }
0x98: {  	[sflag:s28] =	ssyncset.done $0x0  }
0x99: {  	[sflag:s28] =	ssyncadd.s32 $0xFFFFD800  }
0x9a: {  	_ =	swait.ge [sflag:s30], $0x2800  }
0x9b: {  	[sflag:s30] =	ssyncset.done $0x0  }
0x9c: {  	[sflag:s30] =	ssyncadd.s32 $0xFFFFD800  }
0x9d: {  	[bflag:$0x0] =	sbarrier.arrive $0xFFFF  }
0x9e: {  	[hbm:s12], [sflag:s6] =	dma.local [spmem:s15], $0x3140  }
0x9f: {  	_ =	swait.ge [sflag:s16], $0x3140  }
0xa0: {  	s24 =	sadd.s32 $0x1, s24;
	s26 =	rddreg [dreg:$0x6]  }
0xa1: {  	p0 =	sne.s32 s24, s26  }
.Ltmp1:
0xa2: {  	_ = 	snop;
	(pc) =	sbr.rel @p0 .LBB2_1-.Ltmp1, $3  }
0xa3: {  	_ =	sdelay $0x1  }
0xa4: {  	[sflag:s16] =	ssyncset.done $0x0  }
0xa5: {  	[sflag:s16] =	ssyncadd.s32 $0xFFFFCEC0  }
0xa6: {  	_ =	sfence.sel $0x180000  }
0xa7: {  	[bflag:$0x0] =	sbarrier.arrive $0xFFFF  }
0xa8: {  	_ =	strace $0x9000004D  }
0xa9: {  	s0 =	stileid.u32;
	[bflag:$0x2] =	sbarrier.arrive $0xFFFF  }
0xaa: {  	p0 =	sne.s32 s0, $0x0;
	s0 =	rddreg [dreg:$0x3]  }
0xab: {  	s0 =	sadd.s32 @!p0 $0x100000, s0  }
0xac: {  	[sflag:s0] =	ssyncadd.tile.s32 @!p0 $0x1;
	_ =	shalt  }
.Lfunc_end2:
_tile_overlayer_lowered:
.L_overlay_start_2:
0xad: {  	(tag) =	ssettag $0x2  }
0xae: {  	s0 =	rddreg [dreg:$0x0];
	s2 =	stileid.u32  }
0xaf: {  	s1 =	rddreg [dreg:$0x1];
	p0 =	sne.s32 s2, $0x0  }
0xb0: {  	s3 =	rddreg [dreg:$0x2];
	[bflag:$0x3] =	sbarrier.arrive $0xFFFF;
	s2 =	simm.s32 @!p0 $0x1C06  }
0xb1: {  	[timem:s3], [sflag:s2] =	dma.local @!p0 [hbm:s0], s1  }
0xb2: {  	s0 =	simm.s32 @!p0 $0x6  }
0xb3: {  	_ =	swait.ge @!p0 [sflag:s0], s1  }
0xb4: {  	s1 =	ssub.s32 @!p0 $0x0, s1;
	[sflag:s0] =	ssyncset.done @!p0 $0x0  }
0xb5: {  	[sflag:s0] =	ssyncadd.s32 @!p0 s1  }
0xb6: {  	[bflag:$0x3] =	sbarrier.arrive $0xFFFF  }
0xb7: {  	_ =	shalt  }

</sc_bundles>
